<compile_context>
chip_gen: v7x
topology: tpu7x:2x2x1
jax: 0.10.2.dev20260603
libtpu: 0.0.44.dev20260713+nightly
codegen_flags: <defaults>
</compile_context>

<pallas_src>
import functools

import jax
import jax.numpy as jnp
from jax import lax
from jax.experimental import pallas as pl
from jax.experimental.pallas import tpu as pltpu
from jax.experimental.pallas import tpu_sc as plsc

N = 10000
D_IN = 128
H1 = 200
H2 = 100
N_CLASSES = 40

NC, NS, L = 2, 16, 16
NW = NC * NS
B = 128
NPAD = 10112
ROWS_PER_TILE = NPAD // NS
F = 128
FH = F // NC
DEGW = 16
NBUF = 6
PF = 4

def _mesh():
    return plsc.VectorSubcoreMesh(core_axis_name="c", subcore_axis_name="s",
                                  num_cores=NC, num_subcores=NS)


def _copy_idx_row(src2d, j, dst1d):
    for k in range(B // L):
        dst1d[pl.ds(k * L, L)] = src2d[j, pl.ds(k * L, L)]


def _fill_rows(ref, n_rows, width, val):
    def body(i, _):
        r = i // (width // L)
        c = (i % (width // L)) * L
        ref[r, pl.ds(c, L)] = jnp.full((L,), val, jnp.float32)
        return 0
    lax.fori_loop(0, n_rows * (width // L), body, 0)


def _make_deg_kernel(bp):
    bpd = bp // NC

    @functools.partial(
        pl.kernel,
        out_type=jax.ShapeDtypeStruct((NC, NPAD, DEGW), jnp.float32),
        mesh=_mesh(),
        scratch_types=[
            pltpu.VMEM((bpd, B), jnp.int32),
            pltpu.VMEM((4, B), jnp.int32),
            pltpu.VMEM((B, DEGW), jnp.float32),
            pltpu.VMEM((ROWS_PER_TILE, DEGW), jnp.float32),
            pltpu.VMEM_SHARED((NPAD, DEGW), jnp.float32),
            pltpu.SemaphoreType.DMA,
        ],
        compiler_params=pltpu.CompilerParams(use_tc_tiling_on_sc=False),
    )
    def deg_kernel(dst_hbm, deg_hbm, dst_v, dring, ones_v, bounce_v, hist_sh,
                   ssem):
        cid = lax.axis_index("c")
        sid = lax.axis_index("s")
        _fill_rows(ones_v, B, DEGW, 1.0)
        _fill_rows(bounce_v, ROWS_PER_TILE, DEGW, 0.0)
        base = sid * ROWS_PER_TILE
        pltpu.sync_copy(bounce_v, hist_sh.at[pl.ds(base, ROWS_PER_TILE)])
        pltpu.sync_copy(dst_hbm.at[sid, pl.ds(cid * bpd, bpd)], dst_v)
        plsc.subcore_barrier()

        def _wait_scatter(j):
            pltpu.make_async_copy(ones_v, hist_sh.at[dring.at[j % 4]],
                                  ssem).wait()

        def body(j, _):
            @pl.when(j >= 4)
            def _drain():
                _wait_scatter(j - 4)
            _copy_idx_row(dst_v, j, dring.at[j % 4])
            pltpu.async_copy(ones_v, hist_sh.at[dring.at[j % 4]], ssem,
                             add=True)
            return 0
        lax.fori_loop(0, bpd, body, 0)
        for t in range(4):
            _wait_scatter(bpd - 4 + t)

        plsc.subcore_barrier()
        pltpu.sync_copy(hist_sh.at[pl.ds(base, ROWS_PER_TILE)], bounce_v)
        pltpu.sync_copy(bounce_v, deg_hbm.at[cid, pl.ds(base, ROWS_PER_TILE)])

    return deg_kernel


def _make_agg_kernel(bp):
    @functools.partial(
        pl.kernel,
        out_type=jax.ShapeDtypeStruct((NC, NPAD, FH), jnp.float32),
        mesh=_mesh(),
        scratch_types=[
            pltpu.VMEM((bp, B), jnp.int32),
            pltpu.VMEM((bp, B), jnp.int32),
            pltpu.VMEM((NBUF, B), jnp.int32),
            pltpu.VMEM((NBUF, B, FH), jnp.float32),
            pltpu.VMEM_SHARED((NPAD, FH), jnp.float32),
            pltpu.SemaphoreType.DMA,
            pltpu.SemaphoreType.DMA,
        ],
        compiler_params=pltpu.CompilerParams(use_tc_tiling_on_sc=False),
    )
    def agg_kernel(y_hbm, src_hbm, dst_hbm, out_hbm,
                   src_v, dst_v, dring, rows_v, acc_sh, gsem, ssem):
        cid = lax.axis_index("c")
        sid = lax.axis_index("s")

        _fill_rows(rows_v.at[0], B, FH, 0.0)
        base = sid * ROWS_PER_TILE
        n_full = ROWS_PER_TILE // B
        for cchunk in range(n_full):
            pltpu.sync_copy(rows_v.at[0],
                            acc_sh.at[pl.ds(base + cchunk * B, B)])
        rem = ROWS_PER_TILE - n_full * B
        if rem:
            pltpu.sync_copy(rows_v.at[0, pl.ds(0, rem)],
                            acc_sh.at[pl.ds(base + n_full * B, rem)])

        pltpu.sync_copy(src_hbm.at[cid, sid], src_v)
        pltpu.sync_copy(dst_hbm.at[sid], dst_v)
        plsc.subcore_barrier()

        def _fire_gather(j):
            pltpu.async_copy(y_hbm.at[src_v.at[j]], rows_v.at[j % NBUF], gsem)

        def _wait_gather(j):
            pltpu.make_async_copy(y_hbm.at[src_v.at[j]],
                                  rows_v.at[j % NBUF], gsem).wait()

        def _fire_scatter(j):
            pltpu.async_copy(rows_v.at[j % NBUF], acc_sh.at[dring.at[j % NBUF]],
                             ssem, add=True)

        def _wait_scatter(j):
            pltpu.make_async_copy(rows_v.at[j % NBUF],
                                  acc_sh.at[dring.at[j % NBUF]], ssem).wait()

        for t in range(PF):
            _fire_gather(t)

        def body(j, _):
            @pl.when(j + PF < bp)
            def _prefetch():
                @pl.when(j >= NBUF - PF)
                def _drain():
                    _wait_scatter(j - (NBUF - PF))
                _fire_gather(j + PF)
            _wait_gather(j)
            _copy_idx_row(dst_v, j, dring.at[j % NBUF])
            _fire_scatter(j)
            return 0
        lax.fori_loop(0, bp, body, 0)
        for t in range(NBUF):
            _wait_scatter(bp - NBUF + t)

        plsc.subcore_barrier()
        for cchunk in range(n_full + (1 if rem else 0)):
            lo = base + cchunk * B
            nr = B if cchunk < n_full else rem
            pltpu.sync_copy(acc_sh.at[pl.ds(lo, nr)],
                            rows_v.at[1, pl.ds(0, nr)])
            pltpu.sync_copy(rows_v.at[1, pl.ds(0, nr)],
                            out_hbm.at[cid, pl.ds(lo, nr)])

    return agg_kernel



_BM = 2528


def _dinv_block(degp_ref):
    d = degp_ref[0, :, 0:1] + degp_ref[1, :, 0:1] + 1.0
    return lax.rsqrt(d)


def _scale_kernel(x_ref, degp_ref, y_ref):
    y = x_ref[...] * _dinv_block(degp_ref)
    y_ref[0] = y[:, :FH]
    y_ref[1] = y[:, FH:]


def _layer1_kernel(agg_ref, y_ref, degp_ref, w1_ref, b1_ref, w2_ref, o_ref):
    dinv = _dinv_block(degp_ref)
    sy = jnp.concatenate([agg_ref[0] + y_ref[0], agg_ref[1] + y_ref[1]],
                         axis=1)
    z = (sy * dinv).astype(jnp.bfloat16)
    h1 = jax.nn.relu(
        jnp.dot(z, w1_ref[...], preferred_element_type=jnp.float32)
        + b1_ref[...]).astype(jnp.bfloat16)
    y2 = jnp.dot(h1, w2_ref[...], preferred_element_type=jnp.float32) * dinv
    o_ref[0] = y2[:, :FH]
    o_ref[1] = y2[:, FH:]


def _layer3_kernel(agg_ref, y_ref, degp_ref, b2_ref, w3_ref, b3_ref, o_ref):
    dinv = _dinv_block(degp_ref)
    sy = jnp.concatenate([agg_ref[0] + y_ref[0], agg_ref[1] + y_ref[1]],
                         axis=1)
    h2 = jax.nn.relu(sy * dinv + b2_ref[...]).astype(jnp.bfloat16)
    o_ref[...] = (jnp.dot(h2, w3_ref[...], preferred_element_type=jnp.float32)
                  + b3_ref[...])


_degp_spec = pl.BlockSpec((NC, _BM, DEGW), lambda i: (0, i, 0))
_half_spec = pl.BlockSpec((NC, _BM, FH), lambda i: (0, i, 0))


def _node_spec(width):
    return pl.BlockSpec((_BM, width), lambda i: (i, 0))


def _full(a, b):
    return pl.BlockSpec((a, b), lambda i: (0, 0))


def kernel(x, edge_index, W1, b1, W2, b2, W3, b3):
    e = edge_index.shape[1]
    e_pad = ((e + NW * B - 1) // (NW * B)) * (NW * B)
    bp = e_pad // (NS * B)

    src = edge_index[0].astype(jnp.int32)
    dst = edge_index[1].astype(jnp.int32)
    pad_idx = N + (jnp.arange(e_pad - e, dtype=jnp.int32) % (NPAD - N))
    src_p = jnp.concatenate([src, pad_idx]).reshape(NS, bp, B)
    src_p2 = jnp.stack([src_p, src_p + NPAD])
    dst_p = jnp.concatenate([dst, pad_idx]).reshape(NS, bp, B)

    xpad = jnp.pad(x, ((0, NPAD - N), (0, 0)))
    w1p = jnp.pad(W1, ((0, 0), (0, 256 - H1))).astype(jnp.bfloat16)
    b1p = jnp.pad(b1, (0, 256 - H1)).reshape(1, 256)
    w2p = jnp.pad(W2, ((0, 256 - H1), (0, F - H2))).astype(jnp.bfloat16)
    b2p = jnp.pad(b2, (0, F - H2)).reshape(1, F)
    w3p = jnp.pad(W3, ((0, F - H2), (0, F - N_CLASSES))).astype(jnp.bfloat16)
    b3p = jnp.pad(b3, (0, F - N_CLASSES)).reshape(1, F)

    degp = _make_deg_kernel(bp)(dst_p)

    grid = NPAD // _BM
    agg = _make_agg_kernel(bp)

    y1 = pl.pallas_call(
        _scale_kernel,
        out_shape=jax.ShapeDtypeStruct((NC, NPAD, FH), jnp.float32),
        grid=(grid,),
        in_specs=[_node_spec(F), _degp_spec],
        out_specs=_half_spec,
    )(xpad, degp)

    agg1 = agg(y1.reshape(NC * NPAD, FH), src_p2, dst_p)

    y2 = pl.pallas_call(
        _layer1_kernel,
        out_shape=jax.ShapeDtypeStruct((NC, NPAD, FH), jnp.float32),
        grid=(grid,),
        in_specs=[_half_spec, _half_spec, _degp_spec,
                  _full(F, 256), _full(1, 256), _full(256, F)],
        out_specs=_half_spec,
    )(agg1, y1, degp, w1p, b1p, w2p)

    agg2 = agg(y2.reshape(NC * NPAD, FH), src_p2, dst_p)

    outp = pl.pallas_call(
        _layer3_kernel,
        out_shape=jax.ShapeDtypeStruct((NPAD, F), jnp.float32),
        grid=(grid,),
        in_specs=[_half_spec, _half_spec, _degp_spec,
                  _full(1, F), _full(F, F), _full(1, F)],
        out_specs=_node_spec(F),
    )(agg2, y2, degp, b2p, w3p, b3p)

    return outp[:N, :N_CLASSES]

# --- scband reference (transcript-rebuilt; emitter-appended) ---
"""Pipeline reference for scband-gcn-56435870269978 (READ-ONLY COPY).

The authoritative reference and input builder live on the scoring server;
editing this copy changes nothing except your own understanding.
"""

import jax, jax.numpy as jnp
import numpy as np

N = 10000
E = 320000
D_IN = 128
H1 = 200
H2 = 100
N_CLASSES = 40


def setup_inputs(seed: int = 0) -> dict:
    key = jax.random.key(seed)
    ks = jax.random.split(key, 8)
    x = jax.random.normal(ks[0], (N, D_IN), dtype=jnp.float32)
    edge_index = jax.random.randint(ks[1], (2, E), 0, N, dtype=jnp.int64)
    W1 = jax.random.normal(ks[2], (D_IN, H1), dtype=jnp.float32) * (1.0 / np.sqrt(D_IN))
    b1 = jnp.zeros((H1,), dtype=jnp.float32)
    W2 = jax.random.normal(ks[3], (H1, H2), dtype=jnp.float32) * (1.0 / np.sqrt(H1))
    b2 = jnp.zeros((H2,), dtype=jnp.float32)
    W3 = jax.random.normal(ks[4], (H2, N_CLASSES), dtype=jnp.float32) * (1.0 / np.sqrt(H2))
    b3 = jnp.zeros((N_CLASSES,), dtype=jnp.float32)
    return {"x": x, "edge_index": edge_index, "W1": W1, "b1": b1, "W2": W2, "b2": b2, "W3": W3, "b3": b3}


def gcn_conv(x, edge_index, W, b):
    # PyG GCNConv: linear transform, add self-loops, symmetric normalization, sum aggregation, bias
    n = x.shape[0]
    xw = x @ W
    loop = jnp.arange(n, dtype=edge_index.dtype)
    src = jnp.concatenate([edge_index[0], loop])
    dst = jnp.concatenate([edge_index[1], loop])
    deg = jnp.zeros((n,), dtype=xw.dtype).at[dst].add(1.0)
    dinv = jnp.where(deg > 0, deg ** -0.5, 0.0)
    norm = dinv[src] * dinv[dst]
    msgs = xw[src] * norm[:, None]
    out = jnp.zeros((n, xw.shape[1]), dtype=xw.dtype).at[dst].add(msgs)
    return out + b


def reference(x, edge_index, W1, b1, W2, b2, W3, b3):
    # eval mode: F.dropout(training=False) is identity
    h = jax.nn.relu(gcn_conv(x, edge_index, W1, b1))
    h = jax.nn.relu(gcn_conv(h, edge_index, W2, b2))
    return h @ W3 + b3

if __name__ == "__main__":
    import jax
    _d = setup_inputs()
    print(jax.jit(kernel)(*tuple(_d.values())))

</pallas_src>

<mosaic_0001>
#map = affine_map<(d0, d1) -> (0, 0)>
#map1 = affine_map<(d0, d1) -> (0, 0, 0, 0)>
#map2 = affine_map<(d0, d1) -> (0, 0, 0)>
module attributes {stable_mosaic.version = 14 : i64} {
  func.func @agg_kernel(%arg0: i32, %arg1: i32, %arg2: memref<20224x64xf32, #tpu.memory_space<hbm>>, %arg3: memref<2x16x158x128xi32, #tpu.memory_space<hbm>>, %arg4: memref<16x158x128xi32, #tpu.memory_space<hbm>>, %arg5: memref<2x10112x64xf32, #tpu.memory_space<hbm>>, %arg6: memref<158x128xi32, #tpu.memory_space<vmem>>, %arg7: memref<158x128xi32, #tpu.memory_space<vmem>>, %arg8: memref<6x128xi32, #tpu.memory_space<vmem>>, %arg9: memref<6x128x64xf32, #tpu.memory_space<vmem>>, %arg10: memref<10112x64xf32, #tpu.memory_space<vmem_shared>>, %arg11: memref<!tpu.dma_semaphore, #tpu.memory_space<semaphore_mem>>, %arg12: memref<!tpu.dma_semaphore, #tpu.memory_space<semaphore_mem>>) attributes {dimension_semantics = [#tpu.dimension_semantics<core_parallel>, #tpu.dimension_semantics<subcore_parallel>], iteration_bounds = array<i64: 2, 16>, scalar_prefetch = 0 : i64, scratch_operands = 7 : i64, tpu.core_type = #tpu.core_type<sc_vector_subcore>, window_params = [{transform_indices = #map}, {transform_indices = #map1}, {transform_indices = #map2}, {transform_indices = #map2}]} {
    %scan3A = arith.constant 0 : i32
    %scan3A_0 = arith.constant 0 : i32
    %scan3A_1 = arith.constant 0 : i32
    %scan3A_2 = arith.constant 512 : i32
    %scan3A_3 = arith.addi %scan3A_1, %scan3A_2 : i32
    %scan3A_4 = arith.constant 1 : i32
    %scan3A_5 = scf.for %scan3A_167 = %scan3A_1 to %scan3A_3 step %scan3A_4 iter_args(%scan3A_168 = %scan3A_0) -> (i32)  : i32 {
      %jit3A = arith.constant 4 : i32
      %div3A = arith.divsi %scan3A_167, %jit3A : i32
      %sign3A = arith.constant 0 : i32
      %sign3A_169 = arith.cmpi sgt, %scan3A_167, %sign3A : i32
      %sign3A_170 = arith.extui %sign3A_169 : i1 to i32
      %sign3A_171 = arith.constant 0 : i32
      %sign3A_172 = arith.cmpi slt, %scan3A_167, %sign3A_171 : i32
      %sign3A_173 = arith.extui %sign3A_172 : i1 to i32
      %sign3A_174 = arith.subi %sign3A_170, %sign3A_173 : i32
      %sign3A_175 = arith.constant 0 : i32
      %sign3A_176 = arith.cmpi sgt, %jit3A, %sign3A_175 : i32
      %sign3A_177 = arith.extui %sign3A_176 : i1 to i32
      %sign3A_178 = arith.constant 0 : i32
      %sign3A_179 = arith.cmpi slt, %jit3A, %sign3A_178 : i32
      %sign3A_180 = arith.extui %sign3A_179 : i1 to i32
      %sign3A_181 = arith.subi %sign3A_177, %sign3A_180 : i32
      %ne3A = arith.cmpi ne, %sign3A_174, %sign3A_181 : i32
      %rem3A = arith.remsi %scan3A_167, %jit3A : i32
      %ne3A_182 = arith.constant 0 : i32
      %ne3A_183 = arith.cmpi ne, %rem3A, %ne3A_182 : i32
      %and3A = arith.andi %ne3A, %ne3A_183 : i1
      %sub3A = arith.constant 1 : i32
      %sub3A_184 = arith.subi %div3A, %sub3A : i32
      %select_n3A = arith.select %and3A, %sub3A_184, %div3A : i32
      %jit3A_185 = arith.constant 4 : i32
      %eq3A = arith.constant 0 : i32
      %eq3A_186 = arith.cmpi eq, %jit3A_185, %eq3A : i32
      %jit3A_187 = arith.constant 1 : i32
      %select_n3A_188 = arith.select %eq3A_186, %jit3A_187, %jit3A_185 : i32
      %rem3A_189 = arith.remsi %scan3A_167, %select_n3A_188 : i32
      %ne3A_190 = arith.constant 0 : i32
      %ne3A_191 = arith.cmpi ne, %rem3A_189, %ne3A_190 : i32
      %lt3A = arith.constant 0 : i32
      %lt3A_192 = arith.cmpi slt, %rem3A_189, %lt3A : i32
      %lt3A_193 = arith.constant 0 : i32
      %lt3A_194 = arith.cmpi slt, %select_n3A_188, %lt3A_193 : i32
      %ne3A_195 = arith.xori %lt3A_192, %lt3A_194 : i1
      %and3A_196 = arith.andi %ne3A_195, %ne3A_191 : i1
      %add3A_197 = arith.addi %rem3A_189, %select_n3A_188 : i32
      %select_n3A_198 = arith.select %and3A_196, %add3A_197, %rem3A_189 : i32
      %mul3A_199 = arith.constant 16 : i32
      %mul3A_200 = arith.muli %select_n3A_198, %mul3A_199 : i32
      %broadcast_in_dim3A = arith.constant 0.000000e+00 : f32
      %broadcast_in_dim3A_201 = vector.broadcast %broadcast_in_dim3A : f32 to vector<16xf32>
      %swap3A = arith.constant 0 : i32
      %swap3A_202 = arith.constant 0 : i32
      %swap3A_203 = tpu.memref_slice %arg9[%scan3A, %swap3A, %swap3A_202] : memref<6x128x64xf32, #tpu.memory_space<vmem>> -> memref<1x128x64xf32, #tpu.memory_space<vmem>>
      %swap3A_204 = tpu.memref_squeeze %swap3A_203 : memref<1x128x64xf32, #tpu.memory_space<vmem>> -> memref<128x64xf32, #tpu.memory_space<vmem>>
      %swap3A_205 = arith.index_cast %select_n3A : i32 to index
      %swap3A_206 = arith.index_cast %mul3A_200 : i32 to index
      %swap3A_207 = tpu.vector_load %swap3A_204[%swap3A_205, %swap3A_206] {strides = array<i32>} : memref<128x64xf32, #tpu.memory_space<vmem>>, vector<1x16xf32>,
      %swap3A_208 = vector.shape_cast %swap3A_207 : vector<1x16xf32> to vector<16xf32>
      %swap3A_209 = vector.shape_cast %broadcast_in_dim3A_201 : vector<16xf32> to vector<1x16xf32>
      tpu.vector_store %swap3A_204[%swap3A_205, %swap3A_206], %swap3A_209 {strides = array<i32>} : memref<128x64xf32, #tpu.memory_space<vmem>>, vector<1x16xf32>,
      %scan3A_210 = arith.constant 0 : i32
      scf.yield %scan3A_210 : i32
    }
    %scan3A_6 = arith.constant 512 : i32
    %mul3A = arith.constant 632 : i32
    %mul3A_7 = arith.muli %arg1, %mul3A : i32
    %add3A = arith.constant 0 : i32
    %add3A_8 = arith.addi %mul3A_7, %add3A : i32
    %run_scoped3A = arith.constant 0 : i32
    "tpu.region"() ({
      %run_scoped3A_167 = tpu.sem_alloc : memref<!tpu.dma_semaphore, #tpu.memory_space<semaphore_mem>>
      %dma_start3A_168 = arith.constant 0 : i32
      %dma_start3A_169 = arith.constant 0 : i32
      %dma_start3A_170 = tpu.memref_slice %arg9[%run_scoped3A, %dma_start3A_168, %dma_start3A_169] : memref<6x128x64xf32, #tpu.memory_space<vmem>> -> memref<1x128x64xf32, #tpu.memory_space<vmem>>
      %dma_start3A_171 = tpu.memref_squeeze %dma_start3A_170 : memref<1x128x64xf32, #tpu.memory_space<vmem>> -> memref<128x64xf32, #tpu.memory_space<vmem>>
      %dma_start3A_172 = arith.constant 0 : i32
      %dma_start3A_173 = tpu.memref_slice %arg10[%add3A_8, %dma_start3A_172] : memref<10112x64xf32, #tpu.memory_space<vmem_shared>> -> memref<128x64xf32, #tpu.memory_space<vmem_shared>>
      %dma_start3A_174 = arith.constant 0 : i32
      %dma_start3A_175 = tpu.memref_slice %arg10[%add3A_8, %dma_start3A_174] : memref<10112x64xf32, #tpu.memory_space<vmem_shared>> -> memref<128x64xf32, #tpu.memory_space<vmem_shared>>
      %dma_start3A_176 = arith.constant 0 : i32
      %dma_start3A_177 = arith.constant 0 : i32
      %dma_start3A_178 = tpu.memref_slice %arg9[%run_scoped3A, %dma_start3A_176, %dma_start3A_177] : memref<6x128x64xf32, #tpu.memory_space<vmem>> -> memref<1x128x64xf32, #tpu.memory_space<vmem>>
      %dma_start3A_179 = tpu.memref_squeeze %dma_start3A_178 : memref<1x128x64xf32, #tpu.memory_space<vmem>> -> memref<128x64xf32, #tpu.memory_space<vmem>>
      tpu.enqueue_dma source(%dma_start3A_179 : memref<128x64xf32, #tpu.memory_space<vmem>>) target(%dma_start3A_175 : memref<128x64xf32, #tpu.memory_space<vmem_shared>>) target_semaphore(%run_scoped3A_167 : memref<!tpu.dma_semaphore, #tpu.memory_space<semaphore_mem>>)
      %dma_wait3A_180 = arith.constant 0 : i32
      %dma_wait3A_181 = arith.constant 0 : i32
      %dma_wait3A_182 = tpu.memref_slice %arg9[%run_scoped3A, %dma_wait3A_180, %dma_wait3A_181] : memref<6x128x64xf32, #tpu.memory_space<vmem>> -> memref<1x128x64xf32, #tpu.memory_space<vmem>>
      %dma_wait3A_183 = tpu.memref_squeeze %dma_wait3A_182 : memref<1x128x64xf32, #tpu.memory_space<vmem>> -> memref<128x64xf32, #tpu.memory_space<vmem>>
      %dma_wait3A_184 = arith.constant 0 : i32
      %dma_wait3A_185 = tpu.memref_slice %arg10[%add3A_8, %dma_wait3A_184] : memref<10112x64xf32, #tpu.memory_space<vmem_shared>> -> memref<128x64xf32, #tpu.memory_space<vmem_shared>>
      %dma_wait3A_186 = arith.constant 0 : i32
      %dma_wait3A_187 = tpu.memref_slice %arg10[%add3A_8, %dma_wait3A_186] : memref<10112x64xf32, #tpu.memory_space<vmem_shared>> -> memref<128x64xf32, #tpu.memory_space<vmem_shared>>
      %dma_wait3A_188 = arith.constant 0 : i32
      %dma_wait3A_189 = arith.constant 0 : i32
      %dma_wait3A_190 = tpu.memref_slice %arg9[%run_scoped3A, %dma_wait3A_188, %dma_wait3A_189] : memref<6x128x64xf32, #tpu.memory_space<vmem>> -> memref<1x128x64xf32, #tpu.memory_space<vmem>>
      %dma_wait3A_191 = tpu.memref_squeeze %dma_wait3A_190 : memref<1x128x64xf32, #tpu.memory_space<vmem>> -> memref<128x64xf32, #tpu.memory_space<vmem>>
      tpu.wait_dma2 semaphore(%run_scoped3A_167 : memref<!tpu.dma_semaphore, #tpu.memory_space<semaphore_mem>>) src(%dma_wait3A_191 : memref<128x64xf32, #tpu.memory_space<vmem>>) dst(%dma_wait3A_187 : memref<128x64xf32, #tpu.memory_space<vmem_shared>>)
      tpu.yield
    }) : () -> ()
    %add3A_9 = arith.constant 128 : i32
    %add3A_10 = arith.addi %mul3A_7, %add3A_9 : i32
    %run_scoped3A_11 = arith.constant 0 : i32
    "tpu.region"() ({
      %run_scoped3A_167 = tpu.sem_alloc : memref<!tpu.dma_semaphore, #tpu.memory_space<semaphore_mem>>
      %dma_start3A_168 = arith.constant 0 : i32
      %dma_start3A_169 = arith.constant 0 : i32
      %dma_start3A_170 = tpu.memref_slice %arg9[%run_scoped3A_11, %dma_start3A_168, %dma_start3A_169] : memref<6x128x64xf32, #tpu.memory_space<vmem>> -> memref<1x128x64xf32, #tpu.memory_space<vmem>>
      %dma_start3A_171 = tpu.memref_squeeze %dma_start3A_170 : memref<1x128x64xf32, #tpu.memory_space<vmem>> -> memref<128x64xf32, #tpu.memory_space<vmem>>
      %dma_start3A_172 = arith.constant 0 : i32
      %dma_start3A_173 = tpu.memref_slice %arg10[%add3A_10, %dma_start3A_172] : memref<10112x64xf32, #tpu.memory_space<vmem_shared>> -> memref<128x64xf32, #tpu.memory_space<vmem_shared>>
      %dma_start3A_174 = arith.constant 0 : i32
      %dma_start3A_175 = tpu.memref_slice %arg10[%add3A_10, %dma_start3A_174] : memref<10112x64xf32, #tpu.memory_space<vmem_shared>> -> memref<128x64xf32, #tpu.memory_space<vmem_shared>>
      %dma_start3A_176 = arith.constant 0 : i32
      %dma_start3A_177 = arith.constant 0 : i32
      %dma_start3A_178 = tpu.memref_slice %arg9[%run_scoped3A_11, %dma_start3A_176, %dma_start3A_177] : memref<6x128x64xf32, #tpu.memory_space<vmem>> -> memref<1x128x64xf32, #tpu.memory_space<vmem>>
      %dma_start3A_179 = tpu.memref_squeeze %dma_start3A_178 : memref<1x128x64xf32, #tpu.memory_space<vmem>> -> memref<128x64xf32, #tpu.memory_space<vmem>>
      tpu.enqueue_dma source(%dma_start3A_179 : memref<128x64xf32, #tpu.memory_space<vmem>>) target(%dma_start3A_175 : memref<128x64xf32, #tpu.memory_space<vmem_shared>>) target_semaphore(%run_scoped3A_167 : memref<!tpu.dma_semaphore, #tpu.memory_space<semaphore_mem>>)
      %dma_wait3A_180 = arith.constant 0 : i32
      %dma_wait3A_181 = arith.constant 0 : i32
      %dma_wait3A_182 = tpu.memref_slice %arg9[%run_scoped3A_11, %dma_wait3A_180, %dma_wait3A_181] : memref<6x128x64xf32, #tpu.memory_space<vmem>> -> memref<1x128x64xf32, #tpu.memory_space<vmem>>
      %dma_wait3A_183 = tpu.memref_squeeze %dma_wait3A_182 : memref<1x128x64xf32, #tpu.memory_space<vmem>> -> memref<128x64xf32, #tpu.memory_space<vmem>>
      %dma_wait3A_184 = arith.constant 0 : i32
      %dma_wait3A_185 = tpu.memref_slice %arg10[%add3A_10, %dma_wait3A_184] : memref<10112x64xf32, #tpu.memory_space<vmem_shared>> -> memref<128x64xf32, #tpu.memory_space<vmem_shared>>
      %dma_wait3A_186 = arith.constant 0 : i32
      %dma_wait3A_187 = tpu.memref_slice %arg10[%add3A_10, %dma_wait3A_186] : memref<10112x64xf32, #tpu.memory_space<vmem_shared>> -> memref<128x64xf32, #tpu.memory_space<vmem_shared>>
      %dma_wait3A_188 = arith.constant 0 : i32
      %dma_wait3A_189 = arith.constant 0 : i32
      %dma_wait3A_190 = tpu.memref_slice %arg9[%run_scoped3A_11, %dma_wait3A_188, %dma_wait3A_189] : memref<6x128x64xf32, #tpu.memory_space<vmem>> -> memref<1x128x64xf32, #tpu.memory_space<vmem>>
      %dma_wait3A_191 = tpu.memref_squeeze %dma_wait3A_190 : memref<1x128x64xf32, #tpu.memory_space<vmem>> -> memref<128x64xf32, #tpu.memory_space<vmem>>
      tpu.wait_dma2 semaphore(%run_scoped3A_167 : memref<!tpu.dma_semaphore, #tpu.memory_space<semaphore_mem>>) src(%dma_wait3A_191 : memref<128x64xf32, #tpu.memory_space<vmem>>) dst(%dma_wait3A_187 : memref<128x64xf32, #tpu.memory_space<vmem_shared>>)
      tpu.yield
    }) : () -> ()
    %add3A_12 = arith.constant 256 : i32
    %add3A_13 = arith.addi %mul3A_7, %add3A_12 : i32
    %run_scoped3A_14 = arith.constant 0 : i32
    "tpu.region"() ({
      %run_scoped3A_167 = tpu.sem_alloc : memref<!tpu.dma_semaphore, #tpu.memory_space<semaphore_mem>>
      %dma_start3A_168 = arith.constant 0 : i32
      %dma_start3A_169 = arith.constant 0 : i32
      %dma_start3A_170 = tpu.memref_slice %arg9[%run_scoped3A_14, %dma_start3A_168, %dma_start3A_169] : memref<6x128x64xf32, #tpu.memory_space<vmem>> -> memref<1x128x64xf32, #tpu.memory_space<vmem>>
      %dma_start3A_171 = tpu.memref_squeeze %dma_start3A_170 : memref<1x128x64xf32, #tpu.memory_space<vmem>> -> memref<128x64xf32, #tpu.memory_space<vmem>>
      %dma_start3A_172 = arith.constant 0 : i32
      %dma_start3A_173 = tpu.memref_slice %arg10[%add3A_13, %dma_start3A_172] : memref<10112x64xf32, #tpu.memory_space<vmem_shared>> -> memref<128x64xf32, #tpu.memory_space<vmem_shared>>
      %dma_start3A_174 = arith.constant 0 : i32
      %dma_start3A_175 = tpu.memref_slice %arg10[%add3A_13, %dma_start3A_174] : memref<10112x64xf32, #tpu.memory_space<vmem_shared>> -> memref<128x64xf32, #tpu.memory_space<vmem_shared>>
      %dma_start3A_176 = arith.constant 0 : i32
      %dma_start3A_177 = arith.constant 0 : i32
      %dma_start3A_178 = tpu.memref_slice %arg9[%run_scoped3A_14, %dma_start3A_176, %dma_start3A_177] : memref<6x128x64xf32, #tpu.memory_space<vmem>> -> memref<1x128x64xf32, #tpu.memory_space<vmem>>
      %dma_start3A_179 = tpu.memref_squeeze %dma_start3A_178 : memref<1x128x64xf32, #tpu.memory_space<vmem>> -> memref<128x64xf32, #tpu.memory_space<vmem>>
      tpu.enqueue_dma source(%dma_start3A_179 : memref<128x64xf32, #tpu.memory_space<vmem>>) target(%dma_start3A_175 : memref<128x64xf32, #tpu.memory_space<vmem_shared>>) target_semaphore(%run_scoped3A_167 : memref<!tpu.dma_semaphore, #tpu.memory_space<semaphore_mem>>)
      %dma_wait3A_180 = arith.constant 0 : i32
      %dma_wait3A_181 = arith.constant 0 : i32
      %dma_wait3A_182 = tpu.memref_slice %arg9[%run_scoped3A_14, %dma_wait3A_180, %dma_wait3A_181] : memref<6x128x64xf32, #tpu.memory_space<vmem>> -> memref<1x128x64xf32, #tpu.memory_space<vmem>>
      %dma_wait3A_183 = tpu.memref_squeeze %dma_wait3A_182 : memref<1x128x64xf32, #tpu.memory_space<vmem>> -> memref<128x64xf32, #tpu.memory_space<vmem>>
      %dma_wait3A_184 = arith.constant 0 : i32
      %dma_wait3A_185 = tpu.memref_slice %arg10[%add3A_13, %dma_wait3A_184] : memref<10112x64xf32, #tpu.memory_space<vmem_shared>> -> memref<128x64xf32, #tpu.memory_space<vmem_shared>>
      %dma_wait3A_186 = arith.constant 0 : i32
      %dma_wait3A_187 = tpu.memref_slice %arg10[%add3A_13, %dma_wait3A_186] : memref<10112x64xf32, #tpu.memory_space<vmem_shared>> -> memref<128x64xf32, #tpu.memory_space<vmem_shared>>
      %dma_wait3A_188 = arith.constant 0 : i32
      %dma_wait3A_189 = arith.constant 0 : i32
      %dma_wait3A_190 = tpu.memref_slice %arg9[%run_scoped3A_14, %dma_wait3A_188, %dma_wait3A_189] : memref<6x128x64xf32, #tpu.memory_space<vmem>> -> memref<1x128x64xf32, #tpu.memory_space<vmem>>
      %dma_wait3A_191 = tpu.memref_squeeze %dma_wait3A_190 : memref<1x128x64xf32, #tpu.memory_space<vmem>> -> memref<128x64xf32, #tpu.memory_space<vmem>>
      tpu.wait_dma2 semaphore(%run_scoped3A_167 : memref<!tpu.dma_semaphore, #tpu.memory_space<semaphore_mem>>) src(%dma_wait3A_191 : memref<128x64xf32, #tpu.memory_space<vmem>>) dst(%dma_wait3A_187 : memref<128x64xf32, #tpu.memory_space<vmem_shared>>)
      tpu.yield
    }) : () -> ()
    %add3A_15 = arith.constant 384 : i32
    %add3A_16 = arith.addi %mul3A_7, %add3A_15 : i32
    %run_scoped3A_17 = arith.constant 0 : i32
    "tpu.region"() ({
      %run_scoped3A_167 = tpu.sem_alloc : memref<!tpu.dma_semaphore, #tpu.memory_space<semaphore_mem>>
      %dma_start3A_168 = arith.constant 0 : i32
      %dma_start3A_169 = arith.constant 0 : i32
      %dma_start3A_170 = tpu.memref_slice %arg9[%run_scoped3A_17, %dma_start3A_168, %dma_start3A_169] : memref<6x128x64xf32, #tpu.memory_space<vmem>> -> memref<1x128x64xf32, #tpu.memory_space<vmem>>
      %dma_start3A_171 = tpu.memref_squeeze %dma_start3A_170 : memref<1x128x64xf32, #tpu.memory_space<vmem>> -> memref<128x64xf32, #tpu.memory_space<vmem>>
      %dma_start3A_172 = arith.constant 0 : i32
      %dma_start3A_173 = tpu.memref_slice %arg10[%add3A_16, %dma_start3A_172] : memref<10112x64xf32, #tpu.memory_space<vmem_shared>> -> memref<128x64xf32, #tpu.memory_space<vmem_shared>>
      %dma_start3A_174 = arith.constant 0 : i32
      %dma_start3A_175 = tpu.memref_slice %arg10[%add3A_16, %dma_start3A_174] : memref<10112x64xf32, #tpu.memory_space<vmem_shared>> -> memref<128x64xf32, #tpu.memory_space<vmem_shared>>
      %dma_start3A_176 = arith.constant 0 : i32
      %dma_start3A_177 = arith.constant 0 : i32
      %dma_start3A_178 = tpu.memref_slice %arg9[%run_scoped3A_17, %dma_start3A_176, %dma_start3A_177] : memref<6x128x64xf32, #tpu.memory_space<vmem>> -> memref<1x128x64xf32, #tpu.memory_space<vmem>>
      %dma_start3A_179 = tpu.memref_squeeze %dma_start3A_178 : memref<1x128x64xf32, #tpu.memory_space<vmem>> -> memref<128x64xf32, #tpu.memory_space<vmem>>
      tpu.enqueue_dma source(%dma_start3A_179 : memref<128x64xf32, #tpu.memory_space<vmem>>) target(%dma_start3A_175 : memref<128x64xf32, #tpu.memory_space<vmem_shared>>) target_semaphore(%run_scoped3A_167 : memref<!tpu.dma_semaphore, #tpu.memory_space<semaphore_mem>>)
      %dma_wait3A_180 = arith.constant 0 : i32
      %dma_wait3A_181 = arith.constant 0 : i32
      %dma_wait3A_182 = tpu.memref_slice %arg9[%run_scoped3A_17, %dma_wait3A_180, %dma_wait3A_181] : memref<6x128x64xf32, #tpu.memory_space<vmem>> -> memref<1x128x64xf32, #tpu.memory_space<vmem>>
      %dma_wait3A_183 = tpu.memref_squeeze %dma_wait3A_182 : memref<1x128x64xf32, #tpu.memory_space<vmem>> -> memref<128x64xf32, #tpu.memory_space<vmem>>
      %dma_wait3A_184 = arith.constant 0 : i32
      %dma_wait3A_185 = tpu.memref_slice %arg10[%add3A_16, %dma_wait3A_184] : memref<10112x64xf32, #tpu.memory_space<vmem_shared>> -> memref<128x64xf32, #tpu.memory_space<vmem_shared>>
      %dma_wait3A_186 = arith.constant 0 : i32
      %dma_wait3A_187 = tpu.memref_slice %arg10[%add3A_16, %dma_wait3A_186] : memref<10112x64xf32, #tpu.memory_space<vmem_shared>> -> memref<128x64xf32, #tpu.memory_space<vmem_shared>>
      %dma_wait3A_188 = arith.constant 0 : i32
      %dma_wait3A_189 = arith.constant 0 : i32
      %dma_wait3A_190 = tpu.memref_slice %arg9[%run_scoped3A_17, %dma_wait3A_188, %dma_wait3A_189] : memref<6x128x64xf32, #tpu.memory_space<vmem>> -> memref<1x128x64xf32, #tpu.memory_space<vmem>>
      %dma_wait3A_191 = tpu.memref_squeeze %dma_wait3A_190 : memref<1x128x64xf32, #tpu.memory_space<vmem>> -> memref<128x64xf32, #tpu.memory_space<vmem>>
      tpu.wait_dma2 semaphore(%run_scoped3A_167 : memref<!tpu.dma_semaphore, #tpu.memory_space<semaphore_mem>>) src(%dma_wait3A_191 : memref<128x64xf32, #tpu.memory_space<vmem>>) dst(%dma_wait3A_187 : memref<128x64xf32, #tpu.memory_space<vmem_shared>>)
      tpu.yield
    }) : () -> ()
    %add3A_18 = arith.constant 512 : i32
    %add3A_19 = arith.addi %mul3A_7, %add3A_18 : i32
    %run_scoped3A_20 = arith.constant 0 : i32
    "tpu.region"() ({
      %run_scoped3A_167 = tpu.sem_alloc : memref<!tpu.dma_semaphore, #tpu.memory_space<semaphore_mem>>
      %dma_start3A_168 = arith.constant 0 : i32
      %dma_start3A_169 = arith.constant 0 : i32
      %dma_start3A_170 = tpu.memref_slice %arg9[%run_scoped3A_20, %dma_start3A_168, %dma_start3A_169] : memref<6x128x64xf32, #tpu.memory_space<vmem>> -> memref<1x120x64xf32, #tpu.memory_space<vmem>>
      %dma_start3A_171 = tpu.memref_squeeze %dma_start3A_170 : memref<1x120x64xf32, #tpu.memory_space<vmem>> -> memref<120x64xf32, #tpu.memory_space<vmem>>
      %dma_start3A_172 = arith.constant 0 : i32
      %dma_start3A_173 = tpu.memref_slice %arg10[%add3A_19, %dma_start3A_172] : memref<10112x64xf32, #tpu.memory_space<vmem_shared>> -> memref<120x64xf32, #tpu.memory_space<vmem_shared>>
      %dma_start3A_174 = arith.constant 0 : i32
      %dma_start3A_175 = tpu.memref_slice %arg10[%add3A_19, %dma_start3A_174] : memref<10112x64xf32, #tpu.memory_space<vmem_shared>> -> memref<120x64xf32, #tpu.memory_space<vmem_shared>>
      %dma_start3A_176 = arith.constant 0 : i32
      %dma_start3A_177 = arith.constant 0 : i32
      %dma_start3A_178 = tpu.memref_slice %arg9[%run_scoped3A_20, %dma_start3A_176, %dma_start3A_177] : memref<6x128x64xf32, #tpu.memory_space<vmem>> -> memref<1x120x64xf32, #tpu.memory_space<vmem>>
      %dma_start3A_179 = tpu.memref_squeeze %dma_start3A_178 : memref<1x120x64xf32, #tpu.memory_space<vmem>> -> memref<120x64xf32, #tpu.memory_space<vmem>>
      tpu.enqueue_dma source(%dma_start3A_179 : memref<120x64xf32, #tpu.memory_space<vmem>>) target(%dma_start3A_175 : memref<120x64xf32, #tpu.memory_space<vmem_shared>>) target_semaphore(%run_scoped3A_167 : memref<!tpu.dma_semaphore, #tpu.memory_space<semaphore_mem>>)
      %dma_wait3A_180 = arith.constant 0 : i32
      %dma_wait3A_181 = arith.constant 0 : i32
      %dma_wait3A_182 = tpu.memref_slice %arg9[%run_scoped3A_20, %dma_wait3A_180, %dma_wait3A_181] : memref<6x128x64xf32, #tpu.memory_space<vmem>> -> memref<1x120x64xf32, #tpu.memory_space<vmem>>
      %dma_wait3A_183 = tpu.memref_squeeze %dma_wait3A_182 : memref<1x120x64xf32, #tpu.memory_space<vmem>> -> memref<120x64xf32, #tpu.memory_space<vmem>>
      %dma_wait3A_184 = arith.constant 0 : i32
      %dma_wait3A_185 = tpu.memref_slice %arg10[%add3A_19, %dma_wait3A_184] : memref<10112x64xf32, #tpu.memory_space<vmem_shared>> -> memref<120x64xf32, #tpu.memory_space<vmem_shared>>
      %dma_wait3A_186 = arith.constant 0 : i32
      %dma_wait3A_187 = tpu.memref_slice %arg10[%add3A_19, %dma_wait3A_186] : memref<10112x64xf32, #tpu.memory_space<vmem_shared>> -> memref<120x64xf32, #tpu.memory_space<vmem_shared>>
      %dma_wait3A_188 = arith.constant 0 : i32
      %dma_wait3A_189 = arith.constant 0 : i32
      %dma_wait3A_190 = tpu.memref_slice %arg9[%run_scoped3A_20, %dma_wait3A_188, %dma_wait3A_189] : memref<6x128x64xf32, #tpu.memory_space<vmem>> -> memref<1x120x64xf32, #tpu.memory_space<vmem>>
      %dma_wait3A_191 = tpu.memref_squeeze %dma_wait3A_190 : memref<1x120x64xf32, #tpu.memory_space<vmem>> -> memref<120x64xf32, #tpu.memory_space<vmem>>
      tpu.wait_dma2 semaphore(%run_scoped3A_167 : memref<!tpu.dma_semaphore, #tpu.memory_space<semaphore_mem>>) src(%dma_wait3A_191 : memref<120x64xf32, #tpu.memory_space<vmem>>) dst(%dma_wait3A_187 : memref<120x64xf32, #tpu.memory_space<vmem_shared>>)
      tpu.yield
    }) : () -> ()
    "tpu.region"() ({
      %run_scoped3A_167 = tpu.sem_alloc : memref<!tpu.dma_semaphore, #tpu.memory_space<semaphore_mem>>
      %dma_start3A_168 = arith.constant 0 : i32
      %dma_start3A_169 = arith.constant 0 : i32
      %dma_start3A_170 = tpu.memref_slice %arg3[%arg0, %arg1, %dma_start3A_168, %dma_start3A_169] : memref<2x16x158x128xi32, #tpu.memory_space<hbm>> -> memref<1x1x158x128xi32, #tpu.memory_space<hbm>>
      %dma_start3A_171 = tpu.memref_squeeze %dma_start3A_170 : memref<1x1x158x128xi32, #tpu.memory_space<hbm>> -> memref<158x128xi32, #tpu.memory_space<hbm>>
      %dma_start3A_172 = arith.constant 0 : i32
      %dma_start3A_173 = arith.constant 0 : i32
      %dma_start3A_174 = tpu.memref_slice %arg3[%arg0, %arg1, %dma_start3A_172, %dma_start3A_173] : memref<2x16x158x128xi32, #tpu.memory_space<hbm>> -> memref<1x1x158x128xi32, #tpu.memory_space<hbm>>
      %dma_start3A_175 = tpu.memref_squeeze %dma_start3A_174 : memref<1x1x158x128xi32, #tpu.memory_space<hbm>> -> memref<158x128xi32, #tpu.memory_space<hbm>>
      tpu.enqueue_dma source(%dma_start3A_175 : memref<158x128xi32, #tpu.memory_space<hbm>>) target(%arg6 : memref<158x128xi32, #tpu.memory_space<vmem>>) target_semaphore(%run_scoped3A_167 : memref<!tpu.dma_semaphore, #tpu.memory_space<semaphore_mem>>)
      %dma_wait3A_176 = arith.constant 0 : i32
      %dma_wait3A_177 = arith.constant 0 : i32
      %dma_wait3A_178 = tpu.memref_slice %arg3[%arg0, %arg1, %dma_wait3A_176, %dma_wait3A_177] : memref<2x16x158x128xi32, #tpu.memory_space<hbm>> -> memref<1x1x158x128xi32, #tpu.memory_space<hbm>>
      %dma_wait3A_179 = tpu.memref_squeeze %dma_wait3A_178 : memref<1x1x158x128xi32, #tpu.memory_space<hbm>> -> memref<158x128xi32, #tpu.memory_space<hbm>>
      %dma_wait3A_180 = arith.constant 0 : i32
      %dma_wait3A_181 = arith.constant 0 : i32
      %dma_wait3A_182 = tpu.memref_slice %arg3[%arg0, %arg1, %dma_wait3A_180, %dma_wait3A_181] : memref<2x16x158x128xi32, #tpu.memory_space<hbm>> -> memref<1x1x158x128xi32, #tpu.memory_space<hbm>>
      %dma_wait3A_183 = tpu.memref_squeeze %dma_wait3A_182 : memref<1x1x158x128xi32, #tpu.memory_space<hbm>> -> memref<158x128xi32, #tpu.memory_space<hbm>>
      tpu.wait_dma2 semaphore(%run_scoped3A_167 : memref<!tpu.dma_semaphore, #tpu.memory_space<semaphore_mem>>) src(%dma_wait3A_183 : memref<158x128xi32, #tpu.memory_space<hbm>>) dst(%arg6 : memref<158x128xi32, #tpu.memory_space<vmem>>)
      tpu.yield
    }) : () -> ()
    "tpu.region"() ({
      %run_scoped3A_167 = tpu.sem_alloc : memref<!tpu.dma_semaphore, #tpu.memory_space<semaphore_mem>>
      %dma_start3A_168 = arith.constant 0 : i32
      %dma_start3A_169 = arith.constant 0 : i32
      %dma_start3A_170 = tpu.memref_slice %arg4[%arg1, %dma_start3A_168, %dma_start3A_169] : memref<16x158x128xi32, #tpu.memory_space<hbm>> -> memref<1x158x128xi32, #tpu.memory_space<hbm>>
      %dma_start3A_171 = tpu.memref_squeeze %dma_start3A_170 : memref<1x158x128xi32, #tpu.memory_space<hbm>> -> memref<158x128xi32, #tpu.memory_space<hbm>>
      %dma_start3A_172 = arith.constant 0 : i32
      %dma_start3A_173 = arith.constant 0 : i32
      %dma_start3A_174 = tpu.memref_slice %arg4[%arg1, %dma_start3A_172, %dma_start3A_173] : memref<16x158x128xi32, #tpu.memory_space<hbm>> -> memref<1x158x128xi32, #tpu.memory_space<hbm>>
      %dma_start3A_175 = tpu.memref_squeeze %dma_start3A_174 : memref<1x158x128xi32, #tpu.memory_space<hbm>> -> memref<158x128xi32, #tpu.memory_space<hbm>>
      tpu.enqueue_dma source(%dma_start3A_175 : memref<158x128xi32, #tpu.memory_space<hbm>>) target(%arg7 : memref<158x128xi32, #tpu.memory_space<vmem>>) target_semaphore(%run_scoped3A_167 : memref<!tpu.dma_semaphore, #tpu.memory_space<semaphore_mem>>)
      %dma_wait3A_176 = arith.constant 0 : i32
      %dma_wait3A_177 = arith.constant 0 : i32
      %dma_wait3A_178 = tpu.memref_slice %arg4[%arg1, %dma_wait3A_176, %dma_wait3A_177] : memref<16x158x128xi32, #tpu.memory_space<hbm>> -> memref<1x158x128xi32, #tpu.memory_space<hbm>>
      %dma_wait3A_179 = tpu.memref_squeeze %dma_wait3A_178 : memref<1x158x128xi32, #tpu.memory_space<hbm>> -> memref<158x128xi32, #tpu.memory_space<hbm>>
      %dma_wait3A_180 = arith.constant 0 : i32
      %dma_wait3A_181 = arith.constant 0 : i32
      %dma_wait3A_182 = tpu.memref_slice %arg4[%arg1, %dma_wait3A_180, %dma_wait3A_181] : memref<16x158x128xi32, #tpu.memory_space<hbm>> -> memref<1x158x128xi32, #tpu.memory_space<hbm>>
      %dma_wait3A_183 = tpu.memref_squeeze %dma_wait3A_182 : memref<1x158x128xi32, #tpu.memory_space<hbm>> -> memref<158x128xi32, #tpu.memory_space<hbm>>
      tpu.wait_dma2 semaphore(%run_scoped3A_167 : memref<!tpu.dma_semaphore, #tpu.memory_space<semaphore_mem>>) src(%dma_wait3A_183 : memref<158x128xi32, #tpu.memory_space<hbm>>) dst(%arg7 : memref<158x128xi32, #tpu.memory_space<vmem>>)
      tpu.yield
    }) : () -> ()
    %barrier3A = arith.constant 0 : index
    tpu.barrier barrier_id(%barrier3A)
    %dma_start3A = arith.constant 0 : i32
    %dma_start3A_21 = arith.constant 0 : i32
    %dma_start3A_22 = arith.constant 0 : i32
    %dma_start3A_23 = arith.constant 0 : i32
    %dma_start3A_24 = tpu.memref_slice %arg9[%dma_start3A_21, %dma_start3A_22, %dma_start3A_23] : memref<6x128x64xf32, #tpu.memory_space<vmem>> -> memref<1x128x64xf32, #tpu.memory_space<vmem>>
    %dma_start3A_25 = tpu.memref_squeeze %dma_start3A_24 : memref<1x128x64xf32, #tpu.memory_space<vmem>> -> memref<128x64xf32, #tpu.memory_space<vmem>>
    %dma_start3A_26 = arith.constant 0 : i32
    %dma_start3A_27 = tpu.memref_slice %arg6[%dma_start3A, %dma_start3A_26] : memref<158x128xi32, #tpu.memory_space<vmem>> -> memref<1x128xi32, #tpu.memory_space<vmem>>
    %dma_start3A_28 = tpu.memref_squeeze %dma_start3A_27 : memref<1x128xi32, #tpu.memory_space<vmem>> -> memref<128xi32, #tpu.memory_space<vmem>>
    %dma_start3A_29 = arith.constant 0 : i32
    %dma_start3A_30 = arith.constant 0 : i32
    %dma_start3A_31 = tpu.memref_slice %arg2[%dma_start3A_29, %dma_start3A_30] : memref<20224x64xf32, #tpu.memory_space<hbm>> -> memref<20224x64xf32, #tpu.memory_space<hbm>>
    tpu.enqueue_indirect_dma source(%dma_start3A_31 : memref<20224x64xf32, #tpu.memory_space<hbm>>) target(%dma_start3A_25 : memref<128x64xf32, #tpu.memory_space<vmem>>) offsets(%dma_start3A_28 : memref<128xi32, #tpu.memory_space<vmem>>) semaphore(%arg11 : memref<!tpu.dma_semaphore, #tpu.memory_space<semaphore_mem>>)
    %dma_start3A_32 = arith.constant 1 : i32
    %dma_start3A_33 = arith.constant 1 : i32
    %dma_start3A_34 = arith.constant 0 : i32
    %dma_start3A_35 = arith.constant 0 : i32
    %dma_start3A_36 = tpu.memref_slice %arg9[%dma_start3A_33, %dma_start3A_34, %dma_start3A_35] : memref<6x128x64xf32, #tpu.memory_space<vmem>> -> memref<1x128x64xf32, #tpu.memory_space<vmem>>
    %dma_start3A_37 = tpu.memref_squeeze %dma_start3A_36 : memref<1x128x64xf32, #tpu.memory_space<vmem>> -> memref<128x64xf32, #tpu.memory_space<vmem>>
    %dma_start3A_38 = arith.constant 0 : i32
    %dma_start3A_39 = tpu.memref_slice %arg6[%dma_start3A_32, %dma_start3A_38] : memref<158x128xi32, #tpu.memory_space<vmem>> -> memref<1x128xi32, #tpu.memory_space<vmem>>
    %dma_start3A_40 = tpu.memref_squeeze %dma_start3A_39 : memref<1x128xi32, #tpu.memory_space<vmem>> -> memref<128xi32, #tpu.memory_space<vmem>>
    %dma_start3A_41 = arith.constant 0 : i32
    %dma_start3A_42 = arith.constant 0 : i32
    %dma_start3A_43 = tpu.memref_slice %arg2[%dma_start3A_41, %dma_start3A_42] : memref<20224x64xf32, #tpu.memory_space<hbm>> -> memref<20224x64xf32, #tpu.memory_space<hbm>>
    tpu.enqueue_indirect_dma source(%dma_start3A_43 : memref<20224x64xf32, #tpu.memory_space<hbm>>) target(%dma_start3A_37 : memref<128x64xf32, #tpu.memory_space<vmem>>) offsets(%dma_start3A_40 : memref<128xi32, #tpu.memory_space<vmem>>) semaphore(%arg11 : memref<!tpu.dma_semaphore, #tpu.memory_space<semaphore_mem>>)
    %dma_start3A_44 = arith.constant 2 : i32
    %dma_start3A_45 = arith.constant 2 : i32
    %dma_start3A_46 = arith.constant 0 : i32
    %dma_start3A_47 = arith.constant 0 : i32
    %dma_start3A_48 = tpu.memref_slice %arg9[%dma_start3A_45, %dma_start3A_46, %dma_start3A_47] : memref<6x128x64xf32, #tpu.memory_space<vmem>> -> memref<1x128x64xf32, #tpu.memory_space<vmem>>
    %dma_start3A_49 = tpu.memref_squeeze %dma_start3A_48 : memref<1x128x64xf32, #tpu.memory_space<vmem>> -> memref<128x64xf32, #tpu.memory_space<vmem>>
    %dma_start3A_50 = arith.constant 0 : i32
    %dma_start3A_51 = tpu.memref_slice %arg6[%dma_start3A_44, %dma_start3A_50] : memref<158x128xi32, #tpu.memory_space<vmem>> -> memref<1x128xi32, #tpu.memory_space<vmem>>
    %dma_start3A_52 = tpu.memref_squeeze %dma_start3A_51 : memref<1x128xi32, #tpu.memory_space<vmem>> -> memref<128xi32, #tpu.memory_space<vmem>>
    %dma_start3A_53 = arith.constant 0 : i32
    %dma_start3A_54 = arith.constant 0 : i32
    %dma_start3A_55 = tpu.memref_slice %arg2[%dma_start3A_53, %dma_start3A_54] : memref<20224x64xf32, #tpu.memory_space<hbm>> -> memref<20224x64xf32, #tpu.memory_space<hbm>>
    tpu.enqueue_indirect_dma source(%dma_start3A_55 : memref<20224x64xf32, #tpu.memory_space<hbm>>) target(%dma_start3A_49 : memref<128x64xf32, #tpu.memory_space<vmem>>) offsets(%dma_start3A_52 : memref<128xi32, #tpu.memory_space<vmem>>) semaphore(%arg11 : memref<!tpu.dma_semaphore, #tpu.memory_space<semaphore_mem>>)
    %dma_start3A_56 = arith.constant 3 : i32
    %dma_start3A_57 = arith.constant 3 : i32
    %dma_start3A_58 = arith.constant 0 : i32
    %dma_start3A_59 = arith.constant 0 : i32
    %dma_start3A_60 = tpu.memref_slice %arg9[%dma_start3A_57, %dma_start3A_58, %dma_start3A_59] : memref<6x128x64xf32, #tpu.memory_space<vmem>> -> memref<1x128x64xf32, #tpu.memory_space<vmem>>
    %dma_start3A_61 = tpu.memref_squeeze %dma_start3A_60 : memref<1x128x64xf32, #tpu.memory_space<vmem>> -> memref<128x64xf32, #tpu.memory_space<vmem>>
    %dma_start3A_62 = arith.constant 0 : i32
    %dma_start3A_63 = tpu.memref_slice %arg6[%dma_start3A_56, %dma_start3A_62] : memref<158x128xi32, #tpu.memory_space<vmem>> -> memref<1x128xi32, #tpu.memory_space<vmem>>
    %dma_start3A_64 = tpu.memref_squeeze %dma_start3A_63 : memref<1x128xi32, #tpu.memory_space<vmem>> -> memref<128xi32, #tpu.memory_space<vmem>>
    %dma_start3A_65 = arith.constant 0 : i32
    %dma_start3A_66 = arith.constant 0 : i32
    %dma_start3A_67 = tpu.memref_slice %arg2[%dma_start3A_65, %dma_start3A_66] : memref<20224x64xf32, #tpu.memory_space<hbm>> -> memref<20224x64xf32, #tpu.memory_space<hbm>>
    tpu.enqueue_indirect_dma source(%dma_start3A_67 : memref<20224x64xf32, #tpu.memory_space<hbm>>) target(%dma_start3A_61 : memref<128x64xf32, #tpu.memory_space<vmem>>) offsets(%dma_start3A_64 : memref<128xi32, #tpu.memory_space<vmem>>) semaphore(%arg11 : memref<!tpu.dma_semaphore, #tpu.memory_space<semaphore_mem>>)
    %scan3A_68 = arith.constant 0 : i32
    %scan3A_69 = arith.constant 0 : i32
    %scan3A_70 = arith.constant 158 : i32
    %scan3A_71 = arith.addi %scan3A_69, %scan3A_70 : i32
    %scan3A_72 = arith.constant 1 : i32
    %scan3A_73 = scf.for %scan3A_167 = %scan3A_69 to %scan3A_71 step %scan3A_72 iter_args(%scan3A_168 = %scan3A_68) -> (i32)  : i32 {
      %add3A_169 = arith.constant 4 : i32
      %add3A_170 = arith.addi %scan3A_167, %add3A_169 : i32
      %lt3A = arith.constant 158 : i32
      %lt3A_171 = arith.cmpi slt, %add3A_170, %lt3A : i32
      %convert_element_type3A = arith.extui %lt3A_171 : i1 to i32
      %cond3A = arith.constant 0 : i32
      %cond3A_172 = arith.cmpi ne, %convert_element_type3A, %cond3A : i32
      scf.if %cond3A_172 {
        %ge3A = arith.constant 2 : i32
        %ge3A_338 = arith.cmpi sge, %scan3A_167, %ge3A : i32
        %convert_element_type3A_339 = arith.extui %ge3A_338 : i1 to i32
        %cond3A_340 = arith.constant 0 : i32
        %cond3A_341 = arith.cmpi ne, %convert_element_type3A_339, %cond3A_340 : i32
        scf.if %cond3A_341 {
          %sub3A = arith.constant 2 : i32
          %sub3A_370 = arith.subi %scan3A_167, %sub3A : i32
          %jit3A_371 = arith.constant 6 : i32
          %eq3A_372 = arith.constant 0 : i32
          %eq3A_373 = arith.cmpi eq, %jit3A_371, %eq3A_372 : i32
          %jit3A_374 = arith.constant 1 : i32
          %select_n3A_375 = arith.select %eq3A_373, %jit3A_374, %jit3A_371 : i32
          %rem3A_376 = arith.remsi %sub3A_370, %select_n3A_375 : i32
          %ne3A_377 = arith.constant 0 : i32
          %ne3A_378 = arith.cmpi ne, %rem3A_376, %ne3A_377 : i32
          %lt3A_379 = arith.constant 0 : i32
          %lt3A_380 = arith.cmpi slt, %rem3A_376, %lt3A_379 : i32
          %lt3A_381 = arith.constant 0 : i32
          %lt3A_382 = arith.cmpi slt, %select_n3A_375, %lt3A_381 : i32
          %ne3A_383 = arith.xori %lt3A_380, %lt3A_382 : i1
          %and3A_384 = arith.andi %ne3A_383, %ne3A_378 : i1
          %add3A_385 = arith.addi %rem3A_376, %select_n3A_375 : i32
          %select_n3A_386 = arith.select %and3A_384, %add3A_385, %rem3A_376 : i32
          %jit3A_387 = arith.constant 6 : i32
          %eq3A_388 = arith.constant 0 : i32
          %eq3A_389 = arith.cmpi eq, %jit3A_387, %eq3A_388 : i32
          %jit3A_390 = arith.constant 1 : i32
          %select_n3A_391 = arith.select %eq3A_389, %jit3A_390, %jit3A_387 : i32
          %rem3A_392 = arith.remsi %sub3A_370, %select_n3A_391 : i32
          %ne3A_393 = arith.constant 0 : i32
          %ne3A_394 = arith.cmpi ne, %rem3A_392, %ne3A_393 : i32
          %lt3A_395 = arith.constant 0 : i32
          %lt3A_396 = arith.cmpi slt, %rem3A_392, %lt3A_395 : i32
          %lt3A_397 = arith.constant 0 : i32
          %lt3A_398 = arith.cmpi slt, %select_n3A_391, %lt3A_397 : i32
          %ne3A_399 = arith.xori %lt3A_396, %lt3A_398 : i1
          %and3A_400 = arith.andi %ne3A_399, %ne3A_394 : i1
          %add3A_401 = arith.addi %rem3A_392, %select_n3A_391 : i32
          %select_n3A_402 = arith.select %and3A_400, %add3A_401, %rem3A_392 : i32
          %dma_wait3A_403 = arith.constant 0 : i32
          %dma_wait3A_404 = arith.constant 0 : i32
          %dma_wait3A_405 = tpu.memref_slice %arg9[%select_n3A_386, %dma_wait3A_403, %dma_wait3A_404] : memref<6x128x64xf32, #tpu.memory_space<vmem>> -> memref<1x128x64xf32, #tpu.memory_space<vmem>>
          %dma_wait3A_406 = tpu.memref_squeeze %dma_wait3A_405 : memref<1x128x64xf32, #tpu.memory_space<vmem>> -> memref<128x64xf32, #tpu.memory_space<vmem>>
          %dma_wait3A_407 = arith.constant 0 : i32
          %dma_wait3A_408 = tpu.memref_slice %arg8[%select_n3A_402, %dma_wait3A_407] : memref<6x128xi32, #tpu.memory_space<vmem>> -> memref<1x128xi32, #tpu.memory_space<vmem>>
          %dma_wait3A_409 = tpu.memref_squeeze %dma_wait3A_408 : memref<1x128xi32, #tpu.memory_space<vmem>> -> memref<128xi32, #tpu.memory_space<vmem>>
          %dma_wait3A_410 = arith.constant 0 : i32
          %dma_wait3A_411 = arith.constant 0 : i32
          %dma_wait3A_412 = tpu.memref_slice %arg10[%dma_wait3A_410, %dma_wait3A_411] : memref<10112x64xf32, #tpu.memory_space<vmem_shared>> -> memref<10112x64xf32, #tpu.memory_space<vmem_shared>>
          tpu.wait_indirect_dma semaphore(%arg12 : memref<!tpu.dma_semaphore, #tpu.memory_space<semaphore_mem>>) src(%dma_wait3A_406 : memref<128x64xf32, #tpu.memory_space<vmem>>) dst(%dma_wait3A_412 : memref<10112x64xf32, #tpu.memory_space<vmem_shared>>)
        } else {
        }
        %add3A_342 = arith.constant 4 : i32
        %add3A_343 = arith.addi %scan3A_167, %add3A_342 : i32
        %jit3A_344 = arith.constant 6 : i32
        %eq3A_345 = arith.constant 0 : i32
        %eq3A_346 = arith.cmpi eq, %jit3A_344, %eq3A_345 : i32
        %jit3A_347 = arith.constant 1 : i32
        %select_n3A_348 = arith.select %eq3A_346, %jit3A_347, %jit3A_344 : i32
        %rem3A_349 = arith.remsi %add3A_343, %select_n3A_348 : i32
        %ne3A_350 = arith.constant 0 : i32
        %ne3A_351 = arith.cmpi ne, %rem3A_349, %ne3A_350 : i32
        %lt3A_352 = arith.constant 0 : i32
        %lt3A_353 = arith.cmpi slt, %rem3A_349, %lt3A_352 : i32
        %lt3A_354 = arith.constant 0 : i32
        %lt3A_355 = arith.cmpi slt, %select_n3A_348, %lt3A_354 : i32
        %ne3A_356 = arith.xori %lt3A_353, %lt3A_355 : i1
        %and3A_357 = arith.andi %ne3A_356, %ne3A_351 : i1
        %add3A_358 = arith.addi %rem3A_349, %select_n3A_348 : i32
        %select_n3A_359 = arith.select %and3A_357, %add3A_358, %rem3A_349 : i32
        %dma_start3A_360 = arith.constant 0 : i32
        %dma_start3A_361 = arith.constant 0 : i32
        %dma_start3A_362 = tpu.memref_slice %arg9[%select_n3A_359, %dma_start3A_360, %dma_start3A_361] : memref<6x128x64xf32, #tpu.memory_space<vmem>> -> memref<1x128x64xf32, #tpu.memory_space<vmem>>
        %dma_start3A_363 = tpu.memref_squeeze %dma_start3A_362 : memref<1x128x64xf32, #tpu.memory_space<vmem>> -> memref<128x64xf32, #tpu.memory_space<vmem>>
        %dma_start3A_364 = arith.constant 0 : i32
        %dma_start3A_365 = tpu.memref_slice %arg6[%add3A_343, %dma_start3A_364] : memref<158x128xi32, #tpu.memory_space<vmem>> -> memref<1x128xi32, #tpu.memory_space<vmem>>
        %dma_start3A_366 = tpu.memref_squeeze %dma_start3A_365 : memref<1x128xi32, #tpu.memory_space<vmem>> -> memref<128xi32, #tpu.memory_space<vmem>>
        %dma_start3A_367 = arith.constant 0 : i32
        %dma_start3A_368 = arith.constant 0 : i32
        %dma_start3A_369 = tpu.memref_slice %arg2[%dma_start3A_367, %dma_start3A_368] : memref<20224x64xf32, #tpu.memory_space<hbm>> -> memref<20224x64xf32, #tpu.memory_space<hbm>>
        tpu.enqueue_indirect_dma source(%dma_start3A_369 : memref<20224x64xf32, #tpu.memory_space<hbm>>) target(%dma_start3A_363 : memref<128x64xf32, #tpu.memory_space<vmem>>) offsets(%dma_start3A_366 : memref<128xi32, #tpu.memory_space<vmem>>) semaphore(%arg11 : memref<!tpu.dma_semaphore, #tpu.memory_space<semaphore_mem>>)
      } else {
      }
      %jit3A = arith.constant 6 : i32
      %eq3A = arith.constant 0 : i32
      %eq3A_173 = arith.cmpi eq, %jit3A, %eq3A : i32
      %jit3A_174 = arith.constant 1 : i32
      %select_n3A = arith.select %eq3A_173, %jit3A_174, %jit3A : i32
      %rem3A = arith.remsi %scan3A_167, %select_n3A : i32
      %ne3A = arith.constant 0 : i32
      %ne3A_175 = arith.cmpi ne, %rem3A, %ne3A : i32
      %lt3A_176 = arith.constant 0 : i32
      %lt3A_177 = arith.cmpi slt, %rem3A, %lt3A_176 : i32
      %lt3A_178 = arith.constant 0 : i32
      %lt3A_179 = arith.cmpi slt, %select_n3A, %lt3A_178 : i32
      %ne3A_180 = arith.xori %lt3A_177, %lt3A_179 : i1
      %and3A = arith.andi %ne3A_180, %ne3A_175 : i1
      %add3A_181 = arith.addi %rem3A, %select_n3A : i32
      %select_n3A_182 = arith.select %and3A, %add3A_181, %rem3A : i32
      %dma_wait3A_183 = arith.constant 0 : i32
      %dma_wait3A_184 = arith.constant 0 : i32
      %dma_wait3A_185 = tpu.memref_slice %arg9[%select_n3A_182, %dma_wait3A_183, %dma_wait3A_184] : memref<6x128x64xf32, #tpu.memory_space<vmem>> -> memref<1x128x64xf32, #tpu.memory_space<vmem>>
      %dma_wait3A_186 = tpu.memref_squeeze %dma_wait3A_185 : memref<1x128x64xf32, #tpu.memory_space<vmem>> -> memref<128x64xf32, #tpu.memory_space<vmem>>
      %dma_wait3A_187 = arith.constant 0 : i32
      %dma_wait3A_188 = tpu.memref_slice %arg6[%scan3A_167, %dma_wait3A_187] : memref<158x128xi32, #tpu.memory_space<vmem>> -> memref<1x128xi32, #tpu.memory_space<vmem>>
      %dma_wait3A_189 = tpu.memref_squeeze %dma_wait3A_188 : memref<1x128xi32, #tpu.memory_space<vmem>> -> memref<128xi32, #tpu.memory_space<vmem>>
      %dma_wait3A_190 = arith.constant 0 : i32
      %dma_wait3A_191 = arith.constant 0 : i32
      %dma_wait3A_192 = tpu.memref_slice %arg2[%dma_wait3A_190, %dma_wait3A_191] : memref<20224x64xf32, #tpu.memory_space<hbm>> -> memref<20224x64xf32, #tpu.memory_space<hbm>>
      tpu.wait_indirect_dma semaphore(%arg11 : memref<!tpu.dma_semaphore, #tpu.memory_space<semaphore_mem>>) src(%dma_wait3A_192 : memref<20224x64xf32, #tpu.memory_space<hbm>>) dst(%dma_wait3A_186 : memref<128x64xf32, #tpu.memory_space<vmem>>)
      %jit3A_193 = arith.constant 6 : i32
      %eq3A_194 = arith.constant 0 : i32
      %eq3A_195 = arith.cmpi eq, %jit3A_193, %eq3A_194 : i32
      %jit3A_196 = arith.constant 1 : i32
      %select_n3A_197 = arith.select %eq3A_195, %jit3A_196, %jit3A_193 : i32
      %rem3A_198 = arith.remsi %scan3A_167, %select_n3A_197 : i32
      %ne3A_199 = arith.constant 0 : i32
      %ne3A_200 = arith.cmpi ne, %rem3A_198, %ne3A_199 : i32
      %lt3A_201 = arith.constant 0 : i32
      %lt3A_202 = arith.cmpi slt, %rem3A_198, %lt3A_201 : i32
      %lt3A_203 = arith.constant 0 : i32
      %lt3A_204 = arith.cmpi slt, %select_n3A_197, %lt3A_203 : i32
      %ne3A_205 = arith.xori %lt3A_202, %lt3A_204 : i1
      %and3A_206 = arith.andi %ne3A_205, %ne3A_200 : i1
      %add3A_207 = arith.addi %rem3A_198, %select_n3A_197 : i32
      %select_n3A_208 = arith.select %and3A_206, %add3A_207, %rem3A_198 : i32
      %get3A = arith.index_cast %scan3A_167 : i32 to index
      %get3A_209 = arith.constant 0 : index
      %get3A_210 = tpu.vector_load %arg7[%get3A, %get3A_209] {strides = array<i32>} : memref<158x128xi32, #tpu.memory_space<vmem>>, vector<1x16xi32>,
      %get3A_211 = vector.shape_cast %get3A_210 : vector<1x16xi32> to vector<16xi32>
      %swap3A = arith.constant 0 : i32
      %swap3A_212 = tpu.memref_slice %arg8[%select_n3A_208, %swap3A] : memref<6x128xi32, #tpu.memory_space<vmem>> -> memref<1x128xi32, #tpu.memory_space<vmem>>
      %swap3A_213 = tpu.memref_squeeze %swap3A_212 : memref<1x128xi32, #tpu.memory_space<vmem>> -> memref<128xi32, #tpu.memory_space<vmem>>
      %swap3A_214 = arith.constant 0 : index
      %swap3A_215 = tpu.vector_load %swap3A_213[%swap3A_214] {strides = array<i32>} : memref<128xi32, #tpu.memory_space<vmem>>, vector<16xi32>,
      %swap3A_216 = vector.shape_cast %swap3A_215 : vector<16xi32> to vector<16xi32>
      %swap3A_217 = vector.shape_cast %get3A_211 : vector<16xi32> to vector<16xi32>
      tpu.vector_store %swap3A_213[%swap3A_214], %swap3A_217 {strides = array<i32>} : memref<128xi32, #tpu.memory_space<vmem>>, vector<16xi32>,
      %get3A_218 = arith.index_cast %scan3A_167 : i32 to index
      %get3A_219 = arith.constant 16 : index
      %get3A_220 = tpu.vector_load %arg7[%get3A_218, %get3A_219] {strides = array<i32>} : memref<158x128xi32, #tpu.memory_space<vmem>>, vector<1x16xi32>,
      %get3A_221 = vector.shape_cast %get3A_220 : vector<1x16xi32> to vector<16xi32>
      %swap3A_222 = arith.constant 0 : i32
      %swap3A_223 = tpu.memref_slice %arg8[%select_n3A_208, %swap3A_222] : memref<6x128xi32, #tpu.memory_space<vmem>> -> memref<1x128xi32, #tpu.memory_space<vmem>>
      %swap3A_224 = tpu.memref_squeeze %swap3A_223 : memref<1x128xi32, #tpu.memory_space<vmem>> -> memref<128xi32, #tpu.memory_space<vmem>>
      %swap3A_225 = arith.constant 16 : index
      %swap3A_226 = tpu.vector_load %swap3A_224[%swap3A_225] {strides = array<i32>} : memref<128xi32, #tpu.memory_space<vmem>>, vector<16xi32>,
      %swap3A_227 = vector.shape_cast %swap3A_226 : vector<16xi32> to vector<16xi32>
      %swap3A_228 = vector.shape_cast %get3A_221 : vector<16xi32> to vector<16xi32>
      tpu.vector_store %swap3A_224[%swap3A_225], %swap3A_228 {strides = array<i32>} : memref<128xi32, #tpu.memory_space<vmem>>, vector<16xi32>,
      %get3A_229 = arith.index_cast %scan3A_167 : i32 to index
      %get3A_230 = arith.constant 32 : index
      %get3A_231 = tpu.vector_load %arg7[%get3A_229, %get3A_230] {strides = array<i32>} : memref<158x128xi32, #tpu.memory_space<vmem>>, vector<1x16xi32>,
      %get3A_232 = vector.shape_cast %get3A_231 : vector<1x16xi32> to vector<16xi32>
      %swap3A_233 = arith.constant 0 : i32
      %swap3A_234 = tpu.memref_slice %arg8[%select_n3A_208, %swap3A_233] : memref<6x128xi32, #tpu.memory_space<vmem>> -> memref<1x128xi32, #tpu.memory_space<vmem>>
      %swap3A_235 = tpu.memref_squeeze %swap3A_234 : memref<1x128xi32, #tpu.memory_space<vmem>> -> memref<128xi32, #tpu.memory_space<vmem>>
      %swap3A_236 = arith.constant 32 : index
      %swap3A_237 = tpu.vector_load %swap3A_235[%swap3A_236] {strides = array<i32>} : memref<128xi32, #tpu.memory_space<vmem>>, vector<16xi32>,
      %swap3A_238 = vector.shape_cast %swap3A_237 : vector<16xi32> to vector<16xi32>
      %swap3A_239 = vector.shape_cast %get3A_232 : vector<16xi32> to vector<16xi32>
      tpu.vector_store %swap3A_235[%swap3A_236], %swap3A_239 {strides = array<i32>} : memref<128xi32, #tpu.memory_space<vmem>>, vector<16xi32>,
      %get3A_240 = arith.index_cast %scan3A_167 : i32 to index
      %get3A_241 = arith.constant 48 : index
      %get3A_242 = tpu.vector_load %arg7[%get3A_240, %get3A_241] {strides = array<i32>} : memref<158x128xi32, #tpu.memory_space<vmem>>, vector<1x16xi32>,
      %get3A_243 = vector.shape_cast %get3A_242 : vector<1x16xi32> to vector<16xi32>
      %swap3A_244 = arith.constant 0 : i32
      %swap3A_245 = tpu.memref_slice %arg8[%select_n3A_208, %swap3A_244] : memref<6x128xi32, #tpu.memory_space<vmem>> -> memref<1x128xi32, #tpu.memory_space<vmem>>
      %swap3A_246 = tpu.memref_squeeze %swap3A_245 : memref<1x128xi32, #tpu.memory_space<vmem>> -> memref<128xi32, #tpu.memory_space<vmem>>
      %swap3A_247 = arith.constant 48 : index
      %swap3A_248 = tpu.vector_load %swap3A_246[%swap3A_247] {strides = array<i32>} : memref<128xi32, #tpu.memory_space<vmem>>, vector<16xi32>,
      %swap3A_249 = vector.shape_cast %swap3A_248 : vector<16xi32> to vector<16xi32>
      %swap3A_250 = vector.shape_cast %get3A_243 : vector<16xi32> to vector<16xi32>
      tpu.vector_store %swap3A_246[%swap3A_247], %swap3A_250 {strides = array<i32>} : memref<128xi32, #tpu.memory_space<vmem>>, vector<16xi32>,
      %get3A_251 = arith.index_cast %scan3A_167 : i32 to index
      %get3A_252 = arith.constant 64 : index
      %get3A_253 = tpu.vector_load %arg7[%get3A_251, %get3A_252] {strides = array<i32>} : memref<158x128xi32, #tpu.memory_space<vmem>>, vector<1x16xi32>,
      %get3A_254 = vector.shape_cast %get3A_253 : vector<1x16xi32> to vector<16xi32>
      %swap3A_255 = arith.constant 0 : i32
      %swap3A_256 = tpu.memref_slice %arg8[%select_n3A_208, %swap3A_255] : memref<6x128xi32, #tpu.memory_space<vmem>> -> memref<1x128xi32, #tpu.memory_space<vmem>>
      %swap3A_257 = tpu.memref_squeeze %swap3A_256 : memref<1x128xi32, #tpu.memory_space<vmem>> -> memref<128xi32, #tpu.memory_space<vmem>>
      %swap3A_258 = arith.constant 64 : index
      %swap3A_259 = tpu.vector_load %swap3A_257[%swap3A_258] {strides = array<i32>} : memref<128xi32, #tpu.memory_space<vmem>>, vector<16xi32>,
      %swap3A_260 = vector.shape_cast %swap3A_259 : vector<16xi32> to vector<16xi32>
      %swap3A_261 = vector.shape_cast %get3A_254 : vector<16xi32> to vector<16xi32>
      tpu.vector_store %swap3A_257[%swap3A_258], %swap3A_261 {strides = array<i32>} : memref<128xi32, #tpu.memory_space<vmem>>, vector<16xi32>,
      %get3A_262 = arith.index_cast %scan3A_167 : i32 to index
      %get3A_263 = arith.constant 80 : index
      %get3A_264 = tpu.vector_load %arg7[%get3A_262, %get3A_263] {strides = array<i32>} : memref<158x128xi32, #tpu.memory_space<vmem>>, vector<1x16xi32>,
      %get3A_265 = vector.shape_cast %get3A_264 : vector<1x16xi32> to vector<16xi32>
      %swap3A_266 = arith.constant 0 : i32
      %swap3A_267 = tpu.memref_slice %arg8[%select_n3A_208, %swap3A_266] : memref<6x128xi32, #tpu.memory_space<vmem>> -> memref<1x128xi32, #tpu.memory_space<vmem>>
      %swap3A_268 = tpu.memref_squeeze %swap3A_267 : memref<1x128xi32, #tpu.memory_space<vmem>> -> memref<128xi32, #tpu.memory_space<vmem>>
      %swap3A_269 = arith.constant 80 : index
      %swap3A_270 = tpu.vector_load %swap3A_268[%swap3A_269] {strides = array<i32>} : memref<128xi32, #tpu.memory_space<vmem>>, vector<16xi32>,
      %swap3A_271 = vector.shape_cast %swap3A_270 : vector<16xi32> to vector<16xi32>
      %swap3A_272 = vector.shape_cast %get3A_265 : vector<16xi32> to vector<16xi32>
      tpu.vector_store %swap3A_268[%swap3A_269], %swap3A_272 {strides = array<i32>} : memref<128xi32, #tpu.memory_space<vmem>>, vector<16xi32>,
      %get3A_273 = arith.index_cast %scan3A_167 : i32 to index
      %get3A_274 = arith.constant 96 : index
      %get3A_275 = tpu.vector_load %arg7[%get3A_273, %get3A_274] {strides = array<i32>} : memref<158x128xi32, #tpu.memory_space<vmem>>, vector<1x16xi32>,
      %get3A_276 = vector.shape_cast %get3A_275 : vector<1x16xi32> to vector<16xi32>
      %swap3A_277 = arith.constant 0 : i32
      %swap3A_278 = tpu.memref_slice %arg8[%select_n3A_208, %swap3A_277] : memref<6x128xi32, #tpu.memory_space<vmem>> -> memref<1x128xi32, #tpu.memory_space<vmem>>
      %swap3A_279 = tpu.memref_squeeze %swap3A_278 : memref<1x128xi32, #tpu.memory_space<vmem>> -> memref<128xi32, #tpu.memory_space<vmem>>
      %swap3A_280 = arith.constant 96 : index
      %swap3A_281 = tpu.vector_load %swap3A_279[%swap3A_280] {strides = array<i32>} : memref<128xi32, #tpu.memory_space<vmem>>, vector<16xi32>,
      %swap3A_282 = vector.shape_cast %swap3A_281 : vector<16xi32> to vector<16xi32>
      %swap3A_283 = vector.shape_cast %get3A_276 : vector<16xi32> to vector<16xi32>
      tpu.vector_store %swap3A_279[%swap3A_280], %swap3A_283 {strides = array<i32>} : memref<128xi32, #tpu.memory_space<vmem>>, vector<16xi32>,
      %get3A_284 = arith.index_cast %scan3A_167 : i32 to index
      %get3A_285 = arith.constant 112 : index
      %get3A_286 = tpu.vector_load %arg7[%get3A_284, %get3A_285] {strides = array<i32>} : memref<158x128xi32, #tpu.memory_space<vmem>>, vector<1x16xi32>,
      %get3A_287 = vector.shape_cast %get3A_286 : vector<1x16xi32> to vector<16xi32>
      %swap3A_288 = arith.constant 0 : i32
      %swap3A_289 = tpu.memref_slice %arg8[%select_n3A_208, %swap3A_288] : memref<6x128xi32, #tpu.memory_space<vmem>> -> memref<1x128xi32, #tpu.memory_space<vmem>>
      %swap3A_290 = tpu.memref_squeeze %swap3A_289 : memref<1x128xi32, #tpu.memory_space<vmem>> -> memref<128xi32, #tpu.memory_space<vmem>>
      %swap3A_291 = arith.constant 112 : index
      %swap3A_292 = tpu.vector_load %swap3A_290[%swap3A_291] {strides = array<i32>} : memref<128xi32, #tpu.memory_space<vmem>>, vector<16xi32>,
      %swap3A_293 = vector.shape_cast %swap3A_292 : vector<16xi32> to vector<16xi32>
      %swap3A_294 = vector.shape_cast %get3A_287 : vector<16xi32> to vector<16xi32>
      tpu.vector_store %swap3A_290[%swap3A_291], %swap3A_294 {strides = array<i32>} : memref<128xi32, #tpu.memory_space<vmem>>, vector<16xi32>,
      %jit3A_295 = arith.constant 6 : i32
      %eq3A_296 = arith.constant 0 : i32
      %eq3A_297 = arith.cmpi eq, %jit3A_295, %eq3A_296 : i32
      %jit3A_298 = arith.constant 1 : i32
      %select_n3A_299 = arith.select %eq3A_297, %jit3A_298, %jit3A_295 : i32
      %rem3A_300 = arith.remsi %scan3A_167, %select_n3A_299 : i32
      %ne3A_301 = arith.constant 0 : i32
      %ne3A_302 = arith.cmpi ne, %rem3A_300, %ne3A_301 : i32
      %lt3A_303 = arith.constant 0 : i32
      %lt3A_304 = arith.cmpi slt, %rem3A_300, %lt3A_303 : i32
      %lt3A_305 = arith.constant 0 : i32
      %lt3A_306 = arith.cmpi slt, %select_n3A_299, %lt3A_305 : i32
      %ne3A_307 = arith.xori %lt3A_304, %lt3A_306 : i1
      %and3A_308 = arith.andi %ne3A_307, %ne3A_302 : i1
      %add3A_309 = arith.addi %rem3A_300, %select_n3A_299 : i32
      %select_n3A_310 = arith.select %and3A_308, %add3A_309, %rem3A_300 : i32
      %jit3A_311 = arith.constant 6 : i32
      %eq3A_312 = arith.constant 0 : i32
      %eq3A_313 = arith.cmpi eq, %jit3A_311, %eq3A_312 : i32
      %jit3A_314 = arith.constant 1 : i32
      %select_n3A_315 = arith.select %eq3A_313, %jit3A_314, %jit3A_311 : i32
      %rem3A_316 = arith.remsi %scan3A_167, %select_n3A_315 : i32
      %ne3A_317 = arith.constant 0 : i32
      %ne3A_318 = arith.cmpi ne, %rem3A_316, %ne3A_317 : i32
      %lt3A_319 = arith.constant 0 : i32
      %lt3A_320 = arith.cmpi slt, %rem3A_316, %lt3A_319 : i32
      %lt3A_321 = arith.constant 0 : i32
      %lt3A_322 = arith.cmpi slt, %select_n3A_315, %lt3A_321 : i32
      %ne3A_323 = arith.xori %lt3A_320, %lt3A_322 : i1
      %and3A_324 = arith.andi %ne3A_323, %ne3A_318 : i1
      %add3A_325 = arith.addi %rem3A_316, %select_n3A_315 : i32
      %select_n3A_326 = arith.select %and3A_324, %add3A_325, %rem3A_316 : i32
      %dma_start3A_327 = arith.constant 0 : i32
      %dma_start3A_328 = arith.constant 0 : i32
      %dma_start3A_329 = tpu.memref_slice %arg9[%select_n3A_310, %dma_start3A_327, %dma_start3A_328] : memref<6x128x64xf32, #tpu.memory_space<vmem>> -> memref<1x128x64xf32, #tpu.memory_space<vmem>>
      %dma_start3A_330 = tpu.memref_squeeze %dma_start3A_329 : memref<1x128x64xf32, #tpu.memory_space<vmem>> -> memref<128x64xf32, #tpu.memory_space<vmem>>
      %dma_start3A_331 = arith.constant 0 : i32
      %dma_start3A_332 = tpu.memref_slice %arg8[%select_n3A_326, %dma_start3A_331] : memref<6x128xi32, #tpu.memory_space<vmem>> -> memref<1x128xi32, #tpu.memory_space<vmem>>
      %dma_start3A_333 = tpu.memref_squeeze %dma_start3A_332 : memref<1x128xi32, #tpu.memory_space<vmem>> -> memref<128xi32, #tpu.memory_space<vmem>>
      %dma_start3A_334 = arith.constant 0 : i32
      %dma_start3A_335 = arith.constant 0 : i32
      %dma_start3A_336 = tpu.memref_slice %arg10[%dma_start3A_334, %dma_start3A_335] : memref<10112x64xf32, #tpu.memory_space<vmem_shared>> -> memref<10112x64xf32, #tpu.memory_space<vmem_shared>>
      tpu.enqueue_indirect_dma source(%dma_start3A_330 : memref<128x64xf32, #tpu.memory_space<vmem>>) target(%dma_start3A_336 : memref<10112x64xf32, #tpu.memory_space<vmem_shared>>) offsets(%dma_start3A_333 : memref<128xi32, #tpu.memory_space<vmem>>) semaphore(%arg12 : memref<!tpu.dma_semaphore, #tpu.memory_space<semaphore_mem>>) {add = true}
      %scan3A_337 = arith.constant 0 : i32
      scf.yield %scan3A_337 : i32
    }
    %scan3A_74 = arith.constant 158 : i32
    %dma_wait3A = arith.constant 2 : i32
    %dma_wait3A_75 = arith.constant 2 : i32
    %dma_wait3A_76 = arith.constant 0 : i32
    %dma_wait3A_77 = arith.constant 0 : i32
    %dma_wait3A_78 = tpu.memref_slice %arg9[%dma_wait3A, %dma_wait3A_76, %dma_wait3A_77] : memref<6x128x64xf32, #tpu.memory_space<vmem>> -> memref<1x128x64xf32, #tpu.memory_space<vmem>>
    %dma_wait3A_79 = tpu.memref_squeeze %dma_wait3A_78 : memref<1x128x64xf32, #tpu.memory_space<vmem>> -> memref<128x64xf32, #tpu.memory_space<vmem>>
    %dma_wait3A_80 = arith.constant 0 : i32
    %dma_wait3A_81 = tpu.memref_slice %arg8[%dma_wait3A_75, %dma_wait3A_80] : memref<6x128xi32, #tpu.memory_space<vmem>> -> memref<1x128xi32, #tpu.memory_space<vmem>>
    %dma_wait3A_82 = tpu.memref_squeeze %dma_wait3A_81 : memref<1x128xi32, #tpu.memory_space<vmem>> -> memref<128xi32, #tpu.memory_space<vmem>>
    %dma_wait3A_83 = arith.constant 0 : i32
    %dma_wait3A_84 = arith.constant 0 : i32
    %dma_wait3A_85 = tpu.memref_slice %arg10[%dma_wait3A_83, %dma_wait3A_84] : memref<10112x64xf32, #tpu.memory_space<vmem_shared>> -> memref<10112x64xf32, #tpu.memory_space<vmem_shared>>
    tpu.wait_indirect_dma semaphore(%arg12 : memref<!tpu.dma_semaphore, #tpu.memory_space<semaphore_mem>>) src(%dma_wait3A_79 : memref<128x64xf32, #tpu.memory_space<vmem>>) dst(%dma_wait3A_85 : memref<10112x64xf32, #tpu.memory_space<vmem_shared>>)
    %dma_wait3A_86 = arith.constant 3 : i32
    %dma_wait3A_87 = arith.constant 3 : i32
    %dma_wait3A_88 = arith.constant 0 : i32
    %dma_wait3A_89 = arith.constant 0 : i32
    %dma_wait3A_90 = tpu.memref_slice %arg9[%dma_wait3A_86, %dma_wait3A_88, %dma_wait3A_89] : memref<6x128x64xf32, #tpu.memory_space<vmem>> -> memref<1x128x64xf32, #tpu.memory_space<vmem>>
    %dma_wait3A_91 = tpu.memref_squeeze %dma_wait3A_90 : memref<1x128x64xf32, #tpu.memory_space<vmem>> -> memref<128x64xf32, #tpu.memory_space<vmem>>
    %dma_wait3A_92 = arith.constant 0 : i32
    %dma_wait3A_93 = tpu.memref_slice %arg8[%dma_wait3A_87, %dma_wait3A_92] : memref<6x128xi32, #tpu.memory_space<vmem>> -> memref<1x128xi32, #tpu.memory_space<vmem>>
    %dma_wait3A_94 = tpu.memref_squeeze %dma_wait3A_93 : memref<1x128xi32, #tpu.memory_space<vmem>> -> memref<128xi32, #tpu.memory_space<vmem>>
    %dma_wait3A_95 = arith.constant 0 : i32
    %dma_wait3A_96 = arith.constant 0 : i32
    %dma_wait3A_97 = tpu.memref_slice %arg10[%dma_wait3A_95, %dma_wait3A_96] : memref<10112x64xf32, #tpu.memory_space<vmem_shared>> -> memref<10112x64xf32, #tpu.memory_space<vmem_shared>>
    tpu.wait_indirect_dma semaphore(%arg12 : memref<!tpu.dma_semaphore, #tpu.memory_space<semaphore_mem>>) src(%dma_wait3A_91 : memref<128x64xf32, #tpu.memory_space<vmem>>) dst(%dma_wait3A_97 : memref<10112x64xf32, #tpu.memory_space<vmem_shared>>)
    %dma_wait3A_98 = arith.constant 4 : i32
    %dma_wait3A_99 = arith.constant 4 : i32
    %dma_wait3A_100 = arith.constant 0 : i32
    %dma_wait3A_101 = arith.constant 0 : i32
    %dma_wait3A_102 = tpu.memref_slice %arg9[%dma_wait3A_98, %dma_wait3A_100, %dma_wait3A_101] : memref<6x128x64xf32, #tpu.memory_space<vmem>> -> memref<1x128x64xf32, #tpu.memory_space<vmem>>
    %dma_wait3A_103 = tpu.memref_squeeze %dma_wait3A_102 : memref<1x128x64xf32, #tpu.memory_space<vmem>> -> memref<128x64xf32, #tpu.memory_space<vmem>>
    %dma_wait3A_104 = arith.constant 0 : i32
    %dma_wait3A_105 = tpu.memref_slice %arg8[%dma_wait3A_99, %dma_wait3A_104] : memref<6x128xi32, #tpu.memory_space<vmem>> -> memref<1x128xi32, #tpu.memory_space<vmem>>
    %dma_wait3A_106 = tpu.memref_squeeze %dma_wait3A_105 : memref<1x128xi32, #tpu.memory_space<vmem>> -> memref<128xi32, #tpu.memory_space<vmem>>
    %dma_wait3A_107 = arith.constant 0 : i32
    %dma_wait3A_108 = arith.constant 0 : i32
    %dma_wait3A_109 = tpu.memref_slice %arg10[%dma_wait3A_107, %dma_wait3A_108] : memref<10112x64xf32, #tpu.memory_space<vmem_shared>> -> memref<10112x64xf32, #tpu.memory_space<vmem_shared>>
    tpu.wait_indirect_dma semaphore(%arg12 : memref<!tpu.dma_semaphore, #tpu.memory_space<semaphore_mem>>) src(%dma_wait3A_103 : memref<128x64xf32, #tpu.memory_space<vmem>>) dst(%dma_wait3A_109 : memref<10112x64xf32, #tpu.memory_space<vmem_shared>>)
    %dma_wait3A_110 = arith.constant 5 : i32
    %dma_wait3A_111 = arith.constant 5 : i32
    %dma_wait3A_112 = arith.constant 0 : i32
    %dma_wait3A_113 = arith.constant 0 : i32
    %dma_wait3A_114 = tpu.memref_slice %arg9[%dma_wait3A_110, %dma_wait3A_112, %dma_wait3A_113] : memref<6x128x64xf32, #tpu.memory_space<vmem>> -> memref<1x128x64xf32, #tpu.memory_space<vmem>>
    %dma_wait3A_115 = tpu.memref_squeeze %dma_wait3A_114 : memref<1x128x64xf32, #tpu.memory_space<vmem>> -> memref<128x64xf32, #tpu.memory_space<vmem>>
    %dma_wait3A_116 = arith.constant 0 : i32
    %dma_wait3A_117 = tpu.memref_slice %arg8[%dma_wait3A_111, %dma_wait3A_116] : memref<6x128xi32, #tpu.memory_space<vmem>> -> memref<1x128xi32, #tpu.memory_space<vmem>>
    %dma_wait3A_118 = tpu.memref_squeeze %dma_wait3A_117 : memref<1x128xi32, #tpu.memory_space<vmem>> -> memref<128xi32, #tpu.memory_space<vmem>>
    %dma_wait3A_119 = arith.constant 0 : i32
    %dma_wait3A_120 = arith.constant 0 : i32
    %dma_wait3A_121 = tpu.memref_slice %arg10[%dma_wait3A_119, %dma_wait3A_120] : memref<10112x64xf32, #tpu.memory_space<vmem_shared>> -> memref<10112x64xf32, #tpu.memory_space<vmem_shared>>
    tpu.wait_indirect_dma semaphore(%arg12 : memref<!tpu.dma_semaphore, #tpu.memory_space<semaphore_mem>>) src(%dma_wait3A_115 : memref<128x64xf32, #tpu.memory_space<vmem>>) dst(%dma_wait3A_121 : memref<10112x64xf32, #tpu.memory_space<vmem_shared>>)
    %dma_wait3A_122 = arith.constant 0 : i32
    %dma_wait3A_123 = arith.constant 0 : i32
    %dma_wait3A_124 = arith.constant 0 : i32
    %dma_wait3A_125 = arith.constant 0 : i32
    %dma_wait3A_126 = tpu.memref_slice %arg9[%dma_wait3A_122, %dma_wait3A_124, %dma_wait3A_125] : memref<6x128x64xf32, #tpu.memory_space<vmem>> -> memref<1x128x64xf32, #tpu.memory_space<vmem>>
    %dma_wait3A_127 = tpu.memref_squeeze %dma_wait3A_126 : memref<1x128x64xf32, #tpu.memory_space<vmem>> -> memref<128x64xf32, #tpu.memory_space<vmem>>
    %dma_wait3A_128 = arith.constant 0 : i32
    %dma_wait3A_129 = tpu.memref_slice %arg8[%dma_wait3A_123, %dma_wait3A_128] : memref<6x128xi32, #tpu.memory_space<vmem>> -> memref<1x128xi32, #tpu.memory_space<vmem>>
    %dma_wait3A_130 = tpu.memref_squeeze %dma_wait3A_129 : memref<1x128xi32, #tpu.memory_space<vmem>> -> memref<128xi32, #tpu.memory_space<vmem>>
    %dma_wait3A_131 = arith.constant 0 : i32
    %dma_wait3A_132 = arith.constant 0 : i32
    %dma_wait3A_133 = tpu.memref_slice %arg10[%dma_wait3A_131, %dma_wait3A_132] : memref<10112x64xf32, #tpu.memory_space<vmem_shared>> -> memref<10112x64xf32, #tpu.memory_space<vmem_shared>>
    tpu.wait_indirect_dma semaphore(%arg12 : memref<!tpu.dma_semaphore, #tpu.memory_space<semaphore_mem>>) src(%dma_wait3A_127 : memref<128x64xf32, #tpu.memory_space<vmem>>) dst(%dma_wait3A_133 : memref<10112x64xf32, #tpu.memory_space<vmem_shared>>)
    %dma_wait3A_134 = arith.constant 1 : i32
    %dma_wait3A_135 = arith.constant 1 : i32
    %dma_wait3A_136 = arith.constant 0 : i32
    %dma_wait3A_137 = arith.constant 0 : i32
    %dma_wait3A_138 = tpu.memref_slice %arg9[%dma_wait3A_134, %dma_wait3A_136, %dma_wait3A_137] : memref<6x128x64xf32, #tpu.memory_space<vmem>> -> memref<1x128x64xf32, #tpu.memory_space<vmem>>
    %dma_wait3A_139 = tpu.memref_squeeze %dma_wait3A_138 : memref<1x128x64xf32, #tpu.memory_space<vmem>> -> memref<128x64xf32, #tpu.memory_space<vmem>>
    %dma_wait3A_140 = arith.constant 0 : i32
    %dma_wait3A_141 = tpu.memref_slice %arg8[%dma_wait3A_135, %dma_wait3A_140] : memref<6x128xi32, #tpu.memory_space<vmem>> -> memref<1x128xi32, #tpu.memory_space<vmem>>
    %dma_wait3A_142 = tpu.memref_squeeze %dma_wait3A_141 : memref<1x128xi32, #tpu.memory_space<vmem>> -> memref<128xi32, #tpu.memory_space<vmem>>
    %dma_wait3A_143 = arith.constant 0 : i32
    %dma_wait3A_144 = arith.constant 0 : i32
    %dma_wait3A_145 = tpu.memref_slice %arg10[%dma_wait3A_143, %dma_wait3A_144] : memref<10112x64xf32, #tpu.memory_space<vmem_shared>> -> memref<10112x64xf32, #tpu.memory_space<vmem_shared>>
    tpu.wait_indirect_dma semaphore(%arg12 : memref<!tpu.dma_semaphore, #tpu.memory_space<semaphore_mem>>) src(%dma_wait3A_139 : memref<128x64xf32, #tpu.memory_space<vmem>>) dst(%dma_wait3A_145 : memref<10112x64xf32, #tpu.memory_space<vmem_shared>>)
    %barrier3A_146 = arith.constant 0 : index
    tpu.barrier barrier_id(%barrier3A_146)
    %add3A_147 = arith.constant 0 : i32
    %add3A_148 = arith.addi %mul3A_7, %add3A_147 : i32
    %run_scoped3A_149 = arith.constant 1 : i32
    "tpu.region"() ({
      %run_scoped3A_167 = tpu.sem_alloc : memref<!tpu.dma_semaphore, #tpu.memory_space<semaphore_mem>>
      %dma_start3A_168 = arith.constant 0 : i32
      %dma_start3A_169 = arith.constant 0 : i32
      %dma_start3A_170 = tpu.memref_slice %arg9[%run_scoped3A_149, %dma_start3A_168, %dma_start3A_169] : memref<6x128x64xf32, #tpu.memory_space<vmem>> -> memref<1x128x64xf32, #tpu.memory_space<vmem>>
      %dma_start3A_171 = tpu.memref_squeeze %dma_start3A_170 : memref<1x128x64xf32, #tpu.memory_space<vmem>> -> memref<128x64xf32, #tpu.memory_space<vmem>>
      %dma_start3A_172 = arith.constant 0 : i32
      %dma_start3A_173 = tpu.memref_slice %arg10[%add3A_148, %dma_start3A_172] : memref<10112x64xf32, #tpu.memory_space<vmem_shared>> -> memref<128x64xf32, #tpu.memory_space<vmem_shared>>
      %dma_start3A_174 = arith.constant 0 : i32
      %dma_start3A_175 = arith.constant 0 : i32
      %dma_start3A_176 = tpu.memref_slice %arg9[%run_scoped3A_149, %dma_start3A_174, %dma_start3A_175] : memref<6x128x64xf32, #tpu.memory_space<vmem>> -> memref<1x128x64xf32, #tpu.memory_space<vmem>>
      %dma_start3A_177 = tpu.memref_squeeze %dma_start3A_176 : memref<1x128x64xf32, #tpu.memory_space<vmem>> -> memref<128x64xf32, #tpu.memory_space<vmem>>
      %dma_start3A_178 = arith.constant 0 : i32
      %dma_start3A_179 = tpu.memref_slice %arg10[%add3A_148, %dma_start3A_178] : memref<10112x64xf32, #tpu.memory_space<vmem_shared>> -> memref<128x64xf32, #tpu.memory_space<vmem_shared>>
      tpu.enqueue_dma source(%dma_start3A_179 : memref<128x64xf32, #tpu.memory_space<vmem_shared>>) target(%dma_start3A_177 : memref<128x64xf32, #tpu.memory_space<vmem>>) target_semaphore(%run_scoped3A_167 : memref<!tpu.dma_semaphore, #tpu.memory_space<semaphore_mem>>)
      %dma_wait3A_180 = arith.constant 0 : i32
      %dma_wait3A_181 = arith.constant 0 : i32
      %dma_wait3A_182 = tpu.memref_slice %arg9[%run_scoped3A_149, %dma_wait3A_180, %dma_wait3A_181] : memref<6x128x64xf32, #tpu.memory_space<vmem>> -> memref<1x128x64xf32, #tpu.memory_space<vmem>>
      %dma_wait3A_183 = tpu.memref_squeeze %dma_wait3A_182 : memref<1x128x64xf32, #tpu.memory_space<vmem>> -> memref<128x64xf32, #tpu.memory_space<vmem>>
      %dma_wait3A_184 = arith.constant 0 : i32
      %dma_wait3A_185 = tpu.memref_slice %arg10[%add3A_148, %dma_wait3A_184] : memref<10112x64xf32, #tpu.memory_space<vmem_shared>> -> memref<128x64xf32, #tpu.memory_space<vmem_shared>>
      %dma_wait3A_186 = arith.constant 0 : i32
      %dma_wait3A_187 = arith.constant 0 : i32
      %dma_wait3A_188 = tpu.memref_slice %arg9[%run_scoped3A_149, %dma_wait3A_186, %dma_wait3A_187] : memref<6x128x64xf32, #tpu.memory_space<vmem>> -> memref<1x128x64xf32, #tpu.memory_space<vmem>>
      %dma_wait3A_189 = tpu.memref_squeeze %dma_wait3A_188 : memref<1x128x64xf32, #tpu.memory_space<vmem>> -> memref<128x64xf32, #tpu.memory_space<vmem>>
      %dma_wait3A_190 = arith.constant 0 : i32
      %dma_wait3A_191 = tpu.memref_slice %arg10[%add3A_148, %dma_wait3A_190] : memref<10112x64xf32, #tpu.memory_space<vmem_shared>> -> memref<128x64xf32, #tpu.memory_space<vmem_shared>>
      tpu.wait_dma2 semaphore(%run_scoped3A_167 : memref<!tpu.dma_semaphore, #tpu.memory_space<semaphore_mem>>) src(%dma_wait3A_191 : memref<128x64xf32, #tpu.memory_space<vmem_shared>>) dst(%dma_wait3A_189 : memref<128x64xf32, #tpu.memory_space<vmem>>)
      tpu.yield
    }) : () -> ()
    %run_scoped3A_150 = arith.constant 1 : i32
    "tpu.region"() ({
      %run_scoped3A_167 = tpu.sem_alloc : memref<!tpu.dma_semaphore, #tpu.memory_space<semaphore_mem>>
      %dma_start3A_168 = arith.constant 0 : i32
      %dma_start3A_169 = arith.constant 0 : i32
      %dma_start3A_170 = tpu.memref_slice %arg9[%run_scoped3A_150, %dma_start3A_168, %dma_start3A_169] : memref<6x128x64xf32, #tpu.memory_space<vmem>> -> memref<1x128x64xf32, #tpu.memory_space<vmem>>
      %dma_start3A_171 = tpu.memref_squeeze %dma_start3A_170 : memref<1x128x64xf32, #tpu.memory_space<vmem>> -> memref<128x64xf32, #tpu.memory_space<vmem>>
      %dma_start3A_172 = arith.constant 0 : i32
      %dma_start3A_173 = tpu.memref_slice %arg5[%arg0, %add3A_148, %dma_start3A_172] : memref<2x10112x64xf32, #tpu.memory_space<hbm>> -> memref<1x128x64xf32, #tpu.memory_space<hbm>>
      %dma_start3A_174 = tpu.memref_squeeze %dma_start3A_173 : memref<1x128x64xf32, #tpu.memory_space<hbm>> -> memref<128x64xf32, #tpu.memory_space<hbm>>
      %dma_start3A_175 = arith.constant 0 : i32
      %dma_start3A_176 = tpu.memref_slice %arg5[%arg0, %add3A_148, %dma_start3A_175] : memref<2x10112x64xf32, #tpu.memory_space<hbm>> -> memref<1x128x64xf32, #tpu.memory_space<hbm>>
      %dma_start3A_177 = tpu.memref_squeeze %dma_start3A_176 : memref<1x128x64xf32, #tpu.memory_space<hbm>> -> memref<128x64xf32, #tpu.memory_space<hbm>>
      %dma_start3A_178 = arith.constant 0 : i32
      %dma_start3A_179 = arith.constant 0 : i32
      %dma_start3A_180 = tpu.memref_slice %arg9[%run_scoped3A_150, %dma_start3A_178, %dma_start3A_179] : memref<6x128x64xf32, #tpu.memory_space<vmem>> -> memref<1x128x64xf32, #tpu.memory_space<vmem>>
      %dma_start3A_181 = tpu.memref_squeeze %dma_start3A_180 : memref<1x128x64xf32, #tpu.memory_space<vmem>> -> memref<128x64xf32, #tpu.memory_space<vmem>>
      tpu.enqueue_dma source(%dma_start3A_181 : memref<128x64xf32, #tpu.memory_space<vmem>>) target(%dma_start3A_177 : memref<128x64xf32, #tpu.memory_space<hbm>>) target_semaphore(%run_scoped3A_167 : memref<!tpu.dma_semaphore, #tpu.memory_space<semaphore_mem>>)
      %dma_wait3A_182 = arith.constant 0 : i32
      %dma_wait3A_183 = arith.constant 0 : i32
      %dma_wait3A_184 = tpu.memref_slice %arg9[%run_scoped3A_150, %dma_wait3A_182, %dma_wait3A_183] : memref<6x128x64xf32, #tpu.memory_space<vmem>> -> memref<1x128x64xf32, #tpu.memory_space<vmem>>
      %dma_wait3A_185 = tpu.memref_squeeze %dma_wait3A_184 : memref<1x128x64xf32, #tpu.memory_space<vmem>> -> memref<128x64xf32, #tpu.memory_space<vmem>>
      %dma_wait3A_186 = arith.constant 0 : i32
      %dma_wait3A_187 = tpu.memref_slice %arg5[%arg0, %add3A_148, %dma_wait3A_186] : memref<2x10112x64xf32, #tpu.memory_space<hbm>> -> memref<1x128x64xf32, #tpu.memory_space<hbm>>
      %dma_wait3A_188 = tpu.memref_squeeze %dma_wait3A_187 : memref<1x128x64xf32, #tpu.memory_space<hbm>> -> memref<128x64xf32, #tpu.memory_space<hbm>>
      %dma_wait3A_189 = arith.constant 0 : i32
      %dma_wait3A_190 = tpu.memref_slice %arg5[%arg0, %add3A_148, %dma_wait3A_189] : memref<2x10112x64xf32, #tpu.memory_space<hbm>> -> memref<1x128x64xf32, #tpu.memory_space<hbm>>
      %dma_wait3A_191 = tpu.memref_squeeze %dma_wait3A_190 : memref<1x128x64xf32, #tpu.memory_space<hbm>> -> memref<128x64xf32, #tpu.memory_space<hbm>>
      %dma_wait3A_192 = arith.constant 0 : i32
      %dma_wait3A_193 = arith.constant 0 : i32
      %dma_wait3A_194 = tpu.memref_slice %arg9[%run_scoped3A_150, %dma_wait3A_192, %dma_wait3A_193] : memref<6x128x64xf32, #tpu.memory_space<vmem>> -> memref<1x128x64xf32, #tpu.memory_space<vmem>>
      %dma_wait3A_195 = tpu.memref_squeeze %dma_wait3A_194 : memref<1x128x64xf32, #tpu.memory_space<vmem>> -> memref<128x64xf32, #tpu.memory_space<vmem>>
      tpu.wait_dma2 semaphore(%run_scoped3A_167 : memref<!tpu.dma_semaphore, #tpu.memory_space<semaphore_mem>>) src(%dma_wait3A_195 : memref<128x64xf32, #tpu.memory_space<vmem>>) dst(%dma_wait3A_191 : memref<128x64xf32, #tpu.memory_space<hbm>>)
      tpu.yield
    }) : () -> ()
    %add3A_151 = arith.constant 128 : i32
    %add3A_152 = arith.addi %mul3A_7, %add3A_151 : i32
    %run_scoped3A_153 = arith.constant 1 : i32
    "tpu.region"() ({
      %run_scoped3A_167 = tpu.sem_alloc : memref<!tpu.dma_semaphore, #tpu.memory_space<semaphore_mem>>
      %dma_start3A_168 = arith.constant 0 : i32
      %dma_start3A_169 = arith.constant 0 : i32
      %dma_start3A_170 = tpu.memref_slice %arg9[%run_scoped3A_153, %dma_start3A_168, %dma_start3A_169] : memref<6x128x64xf32, #tpu.memory_space<vmem>> -> memref<1x128x64xf32, #tpu.memory_space<vmem>>
      %dma_start3A_171 = tpu.memref_squeeze %dma_start3A_170 : memref<1x128x64xf32, #tpu.memory_space<vmem>> -> memref<128x64xf32, #tpu.memory_space<vmem>>
      %dma_start3A_172 = arith.constant 0 : i32
      %dma_start3A_173 = tpu.memref_slice %arg10[%add3A_152, %dma_start3A_172] : memref<10112x64xf32, #tpu.memory_space<vmem_shared>> -> memref<128x64xf32, #tpu.memory_space<vmem_shared>>
      %dma_start3A_174 = arith.constant 0 : i32
      %dma_start3A_175 = arith.constant 0 : i32
      %dma_start3A_176 = tpu.memref_slice %arg9[%run_scoped3A_153, %dma_start3A_174, %dma_start3A_175] : memref<6x128x64xf32, #tpu.memory_space<vmem>> -> memref<1x128x64xf32, #tpu.memory_space<vmem>>
      %dma_start3A_177 = tpu.memref_squeeze %dma_start3A_176 : memref<1x128x64xf32, #tpu.memory_space<vmem>> -> memref<128x64xf32, #tpu.memory_space<vmem>>
      %dma_start3A_178 = arith.constant 0 : i32
      %dma_start3A_179 = tpu.memref_slice %arg10[%add3A_152, %dma_start3A_178] : memref<10112x64xf32, #tpu.memory_space<vmem_shared>> -> memref<128x64xf32, #tpu.memory_space<vmem_shared>>
      tpu.enqueue_dma source(%dma_start3A_179 : memref<128x64xf32, #tpu.memory_space<vmem_shared>>) target(%dma_start3A_177 : memref<128x64xf32, #tpu.memory_space<vmem>>) target_semaphore(%run_scoped3A_167 : memref<!tpu.dma_semaphore, #tpu.memory_space<semaphore_mem>>)
      %dma_wait3A_180 = arith.constant 0 : i32
      %dma_wait3A_181 = arith.constant 0 : i32
      %dma_wait3A_182 = tpu.memref_slice %arg9[%run_scoped3A_153, %dma_wait3A_180, %dma_wait3A_181] : memref<6x128x64xf32, #tpu.memory_space<vmem>> -> memref<1x128x64xf32, #tpu.memory_space<vmem>>
      %dma_wait3A_183 = tpu.memref_squeeze %dma_wait3A_182 : memref<1x128x64xf32, #tpu.memory_space<vmem>> -> memref<128x64xf32, #tpu.memory_space<vmem>>
      %dma_wait3A_184 = arith.constant 0 : i32
      %dma_wait3A_185 = tpu.memref_slice %arg10[%add3A_152, %dma_wait3A_184] : memref<10112x64xf32, #tpu.memory_space<vmem_shared>> -> memref<128x64xf32, #tpu.memory_space<vmem_shared>>
      %dma_wait3A_186 = arith.constant 0 : i32
      %dma_wait3A_187 = arith.constant 0 : i32
      %dma_wait3A_188 = tpu.memref_slice %arg9[%run_scoped3A_153, %dma_wait3A_186, %dma_wait3A_187] : memref<6x128x64xf32, #tpu.memory_space<vmem>> -> memref<1x128x64xf32, #tpu.memory_space<vmem>>
      %dma_wait3A_189 = tpu.memref_squeeze %dma_wait3A_188 : memref<1x128x64xf32, #tpu.memory_space<vmem>> -> memref<128x64xf32, #tpu.memory_space<vmem>>
      %dma_wait3A_190 = arith.constant 0 : i32
      %dma_wait3A_191 = tpu.memref_slice %arg10[%add3A_152, %dma_wait3A_190] : memref<10112x64xf32, #tpu.memory_space<vmem_shared>> -> memref<128x64xf32, #tpu.memory_space<vmem_shared>>
      tpu.wait_dma2 semaphore(%run_scoped3A_167 : memref<!tpu.dma_semaphore, #tpu.memory_space<semaphore_mem>>) src(%dma_wait3A_191 : memref<128x64xf32, #tpu.memory_space<vmem_shared>>) dst(%dma_wait3A_189 : memref<128x64xf32, #tpu.memory_space<vmem>>)
      tpu.yield
    }) : () -> ()
    %run_scoped3A_154 = arith.constant 1 : i32
    "tpu.region"() ({
      %run_scoped3A_167 = tpu.sem_alloc : memref<!tpu.dma_semaphore, #tpu.memory_space<semaphore_mem>>
      %dma_start3A_168 = arith.constant 0 : i32
      %dma_start3A_169 = arith.constant 0 : i32
      %dma_start3A_170 = tpu.memref_slice %arg9[%run_scoped3A_154, %dma_start3A_168, %dma_start3A_169] : memref<6x128x64xf32, #tpu.memory_space<vmem>> -> memref<1x128x64xf32, #tpu.memory_space<vmem>>
      %dma_start3A_171 = tpu.memref_squeeze %dma_start3A_170 : memref<1x128x64xf32, #tpu.memory_space<vmem>> -> memref<128x64xf32, #tpu.memory_space<vmem>>
      %dma_start3A_172 = arith.constant 0 : i32
      %dma_start3A_173 = tpu.memref_slice %arg5[%arg0, %add3A_152, %dma_start3A_172] : memref<2x10112x64xf32, #tpu.memory_space<hbm>> -> memref<1x128x64xf32, #tpu.memory_space<hbm>>
      %dma_start3A_174 = tpu.memref_squeeze %dma_start3A_173 : memref<1x128x64xf32, #tpu.memory_space<hbm>> -> memref<128x64xf32, #tpu.memory_space<hbm>>
      %dma_start3A_175 = arith.constant 0 : i32
      %dma_start3A_176 = tpu.memref_slice %arg5[%arg0, %add3A_152, %dma_start3A_175] : memref<2x10112x64xf32, #tpu.memory_space<hbm>> -> memref<1x128x64xf32, #tpu.memory_space<hbm>>
      %dma_start3A_177 = tpu.memref_squeeze %dma_start3A_176 : memref<1x128x64xf32, #tpu.memory_space<hbm>> -> memref<128x64xf32, #tpu.memory_space<hbm>>
      %dma_start3A_178 = arith.constant 0 : i32
      %dma_start3A_179 = arith.constant 0 : i32
      %dma_start3A_180 = tpu.memref_slice %arg9[%run_scoped3A_154, %dma_start3A_178, %dma_start3A_179] : memref<6x128x64xf32, #tpu.memory_space<vmem>> -> memref<1x128x64xf32, #tpu.memory_space<vmem>>
      %dma_start3A_181 = tpu.memref_squeeze %dma_start3A_180 : memref<1x128x64xf32, #tpu.memory_space<vmem>> -> memref<128x64xf32, #tpu.memory_space<vmem>>
      tpu.enqueue_dma source(%dma_start3A_181 : memref<128x64xf32, #tpu.memory_space<vmem>>) target(%dma_start3A_177 : memref<128x64xf32, #tpu.memory_space<hbm>>) target_semaphore(%run_scoped3A_167 : memref<!tpu.dma_semaphore, #tpu.memory_space<semaphore_mem>>)
      %dma_wait3A_182 = arith.constant 0 : i32
      %dma_wait3A_183 = arith.constant 0 : i32
      %dma_wait3A_184 = tpu.memref_slice %arg9[%run_scoped3A_154, %dma_wait3A_182, %dma_wait3A_183] : memref<6x128x64xf32, #tpu.memory_space<vmem>> -> memref<1x128x64xf32, #tpu.memory_space<vmem>>
      %dma_wait3A_185 = tpu.memref_squeeze %dma_wait3A_184 : memref<1x128x64xf32, #tpu.memory_space<vmem>> -> memref<128x64xf32, #tpu.memory_space<vmem>>
      %dma_wait3A_186 = arith.constant 0 : i32
      %dma_wait3A_187 = tpu.memref_slice %arg5[%arg0, %add3A_152, %dma_wait3A_186] : memref<2x10112x64xf32, #tpu.memory_space<hbm>> -> memref<1x128x64xf32, #tpu.memory_space<hbm>>
      %dma_wait3A_188 = tpu.memref_squeeze %dma_wait3A_187 : memref<1x128x64xf32, #tpu.memory_space<hbm>> -> memref<128x64xf32, #tpu.memory_space<hbm>>
      %dma_wait3A_189 = arith.constant 0 : i32
      %dma_wait3A_190 = tpu.memref_slice %arg5[%arg0, %add3A_152, %dma_wait3A_189] : memref<2x10112x64xf32, #tpu.memory_space<hbm>> -> memref<1x128x64xf32, #tpu.memory_space<hbm>>
      %dma_wait3A_191 = tpu.memref_squeeze %dma_wait3A_190 : memref<1x128x64xf32, #tpu.memory_space<hbm>> -> memref<128x64xf32, #tpu.memory_space<hbm>>
      %dma_wait3A_192 = arith.constant 0 : i32
      %dma_wait3A_193 = arith.constant 0 : i32
      %dma_wait3A_194 = tpu.memref_slice %arg9[%run_scoped3A_154, %dma_wait3A_192, %dma_wait3A_193] : memref<6x128x64xf32, #tpu.memory_space<vmem>> -> memref<1x128x64xf32, #tpu.memory_space<vmem>>
      %dma_wait3A_195 = tpu.memref_squeeze %dma_wait3A_194 : memref<1x128x64xf32, #tpu.memory_space<vmem>> -> memref<128x64xf32, #tpu.memory_space<vmem>>
      tpu.wait_dma2 semaphore(%run_scoped3A_167 : memref<!tpu.dma_semaphore, #tpu.memory_space<semaphore_mem>>) src(%dma_wait3A_195 : memref<128x64xf32, #tpu.memory_space<vmem>>) dst(%dma_wait3A_191 : memref<128x64xf32, #tpu.memory_space<hbm>>)
      tpu.yield
    }) : () -> ()
    %add3A_155 = arith.constant 256 : i32
    %add3A_156 = arith.addi %mul3A_7, %add3A_155 : i32
    %run_scoped3A_157 = arith.constant 1 : i32
    "tpu.region"() ({
      %run_scoped3A_167 = tpu.sem_alloc : memref<!tpu.dma_semaphore, #tpu.memory_space<semaphore_mem>>
      %dma_start3A_168 = arith.constant 0 : i32
      %dma_start3A_169 = arith.constant 0 : i32
      %dma_start3A_170 = tpu.memref_slice %arg9[%run_scoped3A_157, %dma_start3A_168, %dma_start3A_169] : memref<6x128x64xf32, #tpu.memory_space<vmem>> -> memref<1x128x64xf32, #tpu.memory_space<vmem>>
      %dma_start3A_171 = tpu.memref_squeeze %dma_start3A_170 : memref<1x128x64xf32, #tpu.memory_space<vmem>> -> memref<128x64xf32, #tpu.memory_space<vmem>>
      %dma_start3A_172 = arith.constant 0 : i32
      %dma_start3A_173 = tpu.memref_slice %arg10[%add3A_156, %dma_start3A_172] : memref<10112x64xf32, #tpu.memory_space<vmem_shared>> -> memref<128x64xf32, #tpu.memory_space<vmem_shared>>
      %dma_start3A_174 = arith.constant 0 : i32
      %dma_start3A_175 = arith.constant 0 : i32
      %dma_start3A_176 = tpu.memref_slice %arg9[%run_scoped3A_157, %dma_start3A_174, %dma_start3A_175] : memref<6x128x64xf32, #tpu.memory_space<vmem>> -> memref<1x128x64xf32, #tpu.memory_space<vmem>>
      %dma_start3A_177 = tpu.memref_squeeze %dma_start3A_176 : memref<1x128x64xf32, #tpu.memory_space<vmem>> -> memref<128x64xf32, #tpu.memory_space<vmem>>
      %dma_start3A_178 = arith.constant 0 : i32
      %dma_start3A_179 = tpu.memref_slice %arg10[%add3A_156, %dma_start3A_178] : memref<10112x64xf32, #tpu.memory_space<vmem_shared>> -> memref<128x64xf32, #tpu.memory_space<vmem_shared>>
      tpu.enqueue_dma source(%dma_start3A_179 : memref<128x64xf32, #tpu.memory_space<vmem_shared>>) target(%dma_start3A_177 : memref<128x64xf32, #tpu.memory_space<vmem>>) target_semaphore(%run_scoped3A_167 : memref<!tpu.dma_semaphore, #tpu.memory_space<semaphore_mem>>)
      %dma_wait3A_180 = arith.constant 0 : i32
      %dma_wait3A_181 = arith.constant 0 : i32
      %dma_wait3A_182 = tpu.memref_slice %arg9[%run_scoped3A_157, %dma_wait3A_180, %dma_wait3A_181] : memref<6x128x64xf32, #tpu.memory_space<vmem>> -> memref<1x128x64xf32, #tpu.memory_space<vmem>>
      %dma_wait3A_183 = tpu.memref_squeeze %dma_wait3A_182 : memref<1x128x64xf32, #tpu.memory_space<vmem>> -> memref<128x64xf32, #tpu.memory_space<vmem>>
      %dma_wait3A_184 = arith.constant 0 : i32
      %dma_wait3A_185 = tpu.memref_slice %arg10[%add3A_156, %dma_wait3A_184] : memref<10112x64xf32, #tpu.memory_space<vmem_shared>> -> memref<128x64xf32, #tpu.memory_space<vmem_shared>>
      %dma_wait3A_186 = arith.constant 0 : i32
      %dma_wait3A_187 = arith.constant 0 : i32
      %dma_wait3A_188 = tpu.memref_slice %arg9[%run_scoped3A_157, %dma_wait3A_186, %dma_wait3A_187] : memref<6x128x64xf32, #tpu.memory_space<vmem>> -> memref<1x128x64xf32, #tpu.memory_space<vmem>>
      %dma_wait3A_189 = tpu.memref_squeeze %dma_wait3A_188 : memref<1x128x64xf32, #tpu.memory_space<vmem>> -> memref<128x64xf32, #tpu.memory_space<vmem>>
      %dma_wait3A_190 = arith.constant 0 : i32
      %dma_wait3A_191 = tpu.memref_slice %arg10[%add3A_156, %dma_wait3A_190] : memref<10112x64xf32, #tpu.memory_space<vmem_shared>> -> memref<128x64xf32, #tpu.memory_space<vmem_shared>>
      tpu.wait_dma2 semaphore(%run_scoped3A_167 : memref<!tpu.dma_semaphore, #tpu.memory_space<semaphore_mem>>) src(%dma_wait3A_191 : memref<128x64xf32, #tpu.memory_space<vmem_shared>>) dst(%dma_wait3A_189 : memref<128x64xf32, #tpu.memory_space<vmem>>)
      tpu.yield
    }) : () -> ()
    %run_scoped3A_158 = arith.constant 1 : i32
    "tpu.region"() ({
      %run_scoped3A_167 = tpu.sem_alloc : memref<!tpu.dma_semaphore, #tpu.memory_space<semaphore_mem>>
      %dma_start3A_168 = arith.constant 0 : i32
      %dma_start3A_169 = arith.constant 0 : i32
      %dma_start3A_170 = tpu.memref_slice %arg9[%run_scoped3A_158, %dma_start3A_168, %dma_start3A_169] : memref<6x128x64xf32, #tpu.memory_space<vmem>> -> memref<1x128x64xf32, #tpu.memory_space<vmem>>
      %dma_start3A_171 = tpu.memref_squeeze %dma_start3A_170 : memref<1x128x64xf32, #tpu.memory_space<vmem>> -> memref<128x64xf32, #tpu.memory_space<vmem>>
      %dma_start3A_172 = arith.constant 0 : i32
      %dma_start3A_173 = tpu.memref_slice %arg5[%arg0, %add3A_156, %dma_start3A_172] : memref<2x10112x64xf32, #tpu.memory_space<hbm>> -> memref<1x128x64xf32, #tpu.memory_space<hbm>>
      %dma_start3A_174 = tpu.memref_squeeze %dma_start3A_173 : memref<1x128x64xf32, #tpu.memory_space<hbm>> -> memref<128x64xf32, #tpu.memory_space<hbm>>
      %dma_start3A_175 = arith.constant 0 : i32
      %dma_start3A_176 = tpu.memref_slice %arg5[%arg0, %add3A_156, %dma_start3A_175] : memref<2x10112x64xf32, #tpu.memory_space<hbm>> -> memref<1x128x64xf32, #tpu.memory_space<hbm>>
      %dma_start3A_177 = tpu.memref_squeeze %dma_start3A_176 : memref<1x128x64xf32, #tpu.memory_space<hbm>> -> memref<128x64xf32, #tpu.memory_space<hbm>>
      %dma_start3A_178 = arith.constant 0 : i32
      %dma_start3A_179 = arith.constant 0 : i32
      %dma_start3A_180 = tpu.memref_slice %arg9[%run_scoped3A_158, %dma_start3A_178, %dma_start3A_179] : memref<6x128x64xf32, #tpu.memory_space<vmem>> -> memref<1x128x64xf32, #tpu.memory_space<vmem>>
      %dma_start3A_181 = tpu.memref_squeeze %dma_start3A_180 : memref<1x128x64xf32, #tpu.memory_space<vmem>> -> memref<128x64xf32, #tpu.memory_space<vmem>>
      tpu.enqueue_dma source(%dma_start3A_181 : memref<128x64xf32, #tpu.memory_space<vmem>>) target(%dma_start3A_177 : memref<128x64xf32, #tpu.memory_space<hbm>>) target_semaphore(%run_scoped3A_167 : memref<!tpu.dma_semaphore, #tpu.memory_space<semaphore_mem>>)
      %dma_wait3A_182 = arith.constant 0 : i32
      %dma_wait3A_183 = arith.constant 0 : i32
      %dma_wait3A_184 = tpu.memref_slice %arg9[%run_scoped3A_158, %dma_wait3A_182, %dma_wait3A_183] : memref<6x128x64xf32, #tpu.memory_space<vmem>> -> memref<1x128x64xf32, #tpu.memory_space<vmem>>
      %dma_wait3A_185 = tpu.memref_squeeze %dma_wait3A_184 : memref<1x128x64xf32, #tpu.memory_space<vmem>> -> memref<128x64xf32, #tpu.memory_space<vmem>>
      %dma_wait3A_186 = arith.constant 0 : i32
      %dma_wait3A_187 = tpu.memref_slice %arg5[%arg0, %add3A_156, %dma_wait3A_186] : memref<2x10112x64xf32, #tpu.memory_space<hbm>> -> memref<1x128x64xf32, #tpu.memory_space<hbm>>
      %dma_wait3A_188 = tpu.memref_squeeze %dma_wait3A_187 : memref<1x128x64xf32, #tpu.memory_space<hbm>> -> memref<128x64xf32, #tpu.memory_space<hbm>>
      %dma_wait3A_189 = arith.constant 0 : i32
      %dma_wait3A_190 = tpu.memref_slice %arg5[%arg0, %add3A_156, %dma_wait3A_189] : memref<2x10112x64xf32, #tpu.memory_space<hbm>> -> memref<1x128x64xf32, #tpu.memory_space<hbm>>
      %dma_wait3A_191 = tpu.memref_squeeze %dma_wait3A_190 : memref<1x128x64xf32, #tpu.memory_space<hbm>> -> memref<128x64xf32, #tpu.memory_space<hbm>>
      %dma_wait3A_192 = arith.constant 0 : i32
      %dma_wait3A_193 = arith.constant 0 : i32
      %dma_wait3A_194 = tpu.memref_slice %arg9[%run_scoped3A_158, %dma_wait3A_192, %dma_wait3A_193] : memref<6x128x64xf32, #tpu.memory_space<vmem>> -> memref<1x128x64xf32, #tpu.memory_space<vmem>>
      %dma_wait3A_195 = tpu.memref_squeeze %dma_wait3A_194 : memref<1x128x64xf32, #tpu.memory_space<vmem>> -> memref<128x64xf32, #tpu.memory_space<vmem>>
      tpu.wait_dma2 semaphore(%run_scoped3A_167 : memref<!tpu.dma_semaphore, #tpu.memory_space<semaphore_mem>>) src(%dma_wait3A_195 : memref<128x64xf32, #tpu.memory_space<vmem>>) dst(%dma_wait3A_191 : memref<128x64xf32, #tpu.memory_space<hbm>>)
      tpu.yield
    }) : () -> ()
    %add3A_159 = arith.constant 384 : i32
    %add3A_160 = arith.addi %mul3A_7, %add3A_159 : i32
    %run_scoped3A_161 = arith.constant 1 : i32
    "tpu.region"() ({
      %run_scoped3A_167 = tpu.sem_alloc : memref<!tpu.dma_semaphore, #tpu.memory_space<semaphore_mem>>
      %dma_start3A_168 = arith.constant 0 : i32
      %dma_start3A_169 = arith.constant 0 : i32
      %dma_start3A_170 = tpu.memref_slice %arg9[%run_scoped3A_161, %dma_start3A_168, %dma_start3A_169] : memref<6x128x64xf32, #tpu.memory_space<vmem>> -> memref<1x128x64xf32, #tpu.memory_space<vmem>>
      %dma_start3A_171 = tpu.memref_squeeze %dma_start3A_170 : memref<1x128x64xf32, #tpu.memory_space<vmem>> -> memref<128x64xf32, #tpu.memory_space<vmem>>
      %dma_start3A_172 = arith.constant 0 : i32
      %dma_start3A_173 = tpu.memref_slice %arg10[%add3A_160, %dma_start3A_172] : memref<10112x64xf32, #tpu.memory_space<vmem_shared>> -> memref<128x64xf32, #tpu.memory_space<vmem_shared>>
      %dma_start3A_174 = arith.constant 0 : i32
      %dma_start3A_175 = arith.constant 0 : i32
      %dma_start3A_176 = tpu.memref_slice %arg9[%run_scoped3A_161, %dma_start3A_174, %dma_start3A_175] : memref<6x128x64xf32, #tpu.memory_space<vmem>> -> memref<1x128x64xf32, #tpu.memory_space<vmem>>
      %dma_start3A_177 = tpu.memref_squeeze %dma_start3A_176 : memref<1x128x64xf32, #tpu.memory_space<vmem>> -> memref<128x64xf32, #tpu.memory_space<vmem>>
      %dma_start3A_178 = arith.constant 0 : i32
      %dma_start3A_179 = tpu.memref_slice %arg10[%add3A_160, %dma_start3A_178] : memref<10112x64xf32, #tpu.memory_space<vmem_shared>> -> memref<128x64xf32, #tpu.memory_space<vmem_shared>>
      tpu.enqueue_dma source(%dma_start3A_179 : memref<128x64xf32, #tpu.memory_space<vmem_shared>>) target(%dma_start3A_177 : memref<128x64xf32, #tpu.memory_space<vmem>>) target_semaphore(%run_scoped3A_167 : memref<!tpu.dma_semaphore, #tpu.memory_space<semaphore_mem>>)
      %dma_wait3A_180 = arith.constant 0 : i32
      %dma_wait3A_181 = arith.constant 0 : i32
      %dma_wait3A_182 = tpu.memref_slice %arg9[%run_scoped3A_161, %dma_wait3A_180, %dma_wait3A_181] : memref<6x128x64xf32, #tpu.memory_space<vmem>> -> memref<1x128x64xf32, #tpu.memory_space<vmem>>
      %dma_wait3A_183 = tpu.memref_squeeze %dma_wait3A_182 : memref<1x128x64xf32, #tpu.memory_space<vmem>> -> memref<128x64xf32, #tpu.memory_space<vmem>>
      %dma_wait3A_184 = arith.constant 0 : i32
      %dma_wait3A_185 = tpu.memref_slice %arg10[%add3A_160, %dma_wait3A_184] : memref<10112x64xf32, #tpu.memory_space<vmem_shared>> -> memref<128x64xf32, #tpu.memory_space<vmem_shared>>
      %dma_wait3A_186 = arith.constant 0 : i32
      %dma_wait3A_187 = arith.constant 0 : i32
      %dma_wait3A_188 = tpu.memref_slice %arg9[%run_scoped3A_161, %dma_wait3A_186, %dma_wait3A_187] : memref<6x128x64xf32, #tpu.memory_space<vmem>> -> memref<1x128x64xf32, #tpu.memory_space<vmem>>
      %dma_wait3A_189 = tpu.memref_squeeze %dma_wait3A_188 : memref<1x128x64xf32, #tpu.memory_space<vmem>> -> memref<128x64xf32, #tpu.memory_space<vmem>>
      %dma_wait3A_190 = arith.constant 0 : i32
      %dma_wait3A_191 = tpu.memref_slice %arg10[%add3A_160, %dma_wait3A_190] : memref<10112x64xf32, #tpu.memory_space<vmem_shared>> -> memref<128x64xf32, #tpu.memory_space<vmem_shared>>
      tpu.wait_dma2 semaphore(%run_scoped3A_167 : memref<!tpu.dma_semaphore, #tpu.memory_space<semaphore_mem>>) src(%dma_wait3A_191 : memref<128x64xf32, #tpu.memory_space<vmem_shared>>) dst(%dma_wait3A_189 : memref<128x64xf32, #tpu.memory_space<vmem>>)
      tpu.yield
    }) : () -> ()
    %run_scoped3A_162 = arith.constant 1 : i32
    "tpu.region"() ({
      %run_scoped3A_167 = tpu.sem_alloc : memref<!tpu.dma_semaphore, #tpu.memory_space<semaphore_mem>>
      %dma_start3A_168 = arith.constant 0 : i32
      %dma_start3A_169 = arith.constant 0 : i32
      %dma_start3A_170 = tpu.memref_slice %arg9[%run_scoped3A_162, %dma_start3A_168, %dma_start3A_169] : memref<6x128x64xf32, #tpu.memory_space<vmem>> -> memref<1x128x64xf32, #tpu.memory_space<vmem>>
      %dma_start3A_171 = tpu.memref_squeeze %dma_start3A_170 : memref<1x128x64xf32, #tpu.memory_space<vmem>> -> memref<128x64xf32, #tpu.memory_space<vmem>>
      %dma_start3A_172 = arith.constant 0 : i32
      %dma_start3A_173 = tpu.memref_slice %arg5[%arg0, %add3A_160, %dma_start3A_172] : memref<2x10112x64xf32, #tpu.memory_space<hbm>> -> memref<1x128x64xf32, #tpu.memory_space<hbm>>
      %dma_start3A_174 = tpu.memref_squeeze %dma_start3A_173 : memref<1x128x64xf32, #tpu.memory_space<hbm>> -> memref<128x64xf32, #tpu.memory_space<hbm>>
      %dma_start3A_175 = arith.constant 0 : i32
      %dma_start3A_176 = tpu.memref_slice %arg5[%arg0, %add3A_160, %dma_start3A_175] : memref<2x10112x64xf32, #tpu.memory_space<hbm>> -> memref<1x128x64xf32, #tpu.memory_space<hbm>>
      %dma_start3A_177 = tpu.memref_squeeze %dma_start3A_176 : memref<1x128x64xf32, #tpu.memory_space<hbm>> -> memref<128x64xf32, #tpu.memory_space<hbm>>
      %dma_start3A_178 = arith.constant 0 : i32
      %dma_start3A_179 = arith.constant 0 : i32
      %dma_start3A_180 = tpu.memref_slice %arg9[%run_scoped3A_162, %dma_start3A_178, %dma_start3A_179] : memref<6x128x64xf32, #tpu.memory_space<vmem>> -> memref<1x128x64xf32, #tpu.memory_space<vmem>>
      %dma_start3A_181 = tpu.memref_squeeze %dma_start3A_180 : memref<1x128x64xf32, #tpu.memory_space<vmem>> -> memref<128x64xf32, #tpu.memory_space<vmem>>
      tpu.enqueue_dma source(%dma_start3A_181 : memref<128x64xf32, #tpu.memory_space<vmem>>) target(%dma_start3A_177 : memref<128x64xf32, #tpu.memory_space<hbm>>) target_semaphore(%run_scoped3A_167 : memref<!tpu.dma_semaphore, #tpu.memory_space<semaphore_mem>>)
      %dma_wait3A_182 = arith.constant 0 : i32
      %dma_wait3A_183 = arith.constant 0 : i32
      %dma_wait3A_184 = tpu.memref_slice %arg9[%run_scoped3A_162, %dma_wait3A_182, %dma_wait3A_183] : memref<6x128x64xf32, #tpu.memory_space<vmem>> -> memref<1x128x64xf32, #tpu.memory_space<vmem>>
      %dma_wait3A_185 = tpu.memref_squeeze %dma_wait3A_184 : memref<1x128x64xf32, #tpu.memory_space<vmem>> -> memref<128x64xf32, #tpu.memory_space<vmem>>
      %dma_wait3A_186 = arith.constant 0 : i32
      %dma_wait3A_187 = tpu.memref_slice %arg5[%arg0, %add3A_160, %dma_wait3A_186] : memref<2x10112x64xf32, #tpu.memory_space<hbm>> -> memref<1x128x64xf32, #tpu.memory_space<hbm>>
      %dma_wait3A_188 = tpu.memref_squeeze %dma_wait3A_187 : memref<1x128x64xf32, #tpu.memory_space<hbm>> -> memref<128x64xf32, #tpu.memory_space<hbm>>
      %dma_wait3A_189 = arith.constant 0 : i32
      %dma_wait3A_190 = tpu.memref_slice %arg5[%arg0, %add3A_160, %dma_wait3A_189] : memref<2x10112x64xf32, #tpu.memory_space<hbm>> -> memref<1x128x64xf32, #tpu.memory_space<hbm>>
      %dma_wait3A_191 = tpu.memref_squeeze %dma_wait3A_190 : memref<1x128x64xf32, #tpu.memory_space<hbm>> -> memref<128x64xf32, #tpu.memory_space<hbm>>
      %dma_wait3A_192 = arith.constant 0 : i32
      %dma_wait3A_193 = arith.constant 0 : i32
      %dma_wait3A_194 = tpu.memref_slice %arg9[%run_scoped3A_162, %dma_wait3A_192, %dma_wait3A_193] : memref<6x128x64xf32, #tpu.memory_space<vmem>> -> memref<1x128x64xf32, #tpu.memory_space<vmem>>
      %dma_wait3A_195 = tpu.memref_squeeze %dma_wait3A_194 : memref<1x128x64xf32, #tpu.memory_space<vmem>> -> memref<128x64xf32, #tpu.memory_space<vmem>>
      tpu.wait_dma2 semaphore(%run_scoped3A_167 : memref<!tpu.dma_semaphore, #tpu.memory_space<semaphore_mem>>) src(%dma_wait3A_195 : memref<128x64xf32, #tpu.memory_space<vmem>>) dst(%dma_wait3A_191 : memref<128x64xf32, #tpu.memory_space<hbm>>)
      tpu.yield
    }) : () -> ()
    %add3A_163 = arith.constant 512 : i32
    %add3A_164 = arith.addi %mul3A_7, %add3A_163 : i32
    %run_scoped3A_165 = arith.constant 1 : i32
    "tpu.region"() ({
      %run_scoped3A_167 = tpu.sem_alloc : memref<!tpu.dma_semaphore, #tpu.memory_space<semaphore_mem>>
      %dma_start3A_168 = arith.constant 0 : i32
      %dma_start3A_169 = arith.constant 0 : i32
      %dma_start3A_170 = tpu.memref_slice %arg9[%run_scoped3A_165, %dma_start3A_168, %dma_start3A_169] : memref<6x128x64xf32, #tpu.memory_space<vmem>> -> memref<1x120x64xf32, #tpu.memory_space<vmem>>
      %dma_start3A_171 = tpu.memref_squeeze %dma_start3A_170 : memref<1x120x64xf32, #tpu.memory_space<vmem>> -> memref<120x64xf32, #tpu.memory_space<vmem>>
      %dma_start3A_172 = arith.constant 0 : i32
      %dma_start3A_173 = tpu.memref_slice %arg10[%add3A_164, %dma_start3A_172] : memref<10112x64xf32, #tpu.memory_space<vmem_shared>> -> memref<120x64xf32, #tpu.memory_space<vmem_shared>>
      %dma_start3A_174 = arith.constant 0 : i32
      %dma_start3A_175 = arith.constant 0 : i32
      %dma_start3A_176 = tpu.memref_slice %arg9[%run_scoped3A_165, %dma_start3A_174, %dma_start3A_175] : memref<6x128x64xf32, #tpu.memory_space<vmem>> -> memref<1x120x64xf32, #tpu.memory_space<vmem>>
      %dma_start3A_177 = tpu.memref_squeeze %dma_start3A_176 : memref<1x120x64xf32, #tpu.memory_space<vmem>> -> memref<120x64xf32, #tpu.memory_space<vmem>>
      %dma_start3A_178 = arith.constant 0 : i32
      %dma_start3A_179 = tpu.memref_slice %arg10[%add3A_164, %dma_start3A_178] : memref<10112x64xf32, #tpu.memory_space<vmem_shared>> -> memref<120x64xf32, #tpu.memory_space<vmem_shared>>
      tpu.enqueue_dma source(%dma_start3A_179 : memref<120x64xf32, #tpu.memory_space<vmem_shared>>) target(%dma_start3A_177 : memref<120x64xf32, #tpu.memory_space<vmem>>) target_semaphore(%run_scoped3A_167 : memref<!tpu.dma_semaphore, #tpu.memory_space<semaphore_mem>>)
      %dma_wait3A_180 = arith.constant 0 : i32
      %dma_wait3A_181 = arith.constant 0 : i32
      %dma_wait3A_182 = tpu.memref_slice %arg9[%run_scoped3A_165, %dma_wait3A_180, %dma_wait3A_181] : memref<6x128x64xf32, #tpu.memory_space<vmem>> -> memref<1x120x64xf32, #tpu.memory_space<vmem>>
      %dma_wait3A_183 = tpu.memref_squeeze %dma_wait3A_182 : memref<1x120x64xf32, #tpu.memory_space<vmem>> -> memref<120x64xf32, #tpu.memory_space<vmem>>
      %dma_wait3A_184 = arith.constant 0 : i32
      %dma_wait3A_185 = tpu.memref_slice %arg10[%add3A_164, %dma_wait3A_184] : memref<10112x64xf32, #tpu.memory_space<vmem_shared>> -> memref<120x64xf32, #tpu.memory_space<vmem_shared>>
      %dma_wait3A_186 = arith.constant 0 : i32
      %dma_wait3A_187 = arith.constant 0 : i32
      %dma_wait3A_188 = tpu.memref_slice %arg9[%run_scoped3A_165, %dma_wait3A_186, %dma_wait3A_187] : memref<6x128x64xf32, #tpu.memory_space<vmem>> -> memref<1x120x64xf32, #tpu.memory_space<vmem>>
      %dma_wait3A_189 = tpu.memref_squeeze %dma_wait3A_188 : memref<1x120x64xf32, #tpu.memory_space<vmem>> -> memref<120x64xf32, #tpu.memory_space<vmem>>
      %dma_wait3A_190 = arith.constant 0 : i32
      %dma_wait3A_191 = tpu.memref_slice %arg10[%add3A_164, %dma_wait3A_190] : memref<10112x64xf32, #tpu.memory_space<vmem_shared>> -> memref<120x64xf32, #tpu.memory_space<vmem_shared>>
      tpu.wait_dma2 semaphore(%run_scoped3A_167 : memref<!tpu.dma_semaphore, #tpu.memory_space<semaphore_mem>>) src(%dma_wait3A_191 : memref<120x64xf32, #tpu.memory_space<vmem_shared>>) dst(%dma_wait3A_189 : memref<120x64xf32, #tpu.memory_space<vmem>>)
      tpu.yield
    }) : () -> ()
    %run_scoped3A_166 = arith.constant 1 : i32
    "tpu.region"() ({
      %run_scoped3A_167 = tpu.sem_alloc : memref<!tpu.dma_semaphore, #tpu.memory_space<semaphore_mem>>
      %dma_start3A_168 = arith.constant 0 : i32
      %dma_start3A_169 = arith.constant 0 : i32
      %dma_start3A_170 = tpu.memref_slice %arg9[%run_scoped3A_166, %dma_start3A_168, %dma_start3A_169] : memref<6x128x64xf32, #tpu.memory_space<vmem>> -> memref<1x120x64xf32, #tpu.memory_space<vmem>>
      %dma_start3A_171 = tpu.memref_squeeze %dma_start3A_170 : memref<1x120x64xf32, #tpu.memory_space<vmem>> -> memref<120x64xf32, #tpu.memory_space<vmem>>
      %dma_start3A_172 = arith.constant 0 : i32
      %dma_start3A_173 = tpu.memref_slice %arg5[%arg0, %add3A_164, %dma_start3A_172] : memref<2x10112x64xf32, #tpu.memory_space<hbm>> -> memref<1x120x64xf32, #tpu.memory_space<hbm>>
      %dma_start3A_174 = tpu.memref_squeeze %dma_start3A_173 : memref<1x120x64xf32, #tpu.memory_space<hbm>> -> memref<120x64xf32, #tpu.memory_space<hbm>>
      %dma_start3A_175 = arith.constant 0 : i32
      %dma_start3A_176 = tpu.memref_slice %arg5[%arg0, %add3A_164, %dma_start3A_175] : memref<2x10112x64xf32, #tpu.memory_space<hbm>> -> memref<1x120x64xf32, #tpu.memory_space<hbm>>
      %dma_start3A_177 = tpu.memref_squeeze %dma_start3A_176 : memref<1x120x64xf32, #tpu.memory_space<hbm>> -> memref<120x64xf32, #tpu.memory_space<hbm>>
      %dma_start3A_178 = arith.constant 0 : i32
      %dma_start3A_179 = arith.constant 0 : i32
      %dma_start3A_180 = tpu.memref_slice %arg9[%run_scoped3A_166, %dma_start3A_178, %dma_start3A_179] : memref<6x128x64xf32, #tpu.memory_space<vmem>> -> memref<1x120x64xf32, #tpu.memory_space<vmem>>
      %dma_start3A_181 = tpu.memref_squeeze %dma_start3A_180 : memref<1x120x64xf32, #tpu.memory_space<vmem>> -> memref<120x64xf32, #tpu.memory_space<vmem>>
      tpu.enqueue_dma source(%dma_start3A_181 : memref<120x64xf32, #tpu.memory_space<vmem>>) target(%dma_start3A_177 : memref<120x64xf32, #tpu.memory_space<hbm>>) target_semaphore(%run_scoped3A_167 : memref<!tpu.dma_semaphore, #tpu.memory_space<semaphore_mem>>)
      %dma_wait3A_182 = arith.constant 0 : i32
      %dma_wait3A_183 = arith.constant 0 : i32
      %dma_wait3A_184 = tpu.memref_slice %arg9[%run_scoped3A_166, %dma_wait3A_182, %dma_wait3A_183] : memref<6x128x64xf32, #tpu.memory_space<vmem>> -> memref<1x120x64xf32, #tpu.memory_space<vmem>>
      %dma_wait3A_185 = tpu.memref_squeeze %dma_wait3A_184 : memref<1x120x64xf32, #tpu.memory_space<vmem>> -> memref<120x64xf32, #tpu.memory_space<vmem>>
      %dma_wait3A_186 = arith.constant 0 : i32
      %dma_wait3A_187 = tpu.memref_slice %arg5[%arg0, %add3A_164, %dma_wait3A_186] : memref<2x10112x64xf32, #tpu.memory_space<hbm>> -> memref<1x120x64xf32, #tpu.memory_space<hbm>>
      %dma_wait3A_188 = tpu.memref_squeeze %dma_wait3A_187 : memref<1x120x64xf32, #tpu.memory_space<hbm>> -> memref<120x64xf32, #tpu.memory_space<hbm>>
      %dma_wait3A_189 = arith.constant 0 : i32
      %dma_wait3A_190 = tpu.memref_slice %arg5[%arg0, %add3A_164, %dma_wait3A_189] : memref<2x10112x64xf32, #tpu.memory_space<hbm>> -> memref<1x120x64xf32, #tpu.memory_space<hbm>>
      %dma_wait3A_191 = tpu.memref_squeeze %dma_wait3A_190 : memref<1x120x64xf32, #tpu.memory_space<hbm>> -> memref<120x64xf32, #tpu.memory_space<hbm>>
      %dma_wait3A_192 = arith.constant 0 : i32
      %dma_wait3A_193 = arith.constant 0 : i32
      %dma_wait3A_194 = tpu.memref_slice %arg9[%run_scoped3A_166, %dma_wait3A_192, %dma_wait3A_193] : memref<6x128x64xf32, #tpu.memory_space<vmem>> -> memref<1x120x64xf32, #tpu.memory_space<vmem>>
      %dma_wait3A_195 = tpu.memref_squeeze %dma_wait3A_194 : memref<1x120x64xf32, #tpu.memory_space<vmem>> -> memref<120x64xf32, #tpu.memory_space<vmem>>
      tpu.wait_dma2 semaphore(%run_scoped3A_167 : memref<!tpu.dma_semaphore, #tpu.memory_space<semaphore_mem>>) src(%dma_wait3A_195 : memref<120x64xf32, #tpu.memory_space<vmem>>) dst(%dma_wait3A_191 : memref<120x64xf32, #tpu.memory_space<hbm>>)
      tpu.yield
    }) : () -> ()
    return
  }
}

#map = affine_map<(d0, d1) -> (0, 0)>
#map1 = affine_map<(d0, d1) -> (0, 0, 0, 0)>
#map2 = affine_map<(d0, d1) -> (0, 0, 0)>
module attributes {stable_mosaic.version = 14 : i64} {
  func.func @agg_kernel(%arg0: i32, %arg1: i32, %arg2: memref<20224x64xf32, #tpu.memory_space<hbm>>, %arg3: memref<2x16x158x128xi32, #tpu.memory_space<hbm>>, %arg4: memref<16x158x128xi32, #tpu.memory_space<hbm>>, %arg5: memref<2x10112x64xf32, #tpu.memory_space<hbm>>, %arg6: memref<158x128xi32, #tpu.memory_space<vmem>>, %arg7: memref<158x128xi32, #tpu.memory_space<vmem>>, %arg8: memref<6x128xi32, #tpu.memory_space<vmem>>, %arg9: memref<6x128x64xf32, #tpu.memory_space<vmem>>, %arg10: memref<10112x64xf32, #tpu.memory_space<vmem_shared>>, %arg11: memref<!tpu.dma_semaphore, #tpu.memory_space<semaphore_mem>>, %arg12: memref<!tpu.dma_semaphore, #tpu.memory_space<semaphore_mem>>) attributes {dimension_semantics = [#tpu.dimension_semantics<core_parallel>, #tpu.dimension_semantics<subcore_parallel>], iteration_bounds = array<i64: 2, 16>, scalar_prefetch = 0 : i64, scratch_operands = 7 : i64, tpu.core_type = #tpu.core_type<sc_vector_subcore>, window_params = [{transform_indices = #map}, {transform_indices = #map1}, {transform_indices = #map2}, {transform_indices = #map2}]} {
    %scan3A = arith.constant 0 : i32
    %scan3A_0 = arith.constant 0 : i32
    %scan3A_1 = arith.constant 0 : i32
    %scan3A_2 = arith.constant 512 : i32
    %scan3A_3 = arith.addi %scan3A_1, %scan3A_2 : i32
    %scan3A_4 = arith.constant 1 : i32
    %scan3A_5 = scf.for %scan3A_167 = %scan3A_1 to %scan3A_3 step %scan3A_4 iter_args(%scan3A_168 = %scan3A_0) -> (i32)  : i32 {
      %jit3A = arith.constant 4 : i32
      %div3A = arith.divsi %scan3A_167, %jit3A : i32
      %sign3A = arith.constant 0 : i32
      %sign3A_169 = arith.cmpi sgt, %scan3A_167, %sign3A : i32
      %sign3A_170 = arith.extui %sign3A_169 : i1 to i32
      %sign3A_171 = arith.constant 0 : i32
      %sign3A_172 = arith.cmpi slt, %scan3A_167, %sign3A_171 : i32
      %sign3A_173 = arith.extui %sign3A_172 : i1 to i32
      %sign3A_174 = arith.subi %sign3A_170, %sign3A_173 : i32
      %sign3A_175 = arith.constant 0 : i32
      %sign3A_176 = arith.cmpi sgt, %jit3A, %sign3A_175 : i32
      %sign3A_177 = arith.extui %sign3A_176 : i1 to i32
      %sign3A_178 = arith.constant 0 : i32
      %sign3A_179 = arith.cmpi slt, %jit3A, %sign3A_178 : i32
      %sign3A_180 = arith.extui %sign3A_179 : i1 to i32
      %sign3A_181 = arith.subi %sign3A_177, %sign3A_180 : i32
      %ne3A = arith.cmpi ne, %sign3A_174, %sign3A_181 : i32
      %rem3A = arith.remsi %scan3A_167, %jit3A : i32
      %ne3A_182 = arith.constant 0 : i32
      %ne3A_183 = arith.cmpi ne, %rem3A, %ne3A_182 : i32
      %and3A = arith.andi %ne3A, %ne3A_183 : i1
      %sub3A = arith.constant 1 : i32
      %sub3A_184 = arith.subi %div3A, %sub3A : i32
      %select_n3A = arith.select %and3A, %sub3A_184, %div3A : i32
      %jit3A_185 = arith.constant 4 : i32
      %eq3A = arith.constant 0 : i32
      %eq3A_186 = arith.cmpi eq, %jit3A_185, %eq3A : i32
      %jit3A_187 = arith.constant 1 : i32
      %select_n3A_188 = arith.select %eq3A_186, %jit3A_187, %jit3A_185 : i32
      %rem3A_189 = arith.remsi %scan3A_167, %select_n3A_188 : i32
      %ne3A_190 = arith.constant 0 : i32
      %ne3A_191 = arith.cmpi ne, %rem3A_189, %ne3A_190 : i32
      %lt3A = arith.constant 0 : i32
      %lt3A_192 = arith.cmpi slt, %rem3A_189, %lt3A : i32
      %lt3A_193 = arith.constant 0 : i32
      %lt3A_194 = arith.cmpi slt, %select_n3A_188, %lt3A_193 : i32
      %ne3A_195 = arith.xori %lt3A_192, %lt3A_194 : i1
      %and3A_196 = arith.andi %ne3A_195, %ne3A_191 : i1
      %add3A_197 = arith.addi %rem3A_189, %select_n3A_188 : i32
      %select_n3A_198 = arith.select %and3A_196, %add3A_197, %rem3A_189 : i32
      %mul3A_199 = arith.constant 16 : i32
      %mul3A_200 = arith.muli %select_n3A_198, %mul3A_199 : i32
      %broadcast_in_dim3A = arith.constant 0.000000e+00 : f32
      %broadcast_in_dim3A_201 = vector.broadcast %broadcast_in_dim3A : f32 to vector<16xf32>
      %swap3A = arith.constant 0 : i32
      %swap3A_202 = arith.constant 0 : i32
      %swap3A_203 = tpu.memref_slice %arg9[%scan3A, %swap3A, %swap3A_202] : memref<6x128x64xf32, #tpu.memory_space<vmem>> -> memref<1x128x64xf32, #tpu.memory_space<vmem>>
      %swap3A_204 = tpu.memref_squeeze %swap3A_203 : memref<1x128x64xf32, #tpu.memory_space<vmem>> -> memref<128x64xf32, #tpu.memory_space<vmem>>
      %swap3A_205 = arith.index_cast %select_n3A : i32 to index
      %swap3A_206 = arith.index_cast %mul3A_200 : i32 to index
      %swap3A_207 = tpu.vector_load %swap3A_204[%swap3A_205, %swap3A_206] {strides = array<i32>} : memref<128x64xf32, #tpu.memory_space<vmem>>, vector<1x16xf32>,
      %swap3A_208 = vector.shape_cast %swap3A_207 : vector<1x16xf32> to vector<16xf32>
      %swap3A_209 = vector.shape_cast %broadcast_in_dim3A_201 : vector<16xf32> to vector<1x16xf32>
      tpu.vector_store %swap3A_204[%swap3A_205, %swap3A_206], %swap3A_209 {strides = array<i32>} : memref<128x64xf32, #tpu.memory_space<vmem>>, vector<1x16xf32>,
      %scan3A_210 = arith.constant 0 : i32
      scf.yield %scan3A_210 : i32
    }
    %scan3A_6 = arith.constant 512 : i32
    %mul3A = arith.constant 632 : i32
    %mul3A_7 = arith.muli %arg1, %mul3A : i32
    %add3A = arith.constant 0 : i32
    %add3A_8 = arith.addi %mul3A_7, %add3A : i32
    %run_scoped3A = arith.constant 0 : i32
    "tpu.region"() ({
      %run_scoped3A_167 = tpu.sem_alloc : memref<!tpu.dma_semaphore, #tpu.memory_space<semaphore_mem>>
      %dma_start3A_168 = arith.constant 0 : i32
      %dma_start3A_169 = arith.constant 0 : i32
      %dma_start3A_170 = tpu.memref_slice %arg9[%run_scoped3A, %dma_start3A_168, %dma_start3A_169] : memref<6x128x64xf32, #tpu.memory_space<vmem>> -> memref<1x128x64xf32, #tpu.memory_space<vmem>>
      %dma_start3A_171 = tpu.memref_squeeze %dma_start3A_170 : memref<1x128x64xf32, #tpu.memory_space<vmem>> -> memref<128x64xf32, #tpu.memory_space<vmem>>
      %dma_start3A_172 = arith.constant 0 : i32
      %dma_start3A_173 = tpu.memref_slice %arg10[%add3A_8, %dma_start3A_172] : memref<10112x64xf32, #tpu.memory_space<vmem_shared>> -> memref<128x64xf32, #tpu.memory_space<vmem_shared>>
      %dma_start3A_174 = arith.constant 0 : i32
      %dma_start3A_175 = tpu.memref_slice %arg10[%add3A_8, %dma_start3A_174] : memref<10112x64xf32, #tpu.memory_space<vmem_shared>> -> memref<128x64xf32, #tpu.memory_space<vmem_shared>>
      %dma_start3A_176 = arith.constant 0 : i32
      %dma_start3A_177 = arith.constant 0 : i32
      %dma_start3A_178 = tpu.memref_slice %arg9[%run_scoped3A, %dma_start3A_176, %dma_start3A_177] : memref<6x128x64xf32, #tpu.memory_space<vmem>> -> memref<1x128x64xf32, #tpu.memory_space<vmem>>
      %dma_start3A_179 = tpu.memref_squeeze %dma_start3A_178 : memref<1x128x64xf32, #tpu.memory_space<vmem>> -> memref<128x64xf32, #tpu.memory_space<vmem>>
      tpu.enqueue_dma source(%dma_start3A_179 : memref<128x64xf32, #tpu.memory_space<vmem>>) target(%dma_start3A_175 : memref<128x64xf32, #tpu.memory_space<vmem_shared>>) target_semaphore(%run_scoped3A_167 : memref<!tpu.dma_semaphore, #tpu.memory_space<semaphore_mem>>)
      %dma_wait3A_180 = arith.constant 0 : i32
      %dma_wait3A_181 = arith.constant 0 : i32
      %dma_wait3A_182 = tpu.memref_slice %arg9[%run_scoped3A, %dma_wait3A_180, %dma_wait3A_181] : memref<6x128x64xf32, #tpu.memory_space<vmem>> -> memref<1x128x64xf32, #tpu.memory_space<vmem>>
      %dma_wait3A_183 = tpu.memref_squeeze %dma_wait3A_182 : memref<1x128x64xf32, #tpu.memory_space<vmem>> -> memref<128x64xf32, #tpu.memory_space<vmem>>
      %dma_wait3A_184 = arith.constant 0 : i32
      %dma_wait3A_185 = tpu.memref_slice %arg10[%add3A_8, %dma_wait3A_184] : memref<10112x64xf32, #tpu.memory_space<vmem_shared>> -> memref<128x64xf32, #tpu.memory_space<vmem_shared>>
      %dma_wait3A_186 = arith.constant 0 : i32
      %dma_wait3A_187 = tpu.memref_slice %arg10[%add3A_8, %dma_wait3A_186] : memref<10112x64xf32, #tpu.memory_space<vmem_shared>> -> memref<128x64xf32, #tpu.memory_space<vmem_shared>>
      %dma_wait3A_188 = arith.constant 0 : i32
      %dma_wait3A_189 = arith.constant 0 : i32
      %dma_wait3A_190 = tpu.memref_slice %arg9[%run_scoped3A, %dma_wait3A_188, %dma_wait3A_189] : memref<6x128x64xf32, #tpu.memory_space<vmem>> -> memref<1x128x64xf32, #tpu.memory_space<vmem>>
      %dma_wait3A_191 = tpu.memref_squeeze %dma_wait3A_190 : memref<1x128x64xf32, #tpu.memory_space<vmem>> -> memref<128x64xf32, #tpu.memory_space<vmem>>
      tpu.wait_dma2 semaphore(%run_scoped3A_167 : memref<!tpu.dma_semaphore, #tpu.memory_space<semaphore_mem>>) src(%dma_wait3A_191 : memref<128x64xf32, #tpu.memory_space<vmem>>) dst(%dma_wait3A_187 : memref<128x64xf32, #tpu.memory_space<vmem_shared>>)
      tpu.yield
    }) : () -> ()
    %add3A_9 = arith.constant 128 : i32
    %add3A_10 = arith.addi %mul3A_7, %add3A_9 : i32
    %run_scoped3A_11 = arith.constant 0 : i32
    "tpu.region"() ({
      %run_scoped3A_167 = tpu.sem_alloc : memref<!tpu.dma_semaphore, #tpu.memory_space<semaphore_mem>>
      %dma_start3A_168 = arith.constant 0 : i32
      %dma_start3A_169 = arith.constant 0 : i32
      %dma_start3A_170 = tpu.memref_slice %arg9[%run_scoped3A_11, %dma_start3A_168, %dma_start3A_169] : memref<6x128x64xf32, #tpu.memory_space<vmem>> -> memref<1x128x64xf32, #tpu.memory_space<vmem>>
      %dma_start3A_171 = tpu.memref_squeeze %dma_start3A_170 : memref<1x128x64xf32, #tpu.memory_space<vmem>> -> memref<128x64xf32, #tpu.memory_space<vmem>>
      %dma_start3A_172 = arith.constant 0 : i32
      %dma_start3A_173 = tpu.memref_slice %arg10[%add3A_10, %dma_start3A_172] : memref<10112x64xf32, #tpu.memory_space<vmem_shared>> -> memref<128x64xf32, #tpu.memory_space<vmem_shared>>
      %dma_start3A_174 = arith.constant 0 : i32
      %dma_start3A_175 = tpu.memref_slice %arg10[%add3A_10, %dma_start3A_174] : memref<10112x64xf32, #tpu.memory_space<vmem_shared>> -> memref<128x64xf32, #tpu.memory_space<vmem_shared>>
      %dma_start3A_176 = arith.constant 0 : i32
      %dma_start3A_177 = arith.constant 0 : i32
      %dma_start3A_178 = tpu.memref_slice %arg9[%run_scoped3A_11, %dma_start3A_176, %dma_start3A_177] : memref<6x128x64xf32, #tpu.memory_space<vmem>> -> memref<1x128x64xf32, #tpu.memory_space<vmem>>
      %dma_start3A_179 = tpu.memref_squeeze %dma_start3A_178 : memref<1x128x64xf32, #tpu.memory_space<vmem>> -> memref<128x64xf32, #tpu.memory_space<vmem>>
      tpu.enqueue_dma source(%dma_start3A_179 : memref<128x64xf32, #tpu.memory_space<vmem>>) target(%dma_start3A_175 : memref<128x64xf32, #tpu.memory_space<vmem_shared>>) target_semaphore(%run_scoped3A_167 : memref<!tpu.dma_semaphore, #tpu.memory_space<semaphore_mem>>)
      %dma_wait3A_180 = arith.constant 0 : i32
      %dma_wait3A_181 = arith.constant 0 : i32
      %dma_wait3A_182 = tpu.memref_slice %arg9[%run_scoped3A_11, %dma_wait3A_180, %dma_wait3A_181] : memref<6x128x64xf32, #tpu.memory_space<vmem>> -> memref<1x128x64xf32, #tpu.memory_space<vmem>>
      %dma_wait3A_183 = tpu.memref_squeeze %dma_wait3A_182 : memref<1x128x64xf32, #tpu.memory_space<vmem>> -> memref<128x64xf32, #tpu.memory_space<vmem>>
      %dma_wait3A_184 = arith.constant 0 : i32
      %dma_wait3A_185 = tpu.memref_slice %arg10[%add3A_10, %dma_wait3A_184] : memref<10112x64xf32, #tpu.memory_space<vmem_shared>> -> memref<128x64xf32, #tpu.memory_space<vmem_shared>>
      %dma_wait3A_186 = arith.constant 0 : i32
      %dma_wait3A_187 = tpu.memref_slice %arg10[%add3A_10, %dma_wait3A_186] : memref<10112x64xf32, #tpu.memory_space<vmem_shared>> -> memref<128x64xf32, #tpu.memory_space<vmem_shared>>
      %dma_wait3A_188 = arith.constant 0 : i32
      %dma_wait3A_189 = arith.constant 0 : i32
      %dma_wait3A_190 = tpu.memref_slice %arg9[%run_scoped3A_11, %dma_wait3A_188, %dma_wait3A_189] : memref<6x128x64xf32, #tpu.memory_space<vmem>> -> memref<1x128x64xf32, #tpu.memory_space<vmem>>
      %dma_wait3A_191 = tpu.memref_squeeze %dma_wait3A_190 : memref<1x128x64xf32, #tpu.memory_space<vmem>> -> memref<128x64xf32, #tpu.memory_space<vmem>>
      tpu.wait_dma2 semaphore(%run_scoped3A_167 : memref<!tpu.dma_semaphore, #tpu.memory_space<semaphore_mem>>) src(%dma_wait3A_191 : memref<128x64xf32, #tpu.memory_space<vmem>>) dst(%dma_wait3A_187 : memref<128x64xf32, #tpu.memory_space<vmem_shared>>)
      tpu.yield
    }) : () -> ()
    %add3A_12 = arith.constant 256 : i32
    %add3A_13 = arith.addi %mul3A_7, %add3A_12 : i32
    %run_scoped3A_14 = arith.constant 0 : i32
    "tpu.region"() ({
      %run_scoped3A_167 = tpu.sem_alloc : memref<!tpu.dma_semaphore, #tpu.memory_space<semaphore_mem>>
      %dma_start3A_168 = arith.constant 0 : i32
      %dma_start3A_169 = arith.constant 0 : i32
      %dma_start3A_170 = tpu.memref_slice %arg9[%run_scoped3A_14, %dma_start3A_168, %dma_start3A_169] : memref<6x128x64xf32, #tpu.memory_space<vmem>> -> memref<1x128x64xf32, #tpu.memory_space<vmem>>
      %dma_start3A_171 = tpu.memref_squeeze %dma_start3A_170 : memref<1x128x64xf32, #tpu.memory_space<vmem>> -> memref<128x64xf32, #tpu.memory_space<vmem>>
      %dma_start3A_172 = arith.constant 0 : i32
      %dma_start3A_173 = tpu.memref_slice %arg10[%add3A_13, %dma_start3A_172] : memref<10112x64xf32, #tpu.memory_space<vmem_shared>> -> memref<128x64xf32, #tpu.memory_space<vmem_shared>>
      %dma_start3A_174 = arith.constant 0 : i32
      %dma_start3A_175 = tpu.memref_slice %arg10[%add3A_13, %dma_start3A_174] : memref<10112x64xf32, #tpu.memory_space<vmem_shared>> -> memref<128x64xf32, #tpu.memory_space<vmem_shared>>
      %dma_start3A_176 = arith.constant 0 : i32
      %dma_start3A_177 = arith.constant 0 : i32
      %dma_start3A_178 = tpu.memref_slice %arg9[%run_scoped3A_14, %dma_start3A_176, %dma_start3A_177] : memref<6x128x64xf32, #tpu.memory_space<vmem>> -> memref<1x128x64xf32, #tpu.memory_space<vmem>>
      %dma_start3A_179 = tpu.memref_squeeze %dma_start3A_178 : memref<1x128x64xf32, #tpu.memory_space<vmem>> -> memref<128x64xf32, #tpu.memory_space<vmem>>
      tpu.enqueue_dma source(%dma_start3A_179 : memref<128x64xf32, #tpu.memory_space<vmem>>) target(%dma_start3A_175 : memref<128x64xf32, #tpu.memory_space<vmem_shared>>) target_semaphore(%run_scoped3A_167 : memref<!tpu.dma_semaphore, #tpu.memory_space<semaphore_mem>>)
      %dma_wait3A_180 = arith.constant 0 : i32
      %dma_wait3A_181 = arith.constant 0 : i32
      %dma_wait3A_182 = tpu.memref_slice %arg9[%run_scoped3A_14, %dma_wait3A_180, %dma_wait3A_181] : memref<6x128x64xf32, #tpu.memory_space<vmem>> -> memref<1x128x64xf32, #tpu.memory_space<vmem>>
      %dma_wait3A_183 = tpu.memref_squeeze %dma_wait3A_182 : memref<1x128x64xf32, #tpu.memory_space<vmem>> -> memref<128x64xf32, #tpu.memory_space<vmem>>
      %dma_wait3A_184 = arith.constant 0 : i32
      %dma_wait3A_185 = tpu.memref_slice %arg10[%add3A_13, %dma_wait3A_184] : memref<10112x64xf32, #tpu.memory_space<vmem_shared>> -> memref<128x64xf32, #tpu.memory_space<vmem_shared>>
      %dma_wait3A_186 = arith.constant 0 : i32
      %dma_wait3A_187 = tpu.memref_slice %arg10[%add3A_13, %dma_wait3A_186] : memref<10112x64xf32, #tpu.memory_space<vmem_shared>> -> memref<128x64xf32, #tpu.memory_space<vmem_shared>>
      %dma_wait3A_188 = arith.constant 0 : i32
      %dma_wait3A_189 = arith.constant 0 : i32
      %dma_wait3A_190 = tpu.memref_slice %arg9[%run_scoped3A_14, %dma_wait3A_188, %dma_wait3A_189] : memref<6x128x64xf32, #tpu.memory_space<vmem>> -> memref<1x128x64xf32, #tpu.memory_space<vmem>>
      %dma_wait3A_191 = tpu.memref_squeeze %dma_wait3A_190 : memref<1x128x64xf32, #tpu.memory_space<vmem>> -> memref<128x64xf32, #tpu.memory_space<vmem>>
      tpu.wait_dma2 semaphore(%run_scoped3A_167 : memref<!tpu.dma_semaphore, #tpu.memory_space<semaphore_mem>>) src(%dma_wait3A_191 : memref<128x64xf32, #tpu.memory_space<vmem>>) dst(%dma_wait3A_187 : memref<128x64xf32, #tpu.memory_space<vmem_shared>>)
      tpu.yield
    }) : () -> ()
    %add3A_15 = arith.constant 384 : i32
    %add3A_16 = arith.addi %mul3A_7, %add3A_15 : i32
    %run_scoped3A_17 = arith.constant 0 : i32
    "tpu.region"() ({
      %run_scoped3A_167 = tpu.sem_alloc : memref<!tpu.dma_semaphore, #tpu.memory_space<semaphore_mem>>
      %dma_start3A_168 = arith.constant 0 : i32
      %dma_start3A_169 = arith.constant 0 : i32
      %dma_start3A_170 = tpu.memref_slice %arg9[%run_scoped3A_17, %dma_start3A_168, %dma_start3A_169] : memref<6x128x64xf32, #tpu.memory_space<vmem>> -> memref<1x128x64xf32, #tpu.memory_space<vmem>>
      %dma_start3A_171 = tpu.memref_squeeze %dma_start3A_170 : memref<1x128x64xf32, #tpu.memory_space<vmem>> -> memref<128x64xf32, #tpu.memory_space<vmem>>
      %dma_start3A_172 = arith.constant 0 : i32
      %dma_start3A_173 = tpu.memref_slice %arg10[%add3A_16, %dma_start3A_172] : memref<10112x64xf32, #tpu.memory_space<vmem_shared>> -> memref<128x64xf32, #tpu.memory_space<vmem_shared>>
      %dma_start3A_174 = arith.constant 0 : i32
      %dma_start3A_175 = tpu.memref_slice %arg10[%add3A_16, %dma_start3A_174] : memref<10112x64xf32, #tpu.memory_space<vmem_shared>> -> memref<128x64xf32, #tpu.memory_space<vmem_shared>>
      %dma_start3A_176 = arith.constant 0 : i32
      %dma_start3A_177 = arith.constant 0 : i32
      %dma_start3A_178 = tpu.memref_slice %arg9[%run_scoped3A_17, %dma_start3A_176, %dma_start3A_177] : memref<6x128x64xf32, #tpu.memory_space<vmem>> -> memref<1x128x64xf32, #tpu.memory_space<vmem>>
      %dma_start3A_179 = tpu.memref_squeeze %dma_start3A_178 : memref<1x128x64xf32, #tpu.memory_space<vmem>> -> memref<128x64xf32, #tpu.memory_space<vmem>>
      tpu.enqueue_dma source(%dma_start3A_179 : memref<128x64xf32, #tpu.memory_space<vmem>>) target(%dma_start3A_175 : memref<128x64xf32, #tpu.memory_space<vmem_shared>>) target_semaphore(%run_scoped3A_167 : memref<!tpu.dma_semaphore, #tpu.memory_space<semaphore_mem>>)
      %dma_wait3A_180 = arith.constant 0 : i32
      %dma_wait3A_181 = arith.constant 0 : i32
      %dma_wait3A_182 = tpu.memref_slice %arg9[%run_scoped3A_17, %dma_wait3A_180, %dma_wait3A_181] : memref<6x128x64xf32, #tpu.memory_space<vmem>> -> memref<1x128x64xf32, #tpu.memory_space<vmem>>
      %dma_wait3A_183 = tpu.memref_squeeze %dma_wait3A_182 : memref<1x128x64xf32, #tpu.memory_space<vmem>> -> memref<128x64xf32, #tpu.memory_space<vmem>>
      %dma_wait3A_184 = arith.constant 0 : i32
      %dma_wait3A_185 = tpu.memref_slice %arg10[%add3A_16, %dma_wait3A_184] : memref<10112x64xf32, #tpu.memory_space<vmem_shared>> -> memref<128x64xf32, #tpu.memory_space<vmem_shared>>
      %dma_wait3A_186 = arith.constant 0 : i32
      %dma_wait3A_187 = tpu.memref_slice %arg10[%add3A_16, %dma_wait3A_186] : memref<10112x64xf32, #tpu.memory_space<vmem_shared>> -> memref<128x64xf32, #tpu.memory_space<vmem_shared>>
      %dma_wait3A_188 = arith.constant 0 : i32
      %dma_wait3A_189 = arith.constant 0 : i32
      %dma_wait3A_190 = tpu.memref_slice %arg9[%run_scoped3A_17, %dma_wait3A_188, %dma_wait3A_189] : memref<6x128x64xf32, #tpu.memory_space<vmem>> -> memref<1x128x64xf32, #tpu.memory_space<vmem>>
      %dma_wait3A_191 = tpu.memref_squeeze %dma_wait3A_190 : memref<1x128x64xf32, #tpu.memory_space<vmem>> -> memref<128x64xf32, #tpu.memory_space<vmem>>
      tpu.wait_dma2 semaphore(%run_scoped3A_167 : memref<!tpu.dma_semaphore, #tpu.memory_space<semaphore_mem>>) src(%dma_wait3A_191 : memref<128x64xf32, #tpu.memory_space<vmem>>) dst(%dma_wait3A_187 : memref<128x64xf32, #tpu.memory_space<vmem_shared>>)
      tpu.yield
    }) : () -> ()
    %add3A_18 = arith.constant 512 : i32
    %add3A_19 = arith.addi %mul3A_7, %add3A_18 : i32
    %run_scoped3A_20 = arith.constant 0 : i32
    "tpu.region"() ({
      %run_scoped3A_167 = tpu.sem_alloc : memref<!tpu.dma_semaphore, #tpu.memory_space<semaphore_mem>>
      %dma_start3A_168 = arith.constant 0 : i32
      %dma_start3A_169 = arith.constant 0 : i32
      %dma_start3A_170 = tpu.memref_slice %arg9[%run_scoped3A_20, %dma_start3A_168, %dma_start3A_169] : memref<6x128x64xf32, #tpu.memory_space<vmem>> -> memref<1x120x64xf32, #tpu.memory_space<vmem>>
      %dma_start3A_171 = tpu.memref_squeeze %dma_start3A_170 : memref<1x120x64xf32, #tpu.memory_space<vmem>> -> memref<120x64xf32, #tpu.memory_space<vmem>>
      %dma_start3A_172 = arith.constant 0 : i32
      %dma_start3A_173 = tpu.memref_slice %arg10[%add3A_19, %dma_start3A_172] : memref<10112x64xf32, #tpu.memory_space<vmem_shared>> -> memref<120x64xf32, #tpu.memory_space<vmem_shared>>
      %dma_start3A_174 = arith.constant 0 : i32
      %dma_start3A_175 = tpu.memref_slice %arg10[%add3A_19, %dma_start3A_174] : memref<10112x64xf32, #tpu.memory_space<vmem_shared>> -> memref<120x64xf32, #tpu.memory_space<vmem_shared>>
      %dma_start3A_176 = arith.constant 0 : i32
      %dma_start3A_177 = arith.constant 0 : i32
      %dma_start3A_178 = tpu.memref_slice %arg9[%run_scoped3A_20, %dma_start3A_176, %dma_start3A_177] : memref<6x128x64xf32, #tpu.memory_space<vmem>> -> memref<1x120x64xf32, #tpu.memory_space<vmem>>
      %dma_start3A_179 = tpu.memref_squeeze %dma_start3A_178 : memref<1x120x64xf32, #tpu.memory_space<vmem>> -> memref<120x64xf32, #tpu.memory_space<vmem>>
      tpu.enqueue_dma source(%dma_start3A_179 : memref<120x64xf32, #tpu.memory_space<vmem>>) target(%dma_start3A_175 : memref<120x64xf32, #tpu.memory_space<vmem_shared>>) target_semaphore(%run_scoped3A_167 : memref<!tpu.dma_semaphore, #tpu.memory_space<semaphore_mem>>)
      %dma_wait3A_180 = arith.constant 0 : i32
      %dma_wait3A_181 = arith.constant 0 : i32
      %dma_wait3A_182 = tpu.memref_slice %arg9[%run_scoped3A_20, %dma_wait3A_180, %dma_wait3A_181] : memref<6x128x64xf32, #tpu.memory_space<vmem>> -> memref<1x120x64xf32, #tpu.memory_space<vmem>>
      %dma_wait3A_183 = tpu.memref_squeeze %dma_wait3A_182 : memref<1x120x64xf32, #tpu.memory_space<vmem>> -> memref<120x64xf32, #tpu.memory_space<vmem>>
      %dma_wait3A_184 = arith.constant 0 : i32
      %dma_wait3A_185 = tpu.memref_slice %arg10[%add3A_19, %dma_wait3A_184] : memref<10112x64xf32, #tpu.memory_space<vmem_shared>> -> memref<120x64xf32, #tpu.memory_space<vmem_shared>>
      %dma_wait3A_186 = arith.constant 0 : i32
      %dma_wait3A_187 = tpu.memref_slice %arg10[%add3A_19, %dma_wait3A_186] : memref<10112x64xf32, #tpu.memory_space<vmem_shared>> -> memref<120x64xf32, #tpu.memory_space<vmem_shared>>
      %dma_wait3A_188 = arith.constant 0 : i32
      %dma_wait3A_189 = arith.constant 0 : i32
      %dma_wait3A_190 = tpu.memref_slice %arg9[%run_scoped3A_20, %dma_wait3A_188, %dma_wait3A_189] : memref<6x128x64xf32, #tpu.memory_space<vmem>> -> memref<1x120x64xf32, #tpu.memory_space<vmem>>
      %dma_wait3A_191 = tpu.memref_squeeze %dma_wait3A_190 : memref<1x120x64xf32, #tpu.memory_space<vmem>> -> memref<120x64xf32, #tpu.memory_space<vmem>>
      tpu.wait_dma2 semaphore(%run_scoped3A_167 : memref<!tpu.dma_semaphore, #tpu.memory_space<semaphore_mem>>) src(%dma_wait3A_191 : memref<120x64xf32, #tpu.memory_space<vmem>>) dst(%dma_wait3A_187 : memref<120x64xf32, #tpu.memory_space<vmem_shared>>)
      tpu.yield
    }) : () -> ()
    "tpu.region"() ({
      %run_scoped3A_167 = tpu.sem_alloc : memref<!tpu.dma_semaphore, #tpu.memory_space<semaphore_mem>>
      %dma_start3A_168 = arith.constant 0 : i32
      %dma_start3A_169 = arith.constant 0 : i32
      %dma_start3A_170 = tpu.memref_slice %arg3[%arg0, %arg1, %dma_start3A_168, %dma_start3A_169] : memref<2x16x158x128xi32, #tpu.memory_space<hbm>> -> memref<1x1x158x128xi32, #tpu.memory_space<hbm>>
      %dma_start3A_171 = tpu.memref_squeeze %dma_start3A_170 : memref<1x1x158x128xi32, #tpu.memory_space<hbm>> -> memref<158x128xi32, #tpu.memory_space<hbm>>
      %dma_start3A_172 = arith.constant 0 : i32
      %dma_start3A_173 = arith.constant 0 : i32
      %dma_start3A_174 = tpu.memref_slice %arg3[%arg0, %arg1, %dma_start3A_172, %dma_start3A_173] : memref<2x16x158x128xi32, #tpu.memory_space<hbm>> -> memref<1x1x158x128xi32, #tpu.memory_space<hbm>>
      %dma_start3A_175 = tpu.memref_squeeze %dma_start3A_174 : memref<1x1x158x128xi32, #tpu.memory_space<hbm>> -> memref<158x128xi32, #tpu.memory_space<hbm>>
      tpu.enqueue_dma source(%dma_start3A_175 : memref<158x128xi32, #tpu.memory_space<hbm>>) target(%arg6 : memref<158x128xi32, #tpu.memory_space<vmem>>) target_semaphore(%run_scoped3A_167 : memref<!tpu.dma_semaphore, #tpu.memory_space<semaphore_mem>>)
      %dma_wait3A_176 = arith.constant 0 : i32
      %dma_wait3A_177 = arith.constant 0 : i32
      %dma_wait3A_178 = tpu.memref_slice %arg3[%arg0, %arg1, %dma_wait3A_176, %dma_wait3A_177] : memref<2x16x158x128xi32, #tpu.memory_space<hbm>> -> memref<1x1x158x128xi32, #tpu.memory_space<hbm>>
      %dma_wait3A_179 = tpu.memref_squeeze %dma_wait3A_178 : memref<1x1x158x128xi32, #tpu.memory_space<hbm>> -> memref<158x128xi32, #tpu.memory_space<hbm>>
      %dma_wait3A_180 = arith.constant 0 : i32
      %dma_wait3A_181 = arith.constant 0 : i32
      %dma_wait3A_182 = tpu.memref_slice %arg3[%arg0, %arg1, %dma_wait3A_180, %dma_wait3A_181] : memref<2x16x158x128xi32, #tpu.memory_space<hbm>> -> memref<1x1x158x128xi32, #tpu.memory_space<hbm>>
      %dma_wait3A_183 = tpu.memref_squeeze %dma_wait3A_182 : memref<1x1x158x128xi32, #tpu.memory_space<hbm>> -> memref<158x128xi32, #tpu.memory_space<hbm>>
      tpu.wait_dma2 semaphore(%run_scoped3A_167 : memref<!tpu.dma_semaphore, #tpu.memory_space<semaphore_mem>>) src(%dma_wait3A_183 : memref<158x128xi32, #tpu.memory_space<hbm>>) dst(%arg6 : memref<158x128xi32, #tpu.memory_space<vmem>>)
      tpu.yield
    }) : () -> ()
    "tpu.region"() ({
      %run_scoped3A_167 = tpu.sem_alloc : memref<!tpu.dma_semaphore, #tpu.memory_space<semaphore_mem>>
      %dma_start3A_168 = arith.constant 0 : i32
      %dma_start3A_169 = arith.constant 0 : i32
      %dma_start3A_170 = tpu.memref_slice %arg4[%arg1, %dma_start3A_168, %dma_start3A_169] : memref<16x158x128xi32, #tpu.memory_space<hbm>> -> memref<1x158x128xi32, #tpu.memory_space<hbm>>
      %dma_start3A_171 = tpu.memref_squeeze %dma_start3A_170 : memref<1x158x128xi32, #tpu.memory_space<hbm>> -> memref<158x128xi32, #tpu.memory_space<hbm>>
      %dma_start3A_172 = arith.constant 0 : i32
      %dma_start3A_173 = arith.constant 0 : i32
      %dma_start3A_174 = tpu.memref_slice %arg4[%arg1, %dma_start3A_172, %dma_start3A_173] : memref<16x158x128xi32, #tpu.memory_space<hbm>> -> memref<1x158x128xi32, #tpu.memory_space<hbm>>
      %dma_start3A_175 = tpu.memref_squeeze %dma_start3A_174 : memref<1x158x128xi32, #tpu.memory_space<hbm>> -> memref<158x128xi32, #tpu.memory_space<hbm>>
      tpu.enqueue_dma source(%dma_start3A_175 : memref<158x128xi32, #tpu.memory_space<hbm>>) target(%arg7 : memref<158x128xi32, #tpu.memory_space<vmem>>) target_semaphore(%run_scoped3A_167 : memref<!tpu.dma_semaphore, #tpu.memory_space<semaphore_mem>>)
      %dma_wait3A_176 = arith.constant 0 : i32
      %dma_wait3A_177 = arith.constant 0 : i32
      %dma_wait3A_178 = tpu.memref_slice %arg4[%arg1, %dma_wait3A_176, %dma_wait3A_177] : memref<16x158x128xi32, #tpu.memory_space<hbm>> -> memref<1x158x128xi32, #tpu.memory_space<hbm>>
      %dma_wait3A_179 = tpu.memref_squeeze %dma_wait3A_178 : memref<1x158x128xi32, #tpu.memory_space<hbm>> -> memref<158x128xi32, #tpu.memory_space<hbm>>
      %dma_wait3A_180 = arith.constant 0 : i32
      %dma_wait3A_181 = arith.constant 0 : i32
      %dma_wait3A_182 = tpu.memref_slice %arg4[%arg1, %dma_wait3A_180, %dma_wait3A_181] : memref<16x158x128xi32, #tpu.memory_space<hbm>> -> memref<1x158x128xi32, #tpu.memory_space<hbm>>
      %dma_wait3A_183 = tpu.memref_squeeze %dma_wait3A_182 : memref<1x158x128xi32, #tpu.memory_space<hbm>> -> memref<158x128xi32, #tpu.memory_space<hbm>>
      tpu.wait_dma2 semaphore(%run_scoped3A_167 : memref<!tpu.dma_semaphore, #tpu.memory_space<semaphore_mem>>) src(%dma_wait3A_183 : memref<158x128xi32, #tpu.memory_space<hbm>>) dst(%arg7 : memref<158x128xi32, #tpu.memory_space<vmem>>)
      tpu.yield
    }) : () -> ()
    %barrier3A = arith.constant 0 : index
    tpu.barrier barrier_id(%barrier3A)
    %dma_start3A = arith.constant 0 : i32
    %dma_start3A_21 = arith.constant 0 : i32
    %dma_start3A_22 = arith.constant 0 : i32
    %dma_start3A_23 = arith.constant 0 : i32
    %dma_start3A_24 = tpu.memref_slice %arg9[%dma_start3A_21, %dma_start3A_22, %dma_start3A_23] : memref<6x128x64xf32, #tpu.memory_space<vmem>> -> memref<1x128x64xf32, #tpu.memory_space<vmem>>
    %dma_start3A_25 = tpu.memref_squeeze %dma_start3A_24 : memref<1x128x64xf32, #tpu.memory_space<vmem>> -> memref<128x64xf32, #tpu.memory_space<vmem>>
    %dma_start3A_26 = arith.constant 0 : i32
    %dma_start3A_27 = tpu.memref_slice %arg6[%dma_start3A, %dma_start3A_26] : memref<158x128xi32, #tpu.memory_space<vmem>> -> memref<1x128xi32, #tpu.memory_space<vmem>>
    %dma_start3A_28 = tpu.memref_squeeze %dma_start3A_27 : memref<1x128xi32, #tpu.memory_space<vmem>> -> memref<128xi32, #tpu.memory_space<vmem>>
    %dma_start3A_29 = arith.constant 0 : i32
    %dma_start3A_30 = arith.constant 0 : i32
    %dma_start3A_31 = tpu.memref_slice %arg2[%dma_start3A_29, %dma_start3A_30] : memref<20224x64xf32, #tpu.memory_space<hbm>> -> memref<20224x64xf32, #tpu.memory_space<hbm>>
    tpu.enqueue_indirect_dma source(%dma_start3A_31 : memref<20224x64xf32, #tpu.memory_space<hbm>>) target(%dma_start3A_25 : memref<128x64xf32, #tpu.memory_space<vmem>>) offsets(%dma_start3A_28 : memref<128xi32, #tpu.memory_space<vmem>>) semaphore(%arg11 : memref<!tpu.dma_semaphore, #tpu.memory_space<semaphore_mem>>)
    %dma_start3A_32 = arith.constant 1 : i32
    %dma_start3A_33 = arith.constant 1 : i32
    %dma_start3A_34 = arith.constant 0 : i32
    %dma_start3A_35 = arith.constant 0 : i32
    %dma_start3A_36 = tpu.memref_slice %arg9[%dma_start3A_33, %dma_start3A_34, %dma_start3A_35] : memref<6x128x64xf32, #tpu.memory_space<vmem>> -> memref<1x128x64xf32, #tpu.memory_space<vmem>>
    %dma_start3A_37 = tpu.memref_squeeze %dma_start3A_36 : memref<1x128x64xf32, #tpu.memory_space<vmem>> -> memref<128x64xf32, #tpu.memory_space<vmem>>
    %dma_start3A_38 = arith.constant 0 : i32
    %dma_start3A_39 = tpu.memref_slice %arg6[%dma_start3A_32, %dma_start3A_38] : memref<158x128xi32, #tpu.memory_space<vmem>> -> memref<1x128xi32, #tpu.memory_space<vmem>>
    %dma_start3A_40 = tpu.memref_squeeze %dma_start3A_39 : memref<1x128xi32, #tpu.memory_space<vmem>> -> memref<128xi32, #tpu.memory_space<vmem>>
    %dma_start3A_41 = arith.constant 0 : i32
    %dma_start3A_42 = arith.constant 0 : i32
    %dma_start3A_43 = tpu.memref_slice %arg2[%dma_start3A_41, %dma_start3A_42] : memref<20224x64xf32, #tpu.memory_space<hbm>> -> memref<20224x64xf32, #tpu.memory_space<hbm>>
    tpu.enqueue_indirect_dma source(%dma_start3A_43 : memref<20224x64xf32, #tpu.memory_space<hbm>>) target(%dma_start3A_37 : memref<128x64xf32, #tpu.memory_space<vmem>>) offsets(%dma_start3A_40 : memref<128xi32, #tpu.memory_space<vmem>>) semaphore(%arg11 : memref<!tpu.dma_semaphore, #tpu.memory_space<semaphore_mem>>)
    %dma_start3A_44 = arith.constant 2 : i32
    %dma_start3A_45 = arith.constant 2 : i32
    %dma_start3A_46 = arith.constant 0 : i32
    %dma_start3A_47 = arith.constant 0 : i32
    %dma_start3A_48 = tpu.memref_slice %arg9[%dma_start3A_45, %dma_start3A_46, %dma_start3A_47] : memref<6x128x64xf32, #tpu.memory_space<vmem>> -> memref<1x128x64xf32, #tpu.memory_space<vmem>>
    %dma_start3A_49 = tpu.memref_squeeze %dma_start3A_48 : memref<1x128x64xf32, #tpu.memory_space<vmem>> -> memref<128x64xf32, #tpu.memory_space<vmem>>
    %dma_start3A_50 = arith.constant 0 : i32
    %dma_start3A_51 = tpu.memref_slice %arg6[%dma_start3A_44, %dma_start3A_50] : memref<158x128xi32, #tpu.memory_space<vmem>> -> memref<1x128xi32, #tpu.memory_space<vmem>>
    %dma_start3A_52 = tpu.memref_squeeze %dma_start3A_51 : memref<1x128xi32, #tpu.memory_space<vmem>> -> memref<128xi32, #tpu.memory_space<vmem>>
    %dma_start3A_53 = arith.constant 0 : i32
    %dma_start3A_54 = arith.constant 0 : i32
    %dma_start3A_55 = tpu.memref_slice %arg2[%dma_start3A_53, %dma_start3A_54] : memref<20224x64xf32, #tpu.memory_space<hbm>> -> memref<20224x64xf32, #tpu.memory_space<hbm>>
    tpu.enqueue_indirect_dma source(%dma_start3A_55 : memref<20224x64xf32, #tpu.memory_space<hbm>>) target(%dma_start3A_49 : memref<128x64xf32, #tpu.memory_space<vmem>>) offsets(%dma_start3A_52 : memref<128xi32, #tpu.memory_space<vmem>>) semaphore(%arg11 : memref<!tpu.dma_semaphore, #tpu.memory_space<semaphore_mem>>)
    %dma_start3A_56 = arith.constant 3 : i32
    %dma_start3A_57 = arith.constant 3 : i32
    %dma_start3A_58 = arith.constant 0 : i32
    %dma_start3A_59 = arith.constant 0 : i32
    %dma_start3A_60 = tpu.memref_slice %arg9[%dma_start3A_57, %dma_start3A_58, %dma_start3A_59] : memref<6x128x64xf32, #tpu.memory_space<vmem>> -> memref<1x128x64xf32, #tpu.memory_space<vmem>>
    %dma_start3A_61 = tpu.memref_squeeze %dma_start3A_60 : memref<1x128x64xf32, #tpu.memory_space<vmem>> -> memref<128x64xf32, #tpu.memory_space<vmem>>
    %dma_start3A_62 = arith.constant 0 : i32
    %dma_start3A_63 = tpu.memref_slice %arg6[%dma_start3A_56, %dma_start3A_62] : memref<158x128xi32, #tpu.memory_space<vmem>> -> memref<1x128xi32, #tpu.memory_space<vmem>>
    %dma_start3A_64 = tpu.memref_squeeze %dma_start3A_63 : memref<1x128xi32, #tpu.memory_space<vmem>> -> memref<128xi32, #tpu.memory_space<vmem>>
    %dma_start3A_65 = arith.constant 0 : i32
    %dma_start3A_66 = arith.constant 0 : i32
    %dma_start3A_67 = tpu.memref_slice %arg2[%dma_start3A_65, %dma_start3A_66] : memref<20224x64xf32, #tpu.memory_space<hbm>> -> memref<20224x64xf32, #tpu.memory_space<hbm>>
    tpu.enqueue_indirect_dma source(%dma_start3A_67 : memref<20224x64xf32, #tpu.memory_space<hbm>>) target(%dma_start3A_61 : memref<128x64xf32, #tpu.memory_space<vmem>>) offsets(%dma_start3A_64 : memref<128xi32, #tpu.memory_space<vmem>>) semaphore(%arg11 : memref<!tpu.dma_semaphore, #tpu.memory_space<semaphore_mem>>)
    %scan3A_68 = arith.constant 0 : i32
    %scan3A_69 = arith.constant 0 : i32
    %scan3A_70 = arith.constant 158 : i32
    %scan3A_71 = arith.addi %scan3A_69, %scan3A_70 : i32
    %scan3A_72 = arith.constant 1 : i32
    %scan3A_73 = scf.for %scan3A_167 = %scan3A_69 to %scan3A_71 step %scan3A_72 iter_args(%scan3A_168 = %scan3A_68) -> (i32)  : i32 {
      %add3A_169 = arith.constant 4 : i32
      %add3A_170 = arith.addi %scan3A_167, %add3A_169 : i32
      %lt3A = arith.constant 158 : i32
      %lt3A_171 = arith.cmpi slt, %add3A_170, %lt3A : i32
      %convert_element_type3A = arith.extui %lt3A_171 : i1 to i32
      %cond3A = arith.constant 0 : i32
      %cond3A_172 = arith.cmpi ne, %convert_element_type3A, %cond3A : i32
      scf.if %cond3A_172 {
        %ge3A = arith.constant 2 : i32
        %ge3A_338 = arith.cmpi sge, %scan3A_167, %ge3A : i32
        %convert_element_type3A_339 = arith.extui %ge3A_338 : i1 to i32
        %cond3A_340 = arith.constant 0 : i32
        %cond3A_341 = arith.cmpi ne, %convert_element_type3A_339, %cond3A_340 : i32
        scf.if %cond3A_341 {
          %sub3A = arith.constant 2 : i32
          %sub3A_370 = arith.subi %scan3A_167, %sub3A : i32
          %jit3A_371 = arith.constant 6 : i32
          %eq3A_372 = arith.constant 0 : i32
          %eq3A_373 = arith.cmpi eq, %jit3A_371, %eq3A_372 : i32
          %jit3A_374 = arith.constant 1 : i32
          %select_n3A_375 = arith.select %eq3A_373, %jit3A_374, %jit3A_371 : i32
          %rem3A_376 = arith.remsi %sub3A_370, %select_n3A_375 : i32
          %ne3A_377 = arith.constant 0 : i32
          %ne3A_378 = arith.cmpi ne, %rem3A_376, %ne3A_377 : i32
          %lt3A_379 = arith.constant 0 : i32
          %lt3A_380 = arith.cmpi slt, %rem3A_376, %lt3A_379 : i32
          %lt3A_381 = arith.constant 0 : i32
          %lt3A_382 = arith.cmpi slt, %select_n3A_375, %lt3A_381 : i32
          %ne3A_383 = arith.xori %lt3A_380, %lt3A_382 : i1
          %and3A_384 = arith.andi %ne3A_383, %ne3A_378 : i1
          %add3A_385 = arith.addi %rem3A_376, %select_n3A_375 : i32
          %select_n3A_386 = arith.select %and3A_384, %add3A_385, %rem3A_376 : i32
          %jit3A_387 = arith.constant 6 : i32
          %eq3A_388 = arith.constant 0 : i32
          %eq3A_389 = arith.cmpi eq, %jit3A_387, %eq3A_388 : i32
          %jit3A_390 = arith.constant 1 : i32
          %select_n3A_391 = arith.select %eq3A_389, %jit3A_390, %jit3A_387 : i32
          %rem3A_392 = arith.remsi %sub3A_370, %select_n3A_391 : i32
          %ne3A_393 = arith.constant 0 : i32
          %ne3A_394 = arith.cmpi ne, %rem3A_392, %ne3A_393 : i32
          %lt3A_395 = arith.constant 0 : i32
          %lt3A_396 = arith.cmpi slt, %rem3A_392, %lt3A_395 : i32
          %lt3A_397 = arith.constant 0 : i32
          %lt3A_398 = arith.cmpi slt, %select_n3A_391, %lt3A_397 : i32
          %ne3A_399 = arith.xori %lt3A_396, %lt3A_398 : i1
          %and3A_400 = arith.andi %ne3A_399, %ne3A_394 : i1
          %add3A_401 = arith.addi %rem3A_392, %select_n3A_391 : i32
          %select_n3A_402 = arith.select %and3A_400, %add3A_401, %rem3A_392 : i32
          %dma_wait3A_403 = arith.constant 0 : i32
          %dma_wait3A_404 = arith.constant 0 : i32
          %dma_wait3A_405 = tpu.memref_slice %arg9[%select_n3A_386, %dma_wait3A_403, %dma_wait3A_404] : memref<6x128x64xf32, #tpu.memory_space<vmem>> -> memref<1x128x64xf32, #tpu.memory_space<vmem>>
          %dma_wait3A_406 = tpu.memref_squeeze %dma_wait3A_405 : memref<1x128x64xf32, #tpu.memory_space<vmem>> -> memref<128x64xf32, #tpu.memory_space<vmem>>
          %dma_wait3A_407 = arith.constant 0 : i32
          %dma_wait3A_408 = tpu.memref_slice %arg8[%select_n3A_402, %dma_wait3A_407] : memref<6x128xi32, #tpu.memory_space<vmem>> -> memref<1x128xi32, #tpu.memory_space<vmem>>
          %dma_wait3A_409 = tpu.memref_squeeze %dma_wait3A_408 : memref<1x128xi32, #tpu.memory_space<vmem>> -> memref<128xi32, #tpu.memory_space<vmem>>
          %dma_wait3A_410 = arith.constant 0 : i32
          %dma_wait3A_411 = arith.constant 0 : i32
          %dma_wait3A_412 = tpu.memref_slice %arg10[%dma_wait3A_410, %dma_wait3A_411] : memref<10112x64xf32, #tpu.memory_space<vmem_shared>> -> memref<10112x64xf32, #tpu.memory_space<vmem_shared>>
          tpu.wait_indirect_dma semaphore(%arg12 : memref<!tpu.dma_semaphore, #tpu.memory_space<semaphore_mem>>) src(%dma_wait3A_406 : memref<128x64xf32, #tpu.memory_space<vmem>>) dst(%dma_wait3A_412 : memref<10112x64xf32, #tpu.memory_space<vmem_shared>>)
        } else {
        }
        %add3A_342 = arith.constant 4 : i32
        %add3A_343 = arith.addi %scan3A_167, %add3A_342 : i32
        %jit3A_344 = arith.constant 6 : i32
        %eq3A_345 = arith.constant 0 : i32
        %eq3A_346 = arith.cmpi eq, %jit3A_344, %eq3A_345 : i32
        %jit3A_347 = arith.constant 1 : i32
        %select_n3A_348 = arith.select %eq3A_346, %jit3A_347, %jit3A_344 : i32
        %rem3A_349 = arith.remsi %add3A_343, %select_n3A_348 : i32
        %ne3A_350 = arith.constant 0 : i32
        %ne3A_351 = arith.cmpi ne, %rem3A_349, %ne3A_350 : i32
        %lt3A_352 = arith.constant 0 : i32
        %lt3A_353 = arith.cmpi slt, %rem3A_349, %lt3A_352 : i32
        %lt3A_354 = arith.constant 0 : i32
        %lt3A_355 = arith.cmpi slt, %select_n3A_348, %lt3A_354 : i32
        %ne3A_356 = arith.xori %lt3A_353, %lt3A_355 : i1
        %and3A_357 = arith.andi %ne3A_356, %ne3A_351 : i1
        %add3A_358 = arith.addi %rem3A_349, %select_n3A_348 : i32
        %select_n3A_359 = arith.select %and3A_357, %add3A_358, %rem3A_349 : i32
        %dma_start3A_360 = arith.constant 0 : i32
        %dma_start3A_361 = arith.constant 0 : i32
        %dma_start3A_362 = tpu.memref_slice %arg9[%select_n3A_359, %dma_start3A_360, %dma_start3A_361] : memref<6x128x64xf32, #tpu.memory_space<vmem>> -> memref<1x128x64xf32, #tpu.memory_space<vmem>>
        %dma_start3A_363 = tpu.memref_squeeze %dma_start3A_362 : memref<1x128x64xf32, #tpu.memory_space<vmem>> -> memref<128x64xf32, #tpu.memory_space<vmem>>
        %dma_start3A_364 = arith.constant 0 : i32
        %dma_start3A_365 = tpu.memref_slice %arg6[%add3A_343, %dma_start3A_364] : memref<158x128xi32, #tpu.memory_space<vmem>> -> memref<1x128xi32, #tpu.memory_space<vmem>>
        %dma_start3A_366 = tpu.memref_squeeze %dma_start3A_365 : memref<1x128xi32, #tpu.memory_space<vmem>> -> memref<128xi32, #tpu.memory_space<vmem>>
        %dma_start3A_367 = arith.constant 0 : i32
        %dma_start3A_368 = arith.constant 0 : i32
        %dma_start3A_369 = tpu.memref_slice %arg2[%dma_start3A_367, %dma_start3A_368] : memref<20224x64xf32, #tpu.memory_space<hbm>> -> memref<20224x64xf32, #tpu.memory_space<hbm>>
        tpu.enqueue_indirect_dma source(%dma_start3A_369 : memref<20224x64xf32, #tpu.memory_space<hbm>>) target(%dma_start3A_363 : memref<128x64xf32, #tpu.memory_space<vmem>>) offsets(%dma_start3A_366 : memref<128xi32, #tpu.memory_space<vmem>>) semaphore(%arg11 : memref<!tpu.dma_semaphore, #tpu.memory_space<semaphore_mem>>)
      } else {
      }
      %jit3A = arith.constant 6 : i32
      %eq3A = arith.constant 0 : i32
      %eq3A_173 = arith.cmpi eq, %jit3A, %eq3A : i32
      %jit3A_174 = arith.constant 1 : i32
      %select_n3A = arith.select %eq3A_173, %jit3A_174, %jit3A : i32
      %rem3A = arith.remsi %scan3A_167, %select_n3A : i32
      %ne3A = arith.constant 0 : i32
      %ne3A_175 = arith.cmpi ne, %rem3A, %ne3A : i32
      %lt3A_176 = arith.constant 0 : i32
      %lt3A_177 = arith.cmpi slt, %rem3A, %lt3A_176 : i32
      %lt3A_178 = arith.constant 0 : i32
      %lt3A_179 = arith.cmpi slt, %select_n3A, %lt3A_178 : i32
      %ne3A_180 = arith.xori %lt3A_177, %lt3A_179 : i1
      %and3A = arith.andi %ne3A_180, %ne3A_175 : i1
      %add3A_181 = arith.addi %rem3A, %select_n3A : i32
      %select_n3A_182 = arith.select %and3A, %add3A_181, %rem3A : i32
      %dma_wait3A_183 = arith.constant 0 : i32
      %dma_wait3A_184 = arith.constant 0 : i32
      %dma_wait3A_185 = tpu.memref_slice %arg9[%select_n3A_182, %dma_wait3A_183, %dma_wait3A_184] : memref<6x128x64xf32, #tpu.memory_space<vmem>> -> memref<1x128x64xf32, #tpu.memory_space<vmem>>
      %dma_wait3A_186 = tpu.memref_squeeze %dma_wait3A_185 : memref<1x128x64xf32, #tpu.memory_space<vmem>> -> memref<128x64xf32, #tpu.memory_space<vmem>>
      %dma_wait3A_187 = arith.constant 0 : i32
      %dma_wait3A_188 = tpu.memref_slice %arg6[%scan3A_167, %dma_wait3A_187] : memref<158x128xi32, #tpu.memory_space<vmem>> -> memref<1x128xi32, #tpu.memory_space<vmem>>
      %dma_wait3A_189 = tpu.memref_squeeze %dma_wait3A_188 : memref<1x128xi32, #tpu.memory_space<vmem>> -> memref<128xi32, #tpu.memory_space<vmem>>
      %dma_wait3A_190 = arith.constant 0 : i32
      %dma_wait3A_191 = arith.constant 0 : i32
      %dma_wait3A_192 = tpu.memref_slice %arg2[%dma_wait3A_190, %dma_wait3A_191] : memref<20224x64xf32, #tpu.memory_space<hbm>> -> memref<20224x64xf32, #tpu.memory_space<hbm>>
      tpu.wait_indirect_dma semaphore(%arg11 : memref<!tpu.dma_semaphore, #tpu.memory_space<semaphore_mem>>) src(%dma_wait3A_192 : memref<20224x64xf32, #tpu.memory_space<hbm>>) dst(%dma_wait3A_186 : memref<128x64xf32, #tpu.memory_space<vmem>>)
      %jit3A_193 = arith.constant 6 : i32
      %eq3A_194 = arith.constant 0 : i32
      %eq3A_195 = arith.cmpi eq, %jit3A_193, %eq3A_194 : i32
      %jit3A_196 = arith.constant 1 : i32
      %select_n3A_197 = arith.select %eq3A_195, %jit3A_196, %jit3A_193 : i32
      %rem3A_198 = arith.remsi %scan3A_167, %select_n3A_197 : i32
      %ne3A_199 = arith.constant 0 : i32
      %ne3A_200 = arith.cmpi ne, %rem3A_198, %ne3A_199 : i32
      %lt3A_201 = arith.constant 0 : i32
      %lt3A_202 = arith.cmpi slt, %rem3A_198, %lt3A_201 : i32
      %lt3A_203 = arith.constant 0 : i32
      %lt3A_204 = arith.cmpi slt, %select_n3A_197, %lt3A_203 : i32
      %ne3A_205 = arith.xori %lt3A_202, %lt3A_204 : i1
      %and3A_206 = arith.andi %ne3A_205, %ne3A_200 : i1
      %add3A_207 = arith.addi %rem3A_198, %select_n3A_197 : i32
      %select_n3A_208 = arith.select %and3A_206, %add3A_207, %rem3A_198 : i32
      %get3A = arith.index_cast %scan3A_167 : i32 to index
      %get3A_209 = arith.constant 0 : index
      %get3A_210 = tpu.vector_load %arg7[%get3A, %get3A_209] {strides = array<i32>} : memref<158x128xi32, #tpu.memory_space<vmem>>, vector<1x16xi32>,
      %get3A_211 = vector.shape_cast %get3A_210 : vector<1x16xi32> to vector<16xi32>
      %swap3A = arith.constant 0 : i32
      %swap3A_212 = tpu.memref_slice %arg8[%select_n3A_208, %swap3A] : memref<6x128xi32, #tpu.memory_space<vmem>> -> memref<1x128xi32, #tpu.memory_space<vmem>>
      %swap3A_213 = tpu.memref_squeeze %swap3A_212 : memref<1x128xi32, #tpu.memory_space<vmem>> -> memref<128xi32, #tpu.memory_space<vmem>>
      %swap3A_214 = arith.constant 0 : index
      %swap3A_215 = tpu.vector_load %swap3A_213[%swap3A_214] {strides = array<i32>} : memref<128xi32, #tpu.memory_space<vmem>>, vector<16xi32>,
      %swap3A_216 = vector.shape_cast %swap3A_215 : vector<16xi32> to vector<16xi32>
      %swap3A_217 = vector.shape_cast %get3A_211 : vector<16xi32> to vector<16xi32>
      tpu.vector_store %swap3A_213[%swap3A_214], %swap3A_217 {strides = array<i32>} : memref<128xi32, #tpu.memory_space<vmem>>, vector<16xi32>,
      %get3A_218 = arith.index_cast %scan3A_167 : i32 to index
      %get3A_219 = arith.constant 16 : index
      %get3A_220 = tpu.vector_load %arg7[%get3A_218, %get3A_219] {strides = array<i32>} : memref<158x128xi32, #tpu.memory_space<vmem>>, vector<1x16xi32>,
      %get3A_221 = vector.shape_cast %get3A_220 : vector<1x16xi32> to vector<16xi32>
      %swap3A_222 = arith.constant 0 : i32
      %swap3A_223 = tpu.memref_slice %arg8[%select_n3A_208, %swap3A_222] : memref<6x128xi32, #tpu.memory_space<vmem>> -> memref<1x128xi32, #tpu.memory_space<vmem>>
      %swap3A_224 = tpu.memref_squeeze %swap3A_223 : memref<1x128xi32, #tpu.memory_space<vmem>> -> memref<128xi32, #tpu.memory_space<vmem>>
      %swap3A_225 = arith.constant 16 : index
      %swap3A_226 = tpu.vector_load %swap3A_224[%swap3A_225] {strides = array<i32>} : memref<128xi32, #tpu.memory_space<vmem>>, vector<16xi32>,
      %swap3A_227 = vector.shape_cast %swap3A_226 : vector<16xi32> to vector<16xi32>
      %swap3A_228 = vector.shape_cast %get3A_221 : vector<16xi32> to vector<16xi32>
      tpu.vector_store %swap3A_224[%swap3A_225], %swap3A_228 {strides = array<i32>} : memref<128xi32, #tpu.memory_space<vmem>>, vector<16xi32>,
      %get3A_229 = arith.index_cast %scan3A_167 : i32 to index
      %get3A_230 = arith.constant 32 : index
      %get3A_231 = tpu.vector_load %arg7[%get3A_229, %get3A_230] {strides = array<i32>} : memref<158x128xi32, #tpu.memory_space<vmem>>, vector<1x16xi32>,
      %get3A_232 = vector.shape_cast %get3A_231 : vector<1x16xi32> to vector<16xi32>
      %swap3A_233 = arith.constant 0 : i32
      %swap3A_234 = tpu.memref_slice %arg8[%select_n3A_208, %swap3A_233] : memref<6x128xi32, #tpu.memory_space<vmem>> -> memref<1x128xi32, #tpu.memory_space<vmem>>
      %swap3A_235 = tpu.memref_squeeze %swap3A_234 : memref<1x128xi32, #tpu.memory_space<vmem>> -> memref<128xi32, #tpu.memory_space<vmem>>
      %swap3A_236 = arith.constant 32 : index
      %swap3A_237 = tpu.vector_load %swap3A_235[%swap3A_236] {strides = array<i32>} : memref<128xi32, #tpu.memory_space<vmem>>, vector<16xi32>,
      %swap3A_238 = vector.shape_cast %swap3A_237 : vector<16xi32> to vector<16xi32>
      %swap3A_239 = vector.shape_cast %get3A_232 : vector<16xi32> to vector<16xi32>
      tpu.vector_store %swap3A_235[%swap3A_236], %swap3A_239 {strides = array<i32>} : memref<128xi32, #tpu.memory_space<vmem>>, vector<16xi32>,
      %get3A_240 = arith.index_cast %scan3A_167 : i32 to index
      %get3A_241 = arith.constant 48 : index
      %get3A_242 = tpu.vector_load %arg7[%get3A_240, %get3A_241] {strides = array<i32>} : memref<158x128xi32, #tpu.memory_space<vmem>>, vector<1x16xi32>,
      %get3A_243 = vector.shape_cast %get3A_242 : vector<1x16xi32> to vector<16xi32>
      %swap3A_244 = arith.constant 0 : i32
      %swap3A_245 = tpu.memref_slice %arg8[%select_n3A_208, %swap3A_244] : memref<6x128xi32, #tpu.memory_space<vmem>> -> memref<1x128xi32, #tpu.memory_space<vmem>>
      %swap3A_246 = tpu.memref_squeeze %swap3A_245 : memref<1x128xi32, #tpu.memory_space<vmem>> -> memref<128xi32, #tpu.memory_space<vmem>>
      %swap3A_247 = arith.constant 48 : index
      %swap3A_248 = tpu.vector_load %swap3A_246[%swap3A_247] {strides = array<i32>} : memref<128xi32, #tpu.memory_space<vmem>>, vector<16xi32>,
      %swap3A_249 = vector.shape_cast %swap3A_248 : vector<16xi32> to vector<16xi32>
      %swap3A_250 = vector.shape_cast %get3A_243 : vector<16xi32> to vector<16xi32>
      tpu.vector_store %swap3A_246[%swap3A_247], %swap3A_250 {strides = array<i32>} : memref<128xi32, #tpu.memory_space<vmem>>, vector<16xi32>,
      %get3A_251 = arith.index_cast %scan3A_167 : i32 to index
      %get3A_252 = arith.constant 64 : index
      %get3A_253 = tpu.vector_load %arg7[%get3A_251, %get3A_252] {strides = array<i32>} : memref<158x128xi32, #tpu.memory_space<vmem>>, vector<1x16xi32>,
      %get3A_254 = vector.shape_cast %get3A_253 : vector<1x16xi32> to vector<16xi32>
      %swap3A_255 = arith.constant 0 : i32
      %swap3A_256 = tpu.memref_slice %arg8[%select_n3A_208, %swap3A_255] : memref<6x128xi32, #tpu.memory_space<vmem>> -> memref<1x128xi32, #tpu.memory_space<vmem>>
      %swap3A_257 = tpu.memref_squeeze %swap3A_256 : memref<1x128xi32, #tpu.memory_space<vmem>> -> memref<128xi32, #tpu.memory_space<vmem>>
      %swap3A_258 = arith.constant 64 : index
      %swap3A_259 = tpu.vector_load %swap3A_257[%swap3A_258] {strides = array<i32>} : memref<128xi32, #tpu.memory_space<vmem>>, vector<16xi32>,
      %swap3A_260 = vector.shape_cast %swap3A_259 : vector<16xi32> to vector<16xi32>
      %swap3A_261 = vector.shape_cast %get3A_254 : vector<16xi32> to vector<16xi32>
      tpu.vector_store %swap3A_257[%swap3A_258], %swap3A_261 {strides = array<i32>} : memref<128xi32, #tpu.memory_space<vmem>>, vector<16xi32>,
      %get3A_262 = arith.index_cast %scan3A_167 : i32 to index
      %get3A_263 = arith.constant 80 : index
      %get3A_264 = tpu.vector_load %arg7[%get3A_262, %get3A_263] {strides = array<i32>} : memref<158x128xi32, #tpu.memory_space<vmem>>, vector<1x16xi32>,
      %get3A_265 = vector.shape_cast %get3A_264 : vector<1x16xi32> to vector<16xi32>
      %swap3A_266 = arith.constant 0 : i32
      %swap3A_267 = tpu.memref_slice %arg8[%select_n3A_208, %swap3A_266] : memref<6x128xi32, #tpu.memory_space<vmem>> -> memref<1x128xi32, #tpu.memory_space<vmem>>
      %swap3A_268 = tpu.memref_squeeze %swap3A_267 : memref<1x128xi32, #tpu.memory_space<vmem>> -> memref<128xi32, #tpu.memory_space<vmem>>
      %swap3A_269 = arith.constant 80 : index
      %swap3A_270 = tpu.vector_load %swap3A_268[%swap3A_269] {strides = array<i32>} : memref<128xi32, #tpu.memory_space<vmem>>, vector<16xi32>,
      %swap3A_271 = vector.shape_cast %swap3A_270 : vector<16xi32> to vector<16xi32>
      %swap3A_272 = vector.shape_cast %get3A_265 : vector<16xi32> to vector<16xi32>
      tpu.vector_store %swap3A_268[%swap3A_269], %swap3A_272 {strides = array<i32>} : memref<128xi32, #tpu.memory_space<vmem>>, vector<16xi32>,
      %get3A_273 = arith.index_cast %scan3A_167 : i32 to index
      %get3A_274 = arith.constant 96 : index
      %get3A_275 = tpu.vector_load %arg7[%get3A_273, %get3A_274] {strides = array<i32>} : memref<158x128xi32, #tpu.memory_space<vmem>>, vector<1x16xi32>,
      %get3A_276 = vector.shape_cast %get3A_275 : vector<1x16xi32> to vector<16xi32>
      %swap3A_277 = arith.constant 0 : i32
      %swap3A_278 = tpu.memref_slice %arg8[%select_n3A_208, %swap3A_277] : memref<6x128xi32, #tpu.memory_space<vmem>> -> memref<1x128xi32, #tpu.memory_space<vmem>>
      %swap3A_279 = tpu.memref_squeeze %swap3A_278 : memref<1x128xi32, #tpu.memory_space<vmem>> -> memref<128xi32, #tpu.memory_space<vmem>>
      %swap3A_280 = arith.constant 96 : index
      %swap3A_281 = tpu.vector_load %swap3A_279[%swap3A_280] {strides = array<i32>} : memref<128xi32, #tpu.memory_space<vmem>>, vector<16xi32>,
      %swap3A_282 = vector.shape_cast %swap3A_281 : vector<16xi32> to vector<16xi32>
      %swap3A_283 = vector.shape_cast %get3A_276 : vector<16xi32> to vector<16xi32>
      tpu.vector_store %swap3A_279[%swap3A_280], %swap3A_283 {strides = array<i32>} : memref<128xi32, #tpu.memory_space<vmem>>, vector<16xi32>,
      %get3A_284 = arith.index_cast %scan3A_167 : i32 to index
      %get3A_285 = arith.constant 112 : index
      %get3A_286 = tpu.vector_load %arg7[%get3A_284, %get3A_285] {strides = array<i32>} : memref<158x128xi32, #tpu.memory_space<vmem>>, vector<1x16xi32>,
      %get3A_287 = vector.shape_cast %get3A_286 : vector<1x16xi32> to vector<16xi32>
      %swap3A_288 = arith.constant 0 : i32
      %swap3A_289 = tpu.memref_slice %arg8[%select_n3A_208, %swap3A_288] : memref<6x128xi32, #tpu.memory_space<vmem>> -> memref<1x128xi32, #tpu.memory_space<vmem>>
      %swap3A_290 = tpu.memref_squeeze %swap3A_289 : memref<1x128xi32, #tpu.memory_space<vmem>> -> memref<128xi32, #tpu.memory_space<vmem>>
      %swap3A_291 = arith.constant 112 : index
      %swap3A_292 = tpu.vector_load %swap3A_290[%swap3A_291] {strides = array<i32>} : memref<128xi32, #tpu.memory_space<vmem>>, vector<16xi32>,
      %swap3A_293 = vector.shape_cast %swap3A_292 : vector<16xi32> to vector<16xi32>
      %swap3A_294 = vector.shape_cast %get3A_287 : vector<16xi32> to vector<16xi32>
      tpu.vector_store %swap3A_290[%swap3A_291], %swap3A_294 {strides = array<i32>} : memref<128xi32, #tpu.memory_space<vmem>>, vector<16xi32>,
      %jit3A_295 = arith.constant 6 : i32
      %eq3A_296 = arith.constant 0 : i32
      %eq3A_297 = arith.cmpi eq, %jit3A_295, %eq3A_296 : i32
      %jit3A_298 = arith.constant 1 : i32
      %select_n3A_299 = arith.select %eq3A_297, %jit3A_298, %jit3A_295 : i32
      %rem3A_300 = arith.remsi %scan3A_167, %select_n3A_299 : i32
      %ne3A_301 = arith.constant 0 : i32
      %ne3A_302 = arith.cmpi ne, %rem3A_300, %ne3A_301 : i32
      %lt3A_303 = arith.constant 0 : i32
      %lt3A_304 = arith.cmpi slt, %rem3A_300, %lt3A_303 : i32
      %lt3A_305 = arith.constant 0 : i32
      %lt3A_306 = arith.cmpi slt, %select_n3A_299, %lt3A_305 : i32
      %ne3A_307 = arith.xori %lt3A_304, %lt3A_306 : i1
      %and3A_308 = arith.andi %ne3A_307, %ne3A_302 : i1
      %add3A_309 = arith.addi %rem3A_300, %select_n3A_299 : i32
      %select_n3A_310 = arith.select %and3A_308, %add3A_309, %rem3A_300 : i32
      %jit3A_311 = arith.constant 6 : i32
      %eq3A_312 = arith.constant 0 : i32
      %eq3A_313 = arith.cmpi eq, %jit3A_311, %eq3A_312 : i32
      %jit3A_314 = arith.constant 1 : i32
      %select_n3A_315 = arith.select %eq3A_313, %jit3A_314, %jit3A_311 : i32
      %rem3A_316 = arith.remsi %scan3A_167, %select_n3A_315 : i32
      %ne3A_317 = arith.constant 0 : i32
      %ne3A_318 = arith.cmpi ne, %rem3A_316, %ne3A_317 : i32
      %lt3A_319 = arith.constant 0 : i32
      %lt3A_320 = arith.cmpi slt, %rem3A_316, %lt3A_319 : i32
      %lt3A_321 = arith.constant 0 : i32
      %lt3A_322 = arith.cmpi slt, %select_n3A_315, %lt3A_321 : i32
      %ne3A_323 = arith.xori %lt3A_320, %lt3A_322 : i1
      %and3A_324 = arith.andi %ne3A_323, %ne3A_318 : i1
      %add3A_325 = arith.addi %rem3A_316, %select_n3A_315 : i32
      %select_n3A_326 = arith.select %and3A_324, %add3A_325, %rem3A_316 : i32
      %dma_start3A_327 = arith.constant 0 : i32
      %dma_start3A_328 = arith.constant 0 : i32
      %dma_start3A_329 = tpu.memref_slice %arg9[%select_n3A_310, %dma_start3A_327, %dma_start3A_328] : memref<6x128x64xf32, #tpu.memory_space<vmem>> -> memref<1x128x64xf32, #tpu.memory_space<vmem>>
      %dma_start3A_330 = tpu.memref_squeeze %dma_start3A_329 : memref<1x128x64xf32, #tpu.memory_space<vmem>> -> memref<128x64xf32, #tpu.memory_space<vmem>>
      %dma_start3A_331 = arith.constant 0 : i32
      %dma_start3A_332 = tpu.memref_slice %arg8[%select_n3A_326, %dma_start3A_331] : memref<6x128xi32, #tpu.memory_space<vmem>> -> memref<1x128xi32, #tpu.memory_space<vmem>>
      %dma_start3A_333 = tpu.memref_squeeze %dma_start3A_332 : memref<1x128xi32, #tpu.memory_space<vmem>> -> memref<128xi32, #tpu.memory_space<vmem>>
      %dma_start3A_334 = arith.constant 0 : i32
      %dma_start3A_335 = arith.constant 0 : i32
      %dma_start3A_336 = tpu.memref_slice %arg10[%dma_start3A_334, %dma_start3A_335] : memref<10112x64xf32, #tpu.memory_space<vmem_shared>> -> memref<10112x64xf32, #tpu.memory_space<vmem_shared>>
      tpu.enqueue_indirect_dma source(%dma_start3A_330 : memref<128x64xf32, #tpu.memory_space<vmem>>) target(%dma_start3A_336 : memref<10112x64xf32, #tpu.memory_space<vmem_shared>>) offsets(%dma_start3A_333 : memref<128xi32, #tpu.memory_space<vmem>>) semaphore(%arg12 : memref<!tpu.dma_semaphore, #tpu.memory_space<semaphore_mem>>) {add = true}
      %scan3A_337 = arith.constant 0 : i32
      scf.yield %scan3A_337 : i32
    }
    %scan3A_74 = arith.constant 158 : i32
    %dma_wait3A = arith.constant 2 : i32
    %dma_wait3A_75 = arith.constant 2 : i32
    %dma_wait3A_76 = arith.constant 0 : i32
    %dma_wait3A_77 = arith.constant 0 : i32
    %dma_wait3A_78 = tpu.memref_slice %arg9[%dma_wait3A, %dma_wait3A_76, %dma_wait3A_77] : memref<6x128x64xf32, #tpu.memory_space<vmem>> -> memref<1x128x64xf32, #tpu.memory_space<vmem>>
    %dma_wait3A_79 = tpu.memref_squeeze %dma_wait3A_78 : memref<1x128x64xf32, #tpu.memory_space<vmem>> -> memref<128x64xf32, #tpu.memory_space<vmem>>
    %dma_wait3A_80 = arith.constant 0 : i32
    %dma_wait3A_81 = tpu.memref_slice %arg8[%dma_wait3A_75, %dma_wait3A_80] : memref<6x128xi32, #tpu.memory_space<vmem>> -> memref<1x128xi32, #tpu.memory_space<vmem>>
    %dma_wait3A_82 = tpu.memref_squeeze %dma_wait3A_81 : memref<1x128xi32, #tpu.memory_space<vmem>> -> memref<128xi32, #tpu.memory_space<vmem>>
    %dma_wait3A_83 = arith.constant 0 : i32
    %dma_wait3A_84 = arith.constant 0 : i32
    %dma_wait3A_85 = tpu.memref_slice %arg10[%dma_wait3A_83, %dma_wait3A_84] : memref<10112x64xf32, #tpu.memory_space<vmem_shared>> -> memref<10112x64xf32, #tpu.memory_space<vmem_shared>>
    tpu.wait_indirect_dma semaphore(%arg12 : memref<!tpu.dma_semaphore, #tpu.memory_space<semaphore_mem>>) src(%dma_wait3A_79 : memref<128x64xf32, #tpu.memory_space<vmem>>) dst(%dma_wait3A_85 : memref<10112x64xf32, #tpu.memory_space<vmem_shared>>)
    %dma_wait3A_86 = arith.constant 3 : i32
    %dma_wait3A_87 = arith.constant 3 : i32
    %dma_wait3A_88 = arith.constant 0 : i32
    %dma_wait3A_89 = arith.constant 0 : i32
    %dma_wait3A_90 = tpu.memref_slice %arg9[%dma_wait3A_86, %dma_wait3A_88, %dma_wait3A_89] : memref<6x128x64xf32, #tpu.memory_space<vmem>> -> memref<1x128x64xf32, #tpu.memory_space<vmem>>
    %dma_wait3A_91 = tpu.memref_squeeze %dma_wait3A_90 : memref<1x128x64xf32, #tpu.memory_space<vmem>> -> memref<128x64xf32, #tpu.memory_space<vmem>>
    %dma_wait3A_92 = arith.constant 0 : i32
    %dma_wait3A_93 = tpu.memref_slice %arg8[%dma_wait3A_87, %dma_wait3A_92] : memref<6x128xi32, #tpu.memory_space<vmem>> -> memref<1x128xi32, #tpu.memory_space<vmem>>
    %dma_wait3A_94 = tpu.memref_squeeze %dma_wait3A_93 : memref<1x128xi32, #tpu.memory_space<vmem>> -> memref<128xi32, #tpu.memory_space<vmem>>
    %dma_wait3A_95 = arith.constant 0 : i32
    %dma_wait3A_96 = arith.constant 0 : i32
    %dma_wait3A_97 = tpu.memref_slice %arg10[%dma_wait3A_95, %dma_wait3A_96] : memref<10112x64xf32, #tpu.memory_space<vmem_shared>> -> memref<10112x64xf32, #tpu.memory_space<vmem_shared>>
    tpu.wait_indirect_dma semaphore(%arg12 : memref<!tpu.dma_semaphore, #tpu.memory_space<semaphore_mem>>) src(%dma_wait3A_91 : memref<128x64xf32, #tpu.memory_space<vmem>>) dst(%dma_wait3A_97 : memref<10112x64xf32, #tpu.memory_space<vmem_shared>>)
    %dma_wait3A_98 = arith.constant 4 : i32
    %dma_wait3A_99 = arith.constant 4 : i32
    %dma_wait3A_100 = arith.constant 0 : i32
    %dma_wait3A_101 = arith.constant 0 : i32
    %dma_wait3A_102 = tpu.memref_slice %arg9[%dma_wait3A_98, %dma_wait3A_100, %dma_wait3A_101] : memref<6x128x64xf32, #tpu.memory_space<vmem>> -> memref<1x128x64xf32, #tpu.memory_space<vmem>>
    %dma_wait3A_103 = tpu.memref_squeeze %dma_wait3A_102 : memref<1x128x64xf32, #tpu.memory_space<vmem>> -> memref<128x64xf32, #tpu.memory_space<vmem>>
    %dma_wait3A_104 = arith.constant 0 : i32
    %dma_wait3A_105 = tpu.memref_slice %arg8[%dma_wait3A_99, %dma_wait3A_104] : memref<6x128xi32, #tpu.memory_space<vmem>> -> memref<1x128xi32, #tpu.memory_space<vmem>>
    %dma_wait3A_106 = tpu.memref_squeeze %dma_wait3A_105 : memref<1x128xi32, #tpu.memory_space<vmem>> -> memref<128xi32, #tpu.memory_space<vmem>>
    %dma_wait3A_107 = arith.constant 0 : i32
    %dma_wait3A_108 = arith.constant 0 : i32
    %dma_wait3A_109 = tpu.memref_slice %arg10[%dma_wait3A_107, %dma_wait3A_108] : memref<10112x64xf32, #tpu.memory_space<vmem_shared>> -> memref<10112x64xf32, #tpu.memory_space<vmem_shared>>
    tpu.wait_indirect_dma semaphore(%arg12 : memref<!tpu.dma_semaphore, #tpu.memory_space<semaphore_mem>>) src(%dma_wait3A_103 : memref<128x64xf32, #tpu.memory_space<vmem>>) dst(%dma_wait3A_109 : memref<10112x64xf32, #tpu.memory_space<vmem_shared>>)
    %dma_wait3A_110 = arith.constant 5 : i32
    %dma_wait3A_111 = arith.constant 5 : i32
    %dma_wait3A_112 = arith.constant 0 : i32
    %dma_wait3A_113 = arith.constant 0 : i32
    %dma_wait3A_114 = tpu.memref_slice %arg9[%dma_wait3A_110, %dma_wait3A_112, %dma_wait3A_113] : memref<6x128x64xf32, #tpu.memory_space<vmem>> -> memref<1x128x64xf32, #tpu.memory_space<vmem>>
    %dma_wait3A_115 = tpu.memref_squeeze %dma_wait3A_114 : memref<1x128x64xf32, #tpu.memory_space<vmem>> -> memref<128x64xf32, #tpu.memory_space<vmem>>
    %dma_wait3A_116 = arith.constant 0 : i32
    %dma_wait3A_117 = tpu.memref_slice %arg8[%dma_wait3A_111, %dma_wait3A_116] : memref<6x128xi32, #tpu.memory_space<vmem>> -> memref<1x128xi32, #tpu.memory_space<vmem>>
    %dma_wait3A_118 = tpu.memref_squeeze %dma_wait3A_117 : memref<1x128xi32, #tpu.memory_space<vmem>> -> memref<128xi32, #tpu.memory_space<vmem>>
    %dma_wait3A_119 = arith.constant 0 : i32
    %dma_wait3A_120 = arith.constant 0 : i32
    %dma_wait3A_121 = tpu.memref_slice %arg10[%dma_wait3A_119, %dma_wait3A_120] : memref<10112x64xf32, #tpu.memory_space<vmem_shared>> -> memref<10112x64xf32, #tpu.memory_space<vmem_shared>>
    tpu.wait_indirect_dma semaphore(%arg12 : memref<!tpu.dma_semaphore, #tpu.memory_space<semaphore_mem>>) src(%dma_wait3A_115 : memref<128x64xf32, #tpu.memory_space<vmem>>) dst(%dma_wait3A_121 : memref<10112x64xf32, #tpu.memory_space<vmem_shared>>)
    %dma_wait3A_122 = arith.constant 0 : i32
    %dma_wait3A_123 = arith.constant 0 : i32
    %dma_wait3A_124 = arith.constant 0 : i32
    %dma_wait3A_125 = arith.constant 0 : i32
    %dma_wait3A_126 = tpu.memref_slice %arg9[%dma_wait3A_122, %dma_wait3A_124, %dma_wait3A_125] : memref<6x128x64xf32, #tpu.memory_space<vmem>> -> memref<1x128x64xf32, #tpu.memory_space<vmem>>
    %dma_wait3A_127 = tpu.memref_squeeze %dma_wait3A_126 : memref<1x128x64xf32, #tpu.memory_space<vmem>> -> memref<128x64xf32, #tpu.memory_space<vmem>>
    %dma_wait3A_128 = arith.constant 0 : i32
    %dma_wait3A_129 = tpu.memref_slice %arg8[%dma_wait3A_123, %dma_wait3A_128] : memref<6x128xi32, #tpu.memory_space<vmem>> -> memref<1x128xi32, #tpu.memory_space<vmem>>
    %dma_wait3A_130 = tpu.memref_squeeze %dma_wait3A_129 : memref<1x128xi32, #tpu.memory_space<vmem>> -> memref<128xi32, #tpu.memory_space<vmem>>
    %dma_wait3A_131 = arith.constant 0 : i32
    %dma_wait3A_132 = arith.constant 0 : i32
    %dma_wait3A_133 = tpu.memref_slice %arg10[%dma_wait3A_131, %dma_wait3A_132] : memref<10112x64xf32, #tpu.memory_space<vmem_shared>> -> memref<10112x64xf32, #tpu.memory_space<vmem_shared>>
    tpu.wait_indirect_dma semaphore(%arg12 : memref<!tpu.dma_semaphore, #tpu.memory_space<semaphore_mem>>) src(%dma_wait3A_127 : memref<128x64xf32, #tpu.memory_space<vmem>>) dst(%dma_wait3A_133 : memref<10112x64xf32, #tpu.memory_space<vmem_shared>>)
    %dma_wait3A_134 = arith.constant 1 : i32
    %dma_wait3A_135 = arith.constant 1 : i32
    %dma_wait3A_136 = arith.constant 0 : i32
    %dma_wait3A_137 = arith.constant 0 : i32
    %dma_wait3A_138 = tpu.memref_slice %arg9[%dma_wait3A_134, %dma_wait3A_136, %dma_wait3A_137] : memref<6x128x64xf32, #tpu.memory_space<vmem>> -> memref<1x128x64xf32, #tpu.memory_space<vmem>>
    %dma_wait3A_139 = tpu.memref_squeeze %dma_wait3A_138 : memref<1x128x64xf32, #tpu.memory_space<vmem>> -> memref<128x64xf32, #tpu.memory_space<vmem>>
    %dma_wait3A_140 = arith.constant 0 : i32
    %dma_wait3A_141 = tpu.memref_slice %arg8[%dma_wait3A_135, %dma_wait3A_140] : memref<6x128xi32, #tpu.memory_space<vmem>> -> memref<1x128xi32, #tpu.memory_space<vmem>>
    %dma_wait3A_142 = tpu.memref_squeeze %dma_wait3A_141 : memref<1x128xi32, #tpu.memory_space<vmem>> -> memref<128xi32, #tpu.memory_space<vmem>>
    %dma_wait3A_143 = arith.constant 0 : i32
    %dma_wait3A_144 = arith.constant 0 : i32
    %dma_wait3A_145 = tpu.memref_slice %arg10[%dma_wait3A_143, %dma_wait3A_144] : memref<10112x64xf32, #tpu.memory_space<vmem_shared>> -> memref<10112x64xf32, #tpu.memory_space<vmem_shared>>
    tpu.wait_indirect_dma semaphore(%arg12 : memref<!tpu.dma_semaphore, #tpu.memory_space<semaphore_mem>>) src(%dma_wait3A_139 : memref<128x64xf32, #tpu.memory_space<vmem>>) dst(%dma_wait3A_145 : memref<10112x64xf32, #tpu.memory_space<vmem_shared>>)
    %barrier3A_146 = arith.constant 0 : index
    tpu.barrier barrier_id(%barrier3A_146)
    %add3A_147 = arith.constant 0 : i32
    %add3A_148 = arith.addi %mul3A_7, %add3A_147 : i32
    %run_scoped3A_149 = arith.constant 1 : i32
    "tpu.region"() ({
      %run_scoped3A_167 = tpu.sem_alloc : memref<!tpu.dma_semaphore, #tpu.memory_space<semaphore_mem>>
      %dma_start3A_168 = arith.constant 0 : i32
      %dma_start3A_169 = arith.constant 0 : i32
      %dma_start3A_170 = tpu.memref_slice %arg9[%run_scoped3A_149, %dma_start3A_168, %dma_start3A_169] : memref<6x128x64xf32, #tpu.memory_space<vmem>> -> memref<1x128x64xf32, #tpu.memory_space<vmem>>
      %dma_start3A_171 = tpu.memref_squeeze %dma_start3A_170 : memref<1x128x64xf32, #tpu.memory_space<vmem>> -> memref<128x64xf32, #tpu.memory_space<vmem>>
      %dma_start3A_172 = arith.constant 0 : i32
      %dma_start3A_173 = tpu.memref_slice %arg10[%add3A_148, %dma_start3A_172] : memref<10112x64xf32, #tpu.memory_space<vmem_shared>> -> memref<128x64xf32, #tpu.memory_space<vmem_shared>>
      %dma_start3A_174 = arith.constant 0 : i32
      %dma_start3A_175 = arith.constant 0 : i32
      %dma_start3A_176 = tpu.memref_slice %arg9[%run_scoped3A_149, %dma_start3A_174, %dma_start3A_175] : memref<6x128x64xf32, #tpu.memory_space<vmem>> -> memref<1x128x64xf32, #tpu.memory_space<vmem>>
      %dma_start3A_177 = tpu.memref_squeeze %dma_start3A_176 : memref<1x128x64xf32, #tpu.memory_space<vmem>> -> memref<128x64xf32, #tpu.memory_space<vmem>>
      %dma_start3A_178 = arith.constant 0 : i32
      %dma_start3A_179 = tpu.memref_slice %arg10[%add3A_148, %dma_start3A_178] : memref<10112x64xf32, #tpu.memory_space<vmem_shared>> -> memref<128x64xf32, #tpu.memory_space<vmem_shared>>
      tpu.enqueue_dma source(%dma_start3A_179 : memref<128x64xf32, #tpu.memory_space<vmem_shared>>) target(%dma_start3A_177 : memref<128x64xf32, #tpu.memory_space<vmem>>) target_semaphore(%run_scoped3A_167 : memref<!tpu.dma_semaphore, #tpu.memory_space<semaphore_mem>>)
      %dma_wait3A_180 = arith.constant 0 : i32
      %dma_wait3A_181 = arith.constant 0 : i32
      %dma_wait3A_182 = tpu.memref_slice %arg9[%run_scoped3A_149, %dma_wait3A_180, %dma_wait3A_181] : memref<6x128x64xf32, #tpu.memory_space<vmem>> -> memref<1x128x64xf32, #tpu.memory_space<vmem>>
      %dma_wait3A_183 = tpu.memref_squeeze %dma_wait3A_182 : memref<1x128x64xf32, #tpu.memory_space<vmem>> -> memref<128x64xf32, #tpu.memory_space<vmem>>
      %dma_wait3A_184 = arith.constant 0 : i32
      %dma_wait3A_185 = tpu.memref_slice %arg10[%add3A_148, %dma_wait3A_184] : memref<10112x64xf32, #tpu.memory_space<vmem_shared>> -> memref<128x64xf32, #tpu.memory_space<vmem_shared>>
      %dma_wait3A_186 = arith.constant 0 : i32
      %dma_wait3A_187 = arith.constant 0 : i32
      %dma_wait3A_188 = tpu.memref_slice %arg9[%run_scoped3A_149, %dma_wait3A_186, %dma_wait3A_187] : memref<6x128x64xf32, #tpu.memory_space<vmem>> -> memref<1x128x64xf32, #tpu.memory_space<vmem>>
      %dma_wait3A_189 = tpu.memref_squeeze %dma_wait3A_188 : memref<1x128x64xf32, #tpu.memory_space<vmem>> -> memref<128x64xf32, #tpu.memory_space<vmem>>
      %dma_wait3A_190 = arith.constant 0 : i32
      %dma_wait3A_191 = tpu.memref_slice %arg10[%add3A_148, %dma_wait3A_190] : memref<10112x64xf32, #tpu.memory_space<vmem_shared>> -> memref<128x64xf32, #tpu.memory_space<vmem_shared>>
      tpu.wait_dma2 semaphore(%run_scoped3A_167 : memref<!tpu.dma_semaphore, #tpu.memory_space<semaphore_mem>>) src(%dma_wait3A_191 : memref<128x64xf32, #tpu.memory_space<vmem_shared>>) dst(%dma_wait3A_189 : memref<128x64xf32, #tpu.memory_space<vmem>>)
      tpu.yield
    }) : () -> ()
    %run_scoped3A_150 = arith.constant 1 : i32
    "tpu.region"() ({
      %run_scoped3A_167 = tpu.sem_alloc : memref<!tpu.dma_semaphore, #tpu.memory_space<semaphore_mem>>
      %dma_start3A_168 = arith.constant 0 : i32
      %dma_start3A_169 = arith.constant 0 : i32
      %dma_start3A_170 = tpu.memref_slice %arg9[%run_scoped3A_150, %dma_start3A_168, %dma_start3A_169] : memref<6x128x64xf32, #tpu.memory_space<vmem>> -> memref<1x128x64xf32, #tpu.memory_space<vmem>>
      %dma_start3A_171 = tpu.memref_squeeze %dma_start3A_170 : memref<1x128x64xf32, #tpu.memory_space<vmem>> -> memref<128x64xf32, #tpu.memory_space<vmem>>
      %dma_start3A_172 = arith.constant 0 : i32
      %dma_start3A_173 = tpu.memref_slice %arg5[%arg0, %add3A_148, %dma_start3A_172] : memref<2x10112x64xf32, #tpu.memory_space<hbm>> -> memref<1x128x64xf32, #tpu.memory_space<hbm>>
      %dma_start3A_174 = tpu.memref_squeeze %dma_start3A_173 : memref<1x128x64xf32, #tpu.memory_space<hbm>> -> memref<128x64xf32, #tpu.memory_space<hbm>>
      %dma_start3A_175 = arith.constant 0 : i32
      %dma_start3A_176 = tpu.memref_slice %arg5[%arg0, %add3A_148, %dma_start3A_175] : memref<2x10112x64xf32, #tpu.memory_space<hbm>> -> memref<1x128x64xf32, #tpu.memory_space<hbm>>
      %dma_start3A_177 = tpu.memref_squeeze %dma_start3A_176 : memref<1x128x64xf32, #tpu.memory_space<hbm>> -> memref<128x64xf32, #tpu.memory_space<hbm>>
      %dma_start3A_178 = arith.constant 0 : i32
      %dma_start3A_179 = arith.constant 0 : i32
      %dma_start3A_180 = tpu.memref_slice %arg9[%run_scoped3A_150, %dma_start3A_178, %dma_start3A_179] : memref<6x128x64xf32, #tpu.memory_space<vmem>> -> memref<1x128x64xf32, #tpu.memory_space<vmem>>
      %dma_start3A_181 = tpu.memref_squeeze %dma_start3A_180 : memref<1x128x64xf32, #tpu.memory_space<vmem>> -> memref<128x64xf32, #tpu.memory_space<vmem>>
      tpu.enqueue_dma source(%dma_start3A_181 : memref<128x64xf32, #tpu.memory_space<vmem>>) target(%dma_start3A_177 : memref<128x64xf32, #tpu.memory_space<hbm>>) target_semaphore(%run_scoped3A_167 : memref<!tpu.dma_semaphore, #tpu.memory_space<semaphore_mem>>)
      %dma_wait3A_182 = arith.constant 0 : i32
      %dma_wait3A_183 = arith.constant 0 : i32
      %dma_wait3A_184 = tpu.memref_slice %arg9[%run_scoped3A_150, %dma_wait3A_182, %dma_wait3A_183] : memref<6x128x64xf32, #tpu.memory_space<vmem>> -> memref<1x128x64xf32, #tpu.memory_space<vmem>>
      %dma_wait3A_185 = tpu.memref_squeeze %dma_wait3A_184 : memref<1x128x64xf32, #tpu.memory_space<vmem>> -> memref<128x64xf32, #tpu.memory_space<vmem>>
      %dma_wait3A_186 = arith.constant 0 : i32
      %dma_wait3A_187 = tpu.memref_slice %arg5[%arg0, %add3A_148, %dma_wait3A_186] : memref<2x10112x64xf32, #tpu.memory_space<hbm>> -> memref<1x128x64xf32, #tpu.memory_space<hbm>>
      %dma_wait3A_188 = tpu.memref_squeeze %dma_wait3A_187 : memref<1x128x64xf32, #tpu.memory_space<hbm>> -> memref<128x64xf32, #tpu.memory_space<hbm>>
      %dma_wait3A_189 = arith.constant 0 : i32
      %dma_wait3A_190 = tpu.memref_slice %arg5[%arg0, %add3A_148, %dma_wait3A_189] : memref<2x10112x64xf32, #tpu.memory_space<hbm>> -> memref<1x128x64xf32, #tpu.memory_space<hbm>>
      %dma_wait3A_191 = tpu.memref_squeeze %dma_wait3A_190 : memref<1x128x64xf32, #tpu.memory_space<hbm>> -> memref<128x64xf32, #tpu.memory_space<hbm>>
      %dma_wait3A_192 = arith.constant 0 : i32
      %dma_wait3A_193 = arith.constant 0 : i32
      %dma_wait3A_194 = tpu.memref_slice %arg9[%run_scoped3A_150, %dma_wait3A_192, %dma_wait3A_193] : memref<6x128x64xf32, #tpu.memory_space<vmem>> -> memref<1x128x64xf32, #tpu.memory_space<vmem>>
      %dma_wait3A_195 = tpu.memref_squeeze %dma_wait3A_194 : memref<1x128x64xf32, #tpu.memory_space<vmem>> -> memref<128x64xf32, #tpu.memory_space<vmem>>
      tpu.wait_dma2 semaphore(%run_scoped3A_167 : memref<!tpu.dma_semaphore, #tpu.memory_space<semaphore_mem>>) src(%dma_wait3A_195 : memref<128x64xf32, #tpu.memory_space<vmem>>) dst(%dma_wait3A_191 : memref<128x64xf32, #tpu.memory_space<hbm>>)
      tpu.yield
    }) : () -> ()
    %add3A_151 = arith.constant 128 : i32
    %add3A_152 = arith.addi %mul3A_7, %add3A_151 : i32
    %run_scoped3A_153 = arith.constant 1 : i32
    "tpu.region"() ({
      %run_scoped3A_167 = tpu.sem_alloc : memref<!tpu.dma_semaphore, #tpu.memory_space<semaphore_mem>>
      %dma_start3A_168 = arith.constant 0 : i32
      %dma_start3A_169 = arith.constant 0 : i32
      %dma_start3A_170 = tpu.memref_slice %arg9[%run_scoped3A_153, %dma_start3A_168, %dma_start3A_169] : memref<6x128x64xf32, #tpu.memory_space<vmem>> -> memref<1x128x64xf32, #tpu.memory_space<vmem>>
      %dma_start3A_171 = tpu.memref_squeeze %dma_start3A_170 : memref<1x128x64xf32, #tpu.memory_space<vmem>> -> memref<128x64xf32, #tpu.memory_space<vmem>>
      %dma_start3A_172 = arith.constant 0 : i32
      %dma_start3A_173 = tpu.memref_slice %arg10[%add3A_152, %dma_start3A_172] : memref<10112x64xf32, #tpu.memory_space<vmem_shared>> -> memref<128x64xf32, #tpu.memory_space<vmem_shared>>
      %dma_start3A_174 = arith.constant 0 : i32
      %dma_start3A_175 = arith.constant 0 : i32
      %dma_start3A_176 = tpu.memref_slice %arg9[%run_scoped3A_153, %dma_start3A_174, %dma_start3A_175] : memref<6x128x64xf32, #tpu.memory_space<vmem>> -> memref<1x128x64xf32, #tpu.memory_space<vmem>>
      %dma_start3A_177 = tpu.memref_squeeze %dma_start3A_176 : memref<1x128x64xf32, #tpu.memory_space<vmem>> -> memref<128x64xf32, #tpu.memory_space<vmem>>
      %dma_start3A_178 = arith.constant 0 : i32
      %dma_start3A_179 = tpu.memref_slice %arg10[%add3A_152, %dma_start3A_178] : memref<10112x64xf32, #tpu.memory_space<vmem_shared>> -> memref<128x64xf32, #tpu.memory_space<vmem_shared>>
      tpu.enqueue_dma source(%dma_start3A_179 : memref<128x64xf32, #tpu.memory_space<vmem_shared>>) target(%dma_start3A_177 : memref<128x64xf32, #tpu.memory_space<vmem>>) target_semaphore(%run_scoped3A_167 : memref<!tpu.dma_semaphore, #tpu.memory_space<semaphore_mem>>)
      %dma_wait3A_180 = arith.constant 0 : i32
      %dma_wait3A_181 = arith.constant 0 : i32
      %dma_wait3A_182 = tpu.memref_slice %arg9[%run_scoped3A_153, %dma_wait3A_180, %dma_wait3A_181] : memref<6x128x64xf32, #tpu.memory_space<vmem>> -> memref<1x128x64xf32, #tpu.memory_space<vmem>>
      %dma_wait3A_183 = tpu.memref_squeeze %dma_wait3A_182 : memref<1x128x64xf32, #tpu.memory_space<vmem>> -> memref<128x64xf32, #tpu.memory_space<vmem>>
      %dma_wait3A_184 = arith.constant 0 : i32
      %dma_wait3A_185 = tpu.memref_slice %arg10[%add3A_152, %dma_wait3A_184] : memref<10112x64xf32, #tpu.memory_space<vmem_shared>> -> memref<128x64xf32, #tpu.memory_space<vmem_shared>>
      %dma_wait3A_186 = arith.constant 0 : i32
      %dma_wait3A_187 = arith.constant 0 : i32
      %dma_wait3A_188 = tpu.memref_slice %arg9[%run_scoped3A_153, %dma_wait3A_186, %dma_wait3A_187] : memref<6x128x64xf32, #tpu.memory_space<vmem>> -> memref<1x128x64xf32, #tpu.memory_space<vmem>>
      %dma_wait3A_189 = tpu.memref_squeeze %dma_wait3A_188 : memref<1x128x64xf32, #tpu.memory_space<vmem>> -> memref<128x64xf32, #tpu.memory_space<vmem>>
      %dma_wait3A_190 = arith.constant 0 : i32
      %dma_wait3A_191 = tpu.memref_slice %arg10[%add3A_152, %dma_wait3A_190] : memref<10112x64xf32, #tpu.memory_space<vmem_shared>> -> memref<128x64xf32, #tpu.memory_space<vmem_shared>>
      tpu.wait_dma2 semaphore(%run_scoped3A_167 : memref<!tpu.dma_semaphore, #tpu.memory_space<semaphore_mem>>) src(%dma_wait3A_191 : memref<128x64xf32, #tpu.memory_space<vmem_shared>>) dst(%dma_wait3A_189 : memref<128x64xf32, #tpu.memory_space<vmem>>)
      tpu.yield
    }) : () -> ()
    %run_scoped3A_154 = arith.constant 1 : i32
    "tpu.region"() ({
      %run_scoped3A_167 = tpu.sem_alloc : memref<!tpu.dma_semaphore, #tpu.memory_space<semaphore_mem>>
      %dma_start3A_168 = arith.constant 0 : i32
      %dma_start3A_169 = arith.constant 0 : i32
      %dma_start3A_170 = tpu.memref_slice %arg9[%run_scoped3A_154, %dma_start3A_168, %dma_start3A_169] : memref<6x128x64xf32, #tpu.memory_space<vmem>> -> memref<1x128x64xf32, #tpu.memory_space<vmem>>
      %dma_start3A_171 = tpu.memref_squeeze %dma_start3A_170 : memref<1x128x64xf32, #tpu.memory_space<vmem>> -> memref<128x64xf32, #tpu.memory_space<vmem>>
      %dma_start3A_172 = arith.constant 0 : i32
      %dma_start3A_173 = tpu.memref_slice %arg5[%arg0, %add3A_152, %dma_start3A_172] : memref<2x10112x64xf32, #tpu.memory_space<hbm>> -> memref<1x128x64xf32, #tpu.memory_space<hbm>>
      %dma_start3A_174 = tpu.memref_squeeze %dma_start3A_173 : memref<1x128x64xf32, #tpu.memory_space<hbm>> -> memref<128x64xf32, #tpu.memory_space<hbm>>
      %dma_start3A_175 = arith.constant 0 : i32
      %dma_start3A_176 = tpu.memref_slice %arg5[%arg0, %add3A_152, %dma_start3A_175] : memref<2x10112x64xf32, #tpu.memory_space<hbm>> -> memref<1x128x64xf32, #tpu.memory_space<hbm>>
      %dma_start3A_177 = tpu.memref_squeeze %dma_start3A_176 : memref<1x128x64xf32, #tpu.memory_space<hbm>> -> memref<128x64xf32, #tpu.memory_space<hbm>>
      %dma_start3A_178 = arith.constant 0 : i32
      %dma_start3A_179 = arith.constant 0 : i32
      %dma_start3A_180 = tpu.memref_slice %arg9[%run_scoped3A_154, %dma_start3A_178, %dma_start3A_179] : memref<6x128x64xf32, #tpu.memory_space<vmem>> -> memref<1x128x64xf32, #tpu.memory_space<vmem>>
      %dma_start3A_181 = tpu.memref_squeeze %dma_start3A_180 : memref<1x128x64xf32, #tpu.memory_space<vmem>> -> memref<128x64xf32, #tpu.memory_space<vmem>>
      tpu.enqueue_dma source(%dma_start3A_181 : memref<128x64xf32, #tpu.memory_space<vmem>>) target(%dma_start3A_177 : memref<128x64xf32, #tpu.memory_space<hbm>>) target_semaphore(%run_scoped3A_167 : memref<!tpu.dma_semaphore, #tpu.memory_space<semaphore_mem>>)
      %dma_wait3A_182 = arith.constant 0 : i32
      %dma_wait3A_183 = arith.constant 0 : i32
      %dma_wait3A_184 = tpu.memref_slice %arg9[%run_scoped3A_154, %dma_wait3A_182, %dma_wait3A_183] : memref<6x128x64xf32, #tpu.memory_space<vmem>> -> memref<1x128x64xf32, #tpu.memory_space<vmem>>
      %dma_wait3A_185 = tpu.memref_squeeze %dma_wait3A_184 : memref<1x128x64xf32, #tpu.memory_space<vmem>> -> memref<128x64xf32, #tpu.memory_space<vmem>>
      %dma_wait3A_186 = arith.constant 0 : i32
      %dma_wait3A_187 = tpu.memref_slice %arg5[%arg0, %add3A_152, %dma_wait3A_186] : memref<2x10112x64xf32, #tpu.memory_space<hbm>> -> memref<1x128x64xf32, #tpu.memory_space<hbm>>
      %dma_wait3A_188 = tpu.memref_squeeze %dma_wait3A_187 : memref<1x128x64xf32, #tpu.memory_space<hbm>> -> memref<128x64xf32, #tpu.memory_space<hbm>>
      %dma_wait3A_189 = arith.constant 0 : i32
      %dma_wait3A_190 = tpu.memref_slice %arg5[%arg0, %add3A_152, %dma_wait3A_189] : memref<2x10112x64xf32, #tpu.memory_space<hbm>> -> memref<1x128x64xf32, #tpu.memory_space<hbm>>
      %dma_wait3A_191 = tpu.memref_squeeze %dma_wait3A_190 : memref<1x128x64xf32, #tpu.memory_space<hbm>> -> memref<128x64xf32, #tpu.memory_space<hbm>>
      %dma_wait3A_192 = arith.constant 0 : i32
      %dma_wait3A_193 = arith.constant 0 : i32
      %dma_wait3A_194 = tpu.memref_slice %arg9[%run_scoped3A_154, %dma_wait3A_192, %dma_wait3A_193] : memref<6x128x64xf32, #tpu.memory_space<vmem>> -> memref<1x128x64xf32, #tpu.memory_space<vmem>>
      %dma_wait3A_195 = tpu.memref_squeeze %dma_wait3A_194 : memref<1x128x64xf32, #tpu.memory_space<vmem>> -> memref<128x64xf32, #tpu.memory_space<vmem>>
      tpu.wait_dma2 semaphore(%run_scoped3A_167 : memref<!tpu.dma_semaphore, #tpu.memory_space<semaphore_mem>>) src(%dma_wait3A_195 : memref<128x64xf32, #tpu.memory_space<vmem>>) dst(%dma_wait3A_191 : memref<128x64xf32, #tpu.memory_space<hbm>>)
      tpu.yield
    }) : () -> ()
    %add3A_155 = arith.constant 256 : i32
    %add3A_156 = arith.addi %mul3A_7, %add3A_155 : i32
    %run_scoped3A_157 = arith.constant 1 : i32
    "tpu.region"() ({
      %run_scoped3A_167 = tpu.sem_alloc : memref<!tpu.dma_semaphore, #tpu.memory_space<semaphore_mem>>
      %dma_start3A_168 = arith.constant 0 : i32
      %dma_start3A_169 = arith.constant 0 : i32
      %dma_start3A_170 = tpu.memref_slice %arg9[%run_scoped3A_157, %dma_start3A_168, %dma_start3A_169] : memref<6x128x64xf32, #tpu.memory_space<vmem>> -> memref<1x128x64xf32, #tpu.memory_space<vmem>>
      %dma_start3A_171 = tpu.memref_squeeze %dma_start3A_170 : memref<1x128x64xf32, #tpu.memory_space<vmem>> -> memref<128x64xf32, #tpu.memory_space<vmem>>
      %dma_start3A_172 = arith.constant 0 : i32
      %dma_start3A_173 = tpu.memref_slice %arg10[%add3A_156, %dma_start3A_172] : memref<10112x64xf32, #tpu.memory_space<vmem_shared>> -> memref<128x64xf32, #tpu.memory_space<vmem_shared>>
      %dma_start3A_174 = arith.constant 0 : i32
      %dma_start3A_175 = arith.constant 0 : i32
      %dma_start3A_176 = tpu.memref_slice %arg9[%run_scoped3A_157, %dma_start3A_174, %dma_start3A_175] : memref<6x128x64xf32, #tpu.memory_space<vmem>> -> memref<1x128x64xf32, #tpu.memory_space<vmem>>
      %dma_start3A_177 = tpu.memref_squeeze %dma_start3A_176 : memref<1x128x64xf32, #tpu.memory_space<vmem>> -> memref<128x64xf32, #tpu.memory_space<vmem>>
      %dma_start3A_178 = arith.constant 0 : i32
      %dma_start3A_179 = tpu.memref_slice %arg10[%add3A_156, %dma_start3A_178] : memref<10112x64xf32, #tpu.memory_space<vmem_shared>> -> memref<128x64xf32, #tpu.memory_space<vmem_shared>>
      tpu.enqueue_dma source(%dma_start3A_179 : memref<128x64xf32, #tpu.memory_space<vmem_shared>>) target(%dma_start3A_177 : memref<128x64xf32, #tpu.memory_space<vmem>>) target_semaphore(%run_scoped3A_167 : memref<!tpu.dma_semaphore, #tpu.memory_space<semaphore_mem>>)
      %dma_wait3A_180 = arith.constant 0 : i32
      %dma_wait3A_181 = arith.constant 0 : i32
      %dma_wait3A_182 = tpu.memref_slice %arg9[%run_scoped3A_157, %dma_wait3A_180, %dma_wait3A_181] : memref<6x128x64xf32, #tpu.memory_space<vmem>> -> memref<1x128x64xf32, #tpu.memory_space<vmem>>
      %dma_wait3A_183 = tpu.memref_squeeze %dma_wait3A_182 : memref<1x128x64xf32, #tpu.memory_space<vmem>> -> memref<128x64xf32, #tpu.memory_space<vmem>>
      %dma_wait3A_184 = arith.constant 0 : i32
      %dma_wait3A_185 = tpu.memref_slice %arg10[%add3A_156, %dma_wait3A_184] : memref<10112x64xf32, #tpu.memory_space<vmem_shared>> -> memref<128x64xf32, #tpu.memory_space<vmem_shared>>
      %dma_wait3A_186 = arith.constant 0 : i32
      %dma_wait3A_187 = arith.constant 0 : i32
      %dma_wait3A_188 = tpu.memref_slice %arg9[%run_scoped3A_157, %dma_wait3A_186, %dma_wait3A_187] : memref<6x128x64xf32, #tpu.memory_space<vmem>> -> memref<1x128x64xf32, #tpu.memory_space<vmem>>
      %dma_wait3A_189 = tpu.memref_squeeze %dma_wait3A_188 : memref<1x128x64xf32, #tpu.memory_space<vmem>> -> memref<128x64xf32, #tpu.memory_space<vmem>>
      %dma_wait3A_190 = arith.constant 0 : i32
      %dma_wait3A_191 = tpu.memref_slice %arg10[%add3A_156, %dma_wait3A_190] : memref<10112x64xf32, #tpu.memory_space<vmem_shared>> -> memref<128x64xf32, #tpu.memory_space<vmem_shared>>
      tpu.wait_dma2 semaphore(%run_scoped3A_167 : memref<!tpu.dma_semaphore, #tpu.memory_space<semaphore_mem>>) src(%dma_wait3A_191 : memref<128x64xf32, #tpu.memory_space<vmem_shared>>) dst(%dma_wait3A_189 : memref<128x64xf32, #tpu.memory_space<vmem>>)
      tpu.yield
    }) : () -> ()
    %run_scoped3A_158 = arith.constant 1 : i32
    "tpu.region"() ({
      %run_scoped3A_167 = tpu.sem_alloc : memref<!tpu.dma_semaphore, #tpu.memory_space<semaphore_mem>>
      %dma_start3A_168 = arith.constant 0 : i32
      %dma_start3A_169 = arith.constant 0 : i32
      %dma_start3A_170 = tpu.memref_slice %arg9[%run_scoped3A_158, %dma_start3A_168, %dma_start3A_169] : memref<6x128x64xf32, #tpu.memory_space<vmem>> -> memref<1x128x64xf32, #tpu.memory_space<vmem>>
      %dma_start3A_171 = tpu.memref_squeeze %dma_start3A_170 : memref<1x128x64xf32, #tpu.memory_space<vmem>> -> memref<128x64xf32, #tpu.memory_space<vmem>>
      %dma_start3A_172 = arith.constant 0 : i32
      %dma_start3A_173 = tpu.memref_slice %arg5[%arg0, %add3A_156, %dma_start3A_172] : memref<2x10112x64xf32, #tpu.memory_space<hbm>> -> memref<1x128x64xf32, #tpu.memory_space<hbm>>
      %dma_start3A_174 = tpu.memref_squeeze %dma_start3A_173 : memref<1x128x64xf32, #tpu.memory_space<hbm>> -> memref<128x64xf32, #tpu.memory_space<hbm>>
      %dma_start3A_175 = arith.constant 0 : i32
      %dma_start3A_176 = tpu.memref_slice %arg5[%arg0, %add3A_156, %dma_start3A_175] : memref<2x10112x64xf32, #tpu.memory_space<hbm>> -> memref<1x128x64xf32, #tpu.memory_space<hbm>>
      %dma_start3A_177 = tpu.memref_squeeze %dma_start3A_176 : memref<1x128x64xf32, #tpu.memory_space<hbm>> -> memref<128x64xf32, #tpu.memory_space<hbm>>
      %dma_start3A_178 = arith.constant 0 : i32
      %dma_start3A_179 = arith.constant 0 : i32
      %dma_start3A_180 = tpu.memref_slice %arg9[%run_scoped3A_158, %dma_start3A_178, %dma_start3A_179] : memref<6x128x64xf32, #tpu.memory_space<vmem>> -> memref<1x128x64xf32, #tpu.memory_space<vmem>>
      %dma_start3A_181 = tpu.memref_squeeze %dma_start3A_180 : memref<1x128x64xf32, #tpu.memory_space<vmem>> -> memref<128x64xf32, #tpu.memory_space<vmem>>
      tpu.enqueue_dma source(%dma_start3A_181 : memref<128x64xf32, #tpu.memory_space<vmem>>) target(%dma_start3A_177 : memref<128x64xf32, #tpu.memory_space<hbm>>) target_semaphore(%run_scoped3A_167 : memref<!tpu.dma_semaphore, #tpu.memory_space<semaphore_mem>>)
      %dma_wait3A_182 = arith.constant 0 : i32
      %dma_wait3A_183 = arith.constant 0 : i32
      %dma_wait3A_184 = tpu.memref_slice %arg9[%run_scoped3A_158, %dma_wait3A_182, %dma_wait3A_183] : memref<6x128x64xf32, #tpu.memory_space<vmem>> -> memref<1x128x64xf32, #tpu.memory_space<vmem>>
      %dma_wait3A_185 = tpu.memref_squeeze %dma_wait3A_184 : memref<1x128x64xf32, #tpu.memory_space<vmem>> -> memref<128x64xf32, #tpu.memory_space<vmem>>
      %dma_wait3A_186 = arith.constant 0 : i32
      %dma_wait3A_187 = tpu.memref_slice %arg5[%arg0, %add3A_156, %dma_wait3A_186] : memref<2x10112x64xf32, #tpu.memory_space<hbm>> -> memref<1x128x64xf32, #tpu.memory_space<hbm>>
      %dma_wait3A_188 = tpu.memref_squeeze %dma_wait3A_187 : memref<1x128x64xf32, #tpu.memory_space<hbm>> -> memref<128x64xf32, #tpu.memory_space<hbm>>
      %dma_wait3A_189 = arith.constant 0 : i32
      %dma_wait3A_190 = tpu.memref_slice %arg5[%arg0, %add3A_156, %dma_wait3A_189] : memref<2x10112x64xf32, #tpu.memory_space<hbm>> -> memref<1x128x64xf32, #tpu.memory_space<hbm>>
      %dma_wait3A_191 = tpu.memref_squeeze %dma_wait3A_190 : memref<1x128x64xf32, #tpu.memory_space<hbm>> -> memref<128x64xf32, #tpu.memory_space<hbm>>
      %dma_wait3A_192 = arith.constant 0 : i32
      %dma_wait3A_193 = arith.constant 0 : i32
      %dma_wait3A_194 = tpu.memref_slice %arg9[%run_scoped3A_158, %dma_wait3A_192, %dma_wait3A_193] : memref<6x128x64xf32, #tpu.memory_space<vmem>> -> memref<1x128x64xf32, #tpu.memory_space<vmem>>
      %dma_wait3A_195 = tpu.memref_squeeze %dma_wait3A_194 : memref<1x128x64xf32, #tpu.memory_space<vmem>> -> memref<128x64xf32, #tpu.memory_space<vmem>>
      tpu.wait_dma2 semaphore(%run_scoped3A_167 : memref<!tpu.dma_semaphore, #tpu.memory_space<semaphore_mem>>) src(%dma_wait3A_195 : memref<128x64xf32, #tpu.memory_space<vmem>>) dst(%dma_wait3A_191 : memref<128x64xf32, #tpu.memory_space<hbm>>)
      tpu.yield
    }) : () -> ()
    %add3A_159 = arith.constant 384 : i32
    %add3A_160 = arith.addi %mul3A_7, %add3A_159 : i32
    %run_scoped3A_161 = arith.constant 1 : i32
    "tpu.region"() ({
      %run_scoped3A_167 = tpu.sem_alloc : memref<!tpu.dma_semaphore, #tpu.memory_space<semaphore_mem>>
      %dma_start3A_168 = arith.constant 0 : i32
      %dma_start3A_169 = arith.constant 0 : i32
      %dma_start3A_170 = tpu.memref_slice %arg9[%run_scoped3A_161, %dma_start3A_168, %dma_start3A_169] : memref<6x128x64xf32, #tpu.memory_space<vmem>> -> memref<1x128x64xf32, #tpu.memory_space<vmem>>
      %dma_start3A_171 = tpu.memref_squeeze %dma_start3A_170 : memref<1x128x64xf32, #tpu.memory_space<vmem>> -> memref<128x64xf32, #tpu.memory_space<vmem>>
      %dma_start3A_172 = arith.constant 0 : i32
      %dma_start3A_173 = tpu.memref_slice %arg10[%add3A_160, %dma_start3A_172] : memref<10112x64xf32, #tpu.memory_space<vmem_shared>> -> memref<128x64xf32, #tpu.memory_space<vmem_shared>>
      %dma_start3A_174 = arith.constant 0 : i32
      %dma_start3A_175 = arith.constant 0 : i32
      %dma_start3A_176 = tpu.memref_slice %arg9[%run_scoped3A_161, %dma_start3A_174, %dma_start3A_175] : memref<6x128x64xf32, #tpu.memory_space<vmem>> -> memref<1x128x64xf32, #tpu.memory_space<vmem>>
      %dma_start3A_177 = tpu.memref_squeeze %dma_start3A_176 : memref<1x128x64xf32, #tpu.memory_space<vmem>> -> memref<128x64xf32, #tpu.memory_space<vmem>>
      %dma_start3A_178 = arith.constant 0 : i32
      %dma_start3A_179 = tpu.memref_slice %arg10[%add3A_160, %dma_start3A_178] : memref<10112x64xf32, #tpu.memory_space<vmem_shared>> -> memref<128x64xf32, #tpu.memory_space<vmem_shared>>
      tpu.enqueue_dma source(%dma_start3A_179 : memref<128x64xf32, #tpu.memory_space<vmem_shared>>) target(%dma_start3A_177 : memref<128x64xf32, #tpu.memory_space<vmem>>) target_semaphore(%run_scoped3A_167 : memref<!tpu.dma_semaphore, #tpu.memory_space<semaphore_mem>>)
      %dma_wait3A_180 = arith.constant 0 : i32
      %dma_wait3A_181 = arith.constant 0 : i32
      %dma_wait3A_182 = tpu.memref_slice %arg9[%run_scoped3A_161, %dma_wait3A_180, %dma_wait3A_181] : memref<6x128x64xf32, #tpu.memory_space<vmem>> -> memref<1x128x64xf32, #tpu.memory_space<vmem>>
      %dma_wait3A_183 = tpu.memref_squeeze %dma_wait3A_182 : memref<1x128x64xf32, #tpu.memory_space<vmem>> -> memref<128x64xf32, #tpu.memory_space<vmem>>
      %dma_wait3A_184 = arith.constant 0 : i32
      %dma_wait3A_185 = tpu.memref_slice %arg10[%add3A_160, %dma_wait3A_184] : memref<10112x64xf32, #tpu.memory_space<vmem_shared>> -> memref<128x64xf32, #tpu.memory_space<vmem_shared>>
      %dma_wait3A_186 = arith.constant 0 : i32
      %dma_wait3A_187 = arith.constant 0 : i32
      %dma_wait3A_188 = tpu.memref_slice %arg9[%run_scoped3A_161, %dma_wait3A_186, %dma_wait3A_187] : memref<6x128x64xf32, #tpu.memory_space<vmem>> -> memref<1x128x64xf32, #tpu.memory_space<vmem>>
      %dma_wait3A_189 = tpu.memref_squeeze %dma_wait3A_188 : memref<1x128x64xf32, #tpu.memory_space<vmem>> -> memref<128x64xf32, #tpu.memory_space<vmem>>
      %dma_wait3A_190 = arith.constant 0 : i32
      %dma_wait3A_191 = tpu.memref_slice %arg10[%add3A_160, %dma_wait3A_190] : memref<10112x64xf32, #tpu.memory_space<vmem_shared>> -> memref<128x64xf32, #tpu.memory_space<vmem_shared>>
      tpu.wait_dma2 semaphore(%run_scoped3A_167 : memref<!tpu.dma_semaphore, #tpu.memory_space<semaphore_mem>>) src(%dma_wait3A_191 : memref<128x64xf32, #tpu.memory_space<vmem_shared>>) dst(%dma_wait3A_189 : memref<128x64xf32, #tpu.memory_space<vmem>>)
      tpu.yield
    }) : () -> ()
    %run_scoped3A_162 = arith.constant 1 : i32
    "tpu.region"() ({
      %run_scoped3A_167 = tpu.sem_alloc : memref<!tpu.dma_semaphore, #tpu.memory_space<semaphore_mem>>
      %dma_start3A_168 = arith.constant 0 : i32
      %dma_start3A_169 = arith.constant 0 : i32
      %dma_start3A_170 = tpu.memref_slice %arg9[%run_scoped3A_162, %dma_start3A_168, %dma_start3A_169] : memref<6x128x64xf32, #tpu.memory_space<vmem>> -> memref<1x128x64xf32, #tpu.memory_space<vmem>>
      %dma_start3A_171 = tpu.memref_squeeze %dma_start3A_170 : memref<1x128x64xf32, #tpu.memory_space<vmem>> -> memref<128x64xf32, #tpu.memory_space<vmem>>
      %dma_start3A_172 = arith.constant 0 : i32
      %dma_start3A_173 = tpu.memref_slice %arg5[%arg0, %add3A_160, %dma_start3A_172] : memref<2x10112x64xf32, #tpu.memory_space<hbm>> -> memref<1x128x64xf32, #tpu.memory_space<hbm>>
      %dma_start3A_174 = tpu.memref_squeeze %dma_start3A_173 : memref<1x128x64xf32, #tpu.memory_space<hbm>> -> memref<128x64xf32, #tpu.memory_space<hbm>>
      %dma_start3A_175 = arith.constant 0 : i32
      %dma_start3A_176 = tpu.memref_slice %arg5[%arg0, %add3A_160, %dma_start3A_175] : memref<2x10112x64xf32, #tpu.memory_space<hbm>> -> memref<1x128x64xf32, #tpu.memory_space<hbm>>
      %dma_start3A_177 = tpu.memref_squeeze %dma_start3A_176 : memref<1x128x64xf32, #tpu.memory_space<hbm>> -> memref<128x64xf32, #tpu.memory_space<hbm>>
      %dma_start3A_178 = arith.constant 0 : i32
      %dma_start3A_179 = arith.constant 0 : i32
      %dma_start3A_180 = tpu.memref_slice %arg9[%run_scoped3A_162, %dma_start3A_178, %dma_start3A_179] : memref<6x128x64xf32, #tpu.memory_space<vmem>> -> memref<1x128x64xf32, #tpu.memory_space<vmem>>
      %dma_start3A_181 = tpu.memref_squeeze %dma_start3A_180 : memref<1x128x64xf32, #tpu.memory_space<vmem>> -> memref<128x64xf32, #tpu.memory_space<vmem>>
      tpu.enqueue_dma source(%dma_start3A_181 : memref<128x64xf32, #tpu.memory_space<vmem>>) target(%dma_start3A_177 : memref<128x64xf32, #tpu.memory_space<hbm>>) target_semaphore(%run_scoped3A_167 : memref<!tpu.dma_semaphore, #tpu.memory_space<semaphore_mem>>)
      %dma_wait3A_182 = arith.constant 0 : i32
      %dma_wait3A_183 = arith.constant 0 : i32
      %dma_wait3A_184 = tpu.memref_slice %arg9[%run_scoped3A_162, %dma_wait3A_182, %dma_wait3A_183] : memref<6x128x64xf32, #tpu.memory_space<vmem>> -> memref<1x128x64xf32, #tpu.memory_space<vmem>>
      %dma_wait3A_185 = tpu.memref_squeeze %dma_wait3A_184 : memref<1x128x64xf32, #tpu.memory_space<vmem>> -> memref<128x64xf32, #tpu.memory_space<vmem>>
      %dma_wait3A_186 = arith.constant 0 : i32
      %dma_wait3A_187 = tpu.memref_slice %arg5[%arg0, %add3A_160, %dma_wait3A_186] : memref<2x10112x64xf32, #tpu.memory_space<hbm>> -> memref<1x128x64xf32, #tpu.memory_space<hbm>>
      %dma_wait3A_188 = tpu.memref_squeeze %dma_wait3A_187 : memref<1x128x64xf32, #tpu.memory_space<hbm>> -> memref<128x64xf32, #tpu.memory_space<hbm>>
      %dma_wait3A_189 = arith.constant 0 : i32
      %dma_wait3A_190 = tpu.memref_slice %arg5[%arg0, %add3A_160, %dma_wait3A_189] : memref<2x10112x64xf32, #tpu.memory_space<hbm>> -> memref<1x128x64xf32, #tpu.memory_space<hbm>>
      %dma_wait3A_191 = tpu.memref_squeeze %dma_wait3A_190 : memref<1x128x64xf32, #tpu.memory_space<hbm>> -> memref<128x64xf32, #tpu.memory_space<hbm>>
      %dma_wait3A_192 = arith.constant 0 : i32
      %dma_wait3A_193 = arith.constant 0 : i32
      %dma_wait3A_194 = tpu.memref_slice %arg9[%run_scoped3A_162, %dma_wait3A_192, %dma_wait3A_193] : memref<6x128x64xf32, #tpu.memory_space<vmem>> -> memref<1x128x64xf32, #tpu.memory_space<vmem>>
      %dma_wait3A_195 = tpu.memref_squeeze %dma_wait3A_194 : memref<1x128x64xf32, #tpu.memory_space<vmem>> -> memref<128x64xf32, #tpu.memory_space<vmem>>
      tpu.wait_dma2 semaphore(%run_scoped3A_167 : memref<!tpu.dma_semaphore, #tpu.memory_space<semaphore_mem>>) src(%dma_wait3A_195 : memref<128x64xf32, #tpu.memory_space<vmem>>) dst(%dma_wait3A_191 : memref<128x64xf32, #tpu.memory_space<hbm>>)
      tpu.yield
    }) : () -> ()
    %add3A_163 = arith.constant 512 : i32
    %add3A_164 = arith.addi %mul3A_7, %add3A_163 : i32
    %run_scoped3A_165 = arith.constant 1 : i32
    "tpu.region"() ({
      %run_scoped3A_167 = tpu.sem_alloc : memref<!tpu.dma_semaphore, #tpu.memory_space<semaphore_mem>>
      %dma_start3A_168 = arith.constant 0 : i32
      %dma_start3A_169 = arith.constant 0 : i32
      %dma_start3A_170 = tpu.memref_slice %arg9[%run_scoped3A_165, %dma_start3A_168, %dma_start3A_169] : memref<6x128x64xf32, #tpu.memory_space<vmem>> -> memref<1x120x64xf32, #tpu.memory_space<vmem>>
      %dma_start3A_171 = tpu.memref_squeeze %dma_start3A_170 : memref<1x120x64xf32, #tpu.memory_space<vmem>> -> memref<120x64xf32, #tpu.memory_space<vmem>>
      %dma_start3A_172 = arith.constant 0 : i32
      %dma_start3A_173 = tpu.memref_slice %arg10[%add3A_164, %dma_start3A_172] : memref<10112x64xf32, #tpu.memory_space<vmem_shared>> -> memref<120x64xf32, #tpu.memory_space<vmem_shared>>
      %dma_start3A_174 = arith.constant 0 : i32
      %dma_start3A_175 = arith.constant 0 : i32
      %dma_start3A_176 = tpu.memref_slice %arg9[%run_scoped3A_165, %dma_start3A_174, %dma_start3A_175] : memref<6x128x64xf32, #tpu.memory_space<vmem>> -> memref<1x120x64xf32, #tpu.memory_space<vmem>>
      %dma_start3A_177 = tpu.memref_squeeze %dma_start3A_176 : memref<1x120x64xf32, #tpu.memory_space<vmem>> -> memref<120x64xf32, #tpu.memory_space<vmem>>
      %dma_start3A_178 = arith.constant 0 : i32
      %dma_start3A_179 = tpu.memref_slice %arg10[%add3A_164, %dma_start3A_178] : memref<10112x64xf32, #tpu.memory_space<vmem_shared>> -> memref<120x64xf32, #tpu.memory_space<vmem_shared>>
      tpu.enqueue_dma source(%dma_start3A_179 : memref<120x64xf32, #tpu.memory_space<vmem_shared>>) target(%dma_start3A_177 : memref<120x64xf32, #tpu.memory_space<vmem>>) target_semaphore(%run_scoped3A_167 : memref<!tpu.dma_semaphore, #tpu.memory_space<semaphore_mem>>)
      %dma_wait3A_180 = arith.constant 0 : i32
      %dma_wait3A_181 = arith.constant 0 : i32
      %dma_wait3A_182 = tpu.memref_slice %arg9[%run_scoped3A_165, %dma_wait3A_180, %dma_wait3A_181] : memref<6x128x64xf32, #tpu.memory_space<vmem>> -> memref<1x120x64xf32, #tpu.memory_space<vmem>>
      %dma_wait3A_183 = tpu.memref_squeeze %dma_wait3A_182 : memref<1x120x64xf32, #tpu.memory_space<vmem>> -> memref<120x64xf32, #tpu.memory_space<vmem>>
      %dma_wait3A_184 = arith.constant 0 : i32
      %dma_wait3A_185 = tpu.memref_slice %arg10[%add3A_164, %dma_wait3A_184] : memref<10112x64xf32, #tpu.memory_space<vmem_shared>> -> memref<120x64xf32, #tpu.memory_space<vmem_shared>>
      %dma_wait3A_186 = arith.constant 0 : i32
      %dma_wait3A_187 = arith.constant 0 : i32
      %dma_wait3A_188 = tpu.memref_slice %arg9[%run_scoped3A_165, %dma_wait3A_186, %dma_wait3A_187] : memref<6x128x64xf32, #tpu.memory_space<vmem>> -> memref<1x120x64xf32, #tpu.memory_space<vmem>>
      %dma_wait3A_189 = tpu.memref_squeeze %dma_wait3A_188 : memref<1x120x64xf32, #tpu.memory_space<vmem>> -> memref<120x64xf32, #tpu.memory_space<vmem>>
      %dma_wait3A_190 = arith.constant 0 : i32
      %dma_wait3A_191 = tpu.memref_slice %arg10[%add3A_164, %dma_wait3A_190] : memref<10112x64xf32, #tpu.memory_space<vmem_shared>> -> memref<120x64xf32, #tpu.memory_space<vmem_shared>>
      tpu.wait_dma2 semaphore(%run_scoped3A_167 : memref<!tpu.dma_semaphore, #tpu.memory_space<semaphore_mem>>) src(%dma_wait3A_191 : memref<120x64xf32, #tpu.memory_space<vmem_shared>>) dst(%dma_wait3A_189 : memref<120x64xf32, #tpu.memory_space<vmem>>)
      tpu.yield
    }) : () -> ()
    %run_scoped3A_166 = arith.constant 1 : i32
    "tpu.region"() ({
      %run_scoped3A_167 = tpu.sem_alloc : memref<!tpu.dma_semaphore, #tpu.memory_space<semaphore_mem>>
      %dma_start3A_168 = arith.constant 0 : i32
      %dma_start3A_169 = arith.constant 0 : i32
      %dma_start3A_170 = tpu.memref_slice %arg9[%run_scoped3A_166, %dma_start3A_168, %dma_start3A_169] : memref<6x128x64xf32, #tpu.memory_space<vmem>> -> memref<1x120x64xf32, #tpu.memory_space<vmem>>
      %dma_start3A_171 = tpu.memref_squeeze %dma_start3A_170 : memref<1x120x64xf32, #tpu.memory_space<vmem>> -> memref<120x64xf32, #tpu.memory_space<vmem>>
      %dma_start3A_172 = arith.constant 0 : i32
      %dma_start3A_173 = tpu.memref_slice %arg5[%arg0, %add3A_164, %dma_start3A_172] : memref<2x10112x64xf32, #tpu.memory_space<hbm>> -> memref<1x120x64xf32, #tpu.memory_space<hbm>>
      %dma_start3A_174 = tpu.memref_squeeze %dma_start3A_173 : memref<1x120x64xf32, #tpu.memory_space<hbm>> -> memref<120x64xf32, #tpu.memory_space<hbm>>
      %dma_start3A_175 = arith.constant 0 : i32
      %dma_start3A_176 = tpu.memref_slice %arg5[%arg0, %add3A_164, %dma_start3A_175] : memref<2x10112x64xf32, #tpu.memory_space<hbm>> -> memref<1x120x64xf32, #tpu.memory_space<hbm>>
      %dma_start3A_177 = tpu.memref_squeeze %dma_start3A_176 : memref<1x120x64xf32, #tpu.memory_space<hbm>> -> memref<120x64xf32, #tpu.memory_space<hbm>>
      %dma_start3A_178 = arith.constant 0 : i32
      %dma_start3A_179 = arith.constant 0 : i32
      %dma_start3A_180 = tpu.memref_slice %arg9[%run_scoped3A_166, %dma_start3A_178, %dma_start3A_179] : memref<6x128x64xf32, #tpu.memory_space<vmem>> -> memref<1x120x64xf32, #tpu.memory_space<vmem>>
      %dma_start3A_181 = tpu.memref_squeeze %dma_start3A_180 : memref<1x120x64xf32, #tpu.memory_space<vmem>> -> memref<120x64xf32, #tpu.memory_space<vmem>>
      tpu.enqueue_dma source(%dma_start3A_181 : memref<120x64xf32, #tpu.memory_space<vmem>>) target(%dma_start3A_177 : memref<120x64xf32, #tpu.memory_space<hbm>>) target_semaphore(%run_scoped3A_167 : memref<!tpu.dma_semaphore, #tpu.memory_space<semaphore_mem>>)
      %dma_wait3A_182 = arith.constant 0 : i32
      %dma_wait3A_183 = arith.constant 0 : i32
      %dma_wait3A_184 = tpu.memref_slice %arg9[%run_scoped3A_166, %dma_wait3A_182, %dma_wait3A_183] : memref<6x128x64xf32, #tpu.memory_space<vmem>> -> memref<1x120x64xf32, #tpu.memory_space<vmem>>
      %dma_wait3A_185 = tpu.memref_squeeze %dma_wait3A_184 : memref<1x120x64xf32, #tpu.memory_space<vmem>> -> memref<120x64xf32, #tpu.memory_space<vmem>>
      %dma_wait3A_186 = arith.constant 0 : i32
      %dma_wait3A_187 = tpu.memref_slice %arg5[%arg0, %add3A_164, %dma_wait3A_186] : memref<2x10112x64xf32, #tpu.memory_space<hbm>> -> memref<1x120x64xf32, #tpu.memory_space<hbm>>
      %dma_wait3A_188 = tpu.memref_squeeze %dma_wait3A_187 : memref<1x120x64xf32, #tpu.memory_space<hbm>> -> memref<120x64xf32, #tpu.memory_space<hbm>>
      %dma_wait3A_189 = arith.constant 0 : i32
      %dma_wait3A_190 = tpu.memref_slice %arg5[%arg0, %add3A_164, %dma_wait3A_189] : memref<2x10112x64xf32, #tpu.memory_space<hbm>> -> memref<1x120x64xf32, #tpu.memory_space<hbm>>
      %dma_wait3A_191 = tpu.memref_squeeze %dma_wait3A_190 : memref<1x120x64xf32, #tpu.memory_space<hbm>> -> memref<120x64xf32, #tpu.memory_space<hbm>>
      %dma_wait3A_192 = arith.constant 0 : i32
      %dma_wait3A_193 = arith.constant 0 : i32
      %dma_wait3A_194 = tpu.memref_slice %arg9[%run_scoped3A_166, %dma_wait3A_192, %dma_wait3A_193] : memref<6x128x64xf32, #tpu.memory_space<vmem>> -> memref<1x120x64xf32, #tpu.memory_space<vmem>>
      %dma_wait3A_195 = tpu.memref_squeeze %dma_wait3A_194 : memref<1x120x64xf32, #tpu.memory_space<vmem>> -> memref<120x64xf32, #tpu.memory_space<vmem>>
      tpu.wait_dma2 semaphore(%run_scoped3A_167 : memref<!tpu.dma_semaphore, #tpu.memory_space<semaphore_mem>>) src(%dma_wait3A_195 : memref<120x64xf32, #tpu.memory_space<vmem>>) dst(%dma_wait3A_191 : memref<120x64xf32, #tpu.memory_space<hbm>>)
      tpu.yield
    }) : () -> ()
    return
  }
}

#map = affine_map<(d0, d1) -> (0, 0, 0)>
module attributes {stable_mosaic.version = 14 : i64} {
  func.func @deg_kernel(%arg0: i32, %arg1: i32, %arg2: memref<16x158x128xi32, #tpu.memory_space<hbm>>, %arg3: memref<2x10112x16xf32, #tpu.memory_space<hbm>>, %arg4: memref<79x128xi32, #tpu.memory_space<vmem>>, %arg5: memref<4x128xi32, #tpu.memory_space<vmem>>, %arg6: memref<128x16xf32, #tpu.memory_space<vmem>>, %arg7: memref<632x16xf32, #tpu.memory_space<vmem>>, %arg8: memref<10112x16xf32, #tpu.memory_space<vmem_shared>>, %arg9: memref<!tpu.dma_semaphore, #tpu.memory_space<semaphore_mem>>) attributes {dimension_semantics = [#tpu.dimension_semantics<core_parallel>, #tpu.dimension_semantics<subcore_parallel>], iteration_bounds = array<i64: 2, 16>, scalar_prefetch = 0 : i64, scratch_operands = 6 : i64, tpu.core_type = #tpu.core_type<sc_vector_subcore>, window_params = [{transform_indices = #map}, {transform_indices = #map}]} {
    %scan3A = arith.constant 0 : i32
    %scan3A_0 = arith.constant 0 : i32
    %scan3A_1 = arith.constant 128 : i32
    %scan3A_2 = arith.addi %scan3A_0, %scan3A_1 : i32
    %scan3A_3 = arith.constant 1 : i32
    %scan3A_4 = scf.for %scan3A_51 = %scan3A_0 to %scan3A_2 step %scan3A_3 iter_args(%scan3A_52 = %scan3A) -> (i32)  : i32 {
      %jit3A = arith.constant 1 : i32
      %div3A = arith.divsi %scan3A_51, %jit3A : i32
      %sign3A = arith.constant 0 : i32
      %sign3A_53 = arith.cmpi sgt, %scan3A_51, %sign3A : i32
      %sign3A_54 = arith.extui %sign3A_53 : i1 to i32
      %sign3A_55 = arith.constant 0 : i32
      %sign3A_56 = arith.cmpi slt, %scan3A_51, %sign3A_55 : i32
      %sign3A_57 = arith.extui %sign3A_56 : i1 to i32
      %sign3A_58 = arith.subi %sign3A_54, %sign3A_57 : i32
      %sign3A_59 = arith.constant 0 : i32
      %sign3A_60 = arith.cmpi sgt, %jit3A, %sign3A_59 : i32
      %sign3A_61 = arith.extui %sign3A_60 : i1 to i32
      %sign3A_62 = arith.constant 0 : i32
      %sign3A_63 = arith.cmpi slt, %jit3A, %sign3A_62 : i32
      %sign3A_64 = arith.extui %sign3A_63 : i1 to i32
      %sign3A_65 = arith.subi %sign3A_61, %sign3A_64 : i32
      %ne3A = arith.cmpi ne, %sign3A_58, %sign3A_65 : i32
      %rem3A = arith.remsi %scan3A_51, %jit3A : i32
      %ne3A_66 = arith.constant 0 : i32
      %ne3A_67 = arith.cmpi ne, %rem3A, %ne3A_66 : i32
      %and3A = arith.andi %ne3A, %ne3A_67 : i1
      %sub3A = arith.constant 1 : i32
      %sub3A_68 = arith.subi %div3A, %sub3A : i32
      %select_n3A = arith.select %and3A, %sub3A_68, %div3A : i32
      %jit3A_69 = arith.constant 1 : i32
      %eq3A = arith.constant 0 : i32
      %eq3A_70 = arith.cmpi eq, %jit3A_69, %eq3A : i32
      %jit3A_71 = arith.constant 1 : i32
      %select_n3A_72 = arith.select %eq3A_70, %jit3A_71, %jit3A_69 : i32
      %rem3A_73 = arith.remsi %scan3A_51, %select_n3A_72 : i32
      %ne3A_74 = arith.constant 0 : i32
      %ne3A_75 = arith.cmpi ne, %rem3A_73, %ne3A_74 : i32
      %lt3A = arith.constant 0 : i32
      %lt3A_76 = arith.cmpi slt, %rem3A_73, %lt3A : i32
      %lt3A_77 = arith.constant 0 : i32
      %lt3A_78 = arith.cmpi slt, %select_n3A_72, %lt3A_77 : i32
      %ne3A_79 = arith.xori %lt3A_76, %lt3A_78 : i1
      %and3A_80 = arith.andi %ne3A_79, %ne3A_75 : i1
      %add3A = arith.addi %rem3A_73, %select_n3A_72 : i32
      %select_n3A_81 = arith.select %and3A_80, %add3A, %rem3A_73 : i32
      %mul3A_82 = arith.constant 16 : i32
      %mul3A_83 = arith.muli %select_n3A_81, %mul3A_82 : i32
      %broadcast_in_dim3A = arith.constant 1.000000e+00 : f32
      %broadcast_in_dim3A_84 = vector.broadcast %broadcast_in_dim3A : f32 to vector<16xf32>
      %swap3A = arith.index_cast %select_n3A : i32 to index
      %swap3A_85 = arith.index_cast %mul3A_83 : i32 to index
      %swap3A_86 = tpu.vector_load %arg6[%swap3A, %swap3A_85] {strides = array<i32>} : memref<128x16xf32, #tpu.memory_space<vmem>>, vector<1x16xf32>,
      %swap3A_87 = vector.shape_cast %swap3A_86 : vector<1x16xf32> to vector<16xf32>
      %swap3A_88 = vector.shape_cast %broadcast_in_dim3A_84 : vector<16xf32> to vector<1x16xf32>
      tpu.vector_store %arg6[%swap3A, %swap3A_85], %swap3A_88 {strides = array<i32>} : memref<128x16xf32, #tpu.memory_space<vmem>>, vector<1x16xf32>,
      %scan3A_89 = arith.constant 0 : i32
      scf.yield %scan3A_89 : i32
    }
    %scan3A_5 = arith.constant 128 : i32
    %scan3A_6 = arith.constant 0 : i32
    %scan3A_7 = arith.constant 0 : i32
    %scan3A_8 = arith.constant 632 : i32
    %scan3A_9 = arith.addi %scan3A_7, %scan3A_8 : i32
    %scan3A_10 = arith.constant 1 : i32
    %scan3A_11 = scf.for %scan3A_51 = %scan3A_7 to %scan3A_9 step %scan3A_10 iter_args(%scan3A_52 = %scan3A_6) -> (i32)  : i32 {
      %jit3A = arith.constant 1 : i32
      %div3A = arith.divsi %scan3A_51, %jit3A : i32
      %sign3A = arith.constant 0 : i32
      %sign3A_53 = arith.cmpi sgt, %scan3A_51, %sign3A : i32
      %sign3A_54 = arith.extui %sign3A_53 : i1 to i32
      %sign3A_55 = arith.constant 0 : i32
      %sign3A_56 = arith.cmpi slt, %scan3A_51, %sign3A_55 : i32
      %sign3A_57 = arith.extui %sign3A_56 : i1 to i32
      %sign3A_58 = arith.subi %sign3A_54, %sign3A_57 : i32
      %sign3A_59 = arith.constant 0 : i32
      %sign3A_60 = arith.cmpi sgt, %jit3A, %sign3A_59 : i32
      %sign3A_61 = arith.extui %sign3A_60 : i1 to i32
      %sign3A_62 = arith.constant 0 : i32
      %sign3A_63 = arith.cmpi slt, %jit3A, %sign3A_62 : i32
      %sign3A_64 = arith.extui %sign3A_63 : i1 to i32
      %sign3A_65 = arith.subi %sign3A_61, %sign3A_64 : i32
      %ne3A = arith.cmpi ne, %sign3A_58, %sign3A_65 : i32
      %rem3A = arith.remsi %scan3A_51, %jit3A : i32
      %ne3A_66 = arith.constant 0 : i32
      %ne3A_67 = arith.cmpi ne, %rem3A, %ne3A_66 : i32
      %and3A = arith.andi %ne3A, %ne3A_67 : i1
      %sub3A = arith.constant 1 : i32
      %sub3A_68 = arith.subi %div3A, %sub3A : i32
      %select_n3A = arith.select %and3A, %sub3A_68, %div3A : i32
      %jit3A_69 = arith.constant 1 : i32
      %eq3A = arith.constant 0 : i32
      %eq3A_70 = arith.cmpi eq, %jit3A_69, %eq3A : i32
      %jit3A_71 = arith.constant 1 : i32
      %select_n3A_72 = arith.select %eq3A_70, %jit3A_71, %jit3A_69 : i32
      %rem3A_73 = arith.remsi %scan3A_51, %select_n3A_72 : i32
      %ne3A_74 = arith.constant 0 : i32
      %ne3A_75 = arith.cmpi ne, %rem3A_73, %ne3A_74 : i32
      %lt3A = arith.constant 0 : i32
      %lt3A_76 = arith.cmpi slt, %rem3A_73, %lt3A : i32
      %lt3A_77 = arith.constant 0 : i32
      %lt3A_78 = arith.cmpi slt, %select_n3A_72, %lt3A_77 : i32
      %ne3A_79 = arith.xori %lt3A_76, %lt3A_78 : i1
      %and3A_80 = arith.andi %ne3A_79, %ne3A_75 : i1
      %add3A = arith.addi %rem3A_73, %select_n3A_72 : i32
      %select_n3A_81 = arith.select %and3A_80, %add3A, %rem3A_73 : i32
      %mul3A_82 = arith.constant 16 : i32
      %mul3A_83 = arith.muli %select_n3A_81, %mul3A_82 : i32
      %broadcast_in_dim3A = arith.constant 0.000000e+00 : f32
      %broadcast_in_dim3A_84 = vector.broadcast %broadcast_in_dim3A : f32 to vector<16xf32>
      %swap3A = arith.index_cast %select_n3A : i32 to index
      %swap3A_85 = arith.index_cast %mul3A_83 : i32 to index
      %swap3A_86 = tpu.vector_load %arg7[%swap3A, %swap3A_85] {strides = array<i32>} : memref<632x16xf32, #tpu.memory_space<vmem>>, vector<1x16xf32>,
      %swap3A_87 = vector.shape_cast %swap3A_86 : vector<1x16xf32> to vector<16xf32>
      %swap3A_88 = vector.shape_cast %broadcast_in_dim3A_84 : vector<16xf32> to vector<1x16xf32>
      tpu.vector_store %arg7[%swap3A, %swap3A_85], %swap3A_88 {strides = array<i32>} : memref<632x16xf32, #tpu.memory_space<vmem>>, vector<1x16xf32>,
      %scan3A_89 = arith.constant 0 : i32
      scf.yield %scan3A_89 : i32
    }
    %scan3A_12 = arith.constant 632 : i32
    %mul3A = arith.constant 632 : i32
    %mul3A_13 = arith.muli %arg1, %mul3A : i32
    "tpu.region"() ({
      %run_scoped3A = tpu.sem_alloc : memref<!tpu.dma_semaphore, #tpu.memory_space<semaphore_mem>>
      %dma_start3A = arith.constant 0 : i32
      %dma_start3A_51 = tpu.memref_slice %arg8[%mul3A_13, %dma_start3A] : memref<10112x16xf32, #tpu.memory_space<vmem_shared>> -> memref<632x16xf32, #tpu.memory_space<vmem_shared>>
      %dma_start3A_52 = arith.constant 0 : i32
      %dma_start3A_53 = tpu.memref_slice %arg8[%mul3A_13, %dma_start3A_52] : memref<10112x16xf32, #tpu.memory_space<vmem_shared>> -> memref<632x16xf32, #tpu.memory_space<vmem_shared>>
      tpu.enqueue_dma source(%arg7 : memref<632x16xf32, #tpu.memory_space<vmem>>) target(%dma_start3A_53 : memref<632x16xf32, #tpu.memory_space<vmem_shared>>) target_semaphore(%run_scoped3A : memref<!tpu.dma_semaphore, #tpu.memory_space<semaphore_mem>>)
      %dma_wait3A_54 = arith.constant 0 : i32
      %dma_wait3A_55 = tpu.memref_slice %arg8[%mul3A_13, %dma_wait3A_54] : memref<10112x16xf32, #tpu.memory_space<vmem_shared>> -> memref<632x16xf32, #tpu.memory_space<vmem_shared>>
      %dma_wait3A_56 = arith.constant 0 : i32
      %dma_wait3A_57 = tpu.memref_slice %arg8[%mul3A_13, %dma_wait3A_56] : memref<10112x16xf32, #tpu.memory_space<vmem_shared>> -> memref<632x16xf32, #tpu.memory_space<vmem_shared>>
      tpu.wait_dma2 semaphore(%run_scoped3A : memref<!tpu.dma_semaphore, #tpu.memory_space<semaphore_mem>>) src(%arg7 : memref<632x16xf32, #tpu.memory_space<vmem>>) dst(%dma_wait3A_57 : memref<632x16xf32, #tpu.memory_space<vmem_shared>>)
      tpu.yield
    }) : () -> ()
    %mul3A_14 = arith.constant 79 : i32
    %mul3A_15 = arith.muli %arg0, %mul3A_14 : i32
    "tpu.region"() ({
      %run_scoped3A = tpu.sem_alloc : memref<!tpu.dma_semaphore, #tpu.memory_space<semaphore_mem>>
      %dma_start3A = arith.constant 0 : i32
      %dma_start3A_51 = tpu.memref_slice %arg2[%arg1, %mul3A_15, %dma_start3A] : memref<16x158x128xi32, #tpu.memory_space<hbm>> -> memref<1x79x128xi32, #tpu.memory_space<hbm>>
      %dma_start3A_52 = tpu.memref_squeeze %dma_start3A_51 : memref<1x79x128xi32, #tpu.memory_space<hbm>> -> memref<79x128xi32, #tpu.memory_space<hbm>>
      %dma_start3A_53 = arith.constant 0 : i32
      %dma_start3A_54 = tpu.memref_slice %arg2[%arg1, %mul3A_15, %dma_start3A_53] : memref<16x158x128xi32, #tpu.memory_space<hbm>> -> memref<1x79x128xi32, #tpu.memory_space<hbm>>
      %dma_start3A_55 = tpu.memref_squeeze %dma_start3A_54 : memref<1x79x128xi32, #tpu.memory_space<hbm>> -> memref<79x128xi32, #tpu.memory_space<hbm>>
      tpu.enqueue_dma source(%dma_start3A_55 : memref<79x128xi32, #tpu.memory_space<hbm>>) target(%arg4 : memref<79x128xi32, #tpu.memory_space<vmem>>) target_semaphore(%run_scoped3A : memref<!tpu.dma_semaphore, #tpu.memory_space<semaphore_mem>>)
      %dma_wait3A_56 = arith.constant 0 : i32
      %dma_wait3A_57 = tpu.memref_slice %arg2[%arg1, %mul3A_15, %dma_wait3A_56] : memref<16x158x128xi32, #tpu.memory_space<hbm>> -> memref<1x79x128xi32, #tpu.memory_space<hbm>>
      %dma_wait3A_58 = tpu.memref_squeeze %dma_wait3A_57 : memref<1x79x128xi32, #tpu.memory_space<hbm>> -> memref<79x128xi32, #tpu.memory_space<hbm>>
      %dma_wait3A_59 = arith.constant 0 : i32
      %dma_wait3A_60 = tpu.memref_slice %arg2[%arg1, %mul3A_15, %dma_wait3A_59] : memref<16x158x128xi32, #tpu.memory_space<hbm>> -> memref<1x79x128xi32, #tpu.memory_space<hbm>>
      %dma_wait3A_61 = tpu.memref_squeeze %dma_wait3A_60 : memref<1x79x128xi32, #tpu.memory_space<hbm>> -> memref<79x128xi32, #tpu.memory_space<hbm>>
      tpu.wait_dma2 semaphore(%run_scoped3A : memref<!tpu.dma_semaphore, #tpu.memory_space<semaphore_mem>>) src(%dma_wait3A_61 : memref<79x128xi32, #tpu.memory_space<hbm>>) dst(%arg4 : memref<79x128xi32, #tpu.memory_space<vmem>>)
      tpu.yield
    }) : () -> ()
    %barrier3A = arith.constant 0 : index
    tpu.barrier barrier_id(%barrier3A)
    %scan3A_16 = arith.constant 0 : i32
    %scan3A_17 = arith.constant 0 : i32
    %scan3A_18 = arith.constant 79 : i32
    %scan3A_19 = arith.addi %scan3A_17, %scan3A_18 : i32
    %scan3A_20 = arith.constant 1 : i32
    %scan3A_21 = scf.for %scan3A_51 = %scan3A_17 to %scan3A_19 step %scan3A_20 iter_args(%scan3A_52 = %scan3A_16) -> (i32)  : i32 {
      %ge3A = arith.constant 4 : i32
      %ge3A_53 = arith.cmpi sge, %scan3A_51, %ge3A : i32
      %convert_element_type3A = arith.extui %ge3A_53 : i1 to i32
      %cond3A = arith.constant 0 : i32
      %cond3A_54 = arith.cmpi ne, %convert_element_type3A, %cond3A : i32
      scf.if %cond3A_54 {
        %sub3A = arith.constant 4 : i32
        %sub3A_171 = arith.subi %scan3A_51, %sub3A : i32
        %jit3A_172 = arith.constant 4 : i32
        %eq3A_173 = arith.constant 0 : i32
        %eq3A_174 = arith.cmpi eq, %jit3A_172, %eq3A_173 : i32
        %jit3A_175 = arith.constant 1 : i32
        %select_n3A_176 = arith.select %eq3A_174, %jit3A_175, %jit3A_172 : i32
        %rem3A_177 = arith.remsi %sub3A_171, %select_n3A_176 : i32
        %ne3A_178 = arith.constant 0 : i32
        %ne3A_179 = arith.cmpi ne, %rem3A_177, %ne3A_178 : i32
        %lt3A_180 = arith.constant 0 : i32
        %lt3A_181 = arith.cmpi slt, %rem3A_177, %lt3A_180 : i32
        %lt3A_182 = arith.constant 0 : i32
        %lt3A_183 = arith.cmpi slt, %select_n3A_176, %lt3A_182 : i32
        %ne3A_184 = arith.xori %lt3A_181, %lt3A_183 : i1
        %and3A_185 = arith.andi %ne3A_184, %ne3A_179 : i1
        %add3A_186 = arith.addi %rem3A_177, %select_n3A_176 : i32
        %select_n3A_187 = arith.select %and3A_185, %add3A_186, %rem3A_177 : i32
        %dma_wait3A_188 = arith.constant 0 : i32
        %dma_wait3A_189 = tpu.memref_slice %arg5[%select_n3A_187, %dma_wait3A_188] : memref<4x128xi32, #tpu.memory_space<vmem>> -> memref<1x128xi32, #tpu.memory_space<vmem>>
        %dma_wait3A_190 = tpu.memref_squeeze %dma_wait3A_189 : memref<1x128xi32, #tpu.memory_space<vmem>> -> memref<128xi32, #tpu.memory_space<vmem>>
        %dma_wait3A_191 = arith.constant 0 : i32
        %dma_wait3A_192 = arith.constant 0 : i32
        %dma_wait3A_193 = tpu.memref_slice %arg8[%dma_wait3A_191, %dma_wait3A_192] : memref<10112x16xf32, #tpu.memory_space<vmem_shared>> -> memref<10112x16xf32, #tpu.memory_space<vmem_shared>>
        tpu.wait_indirect_dma semaphore(%arg9 : memref<!tpu.dma_semaphore, #tpu.memory_space<semaphore_mem>>) src(%arg6 : memref<128x16xf32, #tpu.memory_space<vmem>>) dst(%dma_wait3A_193 : memref<10112x16xf32, #tpu.memory_space<vmem_shared>>)
      } else {
      }
      %jit3A = arith.constant 4 : i32
      %eq3A = arith.constant 0 : i32
      %eq3A_55 = arith.cmpi eq, %jit3A, %eq3A : i32
      %jit3A_56 = arith.constant 1 : i32
      %select_n3A = arith.select %eq3A_55, %jit3A_56, %jit3A : i32
      %rem3A = arith.remsi %scan3A_51, %select_n3A : i32
      %ne3A = arith.constant 0 : i32
      %ne3A_57 = arith.cmpi ne, %rem3A, %ne3A : i32
      %lt3A = arith.constant 0 : i32
      %lt3A_58 = arith.cmpi slt, %rem3A, %lt3A : i32
      %lt3A_59 = arith.constant 0 : i32
      %lt3A_60 = arith.cmpi slt, %select_n3A, %lt3A_59 : i32
      %ne3A_61 = arith.xori %lt3A_58, %lt3A_60 : i1
      %and3A = arith.andi %ne3A_61, %ne3A_57 : i1
      %add3A = arith.addi %rem3A, %select_n3A : i32
      %select_n3A_62 = arith.select %and3A, %add3A, %rem3A : i32
      %get3A = arith.index_cast %scan3A_51 : i32 to index
      %get3A_63 = arith.constant 0 : index
      %get3A_64 = tpu.vector_load %arg4[%get3A, %get3A_63] {strides = array<i32>} : memref<79x128xi32, #tpu.memory_space<vmem>>, vector<1x16xi32>,
      %get3A_65 = vector.shape_cast %get3A_64 : vector<1x16xi32> to vector<16xi32>
      %swap3A = arith.constant 0 : i32
      %swap3A_66 = tpu.memref_slice %arg5[%select_n3A_62, %swap3A] : memref<4x128xi32, #tpu.memory_space<vmem>> -> memref<1x128xi32, #tpu.memory_space<vmem>>
      %swap3A_67 = tpu.memref_squeeze %swap3A_66 : memref<1x128xi32, #tpu.memory_space<vmem>> -> memref<128xi32, #tpu.memory_space<vmem>>
      %swap3A_68 = arith.constant 0 : index
      %swap3A_69 = tpu.vector_load %swap3A_67[%swap3A_68] {strides = array<i32>} : memref<128xi32, #tpu.memory_space<vmem>>, vector<16xi32>,
      %swap3A_70 = vector.shape_cast %swap3A_69 : vector<16xi32> to vector<16xi32>
      %swap3A_71 = vector.shape_cast %get3A_65 : vector<16xi32> to vector<16xi32>
      tpu.vector_store %swap3A_67[%swap3A_68], %swap3A_71 {strides = array<i32>} : memref<128xi32, #tpu.memory_space<vmem>>, vector<16xi32>,
      %get3A_72 = arith.index_cast %scan3A_51 : i32 to index
      %get3A_73 = arith.constant 16 : index
      %get3A_74 = tpu.vector_load %arg4[%get3A_72, %get3A_73] {strides = array<i32>} : memref<79x128xi32, #tpu.memory_space<vmem>>, vector<1x16xi32>,
      %get3A_75 = vector.shape_cast %get3A_74 : vector<1x16xi32> to vector<16xi32>
      %swap3A_76 = arith.constant 0 : i32
      %swap3A_77 = tpu.memref_slice %arg5[%select_n3A_62, %swap3A_76] : memref<4x128xi32, #tpu.memory_space<vmem>> -> memref<1x128xi32, #tpu.memory_space<vmem>>
      %swap3A_78 = tpu.memref_squeeze %swap3A_77 : memref<1x128xi32, #tpu.memory_space<vmem>> -> memref<128xi32, #tpu.memory_space<vmem>>
      %swap3A_79 = arith.constant 16 : index
      %swap3A_80 = tpu.vector_load %swap3A_78[%swap3A_79] {strides = array<i32>} : memref<128xi32, #tpu.memory_space<vmem>>, vector<16xi32>,
      %swap3A_81 = vector.shape_cast %swap3A_80 : vector<16xi32> to vector<16xi32>
      %swap3A_82 = vector.shape_cast %get3A_75 : vector<16xi32> to vector<16xi32>
      tpu.vector_store %swap3A_78[%swap3A_79], %swap3A_82 {strides = array<i32>} : memref<128xi32, #tpu.memory_space<vmem>>, vector<16xi32>,
      %get3A_83 = arith.index_cast %scan3A_51 : i32 to index
      %get3A_84 = arith.constant 32 : index
      %get3A_85 = tpu.vector_load %arg4[%get3A_83, %get3A_84] {strides = array<i32>} : memref<79x128xi32, #tpu.memory_space<vmem>>, vector<1x16xi32>,
      %get3A_86 = vector.shape_cast %get3A_85 : vector<1x16xi32> to vector<16xi32>
      %swap3A_87 = arith.constant 0 : i32
      %swap3A_88 = tpu.memref_slice %arg5[%select_n3A_62, %swap3A_87] : memref<4x128xi32, #tpu.memory_space<vmem>> -> memref<1x128xi32, #tpu.memory_space<vmem>>
      %swap3A_89 = tpu.memref_squeeze %swap3A_88 : memref<1x128xi32, #tpu.memory_space<vmem>> -> memref<128xi32, #tpu.memory_space<vmem>>
      %swap3A_90 = arith.constant 32 : index
      %swap3A_91 = tpu.vector_load %swap3A_89[%swap3A_90] {strides = array<i32>} : memref<128xi32, #tpu.memory_space<vmem>>, vector<16xi32>,
      %swap3A_92 = vector.shape_cast %swap3A_91 : vector<16xi32> to vector<16xi32>
      %swap3A_93 = vector.shape_cast %get3A_86 : vector<16xi32> to vector<16xi32>
      tpu.vector_store %swap3A_89[%swap3A_90], %swap3A_93 {strides = array<i32>} : memref<128xi32, #tpu.memory_space<vmem>>, vector<16xi32>,
      %get3A_94 = arith.index_cast %scan3A_51 : i32 to index
      %get3A_95 = arith.constant 48 : index
      %get3A_96 = tpu.vector_load %arg4[%get3A_94, %get3A_95] {strides = array<i32>} : memref<79x128xi32, #tpu.memory_space<vmem>>, vector<1x16xi32>,
      %get3A_97 = vector.shape_cast %get3A_96 : vector<1x16xi32> to vector<16xi32>
      %swap3A_98 = arith.constant 0 : i32
      %swap3A_99 = tpu.memref_slice %arg5[%select_n3A_62, %swap3A_98] : memref<4x128xi32, #tpu.memory_space<vmem>> -> memref<1x128xi32, #tpu.memory_space<vmem>>
      %swap3A_100 = tpu.memref_squeeze %swap3A_99 : memref<1x128xi32, #tpu.memory_space<vmem>> -> memref<128xi32, #tpu.memory_space<vmem>>
      %swap3A_101 = arith.constant 48 : index
      %swap3A_102 = tpu.vector_load %swap3A_100[%swap3A_101] {strides = array<i32>} : memref<128xi32, #tpu.memory_space<vmem>>, vector<16xi32>,
      %swap3A_103 = vector.shape_cast %swap3A_102 : vector<16xi32> to vector<16xi32>
      %swap3A_104 = vector.shape_cast %get3A_97 : vector<16xi32> to vector<16xi32>
      tpu.vector_store %swap3A_100[%swap3A_101], %swap3A_104 {strides = array<i32>} : memref<128xi32, #tpu.memory_space<vmem>>, vector<16xi32>,
      %get3A_105 = arith.index_cast %scan3A_51 : i32 to index
      %get3A_106 = arith.constant 64 : index
      %get3A_107 = tpu.vector_load %arg4[%get3A_105, %get3A_106] {strides = array<i32>} : memref<79x128xi32, #tpu.memory_space<vmem>>, vector<1x16xi32>,
      %get3A_108 = vector.shape_cast %get3A_107 : vector<1x16xi32> to vector<16xi32>
      %swap3A_109 = arith.constant 0 : i32
      %swap3A_110 = tpu.memref_slice %arg5[%select_n3A_62, %swap3A_109] : memref<4x128xi32, #tpu.memory_space<vmem>> -> memref<1x128xi32, #tpu.memory_space<vmem>>
      %swap3A_111 = tpu.memref_squeeze %swap3A_110 : memref<1x128xi32, #tpu.memory_space<vmem>> -> memref<128xi32, #tpu.memory_space<vmem>>
      %swap3A_112 = arith.constant 64 : index
      %swap3A_113 = tpu.vector_load %swap3A_111[%swap3A_112] {strides = array<i32>} : memref<128xi32, #tpu.memory_space<vmem>>, vector<16xi32>,
      %swap3A_114 = vector.shape_cast %swap3A_113 : vector<16xi32> to vector<16xi32>
      %swap3A_115 = vector.shape_cast %get3A_108 : vector<16xi32> to vector<16xi32>
      tpu.vector_store %swap3A_111[%swap3A_112], %swap3A_115 {strides = array<i32>} : memref<128xi32, #tpu.memory_space<vmem>>, vector<16xi32>,
      %get3A_116 = arith.index_cast %scan3A_51 : i32 to index
      %get3A_117 = arith.constant 80 : index
      %get3A_118 = tpu.vector_load %arg4[%get3A_116, %get3A_117] {strides = array<i32>} : memref<79x128xi32, #tpu.memory_space<vmem>>, vector<1x16xi32>,
      %get3A_119 = vector.shape_cast %get3A_118 : vector<1x16xi32> to vector<16xi32>
      %swap3A_120 = arith.constant 0 : i32
      %swap3A_121 = tpu.memref_slice %arg5[%select_n3A_62, %swap3A_120] : memref<4x128xi32, #tpu.memory_space<vmem>> -> memref<1x128xi32, #tpu.memory_space<vmem>>
      %swap3A_122 = tpu.memref_squeeze %swap3A_121 : memref<1x128xi32, #tpu.memory_space<vmem>> -> memref<128xi32, #tpu.memory_space<vmem>>
      %swap3A_123 = arith.constant 80 : index
      %swap3A_124 = tpu.vector_load %swap3A_122[%swap3A_123] {strides = array<i32>} : memref<128xi32, #tpu.memory_space<vmem>>, vector<16xi32>,
      %swap3A_125 = vector.shape_cast %swap3A_124 : vector<16xi32> to vector<16xi32>
      %swap3A_126 = vector.shape_cast %get3A_119 : vector<16xi32> to vector<16xi32>
      tpu.vector_store %swap3A_122[%swap3A_123], %swap3A_126 {strides = array<i32>} : memref<128xi32, #tpu.memory_space<vmem>>, vector<16xi32>,
      %get3A_127 = arith.index_cast %scan3A_51 : i32 to index
      %get3A_128 = arith.constant 96 : index
      %get3A_129 = tpu.vector_load %arg4[%get3A_127, %get3A_128] {strides = array<i32>} : memref<79x128xi32, #tpu.memory_space<vmem>>, vector<1x16xi32>,
      %get3A_130 = vector.shape_cast %get3A_129 : vector<1x16xi32> to vector<16xi32>
      %swap3A_131 = arith.constant 0 : i32
      %swap3A_132 = tpu.memref_slice %arg5[%select_n3A_62, %swap3A_131] : memref<4x128xi32, #tpu.memory_space<vmem>> -> memref<1x128xi32, #tpu.memory_space<vmem>>
      %swap3A_133 = tpu.memref_squeeze %swap3A_132 : memref<1x128xi32, #tpu.memory_space<vmem>> -> memref<128xi32, #tpu.memory_space<vmem>>
      %swap3A_134 = arith.constant 96 : index
      %swap3A_135 = tpu.vector_load %swap3A_133[%swap3A_134] {strides = array<i32>} : memref<128xi32, #tpu.memory_space<vmem>>, vector<16xi32>,
      %swap3A_136 = vector.shape_cast %swap3A_135 : vector<16xi32> to vector<16xi32>
      %swap3A_137 = vector.shape_cast %get3A_130 : vector<16xi32> to vector<16xi32>
      tpu.vector_store %swap3A_133[%swap3A_134], %swap3A_137 {strides = array<i32>} : memref<128xi32, #tpu.memory_space<vmem>>, vector<16xi32>,
      %get3A_138 = arith.index_cast %scan3A_51 : i32 to index
      %get3A_139 = arith.constant 112 : index
      %get3A_140 = tpu.vector_load %arg4[%get3A_138, %get3A_139] {strides = array<i32>} : memref<79x128xi32, #tpu.memory_space<vmem>>, vector<1x16xi32>,
      %get3A_141 = vector.shape_cast %get3A_140 : vector<1x16xi32> to vector<16xi32>
      %swap3A_142 = arith.constant 0 : i32
      %swap3A_143 = tpu.memref_slice %arg5[%select_n3A_62, %swap3A_142] : memref<4x128xi32, #tpu.memory_space<vmem>> -> memref<1x128xi32, #tpu.memory_space<vmem>>
      %swap3A_144 = tpu.memref_squeeze %swap3A_143 : memref<1x128xi32, #tpu.memory_space<vmem>> -> memref<128xi32, #tpu.memory_space<vmem>>
      %swap3A_145 = arith.constant 112 : index
      %swap3A_146 = tpu.vector_load %swap3A_144[%swap3A_145] {strides = array<i32>} : memref<128xi32, #tpu.memory_space<vmem>>, vector<16xi32>,
      %swap3A_147 = vector.shape_cast %swap3A_146 : vector<16xi32> to vector<16xi32>
      %swap3A_148 = vector.shape_cast %get3A_141 : vector<16xi32> to vector<16xi32>
      tpu.vector_store %swap3A_144[%swap3A_145], %swap3A_148 {strides = array<i32>} : memref<128xi32, #tpu.memory_space<vmem>>, vector<16xi32>,
      %jit3A_149 = arith.constant 4 : i32
      %eq3A_150 = arith.constant 0 : i32
      %eq3A_151 = arith.cmpi eq, %jit3A_149, %eq3A_150 : i32
      %jit3A_152 = arith.constant 1 : i32
      %select_n3A_153 = arith.select %eq3A_151, %jit3A_152, %jit3A_149 : i32
      %rem3A_154 = arith.remsi %scan3A_51, %select_n3A_153 : i32
      %ne3A_155 = arith.constant 0 : i32
      %ne3A_156 = arith.cmpi ne, %rem3A_154, %ne3A_155 : i32
      %lt3A_157 = arith.constant 0 : i32
      %lt3A_158 = arith.cmpi slt, %rem3A_154, %lt3A_157 : i32
      %lt3A_159 = arith.constant 0 : i32
      %lt3A_160 = arith.cmpi slt, %select_n3A_153, %lt3A_159 : i32
      %ne3A_161 = arith.xori %lt3A_158, %lt3A_160 : i1
      %and3A_162 = arith.andi %ne3A_161, %ne3A_156 : i1
      %add3A_163 = arith.addi %rem3A_154, %select_n3A_153 : i32
      %select_n3A_164 = arith.select %and3A_162, %add3A_163, %rem3A_154 : i32
      %dma_start3A = arith.constant 0 : i32
      %dma_start3A_165 = tpu.memref_slice %arg5[%select_n3A_164, %dma_start3A] : memref<4x128xi32, #tpu.memory_space<vmem>> -> memref<1x128xi32, #tpu.memory_space<vmem>>
      %dma_start3A_166 = tpu.memref_squeeze %dma_start3A_165 : memref<1x128xi32, #tpu.memory_space<vmem>> -> memref<128xi32, #tpu.memory_space<vmem>>
      %dma_start3A_167 = arith.constant 0 : i32
      %dma_start3A_168 = arith.constant 0 : i32
      %dma_start3A_169 = tpu.memref_slice %arg8[%dma_start3A_167, %dma_start3A_168] : memref<10112x16xf32, #tpu.memory_space<vmem_shared>> -> memref<10112x16xf32, #tpu.memory_space<vmem_shared>>
      tpu.enqueue_indirect_dma source(%arg6 : memref<128x16xf32, #tpu.memory_space<vmem>>) target(%dma_start3A_169 : memref<10112x16xf32, #tpu.memory_space<vmem_shared>>) offsets(%dma_start3A_166 : memref<128xi32, #tpu.memory_space<vmem>>) semaphore(%arg9 : memref<!tpu.dma_semaphore, #tpu.memory_space<semaphore_mem>>) {add = true}
      %scan3A_170 = arith.constant 0 : i32
      scf.yield %scan3A_170 : i32
    }
    %scan3A_22 = arith.constant 79 : i32
    %dma_wait3A = arith.constant 3 : i32
    %dma_wait3A_23 = arith.constant 0 : i32
    %dma_wait3A_24 = tpu.memref_slice %arg5[%dma_wait3A, %dma_wait3A_23] : memref<4x128xi32, #tpu.memory_space<vmem>> -> memref<1x128xi32, #tpu.memory_space<vmem>>
    %dma_wait3A_25 = tpu.memref_squeeze %dma_wait3A_24 : memref<1x128xi32, #tpu.memory_space<vmem>> -> memref<128xi32, #tpu.memory_space<vmem>>
    %dma_wait3A_26 = arith.constant 0 : i32
    %dma_wait3A_27 = arith.constant 0 : i32
    %dma_wait3A_28 = tpu.memref_slice %arg8[%dma_wait3A_26, %dma_wait3A_27] : memref<10112x16xf32, #tpu.memory_space<vmem_shared>> -> memref<10112x16xf32, #tpu.memory_space<vmem_shared>>
    tpu.wait_indirect_dma semaphore(%arg9 : memref<!tpu.dma_semaphore, #tpu.memory_space<semaphore_mem>>) src(%arg6 : memref<128x16xf32, #tpu.memory_space<vmem>>) dst(%dma_wait3A_28 : memref<10112x16xf32, #tpu.memory_space<vmem_shared>>)
    %dma_wait3A_29 = arith.constant 0 : i32
    %dma_wait3A_30 = arith.constant 0 : i32
    %dma_wait3A_31 = tpu.memref_slice %arg5[%dma_wait3A_29, %dma_wait3A_30] : memref<4x128xi32, #tpu.memory_space<vmem>> -> memref<1x128xi32, #tpu.memory_space<vmem>>
    %dma_wait3A_32 = tpu.memref_squeeze %dma_wait3A_31 : memref<1x128xi32, #tpu.memory_space<vmem>> -> memref<128xi32, #tpu.memory_space<vmem>>
    %dma_wait3A_33 = arith.constant 0 : i32
    %dma_wait3A_34 = arith.constant 0 : i32
    %dma_wait3A_35 = tpu.memref_slice %arg8[%dma_wait3A_33, %dma_wait3A_34] : memref<10112x16xf32, #tpu.memory_space<vmem_shared>> -> memref<10112x16xf32, #tpu.memory_space<vmem_shared>>
    tpu.wait_indirect_dma semaphore(%arg9 : memref<!tpu.dma_semaphore, #tpu.memory_space<semaphore_mem>>) src(%arg6 : memref<128x16xf32, #tpu.memory_space<vmem>>) dst(%dma_wait3A_35 : memref<10112x16xf32, #tpu.memory_space<vmem_shared>>)
    %dma_wait3A_36 = arith.constant 1 : i32
    %dma_wait3A_37 = arith.constant 0 : i32
    %dma_wait3A_38 = tpu.memref_slice %arg5[%dma_wait3A_36, %dma_wait3A_37] : memref<4x128xi32, #tpu.memory_space<vmem>> -> memref<1x128xi32, #tpu.memory_space<vmem>>
    %dma_wait3A_39 = tpu.memref_squeeze %dma_wait3A_38 : memref<1x128xi32, #tpu.memory_space<vmem>> -> memref<128xi32, #tpu.memory_space<vmem>>
    %dma_wait3A_40 = arith.constant 0 : i32
    %dma_wait3A_41 = arith.constant 0 : i32
    %dma_wait3A_42 = tpu.memref_slice %arg8[%dma_wait3A_40, %dma_wait3A_41] : memref<10112x16xf32, #tpu.memory_space<vmem_shared>> -> memref<10112x16xf32, #tpu.memory_space<vmem_shared>>
    tpu.wait_indirect_dma semaphore(%arg9 : memref<!tpu.dma_semaphore, #tpu.memory_space<semaphore_mem>>) src(%arg6 : memref<128x16xf32, #tpu.memory_space<vmem>>) dst(%dma_wait3A_42 : memref<10112x16xf32, #tpu.memory_space<vmem_shared>>)
    %dma_wait3A_43 = arith.constant 2 : i32
    %dma_wait3A_44 = arith.constant 0 : i32
    %dma_wait3A_45 = tpu.memref_slice %arg5[%dma_wait3A_43, %dma_wait3A_44] : memref<4x128xi32, #tpu.memory_space<vmem>> -> memref<1x128xi32, #tpu.memory_space<vmem>>
    %dma_wait3A_46 = tpu.memref_squeeze %dma_wait3A_45 : memref<1x128xi32, #tpu.memory_space<vmem>> -> memref<128xi32, #tpu.memory_space<vmem>>
    %dma_wait3A_47 = arith.constant 0 : i32
    %dma_wait3A_48 = arith.constant 0 : i32
    %dma_wait3A_49 = tpu.memref_slice %arg8[%dma_wait3A_47, %dma_wait3A_48] : memref<10112x16xf32, #tpu.memory_space<vmem_shared>> -> memref<10112x16xf32, #tpu.memory_space<vmem_shared>>
    tpu.wait_indirect_dma semaphore(%arg9 : memref<!tpu.dma_semaphore, #tpu.memory_space<semaphore_mem>>) src(%arg6 : memref<128x16xf32, #tpu.memory_space<vmem>>) dst(%dma_wait3A_49 : memref<10112x16xf32, #tpu.memory_space<vmem_shared>>)
    %barrier3A_50 = arith.constant 0 : index
    tpu.barrier barrier_id(%barrier3A_50)
    "tpu.region"() ({
      %run_scoped3A = tpu.sem_alloc : memref<!tpu.dma_semaphore, #tpu.memory_space<semaphore_mem>>
      %dma_start3A = arith.constant 0 : i32
      %dma_start3A_51 = tpu.memref_slice %arg8[%mul3A_13, %dma_start3A] : memref<10112x16xf32, #tpu.memory_space<vmem_shared>> -> memref<632x16xf32, #tpu.memory_space<vmem_shared>>
      %dma_start3A_52 = arith.constant 0 : i32
      %dma_start3A_53 = tpu.memref_slice %arg8[%mul3A_13, %dma_start3A_52] : memref<10112x16xf32, #tpu.memory_space<vmem_shared>> -> memref<632x16xf32, #tpu.memory_space<vmem_shared>>
      tpu.enqueue_dma source(%dma_start3A_53 : memref<632x16xf32, #tpu.memory_space<vmem_shared>>) target(%arg7 : memref<632x16xf32, #tpu.memory_space<vmem>>) target_semaphore(%run_scoped3A : memref<!tpu.dma_semaphore, #tpu.memory_space<semaphore_mem>>)
      %dma_wait3A_54 = arith.constant 0 : i32
      %dma_wait3A_55 = tpu.memref_slice %arg8[%mul3A_13, %dma_wait3A_54] : memref<10112x16xf32, #tpu.memory_space<vmem_shared>> -> memref<632x16xf32, #tpu.memory_space<vmem_shared>>
      %dma_wait3A_56 = arith.constant 0 : i32
      %dma_wait3A_57 = tpu.memref_slice %arg8[%mul3A_13, %dma_wait3A_56] : memref<10112x16xf32, #tpu.memory_space<vmem_shared>> -> memref<632x16xf32, #tpu.memory_space<vmem_shared>>
      tpu.wait_dma2 semaphore(%run_scoped3A : memref<!tpu.dma_semaphore, #tpu.memory_space<semaphore_mem>>) src(%dma_wait3A_57 : memref<632x16xf32, #tpu.memory_space<vmem_shared>>) dst(%arg7 : memref<632x16xf32, #tpu.memory_space<vmem>>)
      tpu.yield
    }) : () -> ()
    "tpu.region"() ({
      %run_scoped3A = tpu.sem_alloc : memref<!tpu.dma_semaphore, #tpu.memory_space<semaphore_mem>>
      %dma_start3A = arith.constant 0 : i32
      %dma_start3A_51 = tpu.memref_slice %arg3[%arg0, %mul3A_13, %dma_start3A] : memref<2x10112x16xf32, #tpu.memory_space<hbm>> -> memref<1x632x16xf32, #tpu.memory_space<hbm>>
      %dma_start3A_52 = tpu.memref_squeeze %dma_start3A_51 : memref<1x632x16xf32, #tpu.memory_space<hbm>> -> memref<632x16xf32, #tpu.memory_space<hbm>>
      %dma_start3A_53 = arith.constant 0 : i32
      %dma_start3A_54 = tpu.memref_slice %arg3[%arg0, %mul3A_13, %dma_start3A_53] : memref<2x10112x16xf32, #tpu.memory_space<hbm>> -> memref<1x632x16xf32, #tpu.memory_space<hbm>>
      %dma_start3A_55 = tpu.memref_squeeze %dma_start3A_54 : memref<1x632x16xf32, #tpu.memory_space<hbm>> -> memref<632x16xf32, #tpu.memory_space<hbm>>
      tpu.enqueue_dma source(%arg7 : memref<632x16xf32, #tpu.memory_space<vmem>>) target(%dma_start3A_55 : memref<632x16xf32, #tpu.memory_space<hbm>>) target_semaphore(%run_scoped3A : memref<!tpu.dma_semaphore, #tpu.memory_space<semaphore_mem>>)
      %dma_wait3A_56 = arith.constant 0 : i32
      %dma_wait3A_57 = tpu.memref_slice %arg3[%arg0, %mul3A_13, %dma_wait3A_56] : memref<2x10112x16xf32, #tpu.memory_space<hbm>> -> memref<1x632x16xf32, #tpu.memory_space<hbm>>
      %dma_wait3A_58 = tpu.memref_squeeze %dma_wait3A_57 : memref<1x632x16xf32, #tpu.memory_space<hbm>> -> memref<632x16xf32, #tpu.memory_space<hbm>>
      %dma_wait3A_59 = arith.constant 0 : i32
      %dma_wait3A_60 = tpu.memref_slice %arg3[%arg0, %mul3A_13, %dma_wait3A_59] : memref<2x10112x16xf32, #tpu.memory_space<hbm>> -> memref<1x632x16xf32, #tpu.memory_space<hbm>>
      %dma_wait3A_61 = tpu.memref_squeeze %dma_wait3A_60 : memref<1x632x16xf32, #tpu.memory_space<hbm>> -> memref<632x16xf32, #tpu.memory_space<hbm>>
      tpu.wait_dma2 semaphore(%run_scoped3A : memref<!tpu.dma_semaphore, #tpu.memory_space<semaphore_mem>>) src(%arg7 : memref<632x16xf32, #tpu.memory_space<vmem>>) dst(%dma_wait3A_61 : memref<632x16xf32, #tpu.memory_space<hbm>>)
      tpu.yield
    }) : () -> ()
    return
  }
}

module attributes {stable_mosaic.version = 14 : i64} {
  func.func @_scale_kernel(%arg0: i32, %arg1: memref<2528x128xf32, #tpu.memory_space<vmem>>, %arg2: memref<2x2528x16xf32, #tpu.memory_space<vmem>>, %arg3: memref<2x2528x64xf32, #tpu.memory_space<vmem>>) attributes {dimension_semantics = [#tpu.dimension_semantics<arbitrary>], iteration_bounds = array<i64: 4>, scalar_prefetch = 0 : i64, scratch_operands = 0 : i64, tpu.core_type = #tpu.core_type<tc>, window_params = [{transform_indices = @transform_0, window_bounds = array<i64: 2528, 128>}, {transform_indices = @transform_1, window_bounds = array<i64: 2, 2528, 16>}, {transform_indices = @transform_2, window_bounds = array<i64: 2, 2528, 64>}]} {
    %get3A = arith.constant 0 : index
    %get3A_0 = arith.constant 0 : index
    %get3A_1 = vector.load %arg1[%get3A, %get3A_0] : memref<2528x128xf32, #tpu.memory_space<vmem>>, vector<2528x128xf32>
    %get3A_2 = arith.constant 0 : index
    %get3A_3 = arith.constant 0 : index
    %get3A_4 = arith.constant 0 : index
    %get3A_5 = vector.load %arg2[%get3A_2, %get3A_3, %get3A_4] : memref<2x2528x16xf32, #tpu.memory_space<vmem>>, vector<1x2528x1xf32>
    %get3A_6 = vector.shape_cast %get3A_5 : vector<1x2528x1xf32> to vector<2528x1xf32>
    %get3A_7 = arith.constant 1 : index
    %get3A_8 = arith.constant 0 : index
    %get3A_9 = arith.constant 0 : index
    %get3A_10 = vector.load %arg2[%get3A_7, %get3A_8, %get3A_9] : memref<2x2528x16xf32, #tpu.memory_space<vmem>>, vector<1x2528x1xf32>
    %get3A_11 = vector.shape_cast %get3A_10 : vector<1x2528x1xf32> to vector<2528x1xf32>
    %add3A = arith.addf %get3A_6, %get3A_11 : vector<2528x1xf32>
    %add3A_12 = arith.constant 1.000000e+00 : f32
    %add3A_13 = vector.broadcast %add3A_12 : f32 to vector<2528x1xf32>
    %add3A_14 = arith.addf %add3A, %add3A_13 : vector<2528x1xf32>
    %rsqrt3A = math.rsqrt %add3A_14 : vector<2528x1xf32>
    %mul3A = vector.broadcast %rsqrt3A : vector<2528x1xf32> to vector<2528x128xf32>
    %mul3A_15 = arith.mulf %get3A_1, %mul3A : vector<2528x128xf32>
    %slice3A = vector.extract_strided_slice %mul3A_15 {offsets = [0, 0], sizes = [2528, 64], strides = [1, 1]} : vector<2528x128xf32> to vector<2528x64xf32>
    %swap3A = arith.constant 0 : index
    %swap3A_16 = arith.constant 0 : index
    %swap3A_17 = arith.constant 0 : index
    %swap3A_18 = vector.load %arg3[%swap3A, %swap3A_16, %swap3A_17] : memref<2x2528x64xf32, #tpu.memory_space<vmem>>, vector<1x2528x64xf32>
    %swap3A_19 = vector.shape_cast %swap3A_18 : vector<1x2528x64xf32> to vector<2528x64xf32>
    %swap3A_20 = vector.shape_cast %slice3A : vector<2528x64xf32> to vector<1x2528x64xf32>
    tpu.vector_store %arg3[%swap3A, %swap3A_16, %swap3A_17], %swap3A_20 {strides = array<i32>} : memref<2x2528x64xf32, #tpu.memory_space<vmem>>, vector<1x2528x64xf32>,
    %slice3A_21 = vector.extract_strided_slice %mul3A_15 {offsets = [0, 64], sizes = [2528, 64], strides = [1, 1]} : vector<2528x128xf32> to vector<2528x64xf32>
    %swap3A_22 = arith.constant 1 : index
    %swap3A_23 = arith.constant 0 : index
    %swap3A_24 = arith.constant 0 : index
    %swap3A_25 = vector.load %arg3[%swap3A_22, %swap3A_23, %swap3A_24] : memref<2x2528x64xf32, #tpu.memory_space<vmem>>, vector<1x2528x64xf32>
    %swap3A_26 = vector.shape_cast %swap3A_25 : vector<1x2528x64xf32> to vector<2528x64xf32>
    %swap3A_27 = vector.shape_cast %slice3A_21 : vector<2528x64xf32> to vector<1x2528x64xf32>
    tpu.vector_store %arg3[%swap3A_22, %swap3A_23, %swap3A_24], %swap3A_27 {strides = array<i32>} : memref<2x2528x64xf32, #tpu.memory_space<vmem>>, vector<1x2528x64xf32>,
    return
  }
  func.func @transform_0(%arg0: i32) -> (i32, i32) {
    %c0_i32 = arith.constant 0 : i32
    %c0_i32_0 = arith.constant 0 : i32
    return %arg0, %c0_i32 : i32, i32
  }
  func.func @transform_1(%arg0: i32) -> (i32, i32, i32) {
    %c0_i32 = arith.constant 0 : i32
    %c0_i32_0 = arith.constant 0 : i32
    %c0_i32_1 = arith.constant 0 : i32
    return %c0_i32, %arg0, %c0_i32_0 : i32, i32, i32
  }
  func.func @transform_2(%arg0: i32) -> (i32, i32, i32) {
    %c0_i32 = arith.constant 0 : i32
    %c0_i32_0 = arith.constant 0 : i32
    %c0_i32_1 = arith.constant 0 : i32
    return %c0_i32, %arg0, %c0_i32_0 : i32, i32, i32
  }
}

module attributes {stable_mosaic.version = 14 : i64} {
  func.func @_layer1_kernel(%arg0: i32, %arg1: memref<2x2528x64xf32, #tpu.memory_space<vmem>>, %arg2: memref<2x2528x64xf32, #tpu.memory_space<vmem>>, %arg3: memref<2x2528x16xf32, #tpu.memory_space<vmem>>, %arg4: memref<128x256xbf16, #tpu.memory_space<vmem>>, %arg5: memref<1x256xf32, #tpu.memory_space<vmem>>, %arg6: memref<256x128xbf16, #tpu.memory_space<vmem>>, %arg7: memref<2x2528x64xf32, #tpu.memory_space<vmem>>) attributes {dimension_semantics = [#tpu.dimension_semantics<arbitrary>], iteration_bounds = array<i64: 4>, scalar_prefetch = 0 : i64, scratch_operands = 0 : i64, tpu.core_type = #tpu.core_type<tc>, window_params = [{transform_indices = @transform_0, window_bounds = array<i64: 2, 2528, 64>}, {transform_indices = @transform_1, window_bounds = array<i64: 2, 2528, 64>}, {transform_indices = @transform_2, window_bounds = array<i64: 2, 2528, 16>}, {pipeline_mode = #tpu.pipeline_mode<synchronous>, transform_indices = @transform_3, window_bounds = array<i64: 128, 256>}, {pipeline_mode = #tpu.pipeline_mode<synchronous>, transform_indices = @transform_4, window_bounds = array<i64: 1, 256>}, {pipeline_mode = #tpu.pipeline_mode<synchronous>, transform_indices = @transform_5, window_bounds = array<i64: 256, 128>}, {transform_indices = @transform_6, window_bounds = array<i64: 2, 2528, 64>}]} {
    %get3A = arith.constant 0 : index
    %get3A_0 = arith.constant 0 : index
    %get3A_1 = arith.constant 0 : index
    %get3A_2 = vector.load %arg3[%get3A, %get3A_0, %get3A_1] : memref<2x2528x16xf32, #tpu.memory_space<vmem>>, vector<1x2528x1xf32>
    %get3A_3 = vector.shape_cast %get3A_2 : vector<1x2528x1xf32> to vector<2528x1xf32>
    %get3A_4 = arith.constant 1 : index
    %get3A_5 = arith.constant 0 : index
    %get3A_6 = arith.constant 0 : index
    %get3A_7 = vector.load %arg3[%get3A_4, %get3A_5, %get3A_6] : memref<2x2528x16xf32, #tpu.memory_space<vmem>>, vector<1x2528x1xf32>
    %get3A_8 = vector.shape_cast %get3A_7 : vector<1x2528x1xf32> to vector<2528x1xf32>
    %add3A = arith.addf %get3A_3, %get3A_8 : vector<2528x1xf32>
    %add3A_9 = arith.constant 1.000000e+00 : f32
    %add3A_10 = vector.broadcast %add3A_9 : f32 to vector<2528x1xf32>
    %add3A_11 = arith.addf %add3A, %add3A_10 : vector<2528x1xf32>
    %rsqrt3A = math.rsqrt %add3A_11 : vector<2528x1xf32>
    %get3A_12 = arith.constant 0 : index
    %get3A_13 = arith.constant 0 : index
    %get3A_14 = arith.constant 0 : index
    %get3A_15 = vector.load %arg1[%get3A_12, %get3A_13, %get3A_14] : memref<2x2528x64xf32, #tpu.memory_space<vmem>>, vector<1x2528x64xf32>
    %get3A_16 = vector.shape_cast %get3A_15 : vector<1x2528x64xf32> to vector<2528x64xf32>
    %get3A_17 = arith.constant 0 : index
    %get3A_18 = arith.constant 0 : index
    %get3A_19 = arith.constant 0 : index
    %get3A_20 = vector.load %arg2[%get3A_17, %get3A_18, %get3A_19] : memref<2x2528x64xf32, #tpu.memory_space<vmem>>, vector<1x2528x64xf32>
    %get3A_21 = vector.shape_cast %get3A_20 : vector<1x2528x64xf32> to vector<2528x64xf32>
    %add3A_22 = arith.addf %get3A_16, %get3A_21 : vector<2528x64xf32>
    %get3A_23 = arith.constant 1 : index
    %get3A_24 = arith.constant 0 : index
    %get3A_25 = arith.constant 0 : index
    %get3A_26 = vector.load %arg1[%get3A_23, %get3A_24, %get3A_25] : memref<2x2528x64xf32, #tpu.memory_space<vmem>>, vector<1x2528x64xf32>
    %get3A_27 = vector.shape_cast %get3A_26 : vector<1x2528x64xf32> to vector<2528x64xf32>
    %get3A_28 = arith.constant 1 : index
    %get3A_29 = arith.constant 0 : index
    %get3A_30 = arith.constant 0 : index
    %get3A_31 = vector.load %arg2[%get3A_28, %get3A_29, %get3A_30] : memref<2x2528x64xf32, #tpu.memory_space<vmem>>, vector<1x2528x64xf32>
    %get3A_32 = vector.shape_cast %get3A_31 : vector<1x2528x64xf32> to vector<2528x64xf32>
    %add3A_33 = arith.addf %get3A_27, %get3A_32 : vector<2528x64xf32>
    %concatenate3A = tpu.concatenate %add3A_22, %add3A_33 in 1 : vector<2528x64xf32>, vector<2528x64xf32> -> vector<2528x128xf32>
    %mul3A = vector.broadcast %rsqrt3A : vector<2528x1xf32> to vector<2528x128xf32>
    %mul3A_34 = arith.mulf %concatenate3A, %mul3A : vector<2528x128xf32>
    %convert_element_type3A = arith.truncf %mul3A_34 : vector<2528x128xf32> to vector<2528x128xbf16>
    %get3A_35 = arith.constant 0 : index
    %get3A_36 = arith.constant 0 : index
    %get3A_37 = vector.load %arg4[%get3A_35, %get3A_36] : memref<128x256xbf16, #tpu.memory_space<vmem>>, vector<128x256xbf16>
    %dot_general3A = arith.constant dense<0.000000e+00> : vector<2528x256xf32>
    %dot_general3A_38 = tpu.matmul %convert_element_type3A, %get3A_37, %dot_general3A {dimension_numbers = #tpu.dot_dimension_numbers<[1], [0], [0], [1], [0, 0, 1, 1], [], []>, transpose_lhs_hint = false} : vector<2528x128xbf16>, vector<128x256xbf16>, vector<2528x256xf32> -> vector<2528x256xf32>
    %get3A_39 = arith.constant 0 : index
    %get3A_40 = arith.constant 0 : index
    %get3A_41 = vector.load %arg5[%get3A_39, %get3A_40] : memref<1x256xf32, #tpu.memory_space<vmem>>, vector<1x256xf32>
    %add3A_42 = vector.broadcast %get3A_41 : vector<1x256xf32> to vector<2528x256xf32>
    %add3A_43 = arith.addf %dot_general3A_38, %add3A_42 : vector<2528x256xf32>
    %max3A = arith.constant 0.000000e+00 : f32
    %max3A_44 = vector.broadcast %max3A : f32 to vector<2528x256xf32>
    %max3A_45 = arith.maximumf %add3A_43, %max3A_44 : vector<2528x256xf32>
    %convert_element_type3A_46 = arith.truncf %max3A_45 : vector<2528x256xf32> to vector<2528x256xbf16>
    %get3A_47 = arith.constant 0 : index
    %get3A_48 = arith.constant 0 : index
    %get3A_49 = vector.load %arg6[%get3A_47, %get3A_48] : memref<256x128xbf16, #tpu.memory_space<vmem>>, vector<256x128xbf16>
    %dot_general3A_50 = arith.constant dense<0.000000e+00> : vector<2528x128xf32>
    %dot_general3A_51 = tpu.matmul %convert_element_type3A_46, %get3A_49, %dot_general3A_50 {dimension_numbers = #tpu.dot_dimension_numbers<[1], [0], [0], [1], [0, 0, 1, 1], [], []>, transpose_lhs_hint = false} : vector<2528x256xbf16>, vector<256x128xbf16>, vector<2528x128xf32> -> vector<2528x128xf32>
    %mul3A_52 = vector.broadcast %rsqrt3A : vector<2528x1xf32> to vector<2528x128xf32>
    %mul3A_53 = arith.mulf %dot_general3A_51, %mul3A_52 : vector<2528x128xf32>
    %slice3A = vector.extract_strided_slice %mul3A_53 {offsets = [0, 0], sizes = [2528, 64], strides = [1, 1]} : vector<2528x128xf32> to vector<2528x64xf32>
    %swap3A = arith.constant 0 : index
    %swap3A_54 = arith.constant 0 : index
    %swap3A_55 = arith.constant 0 : index
    %swap3A_56 = vector.load %arg7[%swap3A, %swap3A_54, %swap3A_55] : memref<2x2528x64xf32, #tpu.memory_space<vmem>>, vector<1x2528x64xf32>
    %swap3A_57 = vector.shape_cast %swap3A_56 : vector<1x2528x64xf32> to vector<2528x64xf32>
    %swap3A_58 = vector.shape_cast %slice3A : vector<2528x64xf32> to vector<1x2528x64xf32>
    tpu.vector_store %arg7[%swap3A, %swap3A_54, %swap3A_55], %swap3A_58 {strides = array<i32>} : memref<2x2528x64xf32, #tpu.memory_space<vmem>>, vector<1x2528x64xf32>,
    %slice3A_59 = vector.extract_strided_slice %mul3A_53 {offsets = [0, 64], sizes = [2528, 64], strides = [1, 1]} : vector<2528x128xf32> to vector<2528x64xf32>
    %swap3A_60 = arith.constant 1 : index
    %swap3A_61 = arith.constant 0 : index
    %swap3A_62 = arith.constant 0 : index
    %swap3A_63 = vector.load %arg7[%swap3A_60, %swap3A_61, %swap3A_62] : memref<2x2528x64xf32, #tpu.memory_space<vmem>>, vector<1x2528x64xf32>
    %swap3A_64 = vector.shape_cast %swap3A_63 : vector<1x2528x64xf32> to vector<2528x64xf32>
    %swap3A_65 = vector.shape_cast %slice3A_59 : vector<2528x64xf32> to vector<1x2528x64xf32>
    tpu.vector_store %arg7[%swap3A_60, %swap3A_61, %swap3A_62], %swap3A_65 {strides = array<i32>} : memref<2x2528x64xf32, #tpu.memory_space<vmem>>, vector<1x2528x64xf32>,
    return
  }
  func.func @transform_0(%arg0: i32) -> (i32, i32, i32) {
    %c0_i32 = arith.constant 0 : i32
    %c0_i32_0 = arith.constant 0 : i32
    %c0_i32_1 = arith.constant 0 : i32
    return %c0_i32, %arg0, %c0_i32_0 : i32, i32, i32
  }
  func.func @transform_1(%arg0: i32) -> (i32, i32, i32) {
    %c0_i32 = arith.constant 0 : i32
    %c0_i32_0 = arith.constant 0 : i32
    %c0_i32_1 = arith.constant 0 : i32
    return %c0_i32, %arg0, %c0_i32_0 : i32, i32, i32
  }
  func.func @transform_2(%arg0: i32) -> (i32, i32, i32) {
    %c0_i32 = arith.constant 0 : i32
    %c0_i32_0 = arith.constant 0 : i32
    %c0_i32_1 = arith.constant 0 : i32
    return %c0_i32, %arg0, %c0_i32_0 : i32, i32, i32
  }
  func.func @transform_3(%arg0: i32) -> (i32, i32) {
    %c0_i32 = arith.constant 0 : i32
    %c0_i32_0 = arith.constant 0 : i32
    %c0_i32_1 = arith.constant 0 : i32
    return %c0_i32, %c0_i32_0 : i32, i32
  }
  func.func @transform_4(%arg0: i32) -> (i32, i32) {
    %c0_i32 = arith.constant 0 : i32
    %c0_i32_0 = arith.constant 0 : i32
    %c0_i32_1 = arith.constant 0 : i32
    return %c0_i32, %c0_i32_0 : i32, i32
  }
  func.func @transform_5(%arg0: i32) -> (i32, i32) {
    %c0_i32 = arith.constant 0 : i32
    %c0_i32_0 = arith.constant 0 : i32
    %c0_i32_1 = arith.constant 0 : i32
    return %c0_i32, %c0_i32_0 : i32, i32
  }
  func.func @transform_6(%arg0: i32) -> (i32, i32, i32) {
    %c0_i32 = arith.constant 0 : i32
    %c0_i32_0 = arith.constant 0 : i32
    %c0_i32_1 = arith.constant 0 : i32
    return %c0_i32, %arg0, %c0_i32_0 : i32, i32, i32
  }
}

module attributes {stable_mosaic.version = 14 : i64} {
  func.func @_layer3_kernel(%arg0: i32, %arg1: memref<2x2528x64xf32, #tpu.memory_space<vmem>>, %arg2: memref<2x2528x64xf32, #tpu.memory_space<vmem>>, %arg3: memref<2x2528x16xf32, #tpu.memory_space<vmem>>, %arg4: memref<1x128xf32, #tpu.memory_space<vmem>>, %arg5: memref<128x128xbf16, #tpu.memory_space<vmem>>, %arg6: memref<1x128xf32, #tpu.memory_space<vmem>>, %arg7: memref<2528x128xf32, #tpu.memory_space<vmem>>) attributes {dimension_semantics = [#tpu.dimension_semantics<arbitrary>], iteration_bounds = array<i64: 4>, scalar_prefetch = 0 : i64, scratch_operands = 0 : i64, tpu.core_type = #tpu.core_type<tc>, window_params = [{transform_indices = @transform_0, window_bounds = array<i64: 2, 2528, 64>}, {transform_indices = @transform_1, window_bounds = array<i64: 2, 2528, 64>}, {transform_indices = @transform_2, window_bounds = array<i64: 2, 2528, 16>}, {pipeline_mode = #tpu.pipeline_mode<synchronous>, transform_indices = @transform_3, window_bounds = array<i64: 1, 128>}, {pipeline_mode = #tpu.pipeline_mode<synchronous>, transform_indices = @transform_4, window_bounds = array<i64: 128, 128>}, {pipeline_mode = #tpu.pipeline_mode<synchronous>, transform_indices = @transform_5, window_bounds = array<i64: 1, 128>}, {transform_indices = @transform_6, window_bounds = array<i64: 2528, 128>}]} {
    %get3A = arith.constant 0 : index
    %get3A_0 = arith.constant 0 : index
    %get3A_1 = arith.constant 0 : index
    %get3A_2 = vector.load %arg3[%get3A, %get3A_0, %get3A_1] : memref<2x2528x16xf32, #tpu.memory_space<vmem>>, vector<1x2528x1xf32>
    %get3A_3 = vector.shape_cast %get3A_2 : vector<1x2528x1xf32> to vector<2528x1xf32>
    %get3A_4 = arith.constant 1 : index
    %get3A_5 = arith.constant 0 : index
    %get3A_6 = arith.constant 0 : index
    %get3A_7 = vector.load %arg3[%get3A_4, %get3A_5, %get3A_6] : memref<2x2528x16xf32, #tpu.memory_space<vmem>>, vector<1x2528x1xf32>
    %get3A_8 = vector.shape_cast %get3A_7 : vector<1x2528x1xf32> to vector<2528x1xf32>
    %add3A = arith.addf %get3A_3, %get3A_8 : vector<2528x1xf32>
    %add3A_9 = arith.constant 1.000000e+00 : f32
    %add3A_10 = vector.broadcast %add3A_9 : f32 to vector<2528x1xf32>
    %add3A_11 = arith.addf %add3A, %add3A_10 : vector<2528x1xf32>
    %rsqrt3A = math.rsqrt %add3A_11 : vector<2528x1xf32>
    %get3A_12 = arith.constant 0 : index
    %get3A_13 = arith.constant 0 : index
    %get3A_14 = arith.constant 0 : index
    %get3A_15 = vector.load %arg1[%get3A_12, %get3A_13, %get3A_14] : memref<2x2528x64xf32, #tpu.memory_space<vmem>>, vector<1x2528x64xf32>
    %get3A_16 = vector.shape_cast %get3A_15 : vector<1x2528x64xf32> to vector<2528x64xf32>
    %get3A_17 = arith.constant 0 : index
    %get3A_18 = arith.constant 0 : index
    %get3A_19 = arith.constant 0 : index
    %get3A_20 = vector.load %arg2[%get3A_17, %get3A_18, %get3A_19] : memref<2x2528x64xf32, #tpu.memory_space<vmem>>, vector<1x2528x64xf32>
    %get3A_21 = vector.shape_cast %get3A_20 : vector<1x2528x64xf32> to vector<2528x64xf32>
    %add3A_22 = arith.addf %get3A_16, %get3A_21 : vector<2528x64xf32>
    %get3A_23 = arith.constant 1 : index
    %get3A_24 = arith.constant 0 : index
    %get3A_25 = arith.constant 0 : index
    %get3A_26 = vector.load %arg1[%get3A_23, %get3A_24, %get3A_25] : memref<2x2528x64xf32, #tpu.memory_space<vmem>>, vector<1x2528x64xf32>
    %get3A_27 = vector.shape_cast %get3A_26 : vector<1x2528x64xf32> to vector<2528x64xf32>
    %get3A_28 = arith.constant 1 : index
    %get3A_29 = arith.constant 0 : index
    %get3A_30 = arith.constant 0 : index
    %get3A_31 = vector.load %arg2[%get3A_28, %get3A_29, %get3A_30] : memref<2x2528x64xf32, #tpu.memory_space<vmem>>, vector<1x2528x64xf32>
    %get3A_32 = vector.shape_cast %get3A_31 : vector<1x2528x64xf32> to vector<2528x64xf32>
    %add3A_33 = arith.addf %get3A_27, %get3A_32 : vector<2528x64xf32>
    %concatenate3A = tpu.concatenate %add3A_22, %add3A_33 in 1 : vector<2528x64xf32>, vector<2528x64xf32> -> vector<2528x128xf32>
    %mul3A = vector.broadcast %rsqrt3A : vector<2528x1xf32> to vector<2528x128xf32>
    %mul3A_34 = arith.mulf %concatenate3A, %mul3A : vector<2528x128xf32>
    %get3A_35 = arith.constant 0 : index
    %get3A_36 = arith.constant 0 : index
    %get3A_37 = vector.load %arg4[%get3A_35, %get3A_36] : memref<1x128xf32, #tpu.memory_space<vmem>>, vector<1x128xf32>
    %add3A_38 = vector.broadcast %get3A_37 : vector<1x128xf32> to vector<2528x128xf32>
    %add3A_39 = arith.addf %mul3A_34, %add3A_38 : vector<2528x128xf32>
    %max3A = arith.constant 0.000000e+00 : f32
    %max3A_40 = vector.broadcast %max3A : f32 to vector<2528x128xf32>
    %max3A_41 = arith.maximumf %add3A_39, %max3A_40 : vector<2528x128xf32>
    %convert_element_type3A = arith.truncf %max3A_41 : vector<2528x128xf32> to vector<2528x128xbf16>
    %get3A_42 = arith.constant 0 : index
    %get3A_43 = arith.constant 0 : index
    %get3A_44 = vector.load %arg5[%get3A_42, %get3A_43] : memref<128x128xbf16, #tpu.memory_space<vmem>>, vector<128x128xbf16>
    %dot_general3A = arith.constant dense<0.000000e+00> : vector<2528x128xf32>
    %dot_general3A_45 = tpu.matmul %convert_element_type3A, %get3A_44, %dot_general3A {dimension_numbers = #tpu.dot_dimension_numbers<[1], [0], [0], [1], [0, 0, 1, 1], [], []>, transpose_lhs_hint = false} : vector<2528x128xbf16>, vector<128x128xbf16>, vector<2528x128xf32> -> vector<2528x128xf32>
    %get3A_46 = arith.constant 0 : index
    %get3A_47 = arith.constant 0 : index
    %get3A_48 = vector.load %arg6[%get3A_46, %get3A_47] : memref<1x128xf32, #tpu.memory_space<vmem>>, vector<1x128xf32>
    %add3A_49 = vector.broadcast %get3A_48 : vector<1x128xf32> to vector<2528x128xf32>
    %add3A_50 = arith.addf %dot_general3A_45, %add3A_49 : vector<2528x128xf32>
    %swap3A = arith.constant 0 : index
    %swap3A_51 = arith.constant 0 : index
    %swap3A_52 = vector.load %arg7[%swap3A, %swap3A_51] : memref<2528x128xf32, #tpu.memory_space<vmem>>, vector<2528x128xf32>
    tpu.vector_store %arg7[%swap3A, %swap3A_51], %add3A_50 {strides = array<i32>} : memref<2528x128xf32, #tpu.memory_space<vmem>>, vector<2528x128xf32>,
    return
  }
  func.func @transform_0(%arg0: i32) -> (i32, i32, i32) {
    %c0_i32 = arith.constant 0 : i32
    %c0_i32_0 = arith.constant 0 : i32
    %c0_i32_1 = arith.constant 0 : i32
    return %c0_i32, %arg0, %c0_i32_0 : i32, i32, i32
  }
  func.func @transform_1(%arg0: i32) -> (i32, i32, i32) {
    %c0_i32 = arith.constant 0 : i32
    %c0_i32_0 = arith.constant 0 : i32
    %c0_i32_1 = arith.constant 0 : i32
    return %c0_i32, %arg0, %c0_i32_0 : i32, i32, i32
  }
  func.func @transform_2(%arg0: i32) -> (i32, i32, i32) {
    %c0_i32 = arith.constant 0 : i32
    %c0_i32_0 = arith.constant 0 : i32
    %c0_i32_1 = arith.constant 0 : i32
    return %c0_i32, %arg0, %c0_i32_0 : i32, i32, i32
  }
  func.func @transform_3(%arg0: i32) -> (i32, i32) {
    %c0_i32 = arith.constant 0 : i32
    %c0_i32_0 = arith.constant 0 : i32
    %c0_i32_1 = arith.constant 0 : i32
    return %c0_i32, %c0_i32_0 : i32, i32
  }
  func.func @transform_4(%arg0: i32) -> (i32, i32) {
    %c0_i32 = arith.constant 0 : i32
    %c0_i32_0 = arith.constant 0 : i32
    %c0_i32_1 = arith.constant 0 : i32
    return %c0_i32, %c0_i32_0 : i32, i32
  }
  func.func @transform_5(%arg0: i32) -> (i32, i32) {
    %c0_i32 = arith.constant 0 : i32
    %c0_i32_0 = arith.constant 0 : i32
    %c0_i32_1 = arith.constant 0 : i32
    return %c0_i32, %c0_i32_0 : i32, i32
  }
  func.func @transform_6(%arg0: i32) -> (i32, i32) {
    %c0_i32 = arith.constant 0 : i32
    %c0_i32_0 = arith.constant 0 : i32
    return %arg0, %c0_i32 : i32, i32
  }
}

</mosaic_0001>

<sc_bundles>
// kernel: kernel.11.cloned.1.call-start
scs
__scs_entry_jumppad:
0x0: {  	(pc) =	sbr.rel $0x88, $3  }
0x1: {  	(tag) =	ssettag $0x0;
	lr =	simm.s32 $0x1  }
0x2: {  	[smem:$0x3F99] =	sst lr;
	_ =	strace $0xD0000000  }
0x3: {  	_ = 	snop  }
0x4: {  	_ = 	snop  }
0x5: {  	_ = 	snop  }
0x6: {  	_ = 	snop  }
0x7: {  	_ = 	snop  }
__scs_overlays_trampoline_lowered:
0x8: {  	[smem:$0x3FA8] =	sst s0  }
0x9: {  	[smem:$0x3FA9] =	sst s1  }
0xa: {  	[smem:$0x3FAA] =	sst s2  }
0xb: {  	[smem:$0x3FAB] =	sst s3  }
0xc: {  	[smem:$0x3FAC] =	sst s4  }
0xd: {  	[smem:$0x3FAD] =	sst s5  }
0xe: {  	[smem:$0x3FAE] =	sst s6  }
0xf: {  	[smem:$0x3FAF] =	sst s7  }
0x10: {  	[smem:$0x3FB0] =	sst s8  }
0x11: {  	[smem:$0x3FB1] =	sst s9;
	s0 =	simm.s32 @!p0 $0x0  }
0x12: {  	s1 =	sld [smem:$0x3F97];
	s0 =	simm.s32 @p0 $0x1  }
0x13: {  	[smem:$0x3FB2] =	sst s0;
	s0 =	simm.s32 @!p1 $0x0  }
0x14: {  	s2 =	sld [smem:$0x3F96];
	s0 =	simm.s32 @p1 $0x1  }
0x15: {  	[smem:$0x3FB3] =	sst s0;
	s0 =	simm.s32 @!p2 $0x0  }
0x16: {  	s3 =	sld [smem:$0x3FDB];
	s0 =	simm.s32 @p2 $0x1  }
0x17: {  	s4 =	simm.s32 $0x1BF5;
	[smem:$0x3FB5] =	sst s0  }
0x18: {  	s0 =	sld [smem:$0x3F98];
	_ =	swait.ge [sflag:s4], $0x0  }
0x19: {  	s7 =	sld [smem:$0x3F99]  }
0x1a: {  	s8 =	sadd.s32 $0xFFFFE003, lr  }
0x1b: {  	s9 =	sadd.s32 $0xFFFFFEF7, lr;
	s5 =	simm.s32 $0xFFFFFFFF;
	p2 =	slt.u32 s8, $0xFFFFF086  }
0x1c: {  	p1 =	slt.u32 s9, $0xF7A;
	s5 =	simm.s32 @!p2 $0x0  }
0x1d: {  	s5 =	simm.s32 @p1 $0x1;
	p0 =	seq.s32 s7, s2  }
0x1e: {  	s7 =	smul.u32 @!p0 $0xF7A, s2;
	p2 =	seq.s32 @!p0 s5, $0x0  }
0x1f: {  	s9 =	smul.u32 $0xF7A, s1;
	s8 =	simm.s32 @!p0 $0x1BF5;
	p2 =	por !p2, p0  }
0x20: {  	[sflag:s8] =	ssyncset.s32 @!p0 $0xFFFFF086;
	s6 =	sadd.s32 @!p0 s3, s7;
	s7 =	simm.s32 @!p0 $0x108  }
0x21: {  	s3 =	sadd.s32 s3, s9;
	s6 =	sadd.s32 @!p0 $0x88, s6;
	s7 =	simm.s32 @p2 $0x1082  }
0x22: {  	[simem:s7], [sflag:s8] =	dma.local @!p0 [hbm:s6], $0xF7A  }
0x23: {  	s9 =	sor.u32 $0xD0000000, s2;
	s6 =	simm.s32 $0x108;
	_ =	swait.ge @!p0 [sflag:s8], $0x0  }
0x24: {  	s3 =	sadd.s32 $0x88, s3;
	s6 =	simm.s32 @!p1 $0x1082;
	[sflag:s4] =	ssyncset.s32 $0xFFFFF086  }
0x25: {  	[simem:s6], [sflag:s4] =	dma.local [hbm:s3], $0xF7A  }
0x26: {  	[smem:$0x3F99] =	sst s1;
	(tag) =	ssettag s2;
	_ =	strace s9  }
0x27: {  	s1 =	sld [smem:$0x3FA9]  }
0x28: {  	s2 =	sld [smem:$0x3FAA]  }
0x29: {  	s4 =	sld [smem:$0x3FAC]  }
0x2a: {  	p0 =	seq.s32 s5, $0x0;
	s5 =	sld [smem:$0x3FAD]  }
0x2b: {  	s6 =	sld [smem:$0x3FAE]  }
0x2c: {  	s7 =	sld [smem:$0x3FAF]  }
0x2d: {  	s3 =	simm.s32 $0x108;
	s8 =	sld [smem:$0x3FB0]  }
0x2e: {  	s3 =	simm.s32 @!p0 $0x1082;
	s9 =	sld [smem:$0x3FB1]  }
0x2f: {  	lr =	sadd.s32 s0, s3;
	s0 =	sld [smem:$0x3FA8]  }
0x30: {  	s3 =	sld [smem:$0x3FAB]  }
0x31: {  	[smem:$0x3FB4] =	sst s10  }
0x32: {  	s10 =	sld [smem:$0x3FB2];
	_ =	sdelay $0x3  }
0x33: {  	p0 =	seq.s32 s10, $0x1;
	s10 =	sld [smem:$0x3FB4];
	_ =	sdelay $0x3  }
0x34: {  	[smem:$0x3FB4] =	sst s10  }
0x35: {  	s10 =	sld [smem:$0x3FB3];
	_ =	sdelay $0x3  }
0x36: {  	p1 =	seq.s32 s10, $0x1;
	s10 =	sld [smem:$0x3FB4];
	_ =	sdelay $0x3  }
0x37: {  	[smem:$0x3FB4] =	sst s10  }
0x38: {  	s10 =	sld [smem:$0x3FB5]  }
0x39: {  	_ = 	snop;
	(pc) =	sbr.ind lr, $3  }
0x3a: {  	_ = 	snop  }
0x3b: {  	_ = 	snop  }
0x3c: {  	p2 =	seq.s32 s10, $0x1;
	s10 =	sld [smem:$0x3FB4]  }
0x3d: {  	_ =	shalt  }
0x3e: {  	_ =	shalt  }
0x3f: {  	_ =	shalt  }
0x40: {  	_ =	shalt  }
0x41: {  	_ =	shalt  }
0x42: {  	_ =	shalt  }
0x43: {  	_ =	shalt  }
0x44: {  	_ =	shalt  }
0x45: {  	_ =	shalt  }
0x46: {  	_ =	shalt  }
0x47: {  	_ =	shalt  }
0x48: {  	_ =	shalt  }
0x49: {  	_ =	shalt  }
0x4a: {  	_ =	shalt  }
0x4b: {  	_ =	shalt  }
0x4c: {  	_ =	shalt  }
0x4d: {  	_ =	shalt  }
0x4e: {  	_ =	shalt  }
0x4f: {  	_ =	shalt  }
0x50: {  	_ =	shalt  }
0x51: {  	_ =	shalt  }
0x52: {  	_ =	shalt  }
0x53: {  	_ =	shalt  }
0x54: {  	_ =	shalt  }
0x55: {  	_ =	shalt  }
0x56: {  	_ =	shalt  }
0x57: {  	_ =	shalt  }
0x58: {  	_ =	shalt  }
0x59: {  	_ =	shalt  }
0x5a: {  	_ =	shalt  }
0x5b: {  	_ =	shalt  }
0x5c: {  	_ =	shalt  }
0x5d: {  	_ =	shalt  }
0x5e: {  	_ =	shalt  }
0x5f: {  	_ =	shalt  }
0x60: {  	_ =	shalt  }
0x61: {  	_ =	shalt  }
0x62: {  	_ =	shalt  }
0x63: {  	_ =	shalt  }
0x64: {  	_ =	shalt  }
0x65: {  	_ =	shalt  }
0x66: {  	_ =	shalt  }
0x67: {  	_ =	shalt  }
0x68: {  	_ =	shalt  }
0x69: {  	_ =	shalt  }
0x6a: {  	_ =	shalt  }
0x6b: {  	_ =	shalt  }
0x6c: {  	_ =	shalt  }
0x6d: {  	_ =	shalt  }
0x6e: {  	_ =	shalt  }
0x6f: {  	_ =	shalt  }
0x70: {  	_ =	shalt  }
0x71: {  	_ =	shalt  }
0x72: {  	_ =	shalt  }
0x73: {  	_ =	shalt  }
0x74: {  	_ =	shalt  }
0x75: {  	_ =	shalt  }
0x76: {  	_ =	shalt  }
0x77: {  	_ =	shalt  }
0x78: {  	_ =	shalt  }
0x79: {  	_ =	shalt  }
0x7a: {  	_ =	shalt  }
0x7b: {  	_ =	shalt  }
0x7c: {  	_ =	shalt  }
0x7d: {  	_ =	shalt  }
0x7e: {  	_ =	shalt  }
0x7f: {  	_ =	shalt  }
0x80: {  	_ =	shalt  }
0x81: {  	_ =	shalt  }
0x82: {  	_ =	shalt  }
0x83: {  	_ =	shalt  }
0x84: {  	_ =	shalt  }
0x85: {  	_ =	shalt  }
0x86: {  	_ =	shalt  }
0x87: {  	_ =	shalt  }
.Lfunc_end0:
.L_simem_size_0:
called_computation.1_lowered:
.L_overlay_start_0:
0x88: {  	s2 =	sld [smem:$0x3FD9]  }
0x89: {  	s3 =	sld [smem:$0x3FFE];
	_ =	sdelay $0x1  }
0x8a: {  	s1 =	srdreg.scid  }
0x8b: {  	s0 =	sand.u32 $0x1, s1  }
0x8c: {  	s17 =	sshll.u32 s0, $0xA;
	s2 =	sadd.s32 s3, s2  }
0x8d: {  	s2 =	sadd.s32 s2, s17  }
0x8e: {  	[smem:$0x3FC0] =	sst s2  }
0x8f: {  	_ = 	snop  }
0x90: {  	s2 =	sld [smem:$0x3FD0];
	(tm) =	ssettm $0x1  }
0x91: {  	s18 =	sld [smem:$0x3FFB];
	_ =	sdelay $0x3  }
0x92: {  	_ =	strace s18  }
0x93: {  	s3 =	sld [smem:$0x3FFC];
	_ =	sdelay $0x3  }
0x94: {  	_ =	strace s3  }
0x95: {  	s3 =	sld [smem:$0x3FFD];
	_ =	sdelay $0x3  }
0x96: {  	_ =	strace s3  }
0x97: {  	_ =	strace $0x8FFFFFFF  }
0x98: {  	s19 =	sld [smem:$0x3FDB];
	_ =	sdelay $0x1  }
0x99: {  	s4 =	simm.s32 $_scs_section_size  }
0x9a: {  	s5 =	simm.s32 $_size__tile_overlayer_lowered;
	s6 =	simm.s32 $_tile_overlayer_lowered  }
0x9b: {  	s22 =	simm.s32 $0x1BFF;
	s21 =	sshll.u32 s6, $0x1;
	s3 =	sadd.s32 s4, s19  }
0x9c: {  	s7 =	simm.s32 $0x0;
	s20 =	sshll.u32 s5, $0x1;
	s5 =	sadd.s32 s21, s3  }
0x9d: {  	[timem:s7], [sflag:s22] =	dma.local [hbm:s5], s20  }
0x9e: {  	_ =	swait.ge [sflag:s22], s20  }
0x9f: {  	s4 =	ssub.s32 $0x0, s20;
	[sflag:s22] =	ssyncset.done $0x0  }
0xa0: {  	[sflag:s22] =	ssyncadd.s32 s4;
	_ =	sdelay $0x1  }
0xa1: {  	s23 =	simm.s32 $0x1B8B  }
0xa2: {  	_ =	swait.ge [sflag:s23], $0x1  }
0xa3: {  	[sflag:s23] =	ssyncset.done $0x0  }
0xa4: {  	s25 =	simm.s32 $0x1B8E;
	s24 =	sld [smem:$0x3FFE];
	[sflag:s23] =	ssyncadd.s32 $0xFFFFFFFF  }
0xa5: {  	s26 =	simm.s32 $execute0_lowered;
	[smem:$0x3FD2] =	sst s25  }
0xa6: {  	s5 =	sshll.u32 s26, $0x1;
	_ =	strace $0x80000049;
	[dreg:$0x1] =	wrdreg $0xFFFFFFFF  }
0xa7: {  	s28 =	simm.s32 $_size_execute0_lowered;
	s3 =	sadd.s32 s3, s5;
	[dreg:$0x0] =	wrdreg $0x0  }
0xa8: {  	s5 =	sshll.u32 s28, $0x1;
	[dreg:$0x2] =	wrdreg s3  }
0xa9: {  	[dreg:$0x3] =	wrdreg s5  }
0xaa: {  	[dreg:$0x4] =	wrdreg $0xC0  }
0xab: {  	_ =	task [dreg:s7], $0x5FFFF  }
0xac: {  	[dreg:$0x1] =	wrdreg $0xFFFFFFFF  }
0xad: {  	[dreg:$0x0] =	wrdreg $0x60  }
0xae: {  	[dreg:$0x2] =	wrdreg s24  }
0xaf: {  	[dreg:$0x3] =	wrdreg s2  }
0xb0: {  	[dreg:$0x4] =	wrdreg $0x161000  }
0xb1: {  	[dreg:$0x5] =	wrdreg $0x9  }
0xb2: {  	_ =	task.clear_ibuf [dreg:s7], $0x6FFFF;
	_ =	strace $0x90000049  }
0xb3: {  	s29 =	simm.s32 $0x9;
	_ =	strace $0x8000004B  }
0xb4: {  	_ =	swait.ge [sflag:s29], $0x1  }
0xb5: {  	[sflag:s29] =	ssyncadd.s32 $0xFFFFFFFF  }
0xb6: {  	_ =	strace $0x9000004B  }
0xb7: {  	_ =	sfence  }
0xb8: {  	s30 =	sld [smem:$0x0];
	_ =	sdelay $0x2  }
0xb9: {  	s31 =	sshll.u32 s1, $0xD;
	s1 =	sshrl.u32 s1, $0x2  }
0xba: {  	s3 =	sand.u32 $0x4000, s31;
	s1 =	sadd.s32 s1, s30  }
0xbb: {  	s0 =	sor.u32 s3, s0;
	s1 =	sshll.u32 s1, $0x11  }
0xbc: {  	s0 =	sor.u32 s1, s0  }
0xbd: {  	s0 =	sadd.s32 $0x8F2B, s0  }
0xbe: {  	[sflag:s0] =	ssyncadd.remote.s32 $0x1  }
0xbf: {  	_ =	sfence.sel $0xFFFF  }
0xc0: {  	[dreg:$0x0] =	wrdreg $0xFFFFFFFF;
	(pc) =	sbr.abs _section_cstart, $3  }
0xc1: {  	[dreg:$0x1] =	wrdreg $0xFFFFFFFF  }
0xc2: {  	_ =	task.clear_ibuf [dreg:s7], $0x2FFFF;
	_ =	strace $0x9FFFFFFF  }
0xc3: {  	(tm) =	ssettm $0x7FFFFFFF  }
tec
execute0_lowered:
.L_overlay_start_1:
0x0: {  	(tag) =	ssettag $0x1  }
0x1: {  	s0 =	rddreg [dreg:$0x0]  }
0x2: {  	s1 =	rddreg [dreg:$0x1]  }
0x3: {  	s3 =	srdreg.scid;
	s7 =	stileid.u32  }
0x4: {  	s2 =	rddreg [dreg:$0x2];
	s19 =	simm.s32 $0x3;
	s21 =	simm.s32 $0x80  }
0x5: {  	s22 =	simm.s32 $0xC100;
	s28 =	simm.s32 $0x1;
	s29 =	simm.s32 $0x2  }
0x6: {  	s30 =	simm.s32 $0x0;
	s8 =	sand.u32 $0x1, s3;
	s11 =	smul.u32 $0x4F00, s7  }
0x7: {  	s3 =	simm.s32 $0x0;
	s4 =	sadd.s32 $0xBDA00, s0;
	s12 =	smul.u32 $0x9E00, s7  }
0x8: {  	s5 =	smul.u32 $0x4F000, s8;
	[smem:$0x7FF] =	sst s3;
	s6 =	ssub.s32 $0x2, s8  }
0x9: {  	s18 =	smul.u32 $0x9E000, s8;
	_ =	strace $0x8000004A;
	s24 =	sshrl.u32 s6, $0x1  }
0xa: {  	s13 =	sadd.s32 $0x2000, s12;
	s14 =	sadd.s32 $0x4000, s12;
	s15 =	sadd.s32 $0x6000, s12  }
0xb: {  	s16 =	sadd.s32 $0x8000, s12;
	s5 =	sadd.s32 s11, s5;
	s17 =	ssub.s32 s6, s24  }
0xc: {  	s6 =	sadd.s32 s13, s2;
	s7 =	sadd.s32 s14, s2;
	s8 =	sadd.s32 s15, s2  }
0xd: {  	s9 =	sadd.s32 s16, s2;
	s11 =	sshrl.u32 s11, $0x3;
	s13 =	sadd.s32 s18, s13  }
0xe: {  	s26 =	sadd.s32 s18, s14;
	s15 =	sadd.s32 s18, s15;
	s16 =	sadd.s32 s18, s16  }
0xf: {  	s5 =	sshrl.u32 s5, $0x3;
	s1 =	sadd.s32 s1, s11;
	s13 =	sshrl.u32 s13, $0x3  }
0x10: {  	s31 =	sshrl.u32 s15, $0x3;
	s16 =	sshrl.u32 s16, $0x3;
	s17 =	smax.u32 s17, $0x1  }
0x11: {  	s10 =	sadd.s32 s5, s0;
	s0 =	sadd.s32 $0xE5200, s0;
	s5 =	sadd.s32 s12, s2  }
0x12: {  	s12 =	sadd.s32 s12, s18;
	[dreg:$0x5] =	wrdreg s1;
	s1 =	sshrl.u32 s26, $0x3  }
0x13: {  	s18 =	simm.s32 $0xA100;
	s10 =	sadd.s32 $0xBE00, s10;
	s25 =	sshrl.u32 s12, $0x3  }
0x14: {  	s13 =	sadd.s32 s0, s13;
	s14 =	sadd.s32 s0, s1;
	s15 =	sadd.s32 s0, s31  }
0x15: {  	v0 =	vimm.f32 $0.0e+00;
	s16 =	sadd.s32 s0, s16;
	[dreg:$0x4] =	wrdreg s10;
	s12 =	sadd.s32 s0, s25  }
.LBB2_1:
0x16: {  	s0 =	sand.u32 $0x7F00, s3  }
0x17: {  	s1 =	sand.u32 $0x30, s3;
	s20 =	sshrl.u32 s0, $0x2  }
0x18: {  	s0 =	simm.s32 $0x40;
	s20 =	sor.u32 s1, s20;
	s1 =	simm.s32 $0x0  }
.LBB2_2:
0x19: {  	p0 =	sne.s32 s0, $0x7FC0  }
0x1a: {  	[tilespmem:s20+$0xA100] =	vst v0;
	s1 =	sadd.s32 $0x10, s1;
	s20 =	smov.u32 s0;
	s0 =	sadd.s32 $0x40, s0  }
.Ltmp0:
0x1b: {  	(pc) =	sbr.rel @p0 .LBB2_2-.Ltmp0, $4  }
0x1c: {  	_ = 	snop  }
0x1d: {  	s20 =	sand.u32 $0x7F00, s20  }
0x1e: {  	s23 =	sand.u32 $0x30, s1;
	s20 =	sshrl.u32 s20, $0x2  }
0x1f: {  	s20 =	sor.u32 s23, s20  }
0x20: {  	[tilespmem:s20+$0xA100] =	vst v0  }
0x21: {  	[spmem:s5] =	stream.linear.scatter [tilespmem:s18], [sflag:$0x3], $0x2000, $0x38;
	[tilespmem:$0x1FF00] =	vst v63  }
0x22: {  	_ =	swait.ge [sflag:s19], $0x2000  }
0x23: {  	[sflag:s19] =	ssyncset.done $0x0  }
0x24: {  	[sflag:s19] =	ssyncadd.s32 $0xFFFFE000  }
0x25: {  	[spmem:s6] =	stream.linear.scatter [tilespmem:s18], [sflag:$0x3], $0x2000, $0x38;
	[tilespmem:$0x1FF00] =	vst v63  }
0x26: {  	_ =	swait.ge [sflag:s19], $0x2000  }
0x27: {  	[sflag:s19] =	ssyncset.done $0x0  }
0x28: {  	[sflag:s19] =	ssyncadd.s32 $0xFFFFE000  }
0x29: {  	[spmem:s7] =	stream.linear.scatter [tilespmem:s18], [sflag:$0x3], $0x2000, $0x38;
	[tilespmem:$0x1FF00] =	vst v63  }
0x2a: {  	_ =	swait.ge [sflag:s19], $0x2000  }
0x2b: {  	[sflag:s19] =	ssyncset.done $0x0  }
0x2c: {  	[sflag:s19] =	ssyncadd.s32 $0xFFFFE000  }
0x2d: {  	[spmem:s8] =	stream.linear.scatter [tilespmem:s18], [sflag:$0x3], $0x2000, $0x38;
	[tilespmem:$0x1FF00] =	vst v63  }
0x2e: {  	_ =	swait.ge [sflag:s19], $0x2000  }
0x2f: {  	[sflag:s19] =	ssyncset.done $0x0  }
0x30: {  	[sflag:s19] =	ssyncadd.s32 $0xFFFFE000  }
0x31: {  	[spmem:s9] =	stream.linear.scatter [tilespmem:s18], [sflag:$0x3], $0x1E00, $0x38;
	[tilespmem:$0x1FF00] =	vst v63  }
0x32: {  	_ =	swait.ge [sflag:s19], $0x1E00  }
0x33: {  	[sflag:s19] =	ssyncset.done $0x0  }
0x34: {  	s0 =	simm.s32 $0x0;
	s1 =	rddreg [dreg:$0x4];
	[sflag:s19] =	ssyncadd.s32 $0xFFFFE200  }
0x35: {  	[tilespmem:s0], [sflag:$0x3] =	stream.linear.gather [hbm4b:s1+s0], $0x4F00, $0x38;
	[tilespmem:$0x1FF00] =	vst v63  }
0x36: {  	_ =	swait.ge [sflag:s19], $0x4F00  }
0x37: {  	[sflag:s19] =	ssyncset.done $0x0  }
0x38: {  	s10 =	simm.s32 $0x4F00;
	s23 =	rddreg [dreg:$0x5];
	[sflag:s19] =	ssyncadd.s32 $0xFFFFB100  }
0x39: {  	[tilespmem:s10], [sflag:$0x3] =	stream.linear.gather [hbm4b:s23+s0], $0x4F00, $0x38;
	[tilespmem:$0x1FF00] =	vst v63  }
0x3a: {  	p0 =	por $0x0, $0x0;
	s1 =	simm.s32 $0x4;
	_ =	swait.ge [sflag:s19], $0x4F00  }
0x3b: {  	s1 =	smul.u32 @!p0 $0xAB, s1;
	[sflag:s19] =	ssyncset.done $0x0  }
0x3c: {  	[sflag:s19] =	ssyncadd.s32 $0xFFFFB100  }
0x3d: {  	s24 =	simm.s32 $0x100;
	s1 =	sshrl.u32 @!p0 s1, $0xA;
	[bflag:$0x0] =	sbarrier.arrive $0xFFFF  }
0x3e: {  	[tilespmem:s18], [sflag:$0x1] =	stream.indirect.gather [hbm4b:s4+s21], $0x40, s0, s21, $0xb8;
	[tilespmem:$0x1FF00] =	vst v63  }
0x3f: {  	s25 =	simm.s32 $0xE100;
	p1 =	por @!p0 $0x1, $0x1;
	s1 =	sand.u32 @!p0 $0x3F, s1  }
0x40: {  	[tilespmem:s22], [sflag:$0x1] =	stream.indirect.gather [hbm4b:s4+s21], $0x40, s21, s21, $0xb8;
	[tilespmem:$0x1FF00] =	vst v63  }
0x41: {  	s26 =	simm.s32 $0x180;
	p1 =	por p1, p0;
	s1 =	smul.u32 @!p0 $0x6, s1  }
0x42: {  	[tilespmem:s25], [sflag:$0x1] =	stream.indirect.gather [hbm4b:s4+s21], $0x40, s24, s21, $0xb8;
	[tilespmem:$0x1FF00] =	vst v63  }
0x43: {  	s11 =	simm.s32 $0x10100;
	s20 =	simm.s32 @!p1 $0x2;
	s1 =	ssub.s32 @!p0 $0x4, s1  }
0x44: {  	[tilespmem:s11], [sflag:$0x1] =	stream.indirect.gather [hbm4b:s4+s21], $0x40, s26, s21, $0xb8;
	[tilespmem:$0x1FF00] =	vst v63  }
0x45: {  	s31 =	simm.s32 $0x200;
	s1 =	sand.u32 @!p0 $0xFF, s1;
	_ =	swait.ge @!p1 [sflag:s20], $0x2000  }
0x46: {  	s1 =	sshll.u32 @!p0 s1, $0xD;
	s0 =	smul.u32 $0xAB, s0;
	[sflag:s20] =	ssyncset.done @!p1 $0x0  }
0x47: {  	s1 =	sadd.s32 @!p0 $0xA100, s1;
	[sflag:s20] =	ssyncadd.s32 @!p1 $0xFFFFE000;
	s20 =	simm.s32 @!p0 $0x80  }
0x48: {  	[tilespmem:s1], [sflag:$0x1] =	stream.indirect.gather @!p0 [hbm4b:s4+s20], $0x40, s31, s20, $0xb8;
	[tilespmem:$0x1FF00] =	vst v63  }
0x49: {  	_ =	swait.ge [sflag:s28], $0x2000  }
0x4a: {  	s0 =	sshrl.u32 s0, $0xA;
	[sflag:s28] =	ssyncset.done $0x0  }
0x4b: {  	s0 =	sand.u32 $0x3F, s0;
	s11 =	simm.s32 $0x4F40;
	[sflag:s28] =	ssyncadd.s32 $0xFFFFE000  }
0x4c: {  	s0 =	smul.u32 $0x6, s0;
	v1 =	vld [tilespmem:s11+$0xFFFFFFC0];
	_ =	sdelay $0x1  }
0x4d: {  	s0 =	ssub.s32 $0x0, s0  }
0x4e: {  	s24 =	sand.u32 $0xFF, s0  }
0x4f: {  	s23 =	sshll.u32 s24, $0x7  }
0x50: {  	[tilespmem:s23+$0x9E00] =	vst v1  }
0x51: {  	v1 =	vld [tilespmem:s11+$0xFFFFFFD0];
	_ =	sdelay $0x4  }
0x52: {  	[tilespmem:s23+$0x9E10] =	vst v1  }
0x53: {  	v1 =	vld [tilespmem:s11+$0xFFFFFFE0];
	_ =	sdelay $0x4  }
0x54: {  	[tilespmem:s23+$0x9E20] =	vst v1  }
0x55: {  	v1 =	vld [tilespmem:s11+$0xFFFFFFF0];
	_ =	sdelay $0x4  }
0x56: {  	[tilespmem:s23+$0x9E30] =	vst v1  }
0x57: {  	v1 =	vld [tilespmem:s11+$0x0];
	_ =	sdelay $0x4  }
0x58: {  	[tilespmem:s23+$0x9E40] =	vst v1  }
0x59: {  	v1 =	vld [tilespmem:s11+$0x10];
	_ =	sdelay $0x4  }
0x5a: {  	[tilespmem:s23+$0x9E50] =	vst v1  }
0x5b: {  	s25 =	simm.s32 $0x5;
	p1 =	por $0x0, $0x0;
	v1 =	vld [tilespmem:s11+$0x20]  }
0x5c: {  	s20 =	smul.u32 @!p1 $0xAB, s25;
	_ =	sdelay $0x1  }
0x5d: {  	s26 =	sshrl.u32 @!p1 s20, $0xA  }
0x5e: {  	s26 =	sand.u32 @!p1 $0x3F, s26  }
0x5f: {  	s0 =	simm.s32 $0x1;
	s24 =	sshll.u32 s24, $0xD;
	s26 =	smul.u32 @!p1 $0x6, s26;
	[tilespmem:s23+$0x9E60] =	vst v1  }
0x60: {  	p2 =	por @!p1 $0x1, $0x1;
	s1 =	simm.s32 $0x4FC0;
	s20 =	simm.s32 $0x2;
	v1 =	vld [tilespmem:s11+$0x30]  }
.LBB2_4:
0x61: {  	s25 =	ssub.s32 @!p1 s25, s26  }
0x62: {  	s31 =	sadd.s32 $0x80, s31;
	s26 =	smov.u32 s20;
	s20 =	sadd.s32 $0x1, s20  }
0x63: {  	s10 =	sadd.s32 $0x9E00, s23;
	p0 =	sne.s32 s20, $0x9E;
	s25 =	sand.u32 @!p1 $0xFF, s25  }
0x64: {  	p2 =	por p2, p1;
	s24 =	sadd.s32 $0xA100, s24;
	s25 =	sshll.u32 @!p1 s25, $0xD  }
0x65: {  	s11 =	simm.s32 @!p2 $0x2;
	s25 =	sadd.s32 @!p1 $0xA100, s25;
	[tilespmem:s23+$0x9E70] =	vst v1  }
0x66: {  	[spmem:s2] =	stream.indirect.scatter.add.f32 [tilespmem:s24], [sflag:$0x2], $0x40, s10, s21, $0xb8;
	[tilespmem:$0x1FF00] =	vst v63  }
0x67: {  	_ =	swait.ge @!p2 [sflag:s11], $0x2000  }
0x68: {  	[sflag:s11] =	ssyncset.done @!p2 $0x0  }
0x69: {  	s10 =	simm.s32 @!p1 $0x80;
	[sflag:s11] =	ssyncadd.s32 @!p2 $0xFFFFE000;
	s11 =	smul.u32 $0xAB, s0  }
0x6a: {  	[tilespmem:s25], [sflag:$0x1] =	stream.indirect.gather @!p1 [hbm4b:s4+s10], $0x40, s31, s10, $0xb8;
	[tilespmem:$0x1FF00] =	vst v63  }
0x6b: {  	s10 =	sshrl.u32 s11, $0xA;
	_ =	swait.ge [sflag:s28], $0x2000  }
0x6c: {  	s10 =	sand.u32 $0x3F, s10;
	[sflag:s28] =	ssyncset.done $0x0  }
0x6d: {  	s10 =	smul.u32 $0x6, s10;
	[sflag:s28] =	ssyncadd.s32 $0xFFFFE000  }
0x6e: {  	v1 =	vld [tilespmem:s1+$0xFFFFFFC0]  }
0x6f: {  	s10 =	ssub.s32 s0, s10;
	s0 =	smov.u32 s26  }
0x70: {  	s10 =	sand.u32 $0xFF, s10  }
0x71: {  	s24 =	sshll.u32 s10, $0xD  }
0x72: {  	s23 =	sshll.u32 s10, $0x7  }
0x73: {  	[tilespmem:s23+$0x9E00] =	vst v1  }
0x74: {  	v1 =	vld [tilespmem:s1+$0xFFFFFFD0];
	_ =	sdelay $0x4  }
0x75: {  	[tilespmem:s23+$0x9E10] =	vst v1  }
0x76: {  	v1 =	vld [tilespmem:s1+$0xFFFFFFE0];
	_ =	sdelay $0x4  }
0x77: {  	[tilespmem:s23+$0x9E20] =	vst v1  }
0x78: {  	v1 =	vld [tilespmem:s1+$0xFFFFFFF0];
	_ =	sdelay $0x4  }
0x79: {  	[tilespmem:s23+$0x9E30] =	vst v1  }
0x7a: {  	v1 =	vld [tilespmem:s1+$0x0];
	_ =	sdelay $0x4  }
0x7b: {  	[tilespmem:s23+$0x9E40] =	vst v1  }
0x7c: {  	v1 =	vld [tilespmem:s1+$0x10];
	_ =	sdelay $0x4  }
0x7d: {  	[tilespmem:s23+$0x9E50] =	vst v1  }
0x7e: {  	v1 =	vld [tilespmem:s1+$0x20]  }
0x7f: {  	s25 =	sadd.s32 $0x4, s0;
	p1 =	sgt.u32 s0, $0x99  }
0x80: {  	p2 =	slt.u32 @!p1 s0, $0x2;
	s10 =	smul.u32 @!p1 $0xAB, s25  }
.Ltmp1:
0x81: {  	(pc) =	sbr.rel @p0 .LBB2_4-.Ltmp1, $4  }
0x82: {  	s10 =	sshrl.u32 @!p1 s10, $0xA  }
0x83: {  	s10 =	sand.u32 @!p1 $0x3F, s10;
	[tilespmem:s23+$0x9E60] =	vst v1  }
0x84: {  	s26 =	smul.u32 @!p1 $0x6, s10;
	v1 =	vld [tilespmem:s1+$0x30]  }
0x85: {  	s1 =	sadd.s32 $0x80, s1  }
0x86: {  	_ =	sdelay $0x2  }
0x87: {  	s10 =	sadd.s32 $0x9E00, s23;
	s11 =	sadd.s32 $0xA100, s24;
	p0 =	por p2, p1;
	[tilespmem:s23+$0x9E70] =	vst v1  }
0x88: {  	[spmem:s2] =	stream.indirect.scatter.add.f32 [tilespmem:s11], [sflag:$0x2], $0x40, s10, s21, $0xb8;
	[tilespmem:$0x1FF00] =	vst v63  }
0x89: {  	s10 =	ssub.s32 @!p1 s25, s26;
	s11 =	simm.s32 @!p0 $0x2  }
0x8a: {  	s20 =	sadd.s32 $0x80, s31;
	s10 =	sand.u32 @!p1 $0xFF, s10;
	_ =	swait.ge @!p0 [sflag:s11], $0x2000  }
0x8b: {  	s24 =	smul.u32 $0xAB, s0;
	s10 =	sshll.u32 @!p1 s10, $0xD;
	[sflag:s11] =	ssyncset.done @!p0 $0x0  }
0x8c: {  	s10 =	sadd.s32 @!p1 $0xA100, s10;
	[sflag:s11] =	ssyncadd.s32 @!p0 $0xFFFFE000;
	s11 =	simm.s32 @!p1 $0x80  }
0x8d: {  	[tilespmem:s10], [sflag:$0x1] =	stream.indirect.gather @!p1 [hbm4b:s4+s11], $0x40, s20, s11, $0xb8;
	[tilespmem:$0x1FF00] =	vst v63  }
0x8e: {  	_ =	swait.ge [sflag:s28], $0x2000  }
0x8f: {  	s10 =	sshrl.u32 s24, $0xA;
	[sflag:s28] =	ssyncset.done $0x0  }
0x90: {  	s10 =	sand.u32 $0x3F, s10;
	[sflag:s28] =	ssyncadd.s32 $0xFFFFE000  }
0x91: {  	s10 =	smul.u32 $0x6, s10;
	v1 =	vld [tilespmem:s1+$0xFFFFFFC0];
	_ =	sdelay $0x1  }
0x92: {  	s25 =	ssub.s32 s0, s10  }
0x93: {  	s0 =	sand.u32 $0xFF, s25  }
0x94: {  	s26 =	sshll.u32 s0, $0x7  }
0x95: {  	[tilespmem:s26+$0x9E00] =	vst v1  }
0x96: {  	v1 =	vld [tilespmem:s1+$0xFFFFFFD0];
	_ =	sdelay $0x4  }
0x97: {  	[tilespmem:s26+$0x9E10] =	vst v1  }
0x98: {  	v1 =	vld [tilespmem:s1+$0xFFFFFFE0];
	_ =	sdelay $0x4  }
0x99: {  	[tilespmem:s26+$0x9E20] =	vst v1  }
0x9a: {  	v1 =	vld [tilespmem:s1+$0xFFFFFFF0];
	_ =	sdelay $0x4  }
0x9b: {  	[tilespmem:s26+$0x9E30] =	vst v1  }
0x9c: {  	v1 =	vld [tilespmem:s1+$0x0];
	_ =	sdelay $0x4  }
0x9d: {  	[tilespmem:s26+$0x9E40] =	vst v1  }
0x9e: {  	v1 =	vld [tilespmem:s1+$0x10];
	_ =	sdelay $0x4  }
0x9f: {  	[tilespmem:s26+$0x9E50] =	vst v1  }
0xa0: {  	v1 =	vld [tilespmem:s1+$0x20];
	_ =	sdelay $0x4  }
0xa1: {  	[tilespmem:s26+$0x9E60] =	vst v1  }
0xa2: {  	v1 =	vld [tilespmem:s1+$0x30];
	_ =	sdelay $0x3  }
0xa3: {  	s0 =	sshll.u32 s0, $0xD  }
0xa4: {  	s31 =	sadd.s32 $0x9E00, s26;
	s0 =	sadd.s32 $0xA100, s0;
	[tilespmem:s26+$0x9E70] =	vst v1  }
0xa5: {  	[spmem:s2] =	stream.indirect.scatter.add.f32 [tilespmem:s0], [sflag:$0x2], $0x40, s31, s21, $0xb8;
	[tilespmem:$0x1FF00] =	vst v63  }
0xa6: {  	_ =	swait.ge [sflag:s29], $0x2000  }
0xa7: {  	[sflag:s29] =	ssyncset.done $0x0  }
0xa8: {  	[sflag:s29] =	ssyncadd.s32 $0xFFFFE000  }
0xa9: {  	_ =	swait.ge [sflag:s29], $0x2000  }
0xaa: {  	[sflag:s29] =	ssyncset.done $0x0  }
0xab: {  	[sflag:s29] =	ssyncadd.s32 $0xFFFFE000  }
0xac: {  	_ =	swait.ge [sflag:s29], $0x2000  }
0xad: {  	[sflag:s29] =	ssyncset.done $0x0  }
0xae: {  	[sflag:s29] =	ssyncadd.s32 $0xFFFFE000  }
0xaf: {  	_ =	swait.ge [sflag:s29], $0x2000  }
0xb0: {  	[sflag:s29] =	ssyncset.done $0x0  }
0xb1: {  	[sflag:s29] =	ssyncadd.s32 $0xFFFFE000  }
0xb2: {  	_ =	swait.ge [sflag:s29], $0x2000  }
0xb3: {  	[sflag:s29] =	ssyncset.done $0x0  }
0xb4: {  	[sflag:s29] =	ssyncadd.s32 $0xFFFFE000  }
0xb5: {  	_ =	swait.ge [sflag:s29], $0x2000  }
0xb6: {  	[sflag:s29] =	ssyncset.done $0x0  }
0xb7: {  	[sflag:s29] =	ssyncadd.s32 $0xFFFFE000  }
0xb8: {  	[bflag:$0x0] =	sbarrier.arrive $0xFFFF  }
0xb9: {  	[tilespmem:s22], [sflag:$0x3] =	stream.linear.gather [spmem:s5], $0x2000, $0x38;
	[tilespmem:$0x1FF00] =	vst v63  }
0xba: {  	_ =	swait.ge [sflag:s19], $0x2000  }
0xbb: {  	[sflag:s19] =	ssyncset.done $0x0  }
0xbc: {  	[sflag:s19] =	ssyncadd.s32 $0xFFFFE000  }
0xbd: {  	[hbm4b:s12+s3] =	stream.linear.scatter [tilespmem:s22], [sflag:$0x3], $0x2000, $0x38;
	[tilespmem:$0x1FF00] =	vst v63  }
0xbe: {  	_ =	swait.ge [sflag:s19], $0x2000  }
0xbf: {  	[sflag:s19] =	ssyncset.done $0x0  }
0xc0: {  	[sflag:s19] =	ssyncadd.s32 $0xFFFFE000  }
0xc1: {  	[tilespmem:s22], [sflag:$0x3] =	stream.linear.gather [spmem:s6], $0x2000, $0x38;
	[tilespmem:$0x1FF00] =	vst v63  }
0xc2: {  	_ =	swait.ge [sflag:s19], $0x2000  }
0xc3: {  	[sflag:s19] =	ssyncset.done $0x0  }
0xc4: {  	[sflag:s19] =	ssyncadd.s32 $0xFFFFE000  }
0xc5: {  	[hbm4b:s13+s3] =	stream.linear.scatter [tilespmem:s22], [sflag:$0x3], $0x2000, $0x38;
	[tilespmem:$0x1FF00] =	vst v63  }
0xc6: {  	_ =	swait.ge [sflag:s19], $0x2000  }
0xc7: {  	[sflag:s19] =	ssyncset.done $0x0  }
0xc8: {  	[sflag:s19] =	ssyncadd.s32 $0xFFFFE000  }
0xc9: {  	[tilespmem:s22], [sflag:$0x3] =	stream.linear.gather [spmem:s7], $0x2000, $0x38;
	[tilespmem:$0x1FF00] =	vst v63  }
0xca: {  	_ =	swait.ge [sflag:s19], $0x2000  }
0xcb: {  	[sflag:s19] =	ssyncset.done $0x0  }
0xcc: {  	[sflag:s19] =	ssyncadd.s32 $0xFFFFE000  }
0xcd: {  	[hbm4b:s14+s3] =	stream.linear.scatter [tilespmem:s22], [sflag:$0x3], $0x2000, $0x38;
	[tilespmem:$0x1FF00] =	vst v63  }
0xce: {  	_ =	swait.ge [sflag:s19], $0x2000  }
0xcf: {  	[sflag:s19] =	ssyncset.done $0x0  }
0xd0: {  	[sflag:s19] =	ssyncadd.s32 $0xFFFFE000  }
0xd1: {  	[tilespmem:s22], [sflag:$0x3] =	stream.linear.gather [spmem:s8], $0x2000, $0x38;
	[tilespmem:$0x1FF00] =	vst v63  }
0xd2: {  	_ =	swait.ge [sflag:s19], $0x2000  }
0xd3: {  	[sflag:s19] =	ssyncset.done $0x0  }
0xd4: {  	[sflag:s19] =	ssyncadd.s32 $0xFFFFE000  }
0xd5: {  	[hbm4b:s15+s3] =	stream.linear.scatter [tilespmem:s22], [sflag:$0x3], $0x2000, $0x38;
	[tilespmem:$0x1FF00] =	vst v63  }
0xd6: {  	_ =	swait.ge [sflag:s19], $0x2000  }
0xd7: {  	[sflag:s19] =	ssyncset.done $0x0  }
0xd8: {  	[sflag:s19] =	ssyncadd.s32 $0xFFFFE000  }
0xd9: {  	[tilespmem:s22], [sflag:$0x3] =	stream.linear.gather [spmem:s9], $0x1E00, $0x38;
	[tilespmem:$0x1FF00] =	vst v63  }
0xda: {  	s30 =	sadd.s32 $0x1, s30;
	_ =	swait.ge [sflag:s19], $0x1E00  }
0xdb: {  	p0 =	sne.s32 s30, s17;
	[sflag:s19] =	ssyncset.done $0x0  }
.Ltmp2:
0xdc: {  	[sflag:s19] =	ssyncadd.s32 $0xFFFFE200;
	(pc) =	sbr.rel @p0 .LBB2_1-.Ltmp2, $4  }
0xdd: {  	[hbm4b:s16+s3] =	stream.linear.scatter [tilespmem:s22], [sflag:$0x3], $0x1E00, $0x38;
	[tilespmem:$0x1FF00] =	vst v63  }
0xde: {  	_ =	swait.ge [sflag:s19], $0x1E00  }
0xdf: {  	[sflag:s19] =	ssyncset.done $0x0  }
0xe0: {  	[sflag:s19] =	ssyncadd.s32 $0xFFFFE200  }
0xe1: {  	_ =	sfence.sel $0x180000  }
0xe2: {  	[bflag:$0x0] =	sbarrier.arrive $0xFFFF  }
0xe3: {  	_ =	strace $0x9000004A  }
0xe4: {  	s0 =	stileid.u32;
	[bflag:$0x2] =	sbarrier.arrive $0xFFFF  }
0xe5: {  	p0 =	sne.s32 s0, $0x0;
	s0 =	rddreg [dreg:$0x3]  }
0xe6: {  	s0 =	sadd.s32 @!p0 $0x100000, s0  }
0xe7: {  	[sflag:s0] =	ssyncadd.tile.s32 @!p0 $0x1;
	_ =	shalt  }
.Lfunc_end2:
_tile_overlayer_lowered:
.L_overlay_start_2:
0xe8: {  	(tag) =	ssettag $0x2  }
0xe9: {  	s0 =	rddreg [dreg:$0x0];
	s2 =	stileid.u32  }
0xea: {  	s1 =	rddreg [dreg:$0x1];
	p0 =	sne.s32 s2, $0x0  }
0xeb: {  	s3 =	rddreg [dreg:$0x2];
	[bflag:$0x3] =	sbarrier.arrive $0xFFFF;
	s2 =	simm.s32 @!p0 $0x1C03  }
0xec: {  	[timem:s3], [sflag:s2] =	dma.local @!p0 [hbm:s0], s1  }
0xed: {  	s0 =	simm.s32 @!p0 $0x3  }
0xee: {  	_ =	swait.ge @!p0 [sflag:s0], s1  }
0xef: {  	s1 =	ssub.s32 @!p0 $0x0, s1;
	[sflag:s0] =	ssyncset.done @!p0 $0x0  }
0xf0: {  	[sflag:s0] =	ssyncadd.s32 @!p0 s1  }
0xf1: {  	[bflag:$0x3] =	sbarrier.arrive $0xFFFF  }
0xf2: {  	_ =	shalt  }

// kernel: kernel.14.cloned.1.call-start
scs
__scs_entry_jumppad:
0x0: {  	(pc) =	sbr.rel $0x88, $3  }
0x1: {  	(tag) =	ssettag $0x0;
	lr =	simm.s32 $0x1  }
0x2: {  	[smem:$0x3F99] =	sst lr;
	_ =	strace $0xD0000000  }
0x3: {  	_ = 	snop  }
0x4: {  	_ = 	snop  }
0x5: {  	_ = 	snop  }
0x6: {  	_ = 	snop  }
0x7: {  	_ = 	snop  }
__scs_overlays_trampoline_lowered:
0x8: {  	[smem:$0x3FA8] =	sst s0  }
0x9: {  	[smem:$0x3FA9] =	sst s1  }
0xa: {  	[smem:$0x3FAA] =	sst s2  }
0xb: {  	[smem:$0x3FAB] =	sst s3  }
0xc: {  	[smem:$0x3FAC] =	sst s4  }
0xd: {  	[smem:$0x3FAD] =	sst s5  }
0xe: {  	[smem:$0x3FAE] =	sst s6  }
0xf: {  	[smem:$0x3FAF] =	sst s7  }
0x10: {  	[smem:$0x3FB0] =	sst s8  }
0x11: {  	[smem:$0x3FB1] =	sst s9;
	s0 =	simm.s32 @!p0 $0x0  }
0x12: {  	s1 =	sld [smem:$0x3F97];
	s0 =	simm.s32 @p0 $0x1  }
0x13: {  	[smem:$0x3FB2] =	sst s0;
	s0 =	simm.s32 @!p1 $0x0  }
0x14: {  	s2 =	sld [smem:$0x3F96];
	s0 =	simm.s32 @p1 $0x1  }
0x15: {  	[smem:$0x3FB3] =	sst s0;
	s0 =	simm.s32 @!p2 $0x0  }
0x16: {  	s3 =	sld [smem:$0x3FDB];
	s0 =	simm.s32 @p2 $0x1  }
0x17: {  	s4 =	simm.s32 $0x1BF5;
	[smem:$0x3FB5] =	sst s0  }
0x18: {  	s0 =	sld [smem:$0x3F98];
	_ =	swait.ge [sflag:s4], $0x0  }
0x19: {  	s7 =	sld [smem:$0x3F99]  }
0x1a: {  	s8 =	sadd.s32 $0xFFFFE003, lr  }
0x1b: {  	s9 =	sadd.s32 $0xFFFFFEF7, lr;
	s5 =	simm.s32 $0xFFFFFFFF;
	p2 =	slt.u32 s8, $0xFFFFF086  }
0x1c: {  	p1 =	slt.u32 s9, $0xF7A;
	s5 =	simm.s32 @!p2 $0x0  }
0x1d: {  	s5 =	simm.s32 @p1 $0x1;
	p0 =	seq.s32 s7, s2  }
0x1e: {  	s7 =	smul.u32 @!p0 $0xF7A, s2;
	p2 =	seq.s32 @!p0 s5, $0x0  }
0x1f: {  	s9 =	smul.u32 $0xF7A, s1;
	s8 =	simm.s32 @!p0 $0x1BF5;
	p2 =	por !p2, p0  }
0x20: {  	[sflag:s8] =	ssyncset.s32 @!p0 $0xFFFFF086;
	s6 =	sadd.s32 @!p0 s3, s7;
	s7 =	simm.s32 @!p0 $0x108  }
0x21: {  	s3 =	sadd.s32 s3, s9;
	s6 =	sadd.s32 @!p0 $0x88, s6;
	s7 =	simm.s32 @p2 $0x1082  }
0x22: {  	[simem:s7], [sflag:s8] =	dma.local @!p0 [hbm:s6], $0xF7A  }
0x23: {  	s9 =	sor.u32 $0xD0000000, s2;
	s6 =	simm.s32 $0x108;
	_ =	swait.ge @!p0 [sflag:s8], $0x0  }
0x24: {  	s3 =	sadd.s32 $0x88, s3;
	s6 =	simm.s32 @!p1 $0x1082;
	[sflag:s4] =	ssyncset.s32 $0xFFFFF086  }
0x25: {  	[simem:s6], [sflag:s4] =	dma.local [hbm:s3], $0xF7A  }
0x26: {  	[smem:$0x3F99] =	sst s1;
	(tag) =	ssettag s2;
	_ =	strace s9  }
0x27: {  	s1 =	sld [smem:$0x3FA9]  }
0x28: {  	s2 =	sld [smem:$0x3FAA]  }
0x29: {  	s4 =	sld [smem:$0x3FAC]  }
0x2a: {  	p0 =	seq.s32 s5, $0x0;
	s5 =	sld [smem:$0x3FAD]  }
0x2b: {  	s6 =	sld [smem:$0x3FAE]  }
0x2c: {  	s7 =	sld [smem:$0x3FAF]  }
0x2d: {  	s3 =	simm.s32 $0x108;
	s8 =	sld [smem:$0x3FB0]  }
0x2e: {  	s3 =	simm.s32 @!p0 $0x1082;
	s9 =	sld [smem:$0x3FB1]  }
0x2f: {  	lr =	sadd.s32 s0, s3;
	s0 =	sld [smem:$0x3FA8]  }
0x30: {  	s3 =	sld [smem:$0x3FAB]  }
0x31: {  	[smem:$0x3FB4] =	sst s10  }
0x32: {  	s10 =	sld [smem:$0x3FB2];
	_ =	sdelay $0x3  }
0x33: {  	p0 =	seq.s32 s10, $0x1;
	s10 =	sld [smem:$0x3FB4];
	_ =	sdelay $0x3  }
0x34: {  	[smem:$0x3FB4] =	sst s10  }
0x35: {  	s10 =	sld [smem:$0x3FB3];
	_ =	sdelay $0x3  }
0x36: {  	p1 =	seq.s32 s10, $0x1;
	s10 =	sld [smem:$0x3FB4];
	_ =	sdelay $0x3  }
0x37: {  	[smem:$0x3FB4] =	sst s10  }
0x38: {  	s10 =	sld [smem:$0x3FB5]  }
0x39: {  	_ = 	snop;
	(pc) =	sbr.ind lr, $3  }
0x3a: {  	_ = 	snop  }
0x3b: {  	_ = 	snop  }
0x3c: {  	p2 =	seq.s32 s10, $0x1;
	s10 =	sld [smem:$0x3FB4]  }
0x3d: {  	_ =	shalt  }
0x3e: {  	_ =	shalt  }
0x3f: {  	_ =	shalt  }
0x40: {  	_ =	shalt  }
0x41: {  	_ =	shalt  }
0x42: {  	_ =	shalt  }
0x43: {  	_ =	shalt  }
0x44: {  	_ =	shalt  }
0x45: {  	_ =	shalt  }
0x46: {  	_ =	shalt  }
0x47: {  	_ =	shalt  }
0x48: {  	_ =	shalt  }
0x49: {  	_ =	shalt  }
0x4a: {  	_ =	shalt  }
0x4b: {  	_ =	shalt  }
0x4c: {  	_ =	shalt  }
0x4d: {  	_ =	shalt  }
0x4e: {  	_ =	shalt  }
0x4f: {  	_ =	shalt  }
0x50: {  	_ =	shalt  }
0x51: {  	_ =	shalt  }
0x52: {  	_ =	shalt  }
0x53: {  	_ =	shalt  }
0x54: {  	_ =	shalt  }
0x55: {  	_ =	shalt  }
0x56: {  	_ =	shalt  }
0x57: {  	_ =	shalt  }
0x58: {  	_ =	shalt  }
0x59: {  	_ =	shalt  }
0x5a: {  	_ =	shalt  }
0x5b: {  	_ =	shalt  }
0x5c: {  	_ =	shalt  }
0x5d: {  	_ =	shalt  }
0x5e: {  	_ =	shalt  }
0x5f: {  	_ =	shalt  }
0x60: {  	_ =	shalt  }
0x61: {  	_ =	shalt  }
0x62: {  	_ =	shalt  }
0x63: {  	_ =	shalt  }
0x64: {  	_ =	shalt  }
0x65: {  	_ =	shalt  }
0x66: {  	_ =	shalt  }
0x67: {  	_ =	shalt  }
0x68: {  	_ =	shalt  }
0x69: {  	_ =	shalt  }
0x6a: {  	_ =	shalt  }
0x6b: {  	_ =	shalt  }
0x6c: {  	_ =	shalt  }
0x6d: {  	_ =	shalt  }
0x6e: {  	_ =	shalt  }
0x6f: {  	_ =	shalt  }
0x70: {  	_ =	shalt  }
0x71: {  	_ =	shalt  }
0x72: {  	_ =	shalt  }
0x73: {  	_ =	shalt  }
0x74: {  	_ =	shalt  }
0x75: {  	_ =	shalt  }
0x76: {  	_ =	shalt  }
0x77: {  	_ =	shalt  }
0x78: {  	_ =	shalt  }
0x79: {  	_ =	shalt  }
0x7a: {  	_ =	shalt  }
0x7b: {  	_ =	shalt  }
0x7c: {  	_ =	shalt  }
0x7d: {  	_ =	shalt  }
0x7e: {  	_ =	shalt  }
0x7f: {  	_ =	shalt  }
0x80: {  	_ =	shalt  }
0x81: {  	_ =	shalt  }
0x82: {  	_ =	shalt  }
0x83: {  	_ =	shalt  }
0x84: {  	_ =	shalt  }
0x85: {  	_ =	shalt  }
0x86: {  	_ =	shalt  }
0x87: {  	_ =	shalt  }
.Lfunc_end0:
.L_simem_size_0:
called_computation.2_lowered:
.L_overlay_start_0:
0x88: {  	s2 =	sld [smem:$0x3FD9]  }
0x89: {  	s3 =	sld [smem:$0x3FFE];
	_ =	sdelay $0x1  }
0x8a: {  	s1 =	srdreg.scid  }
0x8b: {  	s0 =	sand.u32 $0x1, s1  }
0x8c: {  	s17 =	sshll.u32 s0, $0xA;
	s2 =	sadd.s32 s3, s2  }
0x8d: {  	s2 =	sadd.s32 s2, s17  }
0x8e: {  	[smem:$0x3FC0] =	sst s2  }
0x8f: {  	_ = 	snop  }
0x90: {  	s2 =	sld [smem:$0x3FD0];
	(tm) =	ssettm $0x1  }
0x91: {  	s18 =	sld [smem:$0x3FFB];
	_ =	sdelay $0x3  }
0x92: {  	_ =	strace s18  }
0x93: {  	s3 =	sld [smem:$0x3FFC];
	_ =	sdelay $0x3  }
0x94: {  	_ =	strace s3  }
0x95: {  	s3 =	sld [smem:$0x3FFD];
	_ =	sdelay $0x3  }
0x96: {  	_ =	strace s3  }
0x97: {  	_ =	strace $0x8FFFFFFF  }
0x98: {  	s19 =	sld [smem:$0x3FDB];
	_ =	sdelay $0x1  }
0x99: {  	s4 =	simm.s32 $_scs_section_size  }
0x9a: {  	s5 =	simm.s32 $_size__tile_overlayer_lowered;
	s6 =	simm.s32 $_tile_overlayer_lowered  }
0x9b: {  	s22 =	simm.s32 $0x1BFF;
	s21 =	sshll.u32 s6, $0x1;
	s3 =	sadd.s32 s4, s19  }
0x9c: {  	s7 =	simm.s32 $0x0;
	s20 =	sshll.u32 s5, $0x1;
	s5 =	sadd.s32 s21, s3  }
0x9d: {  	[timem:s7], [sflag:s22] =	dma.local [hbm:s5], s20  }
0x9e: {  	_ =	swait.ge [sflag:s22], s20  }
0x9f: {  	s4 =	ssub.s32 $0x0, s20;
	[sflag:s22] =	ssyncset.done $0x0  }
0xa0: {  	[sflag:s22] =	ssyncadd.s32 s4;
	_ =	sdelay $0x1  }
0xa1: {  	s23 =	simm.s32 $0x1B8B  }
0xa2: {  	_ =	swait.ge [sflag:s23], $0x1  }
0xa3: {  	[sflag:s23] =	ssyncset.done $0x0  }
0xa4: {  	s25 =	simm.s32 $0x1B8E;
	s24 =	sld [smem:$0x3FFE];
	[sflag:s23] =	ssyncadd.s32 $0xFFFFFFFF  }
0xa5: {  	s26 =	simm.s32 $execute0_lowered;
	[smem:$0x3FD2] =	sst s25  }
0xa6: {  	s5 =	sshll.u32 s26, $0x1;
	_ =	strace $0x8000004C;
	[dreg:$0x1] =	wrdreg $0xFFFFFFFF  }
0xa7: {  	s28 =	simm.s32 $_size_execute0_lowered;
	s3 =	sadd.s32 s3, s5;
	[dreg:$0x0] =	wrdreg $0x0  }
0xa8: {  	s5 =	sshll.u32 s28, $0x1;
	[dreg:$0x2] =	wrdreg s3  }
0xa9: {  	[dreg:$0x3] =	wrdreg s5  }
0xaa: {  	[dreg:$0x4] =	wrdreg $0xC0  }
0xab: {  	_ =	task [dreg:s7], $0x5FFFF  }
0xac: {  	[dreg:$0x1] =	wrdreg $0xFFFFFFFF  }
0xad: {  	[dreg:$0x0] =	wrdreg $0x60  }
0xae: {  	[dreg:$0x2] =	wrdreg s24  }
0xaf: {  	[dreg:$0x3] =	wrdreg s2  }
0xb0: {  	[dreg:$0x4] =	wrdreg $0x161000  }
0xb1: {  	[dreg:$0x5] =	wrdreg $0x9  }
0xb2: {  	_ =	task.clear_ibuf [dreg:s7], $0x6FFFF;
	_ =	strace $0x9000004C  }
0xb3: {  	s29 =	simm.s32 $0x9;
	_ =	strace $0x8000004E  }
0xb4: {  	_ =	swait.ge [sflag:s29], $0x1  }
0xb5: {  	[sflag:s29] =	ssyncadd.s32 $0xFFFFFFFF  }
0xb6: {  	_ =	strace $0x9000004E  }
0xb7: {  	_ =	sfence  }
0xb8: {  	s30 =	sld [smem:$0x0];
	_ =	sdelay $0x2  }
0xb9: {  	s31 =	sshll.u32 s1, $0xD;
	s1 =	sshrl.u32 s1, $0x2  }
0xba: {  	s3 =	sand.u32 $0x4000, s31;
	s1 =	sadd.s32 s1, s30  }
0xbb: {  	s0 =	sor.u32 s3, s0;
	s1 =	sshll.u32 s1, $0x11  }
0xbc: {  	s0 =	sor.u32 s1, s0  }
0xbd: {  	s0 =	sadd.s32 $0x8F2B, s0  }
0xbe: {  	[sflag:s0] =	ssyncadd.remote.s32 $0x1  }
0xbf: {  	_ =	sfence.sel $0xFFFF  }
0xc0: {  	[dreg:$0x0] =	wrdreg $0xFFFFFFFF;
	(pc) =	sbr.abs _section_cstart, $3  }
0xc1: {  	[dreg:$0x1] =	wrdreg $0xFFFFFFFF  }
0xc2: {  	_ =	task.clear_ibuf [dreg:s7], $0x2FFFF;
	_ =	strace $0x9FFFFFFF  }
0xc3: {  	(tm) =	ssettm $0x7FFFFFFF  }
tec
execute0_lowered:
.L_overlay_start_1:
0x0: {  	(tag) =	ssettag $0x1  }
0x1: {  	s0 =	rddreg [dreg:$0x0]  }
0x2: {  	s1 =	rddreg [dreg:$0x1]  }
0x3: {  	s3 =	srdreg.scid;
	s7 =	stileid.u32  }
0x4: {  	s2 =	rddreg [dreg:$0x2];
	s19 =	simm.s32 $0x3;
	s21 =	simm.s32 $0x80  }
0x5: {  	s22 =	simm.s32 $0xC100;
	s28 =	simm.s32 $0x1;
	s29 =	simm.s32 $0x2  }
0x6: {  	s30 =	simm.s32 $0x0;
	s8 =	sand.u32 $0x1, s3;
	s11 =	smul.u32 $0x4F00, s7  }
0x7: {  	s3 =	simm.s32 $0x0;
	s4 =	sadd.s32 $0xBDA00, s0;
	s12 =	smul.u32 $0x9E00, s7  }
0x8: {  	s5 =	smul.u32 $0x4F000, s8;
	[smem:$0x7FF] =	sst s3;
	s6 =	ssub.s32 $0x2, s8  }
0x9: {  	s18 =	smul.u32 $0x9E000, s8;
	_ =	strace $0x8000004D;
	s24 =	sshrl.u32 s6, $0x1  }
0xa: {  	s13 =	sadd.s32 $0x2000, s12;
	s14 =	sadd.s32 $0x4000, s12;
	s15 =	sadd.s32 $0x6000, s12  }
0xb: {  	s16 =	sadd.s32 $0x8000, s12;
	s5 =	sadd.s32 s11, s5;
	s17 =	ssub.s32 s6, s24  }
0xc: {  	s6 =	sadd.s32 s13, s2;
	s7 =	sadd.s32 s14, s2;
	s8 =	sadd.s32 s15, s2  }
0xd: {  	s9 =	sadd.s32 s16, s2;
	s11 =	sshrl.u32 s11, $0x3;
	s13 =	sadd.s32 s18, s13  }
0xe: {  	s26 =	sadd.s32 s18, s14;
	s15 =	sadd.s32 s18, s15;
	s16 =	sadd.s32 s18, s16  }
0xf: {  	s5 =	sshrl.u32 s5, $0x3;
	s1 =	sadd.s32 s1, s11;
	s13 =	sshrl.u32 s13, $0x3  }
0x10: {  	s31 =	sshrl.u32 s15, $0x3;
	s16 =	sshrl.u32 s16, $0x3;
	s17 =	smax.u32 s17, $0x1  }
0x11: {  	s10 =	sadd.s32 s5, s0;
	s0 =	sadd.s32 $0xE5200, s0;
	s5 =	sadd.s32 s12, s2  }
0x12: {  	s12 =	sadd.s32 s12, s18;
	[dreg:$0x5] =	wrdreg s1;
	s1 =	sshrl.u32 s26, $0x3  }
0x13: {  	s18 =	simm.s32 $0xA100;
	s10 =	sadd.s32 $0xBE00, s10;
	s25 =	sshrl.u32 s12, $0x3  }
0x14: {  	s13 =	sadd.s32 s0, s13;
	s14 =	sadd.s32 s0, s1;
	s15 =	sadd.s32 s0, s31  }
0x15: {  	v0 =	vimm.f32 $0.0e+00;
	s16 =	sadd.s32 s0, s16;
	[dreg:$0x4] =	wrdreg s10;
	s12 =	sadd.s32 s0, s25  }
.LBB2_1:
0x16: {  	s0 =	sand.u32 $0x7F00, s3  }
0x17: {  	s1 =	sand.u32 $0x30, s3;
	s20 =	sshrl.u32 s0, $0x2  }
0x18: {  	s0 =	simm.s32 $0x40;
	s20 =	sor.u32 s1, s20;
	s1 =	simm.s32 $0x0  }
.LBB2_2:
0x19: {  	p0 =	sne.s32 s0, $0x7FC0  }
0x1a: {  	[tilespmem:s20+$0xA100] =	vst v0;
	s1 =	sadd.s32 $0x10, s1;
	s20 =	smov.u32 s0;
	s0 =	sadd.s32 $0x40, s0  }
.Ltmp0:
0x1b: {  	(pc) =	sbr.rel @p0 .LBB2_2-.Ltmp0, $4  }
0x1c: {  	_ = 	snop  }
0x1d: {  	s20 =	sand.u32 $0x7F00, s20  }
0x1e: {  	s23 =	sand.u32 $0x30, s1;
	s20 =	sshrl.u32 s20, $0x2  }
0x1f: {  	s20 =	sor.u32 s23, s20  }
0x20: {  	[tilespmem:s20+$0xA100] =	vst v0  }
0x21: {  	[spmem:s5] =	stream.linear.scatter [tilespmem:s18], [sflag:$0x3], $0x2000, $0x38;
	[tilespmem:$0x1FF00] =	vst v63  }
0x22: {  	_ =	swait.ge [sflag:s19], $0x2000  }
0x23: {  	[sflag:s19] =	ssyncset.done $0x0  }
0x24: {  	[sflag:s19] =	ssyncadd.s32 $0xFFFFE000  }
0x25: {  	[spmem:s6] =	stream.linear.scatter [tilespmem:s18], [sflag:$0x3], $0x2000, $0x38;
	[tilespmem:$0x1FF00] =	vst v63  }
0x26: {  	_ =	swait.ge [sflag:s19], $0x2000  }
0x27: {  	[sflag:s19] =	ssyncset.done $0x0  }
0x28: {  	[sflag:s19] =	ssyncadd.s32 $0xFFFFE000  }
0x29: {  	[spmem:s7] =	stream.linear.scatter [tilespmem:s18], [sflag:$0x3], $0x2000, $0x38;
	[tilespmem:$0x1FF00] =	vst v63  }
0x2a: {  	_ =	swait.ge [sflag:s19], $0x2000  }
0x2b: {  	[sflag:s19] =	ssyncset.done $0x0  }
0x2c: {  	[sflag:s19] =	ssyncadd.s32 $0xFFFFE000  }
0x2d: {  	[spmem:s8] =	stream.linear.scatter [tilespmem:s18], [sflag:$0x3], $0x2000, $0x38;
	[tilespmem:$0x1FF00] =	vst v63  }
0x2e: {  	_ =	swait.ge [sflag:s19], $0x2000  }
0x2f: {  	[sflag:s19] =	ssyncset.done $0x0  }
0x30: {  	[sflag:s19] =	ssyncadd.s32 $0xFFFFE000  }
0x31: {  	[spmem:s9] =	stream.linear.scatter [tilespmem:s18], [sflag:$0x3], $0x1E00, $0x38;
	[tilespmem:$0x1FF00] =	vst v63  }
0x32: {  	_ =	swait.ge [sflag:s19], $0x1E00  }
0x33: {  	[sflag:s19] =	ssyncset.done $0x0  }
0x34: {  	s0 =	simm.s32 $0x0;
	s1 =	rddreg [dreg:$0x4];
	[sflag:s19] =	ssyncadd.s32 $0xFFFFE200  }
0x35: {  	[tilespmem:s0], [sflag:$0x3] =	stream.linear.gather [hbm4b:s1+s0], $0x4F00, $0x38;
	[tilespmem:$0x1FF00] =	vst v63  }
0x36: {  	_ =	swait.ge [sflag:s19], $0x4F00  }
0x37: {  	[sflag:s19] =	ssyncset.done $0x0  }
0x38: {  	s10 =	simm.s32 $0x4F00;
	s23 =	rddreg [dreg:$0x5];
	[sflag:s19] =	ssyncadd.s32 $0xFFFFB100  }
0x39: {  	[tilespmem:s10], [sflag:$0x3] =	stream.linear.gather [hbm4b:s23+s0], $0x4F00, $0x38;
	[tilespmem:$0x1FF00] =	vst v63  }
0x3a: {  	p0 =	por $0x0, $0x0;
	s1 =	simm.s32 $0x4;
	_ =	swait.ge [sflag:s19], $0x4F00  }
0x3b: {  	s1 =	smul.u32 @!p0 $0xAB, s1;
	[sflag:s19] =	ssyncset.done $0x0  }
0x3c: {  	[sflag:s19] =	ssyncadd.s32 $0xFFFFB100  }
0x3d: {  	s24 =	simm.s32 $0x100;
	s1 =	sshrl.u32 @!p0 s1, $0xA;
	[bflag:$0x0] =	sbarrier.arrive $0xFFFF  }
0x3e: {  	[tilespmem:s18], [sflag:$0x1] =	stream.indirect.gather [hbm4b:s4+s21], $0x40, s0, s21, $0xb8;
	[tilespmem:$0x1FF00] =	vst v63  }
0x3f: {  	s25 =	simm.s32 $0xE100;
	p1 =	por @!p0 $0x1, $0x1;
	s1 =	sand.u32 @!p0 $0x3F, s1  }
0x40: {  	[tilespmem:s22], [sflag:$0x1] =	stream.indirect.gather [hbm4b:s4+s21], $0x40, s21, s21, $0xb8;
	[tilespmem:$0x1FF00] =	vst v63  }
0x41: {  	s26 =	simm.s32 $0x180;
	p1 =	por p1, p0;
	s1 =	smul.u32 @!p0 $0x6, s1  }
0x42: {  	[tilespmem:s25], [sflag:$0x1] =	stream.indirect.gather [hbm4b:s4+s21], $0x40, s24, s21, $0xb8;
	[tilespmem:$0x1FF00] =	vst v63  }
0x43: {  	s11 =	simm.s32 $0x10100;
	s20 =	simm.s32 @!p1 $0x2;
	s1 =	ssub.s32 @!p0 $0x4, s1  }
0x44: {  	[tilespmem:s11], [sflag:$0x1] =	stream.indirect.gather [hbm4b:s4+s21], $0x40, s26, s21, $0xb8;
	[tilespmem:$0x1FF00] =	vst v63  }
0x45: {  	s31 =	simm.s32 $0x200;
	s1 =	sand.u32 @!p0 $0xFF, s1;
	_ =	swait.ge @!p1 [sflag:s20], $0x2000  }
0x46: {  	s1 =	sshll.u32 @!p0 s1, $0xD;
	s0 =	smul.u32 $0xAB, s0;
	[sflag:s20] =	ssyncset.done @!p1 $0x0  }
0x47: {  	s1 =	sadd.s32 @!p0 $0xA100, s1;
	[sflag:s20] =	ssyncadd.s32 @!p1 $0xFFFFE000;
	s20 =	simm.s32 @!p0 $0x80  }
0x48: {  	[tilespmem:s1], [sflag:$0x1] =	stream.indirect.gather @!p0 [hbm4b:s4+s20], $0x40, s31, s20, $0xb8;
	[tilespmem:$0x1FF00] =	vst v63  }
0x49: {  	_ =	swait.ge [sflag:s28], $0x2000  }
0x4a: {  	s0 =	sshrl.u32 s0, $0xA;
	[sflag:s28] =	ssyncset.done $0x0  }
0x4b: {  	s0 =	sand.u32 $0x3F, s0;
	s11 =	simm.s32 $0x4F40;
	[sflag:s28] =	ssyncadd.s32 $0xFFFFE000  }
0x4c: {  	s0 =	smul.u32 $0x6, s0;
	v1 =	vld [tilespmem:s11+$0xFFFFFFC0];
	_ =	sdelay $0x1  }
0x4d: {  	s0 =	ssub.s32 $0x0, s0  }
0x4e: {  	s24 =	sand.u32 $0xFF, s0  }
0x4f: {  	s23 =	sshll.u32 s24, $0x7  }
0x50: {  	[tilespmem:s23+$0x9E00] =	vst v1  }
0x51: {  	v1 =	vld [tilespmem:s11+$0xFFFFFFD0];
	_ =	sdelay $0x4  }
0x52: {  	[tilespmem:s23+$0x9E10] =	vst v1  }
0x53: {  	v1 =	vld [tilespmem:s11+$0xFFFFFFE0];
	_ =	sdelay $0x4  }
0x54: {  	[tilespmem:s23+$0x9E20] =	vst v1  }
0x55: {  	v1 =	vld [tilespmem:s11+$0xFFFFFFF0];
	_ =	sdelay $0x4  }
0x56: {  	[tilespmem:s23+$0x9E30] =	vst v1  }
0x57: {  	v1 =	vld [tilespmem:s11+$0x0];
	_ =	sdelay $0x4  }
0x58: {  	[tilespmem:s23+$0x9E40] =	vst v1  }
0x59: {  	v1 =	vld [tilespmem:s11+$0x10];
	_ =	sdelay $0x4  }
0x5a: {  	[tilespmem:s23+$0x9E50] =	vst v1  }
0x5b: {  	s25 =	simm.s32 $0x5;
	p1 =	por $0x0, $0x0;
	v1 =	vld [tilespmem:s11+$0x20]  }
0x5c: {  	s20 =	smul.u32 @!p1 $0xAB, s25;
	_ =	sdelay $0x1  }
0x5d: {  	s26 =	sshrl.u32 @!p1 s20, $0xA  }
0x5e: {  	s26 =	sand.u32 @!p1 $0x3F, s26  }
0x5f: {  	s0 =	simm.s32 $0x1;
	s24 =	sshll.u32 s24, $0xD;
	s26 =	smul.u32 @!p1 $0x6, s26;
	[tilespmem:s23+$0x9E60] =	vst v1  }
0x60: {  	p2 =	por @!p1 $0x1, $0x1;
	s1 =	simm.s32 $0x4FC0;
	s20 =	simm.s32 $0x2;
	v1 =	vld [tilespmem:s11+$0x30]  }
.LBB2_4:
0x61: {  	s25 =	ssub.s32 @!p1 s25, s26  }
0x62: {  	s31 =	sadd.s32 $0x80, s31;
	s26 =	smov.u32 s20;
	s20 =	sadd.s32 $0x1, s20  }
0x63: {  	s10 =	sadd.s32 $0x9E00, s23;
	p0 =	sne.s32 s20, $0x9E;
	s25 =	sand.u32 @!p1 $0xFF, s25  }
0x64: {  	p2 =	por p2, p1;
	s24 =	sadd.s32 $0xA100, s24;
	s25 =	sshll.u32 @!p1 s25, $0xD  }
0x65: {  	s11 =	simm.s32 @!p2 $0x2;
	s25 =	sadd.s32 @!p1 $0xA100, s25;
	[tilespmem:s23+$0x9E70] =	vst v1  }
0x66: {  	[spmem:s2] =	stream.indirect.scatter.add.f32 [tilespmem:s24], [sflag:$0x2], $0x40, s10, s21, $0xb8;
	[tilespmem:$0x1FF00] =	vst v63  }
0x67: {  	_ =	swait.ge @!p2 [sflag:s11], $0x2000  }
0x68: {  	[sflag:s11] =	ssyncset.done @!p2 $0x0  }
0x69: {  	s10 =	simm.s32 @!p1 $0x80;
	[sflag:s11] =	ssyncadd.s32 @!p2 $0xFFFFE000;
	s11 =	smul.u32 $0xAB, s0  }
0x6a: {  	[tilespmem:s25], [sflag:$0x1] =	stream.indirect.gather @!p1 [hbm4b:s4+s10], $0x40, s31, s10, $0xb8;
	[tilespmem:$0x1FF00] =	vst v63  }
0x6b: {  	s10 =	sshrl.u32 s11, $0xA;
	_ =	swait.ge [sflag:s28], $0x2000  }
0x6c: {  	s10 =	sand.u32 $0x3F, s10;
	[sflag:s28] =	ssyncset.done $0x0  }
0x6d: {  	s10 =	smul.u32 $0x6, s10;
	[sflag:s28] =	ssyncadd.s32 $0xFFFFE000  }
0x6e: {  	v1 =	vld [tilespmem:s1+$0xFFFFFFC0]  }
0x6f: {  	s10 =	ssub.s32 s0, s10;
	s0 =	smov.u32 s26  }
0x70: {  	s10 =	sand.u32 $0xFF, s10  }
0x71: {  	s24 =	sshll.u32 s10, $0xD  }
0x72: {  	s23 =	sshll.u32 s10, $0x7  }
0x73: {  	[tilespmem:s23+$0x9E00] =	vst v1  }
0x74: {  	v1 =	vld [tilespmem:s1+$0xFFFFFFD0];
	_ =	sdelay $0x4  }
0x75: {  	[tilespmem:s23+$0x9E10] =	vst v1  }
0x76: {  	v1 =	vld [tilespmem:s1+$0xFFFFFFE0];
	_ =	sdelay $0x4  }
0x77: {  	[tilespmem:s23+$0x9E20] =	vst v1  }
0x78: {  	v1 =	vld [tilespmem:s1+$0xFFFFFFF0];
	_ =	sdelay $0x4  }
0x79: {  	[tilespmem:s23+$0x9E30] =	vst v1  }
0x7a: {  	v1 =	vld [tilespmem:s1+$0x0];
	_ =	sdelay $0x4  }
0x7b: {  	[tilespmem:s23+$0x9E40] =	vst v1  }
0x7c: {  	v1 =	vld [tilespmem:s1+$0x10];
	_ =	sdelay $0x4  }
0x7d: {  	[tilespmem:s23+$0x9E50] =	vst v1  }
0x7e: {  	v1 =	vld [tilespmem:s1+$0x20]  }
0x7f: {  	s25 =	sadd.s32 $0x4, s0;
	p1 =	sgt.u32 s0, $0x99  }
0x80: {  	p2 =	slt.u32 @!p1 s0, $0x2;
	s10 =	smul.u32 @!p1 $0xAB, s25  }
.Ltmp1:
0x81: {  	(pc) =	sbr.rel @p0 .LBB2_4-.Ltmp1, $4  }
0x82: {  	s10 =	sshrl.u32 @!p1 s10, $0xA  }
0x83: {  	s10 =	sand.u32 @!p1 $0x3F, s10;
	[tilespmem:s23+$0x9E60] =	vst v1  }
0x84: {  	s26 =	smul.u32 @!p1 $0x6, s10;
	v1 =	vld [tilespmem:s1+$0x30]  }
0x85: {  	s1 =	sadd.s32 $0x80, s1  }
0x86: {  	_ =	sdelay $0x2  }
0x87: {  	s10 =	sadd.s32 $0x9E00, s23;
	s11 =	sadd.s32 $0xA100, s24;
	p0 =	por p2, p1;
	[tilespmem:s23+$0x9E70] =	vst v1  }
0x88: {  	[spmem:s2] =	stream.indirect.scatter.add.f32 [tilespmem:s11], [sflag:$0x2], $0x40, s10, s21, $0xb8;
	[tilespmem:$0x1FF00] =	vst v63  }
0x89: {  	s10 =	ssub.s32 @!p1 s25, s26;
	s11 =	simm.s32 @!p0 $0x2  }
0x8a: {  	s20 =	sadd.s32 $0x80, s31;
	s10 =	sand.u32 @!p1 $0xFF, s10;
	_ =	swait.ge @!p0 [sflag:s11], $0x2000  }
0x8b: {  	s24 =	smul.u32 $0xAB, s0;
	s10 =	sshll.u32 @!p1 s10, $0xD;
	[sflag:s11] =	ssyncset.done @!p0 $0x0  }
0x8c: {  	s10 =	sadd.s32 @!p1 $0xA100, s10;
	[sflag:s11] =	ssyncadd.s32 @!p0 $0xFFFFE000;
	s11 =	simm.s32 @!p1 $0x80  }
0x8d: {  	[tilespmem:s10], [sflag:$0x1] =	stream.indirect.gather @!p1 [hbm4b:s4+s11], $0x40, s20, s11, $0xb8;
	[tilespmem:$0x1FF00] =	vst v63  }
0x8e: {  	_ =	swait.ge [sflag:s28], $0x2000  }
0x8f: {  	s10 =	sshrl.u32 s24, $0xA;
	[sflag:s28] =	ssyncset.done $0x0  }
0x90: {  	s10 =	sand.u32 $0x3F, s10;
	[sflag:s28] =	ssyncadd.s32 $0xFFFFE000  }
0x91: {  	s10 =	smul.u32 $0x6, s10;
	v1 =	vld [tilespmem:s1+$0xFFFFFFC0];
	_ =	sdelay $0x1  }
0x92: {  	s25 =	ssub.s32 s0, s10  }
0x93: {  	s0 =	sand.u32 $0xFF, s25  }
0x94: {  	s26 =	sshll.u32 s0, $0x7  }
0x95: {  	[tilespmem:s26+$0x9E00] =	vst v1  }
0x96: {  	v1 =	vld [tilespmem:s1+$0xFFFFFFD0];
	_ =	sdelay $0x4  }
0x97: {  	[tilespmem:s26+$0x9E10] =	vst v1  }
0x98: {  	v1 =	vld [tilespmem:s1+$0xFFFFFFE0];
	_ =	sdelay $0x4  }
0x99: {  	[tilespmem:s26+$0x9E20] =	vst v1  }
0x9a: {  	v1 =	vld [tilespmem:s1+$0xFFFFFFF0];
	_ =	sdelay $0x4  }
0x9b: {  	[tilespmem:s26+$0x9E30] =	vst v1  }
0x9c: {  	v1 =	vld [tilespmem:s1+$0x0];
	_ =	sdelay $0x4  }
0x9d: {  	[tilespmem:s26+$0x9E40] =	vst v1  }
0x9e: {  	v1 =	vld [tilespmem:s1+$0x10];
	_ =	sdelay $0x4  }
0x9f: {  	[tilespmem:s26+$0x9E50] =	vst v1  }
0xa0: {  	v1 =	vld [tilespmem:s1+$0x20];
	_ =	sdelay $0x4  }
0xa1: {  	[tilespmem:s26+$0x9E60] =	vst v1  }
0xa2: {  	v1 =	vld [tilespmem:s1+$0x30];
	_ =	sdelay $0x3  }
0xa3: {  	s0 =	sshll.u32 s0, $0xD  }
0xa4: {  	s31 =	sadd.s32 $0x9E00, s26;
	s0 =	sadd.s32 $0xA100, s0;
	[tilespmem:s26+$0x9E70] =	vst v1  }
0xa5: {  	[spmem:s2] =	stream.indirect.scatter.add.f32 [tilespmem:s0], [sflag:$0x2], $0x40, s31, s21, $0xb8;
	[tilespmem:$0x1FF00] =	vst v63  }
0xa6: {  	_ =	swait.ge [sflag:s29], $0x2000  }
0xa7: {  	[sflag:s29] =	ssyncset.done $0x0  }
0xa8: {  	[sflag:s29] =	ssyncadd.s32 $0xFFFFE000  }
0xa9: {  	_ =	swait.ge [sflag:s29], $0x2000  }
0xaa: {  	[sflag:s29] =	ssyncset.done $0x0  }
0xab: {  	[sflag:s29] =	ssyncadd.s32 $0xFFFFE000  }
0xac: {  	_ =	swait.ge [sflag:s29], $0x2000  }
0xad: {  	[sflag:s29] =	ssyncset.done $0x0  }
0xae: {  	[sflag:s29] =	ssyncadd.s32 $0xFFFFE000  }
0xaf: {  	_ =	swait.ge [sflag:s29], $0x2000  }
0xb0: {  	[sflag:s29] =	ssyncset.done $0x0  }
0xb1: {  	[sflag:s29] =	ssyncadd.s32 $0xFFFFE000  }
0xb2: {  	_ =	swait.ge [sflag:s29], $0x2000  }
0xb3: {  	[sflag:s29] =	ssyncset.done $0x0  }
0xb4: {  	[sflag:s29] =	ssyncadd.s32 $0xFFFFE000  }
0xb5: {  	_ =	swait.ge [sflag:s29], $0x2000  }
0xb6: {  	[sflag:s29] =	ssyncset.done $0x0  }
0xb7: {  	[sflag:s29] =	ssyncadd.s32 $0xFFFFE000  }
0xb8: {  	[bflag:$0x0] =	sbarrier.arrive $0xFFFF  }
0xb9: {  	[tilespmem:s22], [sflag:$0x3] =	stream.linear.gather [spmem:s5], $0x2000, $0x38;
	[tilespmem:$0x1FF00] =	vst v63  }
0xba: {  	_ =	swait.ge [sflag:s19], $0x2000  }
0xbb: {  	[sflag:s19] =	ssyncset.done $0x0  }
0xbc: {  	[sflag:s19] =	ssyncadd.s32 $0xFFFFE000  }
0xbd: {  	[hbm4b:s12+s3] =	stream.linear.scatter [tilespmem:s22], [sflag:$0x3], $0x2000, $0x38;
	[tilespmem:$0x1FF00] =	vst v63  }
0xbe: {  	_ =	swait.ge [sflag:s19], $0x2000  }
0xbf: {  	[sflag:s19] =	ssyncset.done $0x0  }
0xc0: {  	[sflag:s19] =	ssyncadd.s32 $0xFFFFE000  }
0xc1: {  	[tilespmem:s22], [sflag:$0x3] =	stream.linear.gather [spmem:s6], $0x2000, $0x38;
	[tilespmem:$0x1FF00] =	vst v63  }
0xc2: {  	_ =	swait.ge [sflag:s19], $0x2000  }
0xc3: {  	[sflag:s19] =	ssyncset.done $0x0  }
0xc4: {  	[sflag:s19] =	ssyncadd.s32 $0xFFFFE000  }
0xc5: {  	[hbm4b:s13+s3] =	stream.linear.scatter [tilespmem:s22], [sflag:$0x3], $0x2000, $0x38;
	[tilespmem:$0x1FF00] =	vst v63  }
0xc6: {  	_ =	swait.ge [sflag:s19], $0x2000  }
0xc7: {  	[sflag:s19] =	ssyncset.done $0x0  }
0xc8: {  	[sflag:s19] =	ssyncadd.s32 $0xFFFFE000  }
0xc9: {  	[tilespmem:s22], [sflag:$0x3] =	stream.linear.gather [spmem:s7], $0x2000, $0x38;
	[tilespmem:$0x1FF00] =	vst v63  }
0xca: {  	_ =	swait.ge [sflag:s19], $0x2000  }
0xcb: {  	[sflag:s19] =	ssyncset.done $0x0  }
0xcc: {  	[sflag:s19] =	ssyncadd.s32 $0xFFFFE000  }
0xcd: {  	[hbm4b:s14+s3] =	stream.linear.scatter [tilespmem:s22], [sflag:$0x3], $0x2000, $0x38;
	[tilespmem:$0x1FF00] =	vst v63  }
0xce: {  	_ =	swait.ge [sflag:s19], $0x2000  }
0xcf: {  	[sflag:s19] =	ssyncset.done $0x0  }
0xd0: {  	[sflag:s19] =	ssyncadd.s32 $0xFFFFE000  }
0xd1: {  	[tilespmem:s22], [sflag:$0x3] =	stream.linear.gather [spmem:s8], $0x2000, $0x38;
	[tilespmem:$0x1FF00] =	vst v63  }
0xd2: {  	_ =	swait.ge [sflag:s19], $0x2000  }
0xd3: {  	[sflag:s19] =	ssyncset.done $0x0  }
0xd4: {  	[sflag:s19] =	ssyncadd.s32 $0xFFFFE000  }
0xd5: {  	[hbm4b:s15+s3] =	stream.linear.scatter [tilespmem:s22], [sflag:$0x3], $0x2000, $0x38;
	[tilespmem:$0x1FF00] =	vst v63  }
0xd6: {  	_ =	swait.ge [sflag:s19], $0x2000  }
0xd7: {  	[sflag:s19] =	ssyncset.done $0x0  }
0xd8: {  	[sflag:s19] =	ssyncadd.s32 $0xFFFFE000  }
0xd9: {  	[tilespmem:s22], [sflag:$0x3] =	stream.linear.gather [spmem:s9], $0x1E00, $0x38;
	[tilespmem:$0x1FF00] =	vst v63  }
0xda: {  	s30 =	sadd.s32 $0x1, s30;
	_ =	swait.ge [sflag:s19], $0x1E00  }
0xdb: {  	p0 =	sne.s32 s30, s17;
	[sflag:s19] =	ssyncset.done $0x0  }
.Ltmp2:
0xdc: {  	[sflag:s19] =	ssyncadd.s32 $0xFFFFE200;
	(pc) =	sbr.rel @p0 .LBB2_1-.Ltmp2, $4  }
0xdd: {  	[hbm4b:s16+s3] =	stream.linear.scatter [tilespmem:s22], [sflag:$0x3], $0x1E00, $0x38;
	[tilespmem:$0x1FF00] =	vst v63  }
0xde: {  	_ =	swait.ge [sflag:s19], $0x1E00  }
0xdf: {  	[sflag:s19] =	ssyncset.done $0x0  }
0xe0: {  	[sflag:s19] =	ssyncadd.s32 $0xFFFFE200  }
0xe1: {  	_ =	sfence.sel $0x180000  }
0xe2: {  	[bflag:$0x0] =	sbarrier.arrive $0xFFFF  }
0xe3: {  	_ =	strace $0x9000004D  }
0xe4: {  	s0 =	stileid.u32;
	[bflag:$0x2] =	sbarrier.arrive $0xFFFF  }
0xe5: {  	p0 =	sne.s32 s0, $0x0;
	s0 =	rddreg [dreg:$0x3]  }
0xe6: {  	s0 =	sadd.s32 @!p0 $0x100000, s0  }
0xe7: {  	[sflag:s0] =	ssyncadd.tile.s32 @!p0 $0x1;
	_ =	shalt  }
.Lfunc_end2:
_tile_overlayer_lowered:
.L_overlay_start_2:
0xe8: {  	(tag) =	ssettag $0x2  }
0xe9: {  	s0 =	rddreg [dreg:$0x0];
	s2 =	stileid.u32  }
0xea: {  	s1 =	rddreg [dreg:$0x1];
	p0 =	sne.s32 s2, $0x0  }
0xeb: {  	s3 =	rddreg [dreg:$0x2];
	[bflag:$0x3] =	sbarrier.arrive $0xFFFF;
	s2 =	simm.s32 @!p0 $0x1C03  }
0xec: {  	[timem:s3], [sflag:s2] =	dma.local @!p0 [hbm:s0], s1  }
0xed: {  	s0 =	simm.s32 @!p0 $0x3  }
0xee: {  	_ =	swait.ge @!p0 [sflag:s0], s1  }
0xef: {  	s1 =	ssub.s32 @!p0 $0x0, s1;
	[sflag:s0] =	ssyncset.done @!p0 $0x0  }
0xf0: {  	[sflag:s0] =	ssyncadd.s32 @!p0 s1  }
0xf1: {  	[bflag:$0x3] =	sbarrier.arrive $0xFFFF  }
0xf2: {  	_ =	shalt  }

// kernel: kernel.8.cloned.1.call-start
scs
__scs_entry_jumppad:
0x0: {  	(pc) =	sbr.rel $0x88, $3  }
0x1: {  	(tag) =	ssettag $0x0;
	lr =	simm.s32 $0x1  }
0x2: {  	[smem:$0x3F99] =	sst lr;
	_ =	strace $0xD0000000  }
0x3: {  	_ = 	snop  }
0x4: {  	_ = 	snop  }
0x5: {  	_ = 	snop  }
0x6: {  	_ = 	snop  }
0x7: {  	_ = 	snop  }
__scs_overlays_trampoline_lowered:
0x8: {  	[smem:$0x3FA8] =	sst s0  }
0x9: {  	[smem:$0x3FA9] =	sst s1  }
0xa: {  	[smem:$0x3FAA] =	sst s2  }
0xb: {  	[smem:$0x3FAB] =	sst s3  }
0xc: {  	[smem:$0x3FAC] =	sst s4  }
0xd: {  	[smem:$0x3FAD] =	sst s5  }
0xe: {  	[smem:$0x3FAE] =	sst s6  }
0xf: {  	[smem:$0x3FAF] =	sst s7  }
0x10: {  	[smem:$0x3FB0] =	sst s8  }
0x11: {  	[smem:$0x3FB1] =	sst s9;
	s0 =	simm.s32 @!p0 $0x0  }
0x12: {  	s1 =	sld [smem:$0x3F97];
	s0 =	simm.s32 @p0 $0x1  }
0x13: {  	[smem:$0x3FB2] =	sst s0;
	s0 =	simm.s32 @!p1 $0x0  }
0x14: {  	s2 =	sld [smem:$0x3F96];
	s0 =	simm.s32 @p1 $0x1  }
0x15: {  	[smem:$0x3FB3] =	sst s0;
	s0 =	simm.s32 @!p2 $0x0  }
0x16: {  	s3 =	sld [smem:$0x3FDB];
	s0 =	simm.s32 @p2 $0x1  }
0x17: {  	s4 =	simm.s32 $0x1BF5;
	[smem:$0x3FB5] =	sst s0  }
0x18: {  	s0 =	sld [smem:$0x3F98];
	_ =	swait.ge [sflag:s4], $0x0  }
0x19: {  	s7 =	sld [smem:$0x3F99]  }
0x1a: {  	s8 =	sadd.s32 $0xFFFFE003, lr  }
0x1b: {  	s9 =	sadd.s32 $0xFFFFFEF7, lr;
	s5 =	simm.s32 $0xFFFFFFFF;
	p2 =	slt.u32 s8, $0xFFFFF086  }
0x1c: {  	p1 =	slt.u32 s9, $0xF7A;
	s5 =	simm.s32 @!p2 $0x0  }
0x1d: {  	s5 =	simm.s32 @p1 $0x1;
	p0 =	seq.s32 s7, s2  }
0x1e: {  	s7 =	smul.u32 @!p0 $0xF7A, s2;
	p2 =	seq.s32 @!p0 s5, $0x0  }
0x1f: {  	s9 =	smul.u32 $0xF7A, s1;
	s8 =	simm.s32 @!p0 $0x1BF5;
	p2 =	por !p2, p0  }
0x20: {  	[sflag:s8] =	ssyncset.s32 @!p0 $0xFFFFF086;
	s6 =	sadd.s32 @!p0 s3, s7;
	s7 =	simm.s32 @!p0 $0x108  }
0x21: {  	s3 =	sadd.s32 s3, s9;
	s6 =	sadd.s32 @!p0 $0x88, s6;
	s7 =	simm.s32 @p2 $0x1082  }
0x22: {  	[simem:s7], [sflag:s8] =	dma.local @!p0 [hbm:s6], $0xF7A  }
0x23: {  	s9 =	sor.u32 $0xD0000000, s2;
	s6 =	simm.s32 $0x108;
	_ =	swait.ge @!p0 [sflag:s8], $0x0  }
0x24: {  	s3 =	sadd.s32 $0x88, s3;
	s6 =	simm.s32 @!p1 $0x1082;
	[sflag:s4] =	ssyncset.s32 $0xFFFFF086  }
0x25: {  	[simem:s6], [sflag:s4] =	dma.local [hbm:s3], $0xF7A  }
0x26: {  	[smem:$0x3F99] =	sst s1;
	(tag) =	ssettag s2;
	_ =	strace s9  }
0x27: {  	s1 =	sld [smem:$0x3FA9]  }
0x28: {  	s2 =	sld [smem:$0x3FAA]  }
0x29: {  	s4 =	sld [smem:$0x3FAC]  }
0x2a: {  	p0 =	seq.s32 s5, $0x0;
	s5 =	sld [smem:$0x3FAD]  }
0x2b: {  	s6 =	sld [smem:$0x3FAE]  }
0x2c: {  	s7 =	sld [smem:$0x3FAF]  }
0x2d: {  	s3 =	simm.s32 $0x108;
	s8 =	sld [smem:$0x3FB0]  }
0x2e: {  	s3 =	simm.s32 @!p0 $0x1082;
	s9 =	sld [smem:$0x3FB1]  }
0x2f: {  	lr =	sadd.s32 s0, s3;
	s0 =	sld [smem:$0x3FA8]  }
0x30: {  	s3 =	sld [smem:$0x3FAB]  }
0x31: {  	[smem:$0x3FB4] =	sst s10  }
0x32: {  	s10 =	sld [smem:$0x3FB2];
	_ =	sdelay $0x3  }
0x33: {  	p0 =	seq.s32 s10, $0x1;
	s10 =	sld [smem:$0x3FB4];
	_ =	sdelay $0x3  }
0x34: {  	[smem:$0x3FB4] =	sst s10  }
0x35: {  	s10 =	sld [smem:$0x3FB3];
	_ =	sdelay $0x3  }
0x36: {  	p1 =	seq.s32 s10, $0x1;
	s10 =	sld [smem:$0x3FB4];
	_ =	sdelay $0x3  }
0x37: {  	[smem:$0x3FB4] =	sst s10  }
0x38: {  	s10 =	sld [smem:$0x3FB5]  }
0x39: {  	_ = 	snop;
	(pc) =	sbr.ind lr, $3  }
0x3a: {  	_ = 	snop  }
0x3b: {  	_ = 	snop  }
0x3c: {  	p2 =	seq.s32 s10, $0x1;
	s10 =	sld [smem:$0x3FB4]  }
0x3d: {  	_ =	shalt  }
0x3e: {  	_ =	shalt  }
0x3f: {  	_ =	shalt  }
0x40: {  	_ =	shalt  }
0x41: {  	_ =	shalt  }
0x42: {  	_ =	shalt  }
0x43: {  	_ =	shalt  }
0x44: {  	_ =	shalt  }
0x45: {  	_ =	shalt  }
0x46: {  	_ =	shalt  }
0x47: {  	_ =	shalt  }
0x48: {  	_ =	shalt  }
0x49: {  	_ =	shalt  }
0x4a: {  	_ =	shalt  }
0x4b: {  	_ =	shalt  }
0x4c: {  	_ =	shalt  }
0x4d: {  	_ =	shalt  }
0x4e: {  	_ =	shalt  }
0x4f: {  	_ =	shalt  }
0x50: {  	_ =	shalt  }
0x51: {  	_ =	shalt  }
0x52: {  	_ =	shalt  }
0x53: {  	_ =	shalt  }
0x54: {  	_ =	shalt  }
0x55: {  	_ =	shalt  }
0x56: {  	_ =	shalt  }
0x57: {  	_ =	shalt  }
0x58: {  	_ =	shalt  }
0x59: {  	_ =	shalt  }
0x5a: {  	_ =	shalt  }
0x5b: {  	_ =	shalt  }
0x5c: {  	_ =	shalt  }
0x5d: {  	_ =	shalt  }
0x5e: {  	_ =	shalt  }
0x5f: {  	_ =	shalt  }
0x60: {  	_ =	shalt  }
0x61: {  	_ =	shalt  }
0x62: {  	_ =	shalt  }
0x63: {  	_ =	shalt  }
0x64: {  	_ =	shalt  }
0x65: {  	_ =	shalt  }
0x66: {  	_ =	shalt  }
0x67: {  	_ =	shalt  }
0x68: {  	_ =	shalt  }
0x69: {  	_ =	shalt  }
0x6a: {  	_ =	shalt  }
0x6b: {  	_ =	shalt  }
0x6c: {  	_ =	shalt  }
0x6d: {  	_ =	shalt  }
0x6e: {  	_ =	shalt  }
0x6f: {  	_ =	shalt  }
0x70: {  	_ =	shalt  }
0x71: {  	_ =	shalt  }
0x72: {  	_ =	shalt  }
0x73: {  	_ =	shalt  }
0x74: {  	_ =	shalt  }
0x75: {  	_ =	shalt  }
0x76: {  	_ =	shalt  }
0x77: {  	_ =	shalt  }
0x78: {  	_ =	shalt  }
0x79: {  	_ =	shalt  }
0x7a: {  	_ =	shalt  }
0x7b: {  	_ =	shalt  }
0x7c: {  	_ =	shalt  }
0x7d: {  	_ =	shalt  }
0x7e: {  	_ =	shalt  }
0x7f: {  	_ =	shalt  }
0x80: {  	_ =	shalt  }
0x81: {  	_ =	shalt  }
0x82: {  	_ =	shalt  }
0x83: {  	_ =	shalt  }
0x84: {  	_ =	shalt  }
0x85: {  	_ =	shalt  }
0x86: {  	_ =	shalt  }
0x87: {  	_ =	shalt  }
.Lfunc_end0:
.L_simem_size_0:
called_computation_lowered:
.L_overlay_start_0:
0x88: {  	s2 =	sld [smem:$0x3FD9]  }
0x89: {  	s3 =	sld [smem:$0x3FFE];
	_ =	sdelay $0x1  }
0x8a: {  	s1 =	srdreg.scid  }
0x8b: {  	s0 =	sand.u32 $0x1, s1  }
0x8c: {  	s17 =	sshll.u32 s0, $0xA;
	s2 =	sadd.s32 s3, s2  }
0x8d: {  	s2 =	sadd.s32 s2, s17  }
0x8e: {  	[smem:$0x3FC0] =	sst s2  }
0x8f: {  	_ = 	snop  }
0x90: {  	s2 =	sld [smem:$0x3FD0];
	(tm) =	ssettm $0x1  }
0x91: {  	s18 =	sld [smem:$0x3FFB];
	_ =	sdelay $0x3  }
0x92: {  	_ =	strace s18  }
0x93: {  	s3 =	sld [smem:$0x3FFC];
	_ =	sdelay $0x3  }
0x94: {  	_ =	strace s3  }
0x95: {  	s3 =	sld [smem:$0x3FFD];
	_ =	sdelay $0x3  }
0x96: {  	_ =	strace s3  }
0x97: {  	_ =	strace $0x8FFFFFFF  }
0x98: {  	s19 =	sld [smem:$0x3FDB];
	_ =	sdelay $0x1  }
0x99: {  	s4 =	simm.s32 $_scs_section_size  }
0x9a: {  	s5 =	simm.s32 $_size__tile_overlayer_lowered;
	s6 =	simm.s32 $_tile_overlayer_lowered  }
0x9b: {  	s22 =	simm.s32 $0x1BFF;
	s21 =	sshll.u32 s6, $0x1;
	s3 =	sadd.s32 s4, s19  }
0x9c: {  	s7 =	simm.s32 $0x0;
	s20 =	sshll.u32 s5, $0x1;
	s5 =	sadd.s32 s21, s3  }
0x9d: {  	[timem:s7], [sflag:s22] =	dma.local [hbm:s5], s20  }
0x9e: {  	_ =	swait.ge [sflag:s22], s20  }
0x9f: {  	s4 =	ssub.s32 $0x0, s20;
	[sflag:s22] =	ssyncset.done $0x0  }
0xa0: {  	[sflag:s22] =	ssyncadd.s32 s4;
	_ =	sdelay $0x1  }
0xa1: {  	s23 =	simm.s32 $0x1B8B  }
0xa2: {  	_ =	swait.ge [sflag:s23], $0x1  }
0xa3: {  	[sflag:s23] =	ssyncset.done $0x0  }
0xa4: {  	s25 =	simm.s32 $0x1B8E;
	s24 =	sld [smem:$0x3FFE];
	[sflag:s23] =	ssyncadd.s32 $0xFFFFFFFF  }
0xa5: {  	s26 =	simm.s32 $execute0_lowered;
	[smem:$0x3FD2] =	sst s25  }
0xa6: {  	s5 =	sshll.u32 s26, $0x1;
	_ =	strace $0x80000046;
	[dreg:$0x1] =	wrdreg $0xFFFFFFFF  }
0xa7: {  	s28 =	simm.s32 $_size_execute0_lowered;
	s3 =	sadd.s32 s3, s5;
	[dreg:$0x0] =	wrdreg $0x0  }
0xa8: {  	s5 =	sshll.u32 s28, $0x1;
	[dreg:$0x2] =	wrdreg s3  }
0xa9: {  	[dreg:$0x3] =	wrdreg s5  }
0xaa: {  	[dreg:$0x4] =	wrdreg $0xC0  }
0xab: {  	_ =	task [dreg:s7], $0x5FFFF  }
0xac: {  	[dreg:$0x1] =	wrdreg $0xFFFFFFFF  }
0xad: {  	[dreg:$0x0] =	wrdreg $0x60  }
0xae: {  	[dreg:$0x2] =	wrdreg s2  }
0xaf: {  	[dreg:$0x3] =	wrdreg s24  }
0xb0: {  	[dreg:$0x4] =	wrdreg $0x59000  }
0xb1: {  	[dreg:$0x5] =	wrdreg $0x9  }
0xb2: {  	_ =	task.clear_ibuf [dreg:s7], $0x6FFFF;
	_ =	strace $0x90000046  }
0xb3: {  	s29 =	simm.s32 $0x9;
	_ =	strace $0x80000048  }
0xb4: {  	_ =	swait.ge [sflag:s29], $0x1  }
0xb5: {  	[sflag:s29] =	ssyncadd.s32 $0xFFFFFFFF  }
0xb6: {  	_ =	strace $0x90000048  }
0xb7: {  	_ =	sfence  }
0xb8: {  	s30 =	sld [smem:$0x0];
	_ =	sdelay $0x2  }
0xb9: {  	s31 =	sshll.u32 s1, $0xD;
	s1 =	sshrl.u32 s1, $0x2  }
0xba: {  	s3 =	sand.u32 $0x4000, s31;
	s1 =	sadd.s32 s1, s30  }
0xbb: {  	s0 =	sor.u32 s3, s0;
	s1 =	sshll.u32 s1, $0x11  }
0xbc: {  	s0 =	sor.u32 s1, s0  }
0xbd: {  	s0 =	sadd.s32 $0x8F2B, s0  }
0xbe: {  	[sflag:s0] =	ssyncadd.remote.s32 $0x1  }
0xbf: {  	_ =	sfence.sel $0xFFFF  }
0xc0: {  	[dreg:$0x0] =	wrdreg $0xFFFFFFFF;
	(pc) =	sbr.abs _section_cstart, $3  }
0xc1: {  	[dreg:$0x1] =	wrdreg $0xFFFFFFFF  }
0xc2: {  	_ =	task.clear_ibuf [dreg:s7], $0x2FFFF;
	_ =	strace $0x9FFFFFFF  }
0xc3: {  	(tm) =	ssettm $0x7FFFFFFF  }
tec
execute0_lowered:
.L_overlay_start_1:
0x0: {  	(tag) =	ssettag $0x1  }
0x1: {  	s5 =	rddreg [dreg:$0x0]  }
0x2: {  	s1 =	srdreg.scid;
	s4 =	rddreg [dreg:$0x1]  }
0x3: {  	s0 =	stileid.u32;
	s2 =	rddreg [dreg:$0x2];
	s3 =	simm.s32 $0x0  }
0x4: {  	s11 =	simm.s32 $0x2780;
	s12 =	simm.s32 $0x2980;
	s13 =	simm.s32 $0x2800  }
0x5: {  	s14 =	simm.s32 $0x2880;
	s15 =	simm.s32 $0x2900;
	s7 =	smul.u32 $0x2780, s0  }
0x6: {  	s16 =	simm.s32 $0x1;
	s6 =	sand.u32 $0x1, s1;
	s9 =	smul.u32 $0x4F00, s0  }
0x7: {  	s17 =	simm.s32 $0x0;
	s1 =	rddreg [dreg:$0x3];
	s8 =	smul.u32 $0x27800, s6  }
0x8: {  	[smem:$0x7FF] =	sst s3;
	s10 =	smul.u32 $0x2780, s6;
	s6 =	ssub.s32 $0x2, s6  }
0x9: {  	_ =	strace $0x80000047;
	s30 =	sshrl.u32 s6, $0x1;
	s8 =	sadd.s32 s7, s8  }
0xa: {  	s9 =	sadd.s32 s10, s9;
	s31 =	ssub.s32 s6, s30;
	s8 =	sshrl.u32 s8, $0x3  }
0xb: {  	s10 =	simm.s32 $0x80;
	s9 =	sshrl.u32 s9, $0x3;
	s8 =	sadd.s32 s8, s4  }
0xc: {  	s4 =	sadd.s32 s7, s2;
	s5 =	sadd.s32 s5, s9;
	s7 =	smax.u32 s31, $0x1  }
0xd: {  	v0 =	vimm.f32 $1.000000000e+00;
	v1 =	vimm.f32 $0.0e+00;
	s9 =	simm.s32 $0x2;
	s6 =	sadd.s32 $0x2000, s8;
	s8 =	simm.s32 $0x3180  }
.LBB2_1:
0xe: {  	s18 =	simm.s32 $0x0  }
.LBB2_2:
0xf: {  	p0 =	sne.s32 s18, $0x1FC0  }
.Ltmp0:
0x10: {  	_ = 	snop;
	(pc) =	sbr.rel @p0 .LBB2_2-.Ltmp0, $3  }
0x11: {  	_ =	sdelay $0x1  }
0x12: {  	s19 =	sshra.s32 s18, $0x2  }
0x13: {  	s18 =	sadd.s32 $0x40, s18;
	[tilespmem:s19+$0x2980] =	vst v0  }
0x14: {  	s18 =	simm.s32 $0x40;
	s19 =	simm.s32 $0x0  }
.LBB2_4:
0x15: {  	p0 =	sne.s32 s18, $0x9DC0;
	[tilespmem:s19+$0x3180] =	vst v1;
	s19 =	smov.u32 s18;
	s18 =	sadd.s32 $0x40, s18  }
.Ltmp1:
0x16: {  	(pc) =	sbr.rel @p0 .LBB2_4-.Ltmp1, $2  }
0x17: {  	_ =	sdelay $0x2  }
0x18: {  	s19 =	sshra.s32 s19, $0x2  }
0x19: {  	[tilespmem:s19+$0x3180] =	vst v1  }
0x1a: {  	[spmem:s4] =	stream.linear.scatter [tilespmem:s8], [sflag:$0x2], $0x2780, $0x38;
	[tilespmem:$0x8080] =	vst v63  }
0x1b: {  	_ =	swait.ge [sflag:s9], $0x2780  }
0x1c: {  	[sflag:s9] =	ssyncset.done $0x0  }
0x1d: {  	[sflag:s9] =	ssyncadd.s32 $0xFFFFD880  }
0x1e: {  	[tilespmem:s3], [sflag:$0x2] =	stream.linear.gather [hbm4b:s5+s3], $0x2780, $0x38;
	[tilespmem:$0x8080] =	vst v63  }
0x1f: {  	_ =	swait.ge [sflag:s9], $0x2780  }
0x20: {  	[sflag:s9] =	ssyncset.done $0x0  }
0x21: {  	[sflag:s9] =	ssyncadd.s32 $0xFFFFD880  }
0x22: {  	[bflag:$0x0] =	sbarrier.arrive $0xFFFF  }
0x23: {  	v2 =	vld [tilespmem:$0x0]  }
0x24: {  	v3 =	vld [tilespmem:$0x10]  }
0x25: {  	v4 =	vld [tilespmem:$0x20]  }
0x26: {  	v5 =	vld [tilespmem:$0x30]  }
0x27: {  	v6 =	vld [tilespmem:$0x40]  }
0x28: {  	v51 =	vld [tilespmem:$0x70];
	[tilespmem:$0x2780] =	vst v2  }
0x29: {  	v2 =	vld [tilespmem:$0x50];
	[tilespmem:$0x2790] =	vst v3  }
0x2a: {  	v3 =	vld [tilespmem:$0x60];
	[tilespmem:$0x27A0] =	vst v4  }
0x2b: {  	[tilespmem:$0x27B0] =	vst v5  }
0x2c: {  	[tilespmem:$0x27C0] =	vst v6  }
0x2d: {  	[tilespmem:$0x27F0] =	vst v51  }
0x2e: {  	[tilespmem:$0x27D0] =	vst v2  }
0x2f: {  	[tilespmem:$0x27E0] =	vst v3  }
0x30: {  	[spmem:s2] =	stream.indirect.scatter.add.f32 [tilespmem:s12], [sflag:$0x1], $0x10, s11, s10, $0xb8;
	[tilespmem:$0x8080] =	vst v63  }
0x31: {  	v2 =	vld [tilespmem:$0x80]  }
0x32: {  	v3 =	vld [tilespmem:$0x90]  }
0x33: {  	v52 =	vld [tilespmem:$0xA0]  }
0x34: {  	v53 =	vld [tilespmem:$0xB0]  }
0x35: {  	v54 =	vld [tilespmem:$0xC0]  }
0x36: {  	v55 =	vld [tilespmem:$0xF0];
	[tilespmem:$0x2800] =	vst v2  }
0x37: {  	v2 =	vld [tilespmem:$0xD0];
	[tilespmem:$0x2810] =	vst v3  }
0x38: {  	v3 =	vld [tilespmem:$0xE0];
	[tilespmem:$0x2820] =	vst v52  }
0x39: {  	[tilespmem:$0x2830] =	vst v53  }
0x3a: {  	[tilespmem:$0x2840] =	vst v54  }
0x3b: {  	[tilespmem:$0x2870] =	vst v55  }
0x3c: {  	[tilespmem:$0x2850] =	vst v2  }
0x3d: {  	[tilespmem:$0x2860] =	vst v3  }
0x3e: {  	[spmem:s2] =	stream.indirect.scatter.add.f32 [tilespmem:s12], [sflag:$0x1], $0x10, s13, s10, $0xb8;
	[tilespmem:$0x8080] =	vst v63  }
0x3f: {  	v2 =	vld [tilespmem:$0x100]  }
0x40: {  	v3 =	vld [tilespmem:$0x110]  }
0x41: {  	v56 =	vld [tilespmem:$0x120]  }
0x42: {  	v57 =	vld [tilespmem:$0x130]  }
0x43: {  	v58 =	vld [tilespmem:$0x140]  }
0x44: {  	v59 =	vld [tilespmem:$0x170];
	[tilespmem:$0x2880] =	vst v2  }
0x45: {  	v2 =	vld [tilespmem:$0x150];
	[tilespmem:$0x2890] =	vst v3  }
0x46: {  	v3 =	vld [tilespmem:$0x160];
	[tilespmem:$0x28A0] =	vst v56  }
0x47: {  	[tilespmem:$0x28B0] =	vst v57  }
0x48: {  	[tilespmem:$0x28C0] =	vst v58  }
0x49: {  	[tilespmem:$0x28F0] =	vst v59  }
0x4a: {  	[tilespmem:$0x28D0] =	vst v2  }
0x4b: {  	[tilespmem:$0x28E0] =	vst v3  }
0x4c: {  	[spmem:s2] =	stream.indirect.scatter.add.f32 [tilespmem:s12], [sflag:$0x1], $0x10, s14, s10, $0xb8;
	[tilespmem:$0x8080] =	vst v63  }
0x4d: {  	v2 =	vld [tilespmem:$0x180]  }
0x4e: {  	v3 =	vld [tilespmem:$0x190]  }
0x4f: {  	v60 =	vld [tilespmem:$0x1A0]  }
0x50: {  	v61 =	vld [tilespmem:$0x1B0]  }
0x51: {  	v62 =	vld [tilespmem:$0x1C0]  }
0x52: {  	v63 =	vld [tilespmem:$0x1F0];
	[tilespmem:$0x2900] =	vst v2  }
0x53: {  	v2 =	vld [tilespmem:$0x1D0];
	[tilespmem:$0x2910] =	vst v3  }
0x54: {  	v3 =	vld [tilespmem:$0x1E0];
	[tilespmem:$0x2920] =	vst v60  }
0x55: {  	[tilespmem:$0x2930] =	vst v61  }
0x56: {  	[tilespmem:$0x2940] =	vst v62  }
0x57: {  	[tilespmem:$0x2970] =	vst v63  }
0x58: {  	[tilespmem:$0x2950] =	vst v2  }
0x59: {  	[tilespmem:$0x2960] =	vst v3  }
0x5a: {  	[spmem:s2] =	stream.indirect.scatter.add.f32 [tilespmem:s12], [sflag:$0x1], $0x10, s15, s10, $0xb8;
	[tilespmem:$0x8080] =	vst v63  }
0x5b: {  	_ =	swait.ge [sflag:s16], $0x800  }
0x5c: {  	[sflag:s16] =	ssyncset.done $0x0  }
0x5d: {  	s18 =	simm.s32 $0x270;
	[sflag:s16] =	ssyncadd.s32 $0xFFFFF800  }
0x5e: {  	v2 =	vld [tilespmem:s18+$0xFFFFFF90];
	_ =	sdelay $0x2  }
0x5f: {  	s31 =	simm.s32 $0x200  }
0x60: {  	s19 =	sand.u32 $0x180, s31  }
0x61: {  	[tilespmem:s19+$0x2780] =	vst v2  }
0x62: {  	v2 =	vld [tilespmem:s18+$0xFFFFFFA0];
	_ =	sdelay $0x4  }
0x63: {  	[tilespmem:s19+$0x2790] =	vst v2  }
0x64: {  	v2 =	vld [tilespmem:s18+$0xFFFFFFB0];
	_ =	sdelay $0x4  }
0x65: {  	[tilespmem:s19+$0x27A0] =	vst v2  }
0x66: {  	v2 =	vld [tilespmem:s18+$0xFFFFFFC0];
	_ =	sdelay $0x4  }
0x67: {  	[tilespmem:s19+$0x27B0] =	vst v2  }
0x68: {  	v2 =	vld [tilespmem:s18+$0xFFFFFFD0];
	_ =	sdelay $0x4  }
0x69: {  	[tilespmem:s19+$0x27C0] =	vst v2  }
0x6a: {  	v2 =	vld [tilespmem:s18+$0xFFFFFFE0];
	_ =	sdelay $0x4  }
0x6b: {  	[tilespmem:s19+$0x27D0] =	vst v2  }
0x6c: {  	v2 =	vld [tilespmem:s18+$0xFFFFFFF0];
	_ =	sdelay $0x4  }
0x6d: {  	[tilespmem:s19+$0x27E0] =	vst v2  }
0x6e: {  	v2 =	vld [tilespmem:s18+$0x0];
	_ =	sdelay $0x4  }
0x6f: {  	s20 =	sadd.s32 $0x2780, s19;
	s18 =	simm.s32 $0x280;
	[tilespmem:s19+$0x27F0] =	vst v2;
	s19 =	simm.s32 $0x2F0  }
.LBB2_6:
0x70: {  	[spmem:s2] =	stream.indirect.scatter.add.f32 [tilespmem:s12], [sflag:$0x1], $0x10, s20, s10, $0xb8;
	[tilespmem:$0x8080] =	vst v63  }
0x71: {  	s20 =	smov.u32 s18  }
0x72: {  	p0 =	sne.s32 s18, $0x2700;
	s18 =	sadd.s32 $0x80, s18;
	_ =	swait.ge [sflag:s16], $0x800  }
0x73: {  	[sflag:s16] =	ssyncset.done $0x0  }
0x74: {  	[sflag:s16] =	ssyncadd.s32 $0xFFFFF800  }
0x75: {  	v2 =	vld [tilespmem:s19+$0xFFFFFF90];
	_ =	sdelay $0x3  }
0x76: {  	s21 =	sand.u32 $0x180, s20  }
0x77: {  	[tilespmem:s21+$0x2780] =	vst v2  }
0x78: {  	v2 =	vld [tilespmem:s19+$0xFFFFFFA0];
	_ =	sdelay $0x4  }
0x79: {  	[tilespmem:s21+$0x2790] =	vst v2  }
0x7a: {  	v2 =	vld [tilespmem:s19+$0xFFFFFFB0];
	_ =	sdelay $0x4  }
0x7b: {  	[tilespmem:s21+$0x27A0] =	vst v2  }
0x7c: {  	v2 =	vld [tilespmem:s19+$0xFFFFFFC0];
	_ =	sdelay $0x4  }
0x7d: {  	[tilespmem:s21+$0x27B0] =	vst v2  }
0x7e: {  	v2 =	vld [tilespmem:s19+$0xFFFFFFD0];
	_ =	sdelay $0x4  }
0x7f: {  	[tilespmem:s21+$0x27C0] =	vst v2  }
0x80: {  	v2 =	vld [tilespmem:s19+$0xFFFFFFE0];
	_ =	sdelay $0x4  }
0x81: {  	[tilespmem:s21+$0x27D0] =	vst v2  }
0x82: {  	v2 =	vld [tilespmem:s19+$0xFFFFFFF0];
	_ =	sdelay $0x4  }
0x83: {  	[tilespmem:s21+$0x27E0] =	vst v2  }
0x84: {  	v2 =	vld [tilespmem:s19+$0x0]  }
.Ltmp2:
0x85: {  	(pc) =	sbr.rel @p0 .LBB2_6-.Ltmp2, $2  }
0x86: {  	_ =	sdelay $0x2  }
0x87: {  	s20 =	sadd.s32 $0x2780, s21;
	s19 =	sadd.s32 $0x80, s19;
	[tilespmem:s21+$0x27F0] =	vst v2  }
0x88: {  	[spmem:s2] =	stream.indirect.scatter.add.f32 [tilespmem:s12], [sflag:$0x1], $0x10, s20, s10, $0xb8;
	[tilespmem:$0x8080] =	vst v63  }
0x89: {  	_ =	swait.ge [sflag:s16], $0x800  }
0x8a: {  	[sflag:s16] =	ssyncset.done $0x0  }
0x8b: {  	[sflag:s16] =	ssyncadd.s32 $0xFFFFF800  }
0x8c: {  	_ =	swait.ge [sflag:s16], $0x800  }
0x8d: {  	[sflag:s16] =	ssyncset.done $0x0  }
0x8e: {  	[sflag:s16] =	ssyncadd.s32 $0xFFFFF800  }
0x8f: {  	_ =	swait.ge [sflag:s16], $0x800  }
0x90: {  	[sflag:s16] =	ssyncset.done $0x0  }
0x91: {  	[sflag:s16] =	ssyncadd.s32 $0xFFFFF800  }
0x92: {  	_ =	swait.ge [sflag:s16], $0x800  }
0x93: {  	[sflag:s16] =	ssyncset.done $0x0  }
0x94: {  	[sflag:s16] =	ssyncadd.s32 $0xFFFFF800  }
0x95: {  	[bflag:$0x0] =	sbarrier.arrive $0xFFFF  }
0x96: {  	[tilespmem:s8], [sflag:$0x2] =	stream.linear.gather [spmem:s4], $0x2780, $0x38;
	[tilespmem:$0x8080] =	vst v63  }
0x97: {  	s17 =	sadd.s32 $0x1, s17;
	_ =	swait.ge [sflag:s9], $0x2780  }
0x98: {  	p0 =	sne.s32 s17, s7;
	[sflag:s9] =	ssyncset.done $0x0  }
.Ltmp3:
0x99: {  	[sflag:s9] =	ssyncadd.s32 $0xFFFFD880;
	(pc) =	sbr.rel @p0 .LBB2_1-.Ltmp3, $4  }
0x9a: {  	[hbm4b:s6+s3] =	stream.linear.scatter [tilespmem:s8], [sflag:$0x2], $0x2780, $0x38;
	[tilespmem:$0x8080] =	vst v63  }
0x9b: {  	_ =	swait.ge [sflag:s9], $0x2780  }
0x9c: {  	[sflag:s9] =	ssyncset.done $0x0  }
0x9d: {  	[sflag:s9] =	ssyncadd.s32 $0xFFFFD880  }
0x9e: {  	_ =	sfence.sel $0x180000  }
0x9f: {  	[bflag:$0x0] =	sbarrier.arrive $0xFFFF  }
0xa0: {  	p0 =	sne.s32 s0, $0x0;
	_ =	strace $0x90000047  }
0xa1: {  	s0 =	sadd.s32 @!p0 $0x100000, s1;
	[bflag:$0x2] =	sbarrier.arrive $0xFFFF  }
0xa2: {  	[sflag:s0] =	ssyncadd.tile.s32 @!p0 $0x1;
	_ =	shalt  }
.Lfunc_end2:
_tile_overlayer_lowered:
.L_overlay_start_2:
0xa3: {  	(tag) =	ssettag $0x2  }
0xa4: {  	s0 =	rddreg [dreg:$0x0];
	s2 =	stileid.u32  }
0xa5: {  	s1 =	rddreg [dreg:$0x1];
	p0 =	sne.s32 s2, $0x0  }
0xa6: {  	s3 =	rddreg [dreg:$0x2];
	[bflag:$0x3] =	sbarrier.arrive $0xFFFF;
	s2 =	simm.s32 @!p0 $0x1C02  }
0xa7: {  	[timem:s3], [sflag:s2] =	dma.local @!p0 [hbm:s0], s1  }
0xa8: {  	s0 =	simm.s32 @!p0 $0x2  }
0xa9: {  	_ =	swait.ge @!p0 [sflag:s0], s1  }
0xaa: {  	s1 =	ssub.s32 @!p0 $0x0, s1;
	[sflag:s0] =	ssyncset.done @!p0 $0x0  }
0xab: {  	[sflag:s0] =	ssyncadd.s32 @!p0 s1  }
0xac: {  	[bflag:$0x3] =	sbarrier.arrive $0xFFFF  }
0xad: {  	_ =	shalt  }

</sc_bundles>
